<compile_context>
chip_gen: v7x
topology: tpu7x:2x2x1
jax: 0.10.2.dev20260603
libtpu: 0.0.44.dev20260713+nightly
codegen_flags: <defaults>
</compile_context>

<pallas_src>
import jax
import jax.numpy as jnp
from jax import lax
from jax.experimental import pallas as pl
from jax.experimental.pallas import tpu as pltpu
from jax.experimental.pallas import tpu_sc as plsc

N = 10000
NP = 10240
E = 320000
NC, NS = 2, 16
NW = NC * NS
EPT = E // NW
CH = 80
NCH = EPT // CH
RPT = NP // NS
LANES = 16
SLOPE = 0.2



def _sc_attn_call(D, mode):
    mesh = plsc.VectorSubcoreMesh(core_axis_name="c", subcore_axis_name="s",
                                  num_cores=NC, num_subcores=NS)
    compute_ex = mode in ("first", "mid")

    out_type = [jax.ShapeDtypeStruct((NC, NP, D), jnp.float32)]
    if compute_ex:
        out_type.append(jax.ShapeDtypeStruct((NC, 1, NP), jnp.float32))
    if mode == "first":
        out_type.append(jax.ShapeDtypeStruct((E,), jnp.float32))

    scratch = dict(
        src2_v=pltpu.VMEM((NCH, CH), jnp.int32),
        dst2_v=pltpu.VMEM((NCH, CH), jnp.int32),
        exc0=pltpu.VMEM((CH,), jnp.float32),
        exc1=pltpu.VMEM((CH,), jnp.float32),
        asg0=pltpu.VMEM((CH,), jnp.float32),
        asg1=pltpu.VMEM((CH,), jnp.float32),
        adg0=pltpu.VMEM((CH,), jnp.float32),
        adg1=pltpu.VMEM((CH,), jnp.float32),
        rows0=pltpu.VMEM((CH, D), jnp.float32),
        rows1=pltpu.VMEM((CH, D), jnp.float32),
        semR=pltpu.SemaphoreType.DMA,
        semA=pltpu.SemaphoreType.DMA,
        semB=pltpu.SemaphoreType.DMA,
        semX=pltpu.SemaphoreType.DMA,
        acc_s=pltpu.VMEM_SHARED((NP, D), jnp.float32),
        den_s=pltpu.VMEM_SHARED((NP,), jnp.float32),
    )
    scratch_types = list(scratch.values())
    names = list(scratch.keys())

    def body(*refs):
        if compute_ex:
            n_in = 7
            xp_h, as_h, ad_h, src2_h, dst2_h, zero_h, z1_h = refs[:n_in]
            ex_io = None
        else:
            n_in = 6
            xp_h, src2_h, dst2_h, zero_h, z1_h, ex_io = refs[:n_in]
        outs = refs[n_in:n_in + len(out_type)]
        scr = dict(zip(names, refs[n_in + len(out_type):]))
        acc_h = outs[0]
        if mode == "first":
            ex_io = outs[2]

        cid = lax.axis_index("c")
        sid = lax.axis_index("s")
        wid = sid * NC + cid
        ebase = wid * EPT

        pltpu.sync_copy(zero_h, scr["acc_s"].at[pl.ds(sid * RPT, RPT)])
        pltpu.sync_copy(z1_h, scr["den_s"].at[pl.ds(sid * RPT, RPT)])
        pltpu.sync_copy(src2_h.at[wid], scr["src2_v"])
        pltpu.sync_copy(dst2_h.at[wid], scr["dst2_v"])

        plsc.subcore_barrier()

        def fire(j, p):
            sidx = scr["src2_v"].at[j]
            pltpu.async_copy(xp_h.at[sidx], scr[f"rows{p}"], scr["semR"])
            if compute_ex:
                didx = scr["dst2_v"].at[j]
                pltpu.async_copy(as_h.at[sidx], scr[f"asg{p}"], scr["semA"])
                pltpu.async_copy(ad_h.at[didx], scr[f"adg{p}"], scr["semB"])
            else:
                pltpu.async_copy(ex_io.at[pl.ds(ebase + j * CH, CH)],
                                 scr[f"exc{p}"], scr["semX"])

        def process(j, p):
            didx = scr["dst2_v"].at[j]
            if compute_ex:
                pltpu.make_async_copy(as_h.at[pl.ds(0, CH)], scr[f"asg{p}"],
                                      scr["semA"]).wait()
                pltpu.make_async_copy(ad_h.at[pl.ds(0, CH)], scr[f"adg{p}"],
                                      scr["semB"]).wait()
                for g in range(CH // LANES):
                    sl = pl.ds(g * LANES, LANES)
                    a = scr[f"asg{p}"][sl] + scr[f"adg{p}"][sl]
                    e = jnp.where(a > 0, a, SLOPE * a)
                    scr[f"exc{p}"][sl] = jnp.exp(e)
                pltpu.sync_copy(scr[f"exc{p}"], scr["den_s"].at[didx],
                                add=True)
                if mode == "first":
                    pltpu.sync_copy(scr[f"exc{p}"],
                                    ex_io.at[pl.ds(ebase + j * CH, CH)])
            else:
                pltpu.make_async_copy(ex_io.at[pl.ds(0, CH)], scr[f"exc{p}"],
                                      scr["semX"]).wait()
            pltpu.make_async_copy(xp_h.at[pl.ds(0, CH)], scr[f"rows{p}"],
                                  scr["semR"]).wait()

            def scale(e2, c2):
                exb = plsc.load_gather(
                    scr[f"exc{p}"], [jnp.full((LANES,), e2, jnp.int32)])
                for k in range(D // LANES):
                    sl = pl.ds(k * LANES, LANES)
                    scr[f"rows{p}"][e2, sl] = scr[f"rows{p}"][e2, sl] * exb
                return c2
            lax.fori_loop(0, CH, scale, 0)
            pltpu.sync_copy(scr[f"rows{p}"], scr["acc_s"].at[didx], add=True)

        fire(0, 0)

        def pair(j2, c):
            j = j2 * 2
            fire(j + 1, 1)
            process(j, 0)
            fire(j + 2, 0)
            process(j + 1, 1)
            return c
        lax.fori_loop(0, (NCH - 1) // 2, pair, 0)
        process(NCH - 1, 0)

        plsc.subcore_barrier()
        pltpu.sync_copy(scr["acc_s"].at[pl.ds(sid * RPT, RPT)],
                        acc_h.at[cid, pl.ds(sid * RPT, RPT)])
        if compute_ex:
            pltpu.sync_copy(scr["den_s"].at[pl.ds(sid * RPT, RPT)],
                            outs[1].at[cid, 0, pl.ds(sid * RPT, RPT)])

    return pl.kernel(body, out_type=tuple(out_type), mesh=mesh,
                     scratch_types=scratch_types, name=f"sc_attn_{mode}_{D}",
                     compiler_params=pltpu.CompilerParams(
                         needs_layout_passes=False,
                         use_tc_tiling_on_sc=False))



_BLK = 1000
_GRID = N // _BLK
_BLKP = 1024
_GRIDP = NP // _BLKP


def _combine(acc, den, elu):
    den_sum = jnp.sum(den, axis=1) + 1e-16
    o = (acc[0] + acc[1]) / den_sum[:, None]
    if elu:
        o = jnp.where(o > 0, o, jnp.exp(jnp.minimum(o, 0.0)) - 1.0)
    return o


def _tc_first(feats, W, att_s, att_d):
    Din, K = W.shape

    def body(x_ref, w_ref, s_ref, d_ref, xp_ref, os_ref, od_ref):
        xp = jnp.dot(x_ref[...], w_ref[...],
                     preferred_element_type=jnp.float32)
        xp_ref[...] = xp
        os_ref[...] = jnp.sum(xp * s_ref[...], axis=1).reshape(1, 1, _BLK)
        od_ref[...] = jnp.sum(xp * d_ref[...], axis=1).reshape(1, 1, _BLK)

    return pl.pallas_call(
        body,
        grid=(_GRID,),
        in_specs=[pl.BlockSpec((_BLK, Din), lambda i: (i, 0)),
                  pl.BlockSpec((Din, K), lambda i: (0, 0)),
                  pl.BlockSpec((1, K), lambda i: (0, 0)),
                  pl.BlockSpec((1, K), lambda i: (0, 0))],
        out_specs=[pl.BlockSpec((_BLK, K), lambda i: (i, 0)),
                   pl.BlockSpec((1, 1, _BLK), lambda i: (i, 0, 0)),
                   pl.BlockSpec((1, 1, _BLK), lambda i: (i, 0, 0))],
        out_shape=[jax.ShapeDtypeStruct((N, K), jnp.float32),
                   jax.ShapeDtypeStruct((_GRID, 1, _BLK), jnp.float32),
                   jax.ShapeDtypeStruct((_GRID, 1, _BLK), jnp.float32)],
    )(feats, W, att_s, att_d)


def _tc_mid(acc, den, W, att_s, att_d):
    D = acc.shape[-1]
    K = W.shape[1]

    def body(a_ref, n_ref, w_ref, s_ref, d_ref, xp_ref, os_ref, od_ref):
        h = _combine(a_ref[...], n_ref[...], elu=True)
        xp = jnp.dot(h, w_ref[...], preferred_element_type=jnp.float32)
        xp_ref[...] = xp
        os_ref[...] = jnp.sum(xp * s_ref[...], axis=1).reshape(1, 1, _BLKP)
        od_ref[...] = jnp.sum(xp * d_ref[...], axis=1).reshape(1, 1, _BLKP)

    return pl.pallas_call(
        body,
        grid=(_GRIDP,),
        in_specs=[pl.BlockSpec((NC, _BLKP, D), lambda i: (0, i, 0)),
                  pl.BlockSpec((_BLKP, NC), lambda i: (i, 0)),
                  pl.BlockSpec((D, K), lambda i: (0, 0)),
                  pl.BlockSpec((1, K), lambda i: (0, 0)),
                  pl.BlockSpec((1, K), lambda i: (0, 0))],
        out_specs=[pl.BlockSpec((_BLKP, K), lambda i: (i, 0)),
                   pl.BlockSpec((1, 1, _BLKP), lambda i: (i, 0, 0)),
                   pl.BlockSpec((1, 1, _BLKP), lambda i: (i, 0, 0))],
        out_shape=[jax.ShapeDtypeStruct((NP, K), jnp.float32),
                   jax.ShapeDtypeStruct((_GRIDP, 1, _BLKP), jnp.float32),
                   jax.ShapeDtypeStruct((_GRIDP, 1, _BLKP), jnp.float32)],
    )(acc, den, W, att_s, att_d)


def _tc_l4(acc, den, W2T, W2h):
    D = acc.shape[-1]
    K = W2T.shape[1]

    def body(a_ref, n_ref, wt_ref, wh_ref, h2_ref, xp3_ref, hh_ref):
        h2 = _combine(a_ref[...], n_ref[...], elu=False)
        h2_ref[...] = h2
        xp3_ref[...] = jnp.dot(h2, wt_ref[...],
                               preferred_element_type=jnp.float32)
        hh_ref[...] = jnp.dot(h2, wh_ref[...],
                              preferred_element_type=jnp.float32)

    return pl.pallas_call(
        body,
        grid=(_GRIDP,),
        in_specs=[pl.BlockSpec((NC, _BLKP, D), lambda i: (0, i, 0)),
                  pl.BlockSpec((_BLKP, NC), lambda i: (i, 0)),
                  pl.BlockSpec((D, K), lambda i: (0, 0)),
                  pl.BlockSpec((D, D), lambda i: (0, 0))],
        out_specs=[pl.BlockSpec((_BLKP, D), lambda i: (i, 0)),
                   pl.BlockSpec((_BLKP, K), lambda i: (i, 0)),
                   pl.BlockSpec((_BLKP, D), lambda i: (i, 0))],
        out_shape=[jax.ShapeDtypeStruct((NP, D), jnp.float32),
                   jax.ShapeDtypeStruct((NP, K), jnp.float32),
                   jax.ShapeDtypeStruct((NP, D), jnp.float32)],
    )(acc, den, W2T, W2h)


def _tc_final(acc, den, W1T):
    D = acc.shape[-1]
    K = W1T.shape[1]

    def body(a_ref, n_ref, w_ref, h4_ref):
        h3 = _combine(a_ref[...], n_ref[...], elu=True)
        h4_ref[...] = jnp.dot(h3, w_ref[...],
                              preferred_element_type=jnp.float32)

    return pl.pallas_call(
        body,
        grid=(_GRIDP,),
        in_specs=[pl.BlockSpec((NC, _BLKP, D), lambda i: (0, i, 0)),
                  pl.BlockSpec((_BLKP, NC), lambda i: (i, 0)),
                  pl.BlockSpec((D, K), lambda i: (0, 0))],
        out_specs=pl.BlockSpec((_BLKP, K), lambda i: (i, 0)),
        out_shape=jax.ShapeDtypeStruct((NP, K), jnp.float32),
    )(acc, den, W1T)



def kernel(features, edge_index, W1, att_src1, att_dst1, W12, att_src12,
           att_dst12, W2, att_src2, att_dst2, W2h):
    src = edge_index[0]
    dst = edge_index[1]
    src2 = src.reshape(NW, NCH, CH)
    dst2 = dst.reshape(NW, NCH, CH)
    z128 = jnp.zeros((RPT, 128), jnp.float32)
    z64 = jnp.zeros((RPT, 64), jnp.float32)
    z1 = jnp.zeros((RPT,), jnp.float32)
    exdummy = jnp.zeros((8,), jnp.float32)

    sc_first = _sc_attn_call(128, "first")
    sc_mid128 = _sc_attn_call(128, "mid")
    sc_mid64 = _sc_attn_call(64, "mid")
    sc_reuse = _sc_attn_call(128, "reuse")

    xp1, a1s, a1d = _tc_first(features, W1, att_src1[None, :],
                              att_dst1[None, :])
    acc1, den1, ex1 = sc_first(xp1, a1s.reshape(N), a1d.reshape(N),
                               src2, dst2, z128, z1)
    den1t = den1.reshape(NC, NP).T
    xp12, a12s, a12d = _tc_mid(acc1, den1t, W12, att_src12[None, :],
                               att_dst12[None, :])
    acc12, den12 = sc_mid128(xp12, a12s.reshape(NP), a12d.reshape(NP),
                             src2, dst2, z128, z1)
    xp2, a2s, a2d = _tc_mid(acc12, den12.reshape(NC, NP).T, W2,
                            att_src2[None, :], att_dst2[None, :])
    acc2, den2 = sc_mid64(xp2, a2s.reshape(NP), a2d.reshape(NP),
                          src2, dst2, z64, z1)
    h2, xp3, h_h = _tc_l4(acc2, den2.reshape(NC, NP).T, W2.T, W2h)
    (acc3,) = sc_reuse(xp3, src2, dst2, z128, z1, ex1)
    h4 = _tc_final(acc3, den1t, W1.T)
    return (h2[:N], h4[:N], h_h[:N])

# --- scband reference (transcript-rebuilt; emitter-appended) ---
"""Pipeline reference for scband-gatencoder-635655160569 (READ-ONLY COPY).

The authoritative reference and input builder live on the scoring server;
editing this copy changes nothing except your own understanding.
"""

import jax, jax.numpy as jnp
import numpy as np

N_NODES = 10000
N_EDGES = 320000
IN_DIM, NUM_HIDDEN, OUT_DIM = 128, 128, 64


def _segment_softmax(logits, seg, num_segments):
    seg_max = jax.ops.segment_max(logits, seg, num_segments=num_segments)
    seg_max = jnp.where(jnp.isfinite(seg_max), seg_max, 0.0)
    ex = jnp.exp(logits - seg_max[seg])
    denom = jax.ops.segment_sum(ex, seg, num_segments=num_segments)
    return ex / (denom[seg] + 1e-16)


def _gat_attn(xp, att_src, att_dst, src, dst, N, tied=None):
    # heads=1, concat=False, add_self_loops=False, bias=False, dropout=0
    if tied is None:
        a_src = (xp * att_src[None, :]).sum(-1)
        a_dst = (xp * att_dst[None, :]).sum(-1)
    else:
        a_src, a_dst = tied
    e = jax.nn.leaky_relu(a_src[src] + a_dst[dst], 0.2)
    alpha = _segment_softmax(e, dst, N)
    out = jax.ops.segment_sum(xp[src] * alpha[:, None], dst, num_segments=N)
    return out, (a_src, a_dst)


def setup_inputs(seed: int = 0):
    key = jax.random.key(seed)
    ks = jax.random.split(key, 12)
    feats = jax.random.normal(ks[0], (N_NODES, IN_DIM), dtype=jnp.float32)
    edge_index = jax.random.randint(ks[1], (2, N_EDGES), 0, N_NODES, dtype=jnp.int32)
    s = 0.1
    return {
        'features': feats,
        'edge_index': edge_index,
        'W1': jax.random.normal(ks[2], (IN_DIM, NUM_HIDDEN), dtype=jnp.float32) * s,
        'att_src1': jax.random.normal(ks[3], (NUM_HIDDEN,), dtype=jnp.float32) * s,
        'att_dst1': jax.random.normal(ks[4], (NUM_HIDDEN,), dtype=jnp.float32) * s,
        'W12': jax.random.normal(ks[5], (NUM_HIDDEN, NUM_HIDDEN), dtype=jnp.float32) * s,
        'att_src12': jax.random.normal(ks[6], (NUM_HIDDEN,), dtype=jnp.float32) * s,
        'att_dst12': jax.random.normal(ks[7], (NUM_HIDDEN,), dtype=jnp.float32) * s,
        'W2': jax.random.normal(ks[8], (NUM_HIDDEN, OUT_DIM), dtype=jnp.float32) * s,
        'att_src2': jax.random.normal(ks[9], (OUT_DIM,), dtype=jnp.float32) * s,
        'att_dst2': jax.random.normal(ks[10], (OUT_DIM,), dtype=jnp.float32) * s,
        'W2h': jax.random.normal(ks[11], (OUT_DIM, OUT_DIM), dtype=jnp.float32) * s,
    }


def reference(features, edge_index, W1, att_src1, att_dst1, W12, att_src12, att_dst12, W2, att_src2, att_dst2, W2h):
    N = features.shape[0]
    src = edge_index[0]
    dst = edge_index[1]
    # conv1 (attention=True by default; attentions saved for tying)
    xp1 = features @ W1
    o1, att1 = _gat_attn(xp1, att_src1, att_dst1, src, dst, N)
    h1 = jax.nn.elu(o1)
    # conv1_2 (attention=True)
    xp12 = h1 @ W12
    o12, _ = _gat_attn(xp12, att_src12, att_dst12, src, dst, N)
    h1 = jax.nn.elu(o12)
    # conv2 (attention=True)
    xp2 = h1 @ W2
    h2, _ = _gat_attn(xp2, att_src2, att_dst2, src, dst, N)
    # conv3: weights tied to conv2 (transposed), attention tied to conv1 alphas
    xp3 = h2 @ W2.T
    o3, _ = _gat_attn(xp3, None, None, src, dst, N, tied=att1)
    h3 = jax.nn.elu(o3)
    # conv2_h: attention=False -> pure linear projection (heads=1 mean)
    h_h = h2 @ W2h
    # conv4: weights tied to conv1 (transposed), attention=False
    h4 = h3 @ W1.T
    return (h2, h4, h_h)

if __name__ == "__main__":
    import jax
    _d = setup_inputs()
    print(jax.jit(kernel)(*tuple(_d.values())))

</pallas_src>

<mosaic_0001>
#map = affine_map<(d0, d1) -> (0, 0)>
#map1 = affine_map<(d0, d1) -> (0)>
#map2 = affine_map<(d0, d1) -> (0, 0, 0)>
module attributes {stable_mosaic.version = 14 : i64} {
  func.func @sc_attn_first_128(%arg0: i32, %arg1: i32, %arg2: memref<10000x128xf32, #tpu.memory_space<hbm>>, %arg3: memref<10000xf32, #tpu.memory_space<hbm>>, %arg4: memref<10000xf32, #tpu.memory_space<hbm>>, %arg5: memref<32x125x80xi32, #tpu.memory_space<hbm>>, %arg6: memref<32x125x80xi32, #tpu.memory_space<hbm>>, %arg7: memref<640x128xf32, #tpu.memory_space<hbm>>, %arg8: memref<640xf32, #tpu.memory_space<hbm>>, %arg9: memref<2x10240x128xf32, #tpu.memory_space<hbm>>, %arg10: memref<2x1x10240xf32, #tpu.memory_space<hbm>>, %arg11: memref<320000xf32, #tpu.memory_space<hbm>>, %arg12: memref<125x80xi32, #tpu.memory_space<vmem>>, %arg13: memref<125x80xi32, #tpu.memory_space<vmem>>, %arg14: memref<80xf32, #tpu.memory_space<vmem>>, %arg15: memref<80xf32, #tpu.memory_space<vmem>>, %arg16: memref<80xf32, #tpu.memory_space<vmem>>, %arg17: memref<80xf32, #tpu.memory_space<vmem>>, %arg18: memref<80xf32, #tpu.memory_space<vmem>>, %arg19: memref<80xf32, #tpu.memory_space<vmem>>, %arg20: memref<80x128xf32, #tpu.memory_space<vmem>>, %arg21: memref<80x128xf32, #tpu.memory_space<vmem>>, %arg22: memref<!tpu.dma_semaphore, #tpu.memory_space<semaphore_mem>>, %arg23: memref<!tpu.dma_semaphore, #tpu.memory_space<semaphore_mem>>, %arg24: memref<!tpu.dma_semaphore, #tpu.memory_space<semaphore_mem>>, %arg25: memref<!tpu.dma_semaphore, #tpu.memory_space<semaphore_mem>>, %arg26: memref<10240x128xf32, #tpu.memory_space<vmem_shared>>, %arg27: memref<10240xf32, #tpu.memory_space<vmem_shared>>) attributes {dimension_semantics = [#tpu.dimension_semantics<core_parallel>, #tpu.dimension_semantics<subcore_parallel>], iteration_bounds = array<i64: 2, 16>, scalar_prefetch = 0 : i64, scratch_operands = 16 : i64, tpu.core_type = #tpu.core_type<sc_vector_subcore>, window_params = [{transform_indices = #map}, {transform_indices = #map1}, {transform_indices = #map1}, {transform_indices = #map2}, {transform_indices = #map2}, {transform_indices = #map}, {transform_indices = #map1}, {transform_indices = #map2}, {transform_indices = #map2}, {transform_indices = #map1}]} {
    %mul3A = arith.constant 2 : i32
    %mul3A_0 = arith.muli %arg1, %mul3A : i32
    %add3A = arith.addi %mul3A_0, %arg0 : i32
    %mul3A_1 = arith.constant 10000 : i32
    %mul3A_2 = arith.muli %add3A, %mul3A_1 : i32
    %mul3A_3 = arith.constant 640 : i32
    %mul3A_4 = arith.muli %arg1, %mul3A_3 : i32
    "tpu.region"() ({
      %run_scoped3A_132 = tpu.sem_alloc : memref<!tpu.dma_semaphore, #tpu.memory_space<semaphore_mem>>
      %dma_start3A_133 = arith.constant 0 : i32
      %dma_start3A_134 = tpu.memref_slice %arg26[%mul3A_4, %dma_start3A_133] : memref<10240x128xf32, #tpu.memory_space<vmem_shared>> -> memref<640x128xf32, #tpu.memory_space<vmem_shared>>
      tpu.enqueue_dma source(%arg7 : memref<640x128xf32, #tpu.memory_space<hbm>>) target(%dma_start3A_134 : memref<640x128xf32, #tpu.memory_space<vmem_shared>>) target_semaphore(%run_scoped3A_132 : memref<!tpu.dma_semaphore, #tpu.memory_space<semaphore_mem>>)
      %dma_wait3A_135 = arith.constant 0 : i32
      %dma_wait3A_136 = tpu.memref_slice %arg26[%mul3A_4, %dma_wait3A_135] : memref<10240x128xf32, #tpu.memory_space<vmem_shared>> -> memref<640x128xf32, #tpu.memory_space<vmem_shared>>
      tpu.wait_dma2 semaphore(%run_scoped3A_132 : memref<!tpu.dma_semaphore, #tpu.memory_space<semaphore_mem>>) src(%arg7 : memref<640x128xf32, #tpu.memory_space<hbm>>) dst(%dma_wait3A_136 : memref<640x128xf32, #tpu.memory_space<vmem_shared>>)
      tpu.yield
    }) : () -> ()
    %mul3A_5 = arith.constant 640 : i32
    %mul3A_6 = arith.muli %arg1, %mul3A_5 : i32
    "tpu.region"() ({
      %run_scoped3A_132 = tpu.sem_alloc : memref<!tpu.dma_semaphore, #tpu.memory_space<semaphore_mem>>
      %dma_start3A_133 = tpu.memref_slice %arg27[%mul3A_6] : memref<10240xf32, #tpu.memory_space<vmem_shared>> -> memref<640xf32, #tpu.memory_space<vmem_shared>>
      tpu.enqueue_dma source(%arg8 : memref<640xf32, #tpu.memory_space<hbm>>) target(%dma_start3A_133 : memref<640xf32, #tpu.memory_space<vmem_shared>>) target_semaphore(%run_scoped3A_132 : memref<!tpu.dma_semaphore, #tpu.memory_space<semaphore_mem>>)
      %dma_wait3A_134 = tpu.memref_slice %arg27[%mul3A_6] : memref<10240xf32, #tpu.memory_space<vmem_shared>> -> memref<640xf32, #tpu.memory_space<vmem_shared>>
      tpu.wait_dma2 semaphore(%run_scoped3A_132 : memref<!tpu.dma_semaphore, #tpu.memory_space<semaphore_mem>>) src(%arg8 : memref<640xf32, #tpu.memory_space<hbm>>) dst(%dma_wait3A_134 : memref<640xf32, #tpu.memory_space<vmem_shared>>)
      tpu.yield
    }) : () -> ()
    "tpu.region"() ({
      %run_scoped3A_132 = tpu.sem_alloc : memref<!tpu.dma_semaphore, #tpu.memory_space<semaphore_mem>>
      %dma_start3A_133 = arith.constant 0 : i32
      %dma_start3A_134 = arith.constant 0 : i32
      %dma_start3A_135 = tpu.memref_slice %arg5[%add3A, %dma_start3A_133, %dma_start3A_134] : memref<32x125x80xi32, #tpu.memory_space<hbm>> -> memref<1x125x80xi32, #tpu.memory_space<hbm>>
      %dma_start3A_136 = tpu.memref_squeeze %dma_start3A_135 : memref<1x125x80xi32, #tpu.memory_space<hbm>> -> memref<125x80xi32, #tpu.memory_space<hbm>>
      %dma_start3A_137 = arith.constant 0 : i32
      %dma_start3A_138 = arith.constant 0 : i32
      %dma_start3A_139 = tpu.memref_slice %arg5[%add3A, %dma_start3A_137, %dma_start3A_138] : memref<32x125x80xi32, #tpu.memory_space<hbm>> -> memref<1x125x80xi32, #tpu.memory_space<hbm>>
      %dma_start3A_140 = tpu.memref_squeeze %dma_start3A_139 : memref<1x125x80xi32, #tpu.memory_space<hbm>> -> memref<125x80xi32, #tpu.memory_space<hbm>>
      tpu.enqueue_dma source(%dma_start3A_140 : memref<125x80xi32, #tpu.memory_space<hbm>>) target(%arg12 : memref<125x80xi32, #tpu.memory_space<vmem>>) target_semaphore(%run_scoped3A_132 : memref<!tpu.dma_semaphore, #tpu.memory_space<semaphore_mem>>)
      %dma_wait3A_141 = arith.constant 0 : i32
      %dma_wait3A_142 = arith.constant 0 : i32
      %dma_wait3A_143 = tpu.memref_slice %arg5[%add3A, %dma_wait3A_141, %dma_wait3A_142] : memref<32x125x80xi32, #tpu.memory_space<hbm>> -> memref<1x125x80xi32, #tpu.memory_space<hbm>>
      %dma_wait3A_144 = tpu.memref_squeeze %dma_wait3A_143 : memref<1x125x80xi32, #tpu.memory_space<hbm>> -> memref<125x80xi32, #tpu.memory_space<hbm>>
      %dma_wait3A_145 = arith.constant 0 : i32
      %dma_wait3A_146 = arith.constant 0 : i32
      %dma_wait3A_147 = tpu.memref_slice %arg5[%add3A, %dma_wait3A_145, %dma_wait3A_146] : memref<32x125x80xi32, #tpu.memory_space<hbm>> -> memref<1x125x80xi32, #tpu.memory_space<hbm>>
      %dma_wait3A_148 = tpu.memref_squeeze %dma_wait3A_147 : memref<1x125x80xi32, #tpu.memory_space<hbm>> -> memref<125x80xi32, #tpu.memory_space<hbm>>
      tpu.wait_dma2 semaphore(%run_scoped3A_132 : memref<!tpu.dma_semaphore, #tpu.memory_space<semaphore_mem>>) src(%dma_wait3A_148 : memref<125x80xi32, #tpu.memory_space<hbm>>) dst(%arg12 : memref<125x80xi32, #tpu.memory_space<vmem>>)
      tpu.yield
    }) : () -> ()
    "tpu.region"() ({
      %run_scoped3A_132 = tpu.sem_alloc : memref<!tpu.dma_semaphore, #tpu.memory_space<semaphore_mem>>
      %dma_start3A_133 = arith.constant 0 : i32
      %dma_start3A_134 = arith.constant 0 : i32
      %dma_start3A_135 = tpu.memref_slice %arg6[%add3A, %dma_start3A_133, %dma_start3A_134] : memref<32x125x80xi32, #tpu.memory_space<hbm>> -> memref<1x125x80xi32, #tpu.memory_space<hbm>>
      %dma_start3A_136 = tpu.memref_squeeze %dma_start3A_135 : memref<1x125x80xi32, #tpu.memory_space<hbm>> -> memref<125x80xi32, #tpu.memory_space<hbm>>
      %dma_start3A_137 = arith.constant 0 : i32
      %dma_start3A_138 = arith.constant 0 : i32
      %dma_start3A_139 = tpu.memref_slice %arg6[%add3A, %dma_start3A_137, %dma_start3A_138] : memref<32x125x80xi32, #tpu.memory_space<hbm>> -> memref<1x125x80xi32, #tpu.memory_space<hbm>>
      %dma_start3A_140 = tpu.memref_squeeze %dma_start3A_139 : memref<1x125x80xi32, #tpu.memory_space<hbm>> -> memref<125x80xi32, #tpu.memory_space<hbm>>
      tpu.enqueue_dma source(%dma_start3A_140 : memref<125x80xi32, #tpu.memory_space<hbm>>) target(%arg13 : memref<125x80xi32, #tpu.memory_space<vmem>>) target_semaphore(%run_scoped3A_132 : memref<!tpu.dma_semaphore, #tpu.memory_space<semaphore_mem>>)
      %dma_wait3A_141 = arith.constant 0 : i32
      %dma_wait3A_142 = arith.constant 0 : i32
      %dma_wait3A_143 = tpu.memref_slice %arg6[%add3A, %dma_wait3A_141, %dma_wait3A_142] : memref<32x125x80xi32, #tpu.memory_space<hbm>> -> memref<1x125x80xi32, #tpu.memory_space<hbm>>
      %dma_wait3A_144 = tpu.memref_squeeze %dma_wait3A_143 : memref<1x125x80xi32, #tpu.memory_space<hbm>> -> memref<125x80xi32, #tpu.memory_space<hbm>>
      %dma_wait3A_145 = arith.constant 0 : i32
      %dma_wait3A_146 = arith.constant 0 : i32
      %dma_wait3A_147 = tpu.memref_slice %arg6[%add3A, %dma_wait3A_145, %dma_wait3A_146] : memref<32x125x80xi32, #tpu.memory_space<hbm>> -> memref<1x125x80xi32, #tpu.memory_space<hbm>>
      %dma_wait3A_148 = tpu.memref_squeeze %dma_wait3A_147 : memref<1x125x80xi32, #tpu.memory_space<hbm>> -> memref<125x80xi32, #tpu.memory_space<hbm>>
      tpu.wait_dma2 semaphore(%run_scoped3A_132 : memref<!tpu.dma_semaphore, #tpu.memory_space<semaphore_mem>>) src(%dma_wait3A_148 : memref<125x80xi32, #tpu.memory_space<hbm>>) dst(%arg13 : memref<125x80xi32, #tpu.memory_space<vmem>>)
      tpu.yield
    }) : () -> ()
    %barrier3A = arith.constant 0 : index
    tpu.barrier barrier_id(%barrier3A)
    %dma_start3A = arith.constant 0 : i32
    %dma_start3A_7 = arith.constant 0 : i32
    %dma_start3A_8 = tpu.memref_slice %arg12[%dma_start3A, %dma_start3A_7] : memref<125x80xi32, #tpu.memory_space<vmem>> -> memref<1x80xi32, #tpu.memory_space<vmem>>
    %dma_start3A_9 = tpu.memref_squeeze %dma_start3A_8 : memref<1x80xi32, #tpu.memory_space<vmem>> -> memref<80xi32, #tpu.memory_space<vmem>>
    %dma_start3A_10 = arith.constant 0 : i32
    %dma_start3A_11 = arith.constant 0 : i32
    %dma_start3A_12 = tpu.memref_slice %arg2[%dma_start3A_10, %dma_start3A_11] : memref<10000x128xf32, #tpu.memory_space<hbm>> -> memref<10000x128xf32, #tpu.memory_space<hbm>>
    tpu.enqueue_indirect_dma source(%dma_start3A_12 : memref<10000x128xf32, #tpu.memory_space<hbm>>) target(%arg20 : memref<80x128xf32, #tpu.memory_space<vmem>>) offsets(%dma_start3A_9 : memref<80xi32, #tpu.memory_space<vmem>>) semaphore(%arg22 : memref<!tpu.dma_semaphore, #tpu.memory_space<semaphore_mem>>)
    %dma_start3A_13 = arith.constant 0 : i32
    %dma_start3A_14 = arith.constant 0 : i32
    %dma_start3A_15 = tpu.memref_slice %arg12[%dma_start3A_13, %dma_start3A_14] : memref<125x80xi32, #tpu.memory_space<vmem>> -> memref<1x80xi32, #tpu.memory_space<vmem>>
    %dma_start3A_16 = tpu.memref_squeeze %dma_start3A_15 : memref<1x80xi32, #tpu.memory_space<vmem>> -> memref<80xi32, #tpu.memory_space<vmem>>
    %dma_start3A_17 = arith.constant 0 : i32
    %dma_start3A_18 = tpu.memref_slice %arg3[%dma_start3A_17] : memref<10000xf32, #tpu.memory_space<hbm>> -> memref<10000xf32, #tpu.memory_space<hbm>>
    tpu.enqueue_indirect_dma source(%dma_start3A_18 : memref<10000xf32, #tpu.memory_space<hbm>>) target(%arg16 : memref<80xf32, #tpu.memory_space<vmem>>) offsets(%dma_start3A_16 : memref<80xi32, #tpu.memory_space<vmem>>) semaphore(%arg23 : memref<!tpu.dma_semaphore, #tpu.memory_space<semaphore_mem>>)
    %dma_start3A_19 = arith.constant 0 : i32
    %dma_start3A_20 = arith.constant 0 : i32
    %dma_start3A_21 = tpu.memref_slice %arg13[%dma_start3A_19, %dma_start3A_20] : memref<125x80xi32, #tpu.memory_space<vmem>> -> memref<1x80xi32, #tpu.memory_space<vmem>>
    %dma_start3A_22 = tpu.memref_squeeze %dma_start3A_21 : memref<1x80xi32, #tpu.memory_space<vmem>> -> memref<80xi32, #tpu.memory_space<vmem>>
    %dma_start3A_23 = arith.constant 0 : i32
    %dma_start3A_24 = tpu.memref_slice %arg4[%dma_start3A_23] : memref<10000xf32, #tpu.memory_space<hbm>> -> memref<10000xf32, #tpu.memory_space<hbm>>
    tpu.enqueue_indirect_dma source(%dma_start3A_24 : memref<10000xf32, #tpu.memory_space<hbm>>) target(%arg18 : memref<80xf32, #tpu.memory_space<vmem>>) offsets(%dma_start3A_22 : memref<80xi32, #tpu.memory_space<vmem>>) semaphore(%arg24 : memref<!tpu.dma_semaphore, #tpu.memory_space<semaphore_mem>>)
    %scan3A = arith.constant 0 : i32
    %scan3A_25 = arith.constant 0 : i32
    %scan3A_26 = arith.constant 62 : i32
    %scan3A_27 = arith.addi %scan3A_25, %scan3A_26 : i32
    %scan3A_28 = arith.constant 1 : i32
    scf.for %scan3A_132 = %scan3A_25 to %scan3A_27 step %scan3A_28  : i32 {
      %mul3A_133 = arith.constant 2 : i32
      %mul3A_134 = arith.muli %scan3A_132, %mul3A_133 : i32
      %add3A_135 = arith.constant 1 : i32
      %add3A_136 = arith.addi %mul3A_134, %add3A_135 : i32
      %dma_start3A_137 = arith.constant 0 : i32
      %dma_start3A_138 = tpu.memref_slice %arg12[%add3A_136, %dma_start3A_137] : memref<125x80xi32, #tpu.memory_space<vmem>> -> memref<1x80xi32, #tpu.memory_space<vmem>>
      %dma_start3A_139 = tpu.memref_squeeze %dma_start3A_138 : memref<1x80xi32, #tpu.memory_space<vmem>> -> memref<80xi32, #tpu.memory_space<vmem>>
      %dma_start3A_140 = arith.constant 0 : i32
      %dma_start3A_141 = arith.constant 0 : i32
      %dma_start3A_142 = tpu.memref_slice %arg2[%dma_start3A_140, %dma_start3A_141] : memref<10000x128xf32, #tpu.memory_space<hbm>> -> memref<10000x128xf32, #tpu.memory_space<hbm>>
      tpu.enqueue_indirect_dma source(%dma_start3A_142 : memref<10000x128xf32, #tpu.memory_space<hbm>>) target(%arg21 : memref<80x128xf32, #tpu.memory_space<vmem>>) offsets(%dma_start3A_139 : memref<80xi32, #tpu.memory_space<vmem>>) semaphore(%arg22 : memref<!tpu.dma_semaphore, #tpu.memory_space<semaphore_mem>>)
      %dma_start3A_143 = arith.constant 0 : i32
      %dma_start3A_144 = tpu.memref_slice %arg12[%add3A_136, %dma_start3A_143] : memref<125x80xi32, #tpu.memory_space<vmem>> -> memref<1x80xi32, #tpu.memory_space<vmem>>
      %dma_start3A_145 = tpu.memref_squeeze %dma_start3A_144 : memref<1x80xi32, #tpu.memory_space<vmem>> -> memref<80xi32, #tpu.memory_space<vmem>>
      %dma_start3A_146 = arith.constant 0 : i32
      %dma_start3A_147 = tpu.memref_slice %arg3[%dma_start3A_146] : memref<10000xf32, #tpu.memory_space<hbm>> -> memref<10000xf32, #tpu.memory_space<hbm>>
      tpu.enqueue_indirect_dma source(%dma_start3A_147 : memref<10000xf32, #tpu.memory_space<hbm>>) target(%arg17 : memref<80xf32, #tpu.memory_space<vmem>>) offsets(%dma_start3A_145 : memref<80xi32, #tpu.memory_space<vmem>>) semaphore(%arg23 : memref<!tpu.dma_semaphore, #tpu.memory_space<semaphore_mem>>)
      %dma_start3A_148 = arith.constant 0 : i32
      %dma_start3A_149 = tpu.memref_slice %arg13[%add3A_136, %dma_start3A_148] : memref<125x80xi32, #tpu.memory_space<vmem>> -> memref<1x80xi32, #tpu.memory_space<vmem>>
      %dma_start3A_150 = tpu.memref_squeeze %dma_start3A_149 : memref<1x80xi32, #tpu.memory_space<vmem>> -> memref<80xi32, #tpu.memory_space<vmem>>
      %dma_start3A_151 = arith.constant 0 : i32
      %dma_start3A_152 = tpu.memref_slice %arg4[%dma_start3A_151] : memref<10000xf32, #tpu.memory_space<hbm>> -> memref<10000xf32, #tpu.memory_space<hbm>>
      tpu.enqueue_indirect_dma source(%dma_start3A_152 : memref<10000xf32, #tpu.memory_space<hbm>>) target(%arg19 : memref<80xf32, #tpu.memory_space<vmem>>) offsets(%dma_start3A_150 : memref<80xi32, #tpu.memory_space<vmem>>) semaphore(%arg24 : memref<!tpu.dma_semaphore, #tpu.memory_space<semaphore_mem>>)
      %dma_wait3A_153 = arith.constant 0 : i32
      %dma_wait3A_154 = tpu.memref_slice %arg3[%dma_wait3A_153] : memref<10000xf32, #tpu.memory_space<hbm>> -> memref<80xf32, #tpu.memory_space<hbm>>
      %dma_wait3A_155 = arith.constant 0 : i32
      %dma_wait3A_156 = tpu.memref_slice %arg3[%dma_wait3A_155] : memref<10000xf32, #tpu.memory_space<hbm>> -> memref<80xf32, #tpu.memory_space<hbm>>
      tpu.wait_dma2 semaphore(%arg23 : memref<!tpu.dma_semaphore, #tpu.memory_space<semaphore_mem>>) src(%dma_wait3A_156 : memref<80xf32, #tpu.memory_space<hbm>>) dst(%arg16 : memref<80xf32, #tpu.memory_space<vmem>>)
      %dma_wait3A_157 = arith.constant 0 : i32
      %dma_wait3A_158 = tpu.memref_slice %arg4[%dma_wait3A_157] : memref<10000xf32, #tpu.memory_space<hbm>> -> memref<80xf32, #tpu.memory_space<hbm>>
      %dma_wait3A_159 = arith.constant 0 : i32
      %dma_wait3A_160 = tpu.memref_slice %arg4[%dma_wait3A_159] : memref<10000xf32, #tpu.memory_space<hbm>> -> memref<80xf32, #tpu.memory_space<hbm>>
      tpu.wait_dma2 semaphore(%arg24 : memref<!tpu.dma_semaphore, #tpu.memory_space<semaphore_mem>>) src(%dma_wait3A_160 : memref<80xf32, #tpu.memory_space<hbm>>) dst(%arg18 : memref<80xf32, #tpu.memory_space<vmem>>)
      %get3A_161 = arith.constant 0 : index
      %get3A_162 = tpu.vector_load %arg16[%get3A_161] {strides = array<i32>} : memref<80xf32, #tpu.memory_space<vmem>>, vector<16xf32>,
      %get3A_163 = arith.constant 0 : index
      %get3A_164 = tpu.vector_load %arg18[%get3A_163] {strides = array<i32>} : memref<80xf32, #tpu.memory_space<vmem>>, vector<16xf32>,
      %add3A_165 = arith.addf %get3A_162, %get3A_164 : vector<16xf32>
      %gt3A_166 = arith.constant 0.000000e+00 : f32
      %gt3A_167 = vector.broadcast %gt3A_166 : f32 to vector<16xf32>
      %gt3A_168 = arith.cmpf ogt, %add3A_165, %gt3A_167 : vector<16xf32>
      %mul3A_169 = arith.constant 2.000000e-01 : f32
      %mul3A_170 = vector.broadcast %mul3A_169 : f32 to vector<16xf32>
      %mul3A_171 = arith.mulf %mul3A_170, %add3A_165 : vector<16xf32>
      %select_n3A_172 = arith.select %gt3A_168, %add3A_165, %mul3A_171 : vector<16xi1>, vector<16xf32>
      %exp3A_173 = math.exp %select_n3A_172 : vector<16xf32>
      %swap3A_174 = arith.constant 0 : index
      %swap3A_175 = tpu.vector_load %arg14[%swap3A_174] {strides = array<i32>} : memref<80xf32, #tpu.memory_space<vmem>>, vector<16xf32>,
      tpu.vector_store %arg14[%swap3A_174], %exp3A_173 {strides = array<i32>} : memref<80xf32, #tpu.memory_space<vmem>>, vector<16xf32>,
      %get3A_176 = arith.constant 16 : index
      %get3A_177 = tpu.vector_load %arg16[%get3A_176] {strides = array<i32>} : memref<80xf32, #tpu.memory_space<vmem>>, vector<16xf32>,
      %get3A_178 = arith.constant 16 : index
      %get3A_179 = tpu.vector_load %arg18[%get3A_178] {strides = array<i32>} : memref<80xf32, #tpu.memory_space<vmem>>, vector<16xf32>,
      %add3A_180 = arith.addf %get3A_177, %get3A_179 : vector<16xf32>
      %gt3A_181 = arith.constant 0.000000e+00 : f32
      %gt3A_182 = vector.broadcast %gt3A_181 : f32 to vector<16xf32>
      %gt3A_183 = arith.cmpf ogt, %add3A_180, %gt3A_182 : vector<16xf32>
      %mul3A_184 = arith.constant 2.000000e-01 : f32
      %mul3A_185 = vector.broadcast %mul3A_184 : f32 to vector<16xf32>
      %mul3A_186 = arith.mulf %mul3A_185, %add3A_180 : vector<16xf32>
      %select_n3A_187 = arith.select %gt3A_183, %add3A_180, %mul3A_186 : vector<16xi1>, vector<16xf32>
      %exp3A_188 = math.exp %select_n3A_187 : vector<16xf32>
      %swap3A_189 = arith.constant 16 : index
      %swap3A_190 = tpu.vector_load %arg14[%swap3A_189] {strides = array<i32>} : memref<80xf32, #tpu.memory_space<vmem>>, vector<16xf32>,
      tpu.vector_store %arg14[%swap3A_189], %exp3A_188 {strides = array<i32>} : memref<80xf32, #tpu.memory_space<vmem>>, vector<16xf32>,
      %get3A_191 = arith.constant 32 : index
      %get3A_192 = tpu.vector_load %arg16[%get3A_191] {strides = array<i32>} : memref<80xf32, #tpu.memory_space<vmem>>, vector<16xf32>,
      %get3A_193 = arith.constant 32 : index
      %get3A_194 = tpu.vector_load %arg18[%get3A_193] {strides = array<i32>} : memref<80xf32, #tpu.memory_space<vmem>>, vector<16xf32>,
      %add3A_195 = arith.addf %get3A_192, %get3A_194 : vector<16xf32>
      %gt3A_196 = arith.constant 0.000000e+00 : f32
      %gt3A_197 = vector.broadcast %gt3A_196 : f32 to vector<16xf32>
      %gt3A_198 = arith.cmpf ogt, %add3A_195, %gt3A_197 : vector<16xf32>
      %mul3A_199 = arith.constant 2.000000e-01 : f32
      %mul3A_200 = vector.broadcast %mul3A_199 : f32 to vector<16xf32>
      %mul3A_201 = arith.mulf %mul3A_200, %add3A_195 : vector<16xf32>
      %select_n3A_202 = arith.select %gt3A_198, %add3A_195, %mul3A_201 : vector<16xi1>, vector<16xf32>
      %exp3A_203 = math.exp %select_n3A_202 : vector<16xf32>
      %swap3A_204 = arith.constant 32 : index
      %swap3A_205 = tpu.vector_load %arg14[%swap3A_204] {strides = array<i32>} : memref<80xf32, #tpu.memory_space<vmem>>, vector<16xf32>,
      tpu.vector_store %arg14[%swap3A_204], %exp3A_203 {strides = array<i32>} : memref<80xf32, #tpu.memory_space<vmem>>, vector<16xf32>,
      %get3A_206 = arith.constant 48 : index
      %get3A_207 = tpu.vector_load %arg16[%get3A_206] {strides = array<i32>} : memref<80xf32, #tpu.memory_space<vmem>>, vector<16xf32>,
      %get3A_208 = arith.constant 48 : index
      %get3A_209 = tpu.vector_load %arg18[%get3A_208] {strides = array<i32>} : memref<80xf32, #tpu.memory_space<vmem>>, vector<16xf32>,
      %add3A_210 = arith.addf %get3A_207, %get3A_209 : vector<16xf32>
      %gt3A_211 = arith.constant 0.000000e+00 : f32
      %gt3A_212 = vector.broadcast %gt3A_211 : f32 to vector<16xf32>
      %gt3A_213 = arith.cmpf ogt, %add3A_210, %gt3A_212 : vector<16xf32>
      %mul3A_214 = arith.constant 2.000000e-01 : f32
      %mul3A_215 = vector.broadcast %mul3A_214 : f32 to vector<16xf32>
      %mul3A_216 = arith.mulf %mul3A_215, %add3A_210 : vector<16xf32>
      %select_n3A_217 = arith.select %gt3A_213, %add3A_210, %mul3A_216 : vector<16xi1>, vector<16xf32>
      %exp3A_218 = math.exp %select_n3A_217 : vector<16xf32>
      %swap3A_219 = arith.constant 48 : index
      %swap3A_220 = tpu.vector_load %arg14[%swap3A_219] {strides = array<i32>} : memref<80xf32, #tpu.memory_space<vmem>>, vector<16xf32>,
      tpu.vector_store %arg14[%swap3A_219], %exp3A_218 {strides = array<i32>} : memref<80xf32, #tpu.memory_space<vmem>>, vector<16xf32>,
      %get3A_221 = arith.constant 64 : index
      %get3A_222 = tpu.vector_load %arg16[%get3A_221] {strides = array<i32>} : memref<80xf32, #tpu.memory_space<vmem>>, vector<16xf32>,
      %get3A_223 = arith.constant 64 : index
      %get3A_224 = tpu.vector_load %arg18[%get3A_223] {strides = array<i32>} : memref<80xf32, #tpu.memory_space<vmem>>, vector<16xf32>,
      %add3A_225 = arith.addf %get3A_222, %get3A_224 : vector<16xf32>
      %gt3A_226 = arith.constant 0.000000e+00 : f32
      %gt3A_227 = vector.broadcast %gt3A_226 : f32 to vector<16xf32>
      %gt3A_228 = arith.cmpf ogt, %add3A_225, %gt3A_227 : vector<16xf32>
      %mul3A_229 = arith.constant 2.000000e-01 : f32
      %mul3A_230 = vector.broadcast %mul3A_229 : f32 to vector<16xf32>
      %mul3A_231 = arith.mulf %mul3A_230, %add3A_225 : vector<16xf32>
      %select_n3A_232 = arith.select %gt3A_228, %add3A_225, %mul3A_231 : vector<16xi1>, vector<16xf32>
      %exp3A_233 = math.exp %select_n3A_232 : vector<16xf32>
      %swap3A_234 = arith.constant 64 : index
      %swap3A_235 = tpu.vector_load %arg14[%swap3A_234] {strides = array<i32>} : memref<80xf32, #tpu.memory_space<vmem>>, vector<16xf32>,
      tpu.vector_store %arg14[%swap3A_234], %exp3A_233 {strides = array<i32>} : memref<80xf32, #tpu.memory_space<vmem>>, vector<16xf32>,
      "tpu.region"() ({
        %run_scoped3A_369 = tpu.sem_alloc : memref<!tpu.dma_semaphore, #tpu.memory_space<semaphore_mem>>
        %dma_start3A_370 = arith.constant 0 : i32
        %dma_start3A_371 = tpu.memref_slice %arg13[%mul3A_134, %dma_start3A_370] : memref<125x80xi32, #tpu.memory_space<vmem>> -> memref<1x80xi32, #tpu.memory_space<vmem>>
        %dma_start3A_372 = tpu.memref_squeeze %dma_start3A_371 : memref<1x80xi32, #tpu.memory_space<vmem>> -> memref<80xi32, #tpu.memory_space<vmem>>
        %dma_start3A_373 = arith.constant 0 : i32
        %dma_start3A_374 = tpu.memref_slice %arg27[%dma_start3A_373] : memref<10240xf32, #tpu.memory_space<vmem_shared>> -> memref<10240xf32, #tpu.memory_space<vmem_shared>>
        tpu.enqueue_indirect_dma source(%arg14 : memref<80xf32, #tpu.memory_space<vmem>>) target(%dma_start3A_374 : memref<10240xf32, #tpu.memory_space<vmem_shared>>) offsets(%dma_start3A_372 : memref<80xi32, #tpu.memory_space<vmem>>) semaphore(%run_scoped3A_369 : memref<!tpu.dma_semaphore, #tpu.memory_space<semaphore_mem>>) {add = true}
        %dma_wait3A_375 = arith.constant 0 : i32
        %dma_wait3A_376 = tpu.memref_slice %arg13[%mul3A_134, %dma_wait3A_375] : memref<125x80xi32, #tpu.memory_space<vmem>> -> memref<1x80xi32, #tpu.memory_space<vmem>>
        %dma_wait3A_377 = tpu.memref_squeeze %dma_wait3A_376 : memref<1x80xi32, #tpu.memory_space<vmem>> -> memref<80xi32, #tpu.memory_space<vmem>>
        %dma_wait3A_378 = arith.constant 0 : i32
        %dma_wait3A_379 = tpu.memref_slice %arg27[%dma_wait3A_378] : memref<10240xf32, #tpu.memory_space<vmem_shared>> -> memref<10240xf32, #tpu.memory_space<vmem_shared>>
        tpu.wait_indirect_dma semaphore(%run_scoped3A_369 : memref<!tpu.dma_semaphore, #tpu.memory_space<semaphore_mem>>) src(%arg14 : memref<80xf32, #tpu.memory_space<vmem>>) dst(%dma_wait3A_379 : memref<10240xf32, #tpu.memory_space<vmem_shared>>)
        tpu.yield
      }) : () -> ()
      %mul3A_236 = arith.constant 80 : i32
      %mul3A_237 = arith.muli %mul3A_134, %mul3A_236 : i32
      %add3A_238 = arith.addi %mul3A_2, %mul3A_237 : i32
      "tpu.region"() ({
        %run_scoped3A_369 = tpu.sem_alloc : memref<!tpu.dma_semaphore, #tpu.memory_space<semaphore_mem>>
        %dma_start3A_370 = tpu.memref_slice %arg11[%add3A_238] : memref<320000xf32, #tpu.memory_space<hbm>> -> memref<80xf32, #tpu.memory_space<hbm>>
        %dma_start3A_371 = tpu.memref_slice %arg11[%add3A_238] : memref<320000xf32, #tpu.memory_space<hbm>> -> memref<80xf32, #tpu.memory_space<hbm>>
        tpu.enqueue_dma source(%arg14 : memref<80xf32, #tpu.memory_space<vmem>>) target(%dma_start3A_371 : memref<80xf32, #tpu.memory_space<hbm>>) target_semaphore(%run_scoped3A_369 : memref<!tpu.dma_semaphore, #tpu.memory_space<semaphore_mem>>)
        %dma_wait3A_372 = tpu.memref_slice %arg11[%add3A_238] : memref<320000xf32, #tpu.memory_space<hbm>> -> memref<80xf32, #tpu.memory_space<hbm>>
        %dma_wait3A_373 = tpu.memref_slice %arg11[%add3A_238] : memref<320000xf32, #tpu.memory_space<hbm>> -> memref<80xf32, #tpu.memory_space<hbm>>
        tpu.wait_dma2 semaphore(%run_scoped3A_369 : memref<!tpu.dma_semaphore, #tpu.memory_space<semaphore_mem>>) src(%arg14 : memref<80xf32, #tpu.memory_space<vmem>>) dst(%dma_wait3A_373 : memref<80xf32, #tpu.memory_space<hbm>>)
        tpu.yield
      }) : () -> ()
      %dma_wait3A_239 = arith.constant 0 : i32
      %dma_wait3A_240 = arith.constant 0 : i32
      %dma_wait3A_241 = tpu.memref_slice %arg2[%dma_wait3A_239, %dma_wait3A_240] : memref<10000x128xf32, #tpu.memory_space<hbm>> -> memref<80x128xf32, #tpu.memory_space<hbm>>
      %dma_wait3A_242 = arith.constant 0 : i32
      %dma_wait3A_243 = arith.constant 0 : i32
      %dma_wait3A_244 = tpu.memref_slice %arg2[%dma_wait3A_242, %dma_wait3A_243] : memref<10000x128xf32, #tpu.memory_space<hbm>> -> memref<80x128xf32, #tpu.memory_space<hbm>>
      tpu.wait_dma2 semaphore(%arg22 : memref<!tpu.dma_semaphore, #tpu.memory_space<semaphore_mem>>) src(%dma_wait3A_244 : memref<80x128xf32, #tpu.memory_space<hbm>>) dst(%arg20 : memref<80x128xf32, #tpu.memory_space<vmem>>)
      %scan3A_245 = arith.constant 0 : i32
      %scan3A_246 = arith.constant 0 : i32
      %scan3A_247 = arith.constant 80 : i32
      %scan3A_248 = arith.addi %scan3A_246, %scan3A_247 : i32
      %scan3A_249 = arith.constant 1 : i32
      scf.for %scan3A_369 = %scan3A_246 to %scan3A_248 step %scan3A_249  : i32 {
        %broadcast_in_dim3A = vector.broadcast %scan3A_369 : i32 to vector<16xi32>
        %gather3A = tpu.vector_load_idx %arg14[%broadcast_in_dim3A] : memref<80xf32, #tpu.memory_space<vmem>>[vector<16xi32>], vector<16xf32>,
        %get3A_370 = arith.index_cast %scan3A_369 : i32 to index
        %get3A_371 = arith.constant 0 : index
        %get3A_372 = tpu.vector_load %arg20[%get3A_370, %get3A_371] {strides = array<i32>} : memref<80x128xf32, #tpu.memory_space<vmem>>, vector<16xf32>,
        %mul3A_373 = arith.mulf %get3A_372, %gather3A : vector<16xf32>
        %swap3A_374 = arith.index_cast %scan3A_369 : i32 to index
        %swap3A_375 = arith.constant 0 : index
        %swap3A_376 = tpu.vector_load %arg20[%swap3A_374, %swap3A_375] {strides = array<i32>} : memref<80x128xf32, #tpu.memory_space<vmem>>, vector<16xf32>,
        tpu.vector_store %arg20[%swap3A_374, %swap3A_375], %mul3A_373 {strides = array<i32>} : memref<80x128xf32, #tpu.memory_space<vmem>>, vector<16xf32>,
        %get3A_377 = arith.index_cast %scan3A_369 : i32 to index
        %get3A_378 = arith.constant 16 : index
        %get3A_379 = tpu.vector_load %arg20[%get3A_377, %get3A_378] {strides = array<i32>} : memref<80x128xf32, #tpu.memory_space<vmem>>, vector<16xf32>,
        %mul3A_380 = arith.mulf %get3A_379, %gather3A : vector<16xf32>
        %swap3A_381 = arith.index_cast %scan3A_369 : i32 to index
        %swap3A_382 = arith.constant 16 : index
        %swap3A_383 = tpu.vector_load %arg20[%swap3A_381, %swap3A_382] {strides = array<i32>} : memref<80x128xf32, #tpu.memory_space<vmem>>, vector<16xf32>,
        tpu.vector_store %arg20[%swap3A_381, %swap3A_382], %mul3A_380 {strides = array<i32>} : memref<80x128xf32, #tpu.memory_space<vmem>>, vector<16xf32>,
        %get3A_384 = arith.index_cast %scan3A_369 : i32 to index
        %get3A_385 = arith.constant 32 : index
        %get3A_386 = tpu.vector_load %arg20[%get3A_384, %get3A_385] {strides = array<i32>} : memref<80x128xf32, #tpu.memory_space<vmem>>, vector<16xf32>,
        %mul3A_387 = arith.mulf %get3A_386, %gather3A : vector<16xf32>
        %swap3A_388 = arith.index_cast %scan3A_369 : i32 to index
        %swap3A_389 = arith.constant 32 : index
        %swap3A_390 = tpu.vector_load %arg20[%swap3A_388, %swap3A_389] {strides = array<i32>} : memref<80x128xf32, #tpu.memory_space<vmem>>, vector<16xf32>,
        tpu.vector_store %arg20[%swap3A_388, %swap3A_389], %mul3A_387 {strides = array<i32>} : memref<80x128xf32, #tpu.memory_space<vmem>>, vector<16xf32>,
        %get3A_391 = arith.index_cast %scan3A_369 : i32 to index
        %get3A_392 = arith.constant 48 : index
        %get3A_393 = tpu.vector_load %arg20[%get3A_391, %get3A_392] {strides = array<i32>} : memref<80x128xf32, #tpu.memory_space<vmem>>, vector<16xf32>,
        %mul3A_394 = arith.mulf %get3A_393, %gather3A : vector<16xf32>
        %swap3A_395 = arith.index_cast %scan3A_369 : i32 to index
        %swap3A_396 = arith.constant 48 : index
        %swap3A_397 = tpu.vector_load %arg20[%swap3A_395, %swap3A_396] {strides = array<i32>} : memref<80x128xf32, #tpu.memory_space<vmem>>, vector<16xf32>,
        tpu.vector_store %arg20[%swap3A_395, %swap3A_396], %mul3A_394 {strides = array<i32>} : memref<80x128xf32, #tpu.memory_space<vmem>>, vector<16xf32>,
        %get3A_398 = arith.index_cast %scan3A_369 : i32 to index
        %get3A_399 = arith.constant 64 : index
        %get3A_400 = tpu.vector_load %arg20[%get3A_398, %get3A_399] {strides = array<i32>} : memref<80x128xf32, #tpu.memory_space<vmem>>, vector<16xf32>,
        %mul3A_401 = arith.mulf %get3A_400, %gather3A : vector<16xf32>
        %swap3A_402 = arith.index_cast %scan3A_369 : i32 to index
        %swap3A_403 = arith.constant 64 : index
        %swap3A_404 = tpu.vector_load %arg20[%swap3A_402, %swap3A_403] {strides = array<i32>} : memref<80x128xf32, #tpu.memory_space<vmem>>, vector<16xf32>,
        tpu.vector_store %arg20[%swap3A_402, %swap3A_403], %mul3A_401 {strides = array<i32>} : memref<80x128xf32, #tpu.memory_space<vmem>>, vector<16xf32>,
        %get3A_405 = arith.index_cast %scan3A_369 : i32 to index
        %get3A_406 = arith.constant 80 : index
        %get3A_407 = tpu.vector_load %arg20[%get3A_405, %get3A_406] {strides = array<i32>} : memref<80x128xf32, #tpu.memory_space<vmem>>, vector<16xf32>,
        %mul3A_408 = arith.mulf %get3A_407, %gather3A : vector<16xf32>
        %swap3A_409 = arith.index_cast %scan3A_369 : i32 to index
        %swap3A_410 = arith.constant 80 : index
        %swap3A_411 = tpu.vector_load %arg20[%swap3A_409, %swap3A_410] {strides = array<i32>} : memref<80x128xf32, #tpu.memory_space<vmem>>, vector<16xf32>,
        tpu.vector_store %arg20[%swap3A_409, %swap3A_410], %mul3A_408 {strides = array<i32>} : memref<80x128xf32, #tpu.memory_space<vmem>>, vector<16xf32>,
        %get3A_412 = arith.index_cast %scan3A_369 : i32 to index
        %get3A_413 = arith.constant 96 : index
        %get3A_414 = tpu.vector_load %arg20[%get3A_412, %get3A_413] {strides = array<i32>} : memref<80x128xf32, #tpu.memory_space<vmem>>, vector<16xf32>,
        %mul3A_415 = arith.mulf %get3A_414, %gather3A : vector<16xf32>
        %swap3A_416 = arith.index_cast %scan3A_369 : i32 to index
        %swap3A_417 = arith.constant 96 : index
        %swap3A_418 = tpu.vector_load %arg20[%swap3A_416, %swap3A_417] {strides = array<i32>} : memref<80x128xf32, #tpu.memory_space<vmem>>, vector<16xf32>,
        tpu.vector_store %arg20[%swap3A_416, %swap3A_417], %mul3A_415 {strides = array<i32>} : memref<80x128xf32, #tpu.memory_space<vmem>>, vector<16xf32>,
        %get3A_419 = arith.index_cast %scan3A_369 : i32 to index
        %get3A_420 = arith.constant 112 : index
        %get3A_421 = tpu.vector_load %arg20[%get3A_419, %get3A_420] {strides = array<i32>} : memref<80x128xf32, #tpu.memory_space<vmem>>, vector<16xf32>,
        %mul3A_422 = arith.mulf %get3A_421, %gather3A : vector<16xf32>
        %swap3A_423 = arith.index_cast %scan3A_369 : i32 to index
        %swap3A_424 = arith.constant 112 : index
        %swap3A_425 = tpu.vector_load %arg20[%swap3A_423, %swap3A_424] {strides = array<i32>} : memref<80x128xf32, #tpu.memory_space<vmem>>, vector<16xf32>,
        tpu.vector_store %arg20[%swap3A_423, %swap3A_424], %mul3A_422 {strides = array<i32>} : memref<80x128xf32, #tpu.memory_space<vmem>>, vector<16xf32>,
      }
      %scan3A_250 = arith.constant 80 : i32
      "tpu.region"() ({
        %run_scoped3A_369 = tpu.sem_alloc : memref<!tpu.dma_semaphore, #tpu.memory_space<semaphore_mem>>
        %dma_start3A_370 = arith.constant 0 : i32
        %dma_start3A_371 = tpu.memref_slice %arg13[%mul3A_134, %dma_start3A_370] : memref<125x80xi32, #tpu.memory_space<vmem>> -> memref<1x80xi32, #tpu.memory_space<vmem>>
        %dma_start3A_372 = tpu.memref_squeeze %dma_start3A_371 : memref<1x80xi32, #tpu.memory_space<vmem>> -> memref<80xi32, #tpu.memory_space<vmem>>
        %dma_start3A_373 = arith.constant 0 : i32
        %dma_start3A_374 = arith.constant 0 : i32
        %dma_start3A_375 = tpu.memref_slice %arg26[%dma_start3A_373, %dma_start3A_374] : memref<10240x128xf32, #tpu.memory_space<vmem_shared>> -> memref<10240x128xf32, #tpu.memory_space<vmem_shared>>
        tpu.enqueue_indirect_dma source(%arg20 : memref<80x128xf32, #tpu.memory_space<vmem>>) target(%dma_start3A_375 : memref<10240x128xf32, #tpu.memory_space<vmem_shared>>) offsets(%dma_start3A_372 : memref<80xi32, #tpu.memory_space<vmem>>) semaphore(%run_scoped3A_369 : memref<!tpu.dma_semaphore, #tpu.memory_space<semaphore_mem>>) {add = true}
        %dma_wait3A_376 = arith.constant 0 : i32
        %dma_wait3A_377 = tpu.memref_slice %arg13[%mul3A_134, %dma_wait3A_376] : memref<125x80xi32, #tpu.memory_space<vmem>> -> memref<1x80xi32, #tpu.memory_space<vmem>>
        %dma_wait3A_378 = tpu.memref_squeeze %dma_wait3A_377 : memref<1x80xi32, #tpu.memory_space<vmem>> -> memref<80xi32, #tpu.memory_space<vmem>>
        %dma_wait3A_379 = arith.constant 0 : i32
        %dma_wait3A_380 = arith.constant 0 : i32
        %dma_wait3A_381 = tpu.memref_slice %arg26[%dma_wait3A_379, %dma_wait3A_380] : memref<10240x128xf32, #tpu.memory_space<vmem_shared>> -> memref<10240x128xf32, #tpu.memory_space<vmem_shared>>
        tpu.wait_indirect_dma semaphore(%run_scoped3A_369 : memref<!tpu.dma_semaphore, #tpu.memory_space<semaphore_mem>>) src(%arg20 : memref<80x128xf32, #tpu.memory_space<vmem>>) dst(%dma_wait3A_381 : memref<10240x128xf32, #tpu.memory_space<vmem_shared>>)
        tpu.yield
      }) : () -> ()
      %add3A_251 = arith.constant 2 : i32
      %add3A_252 = arith.addi %mul3A_134, %add3A_251 : i32
      %dma_start3A_253 = arith.constant 0 : i32
      %dma_start3A_254 = tpu.memref_slice %arg12[%add3A_252, %dma_start3A_253] : memref<125x80xi32, #tpu.memory_space<vmem>> -> memref<1x80xi32, #tpu.memory_space<vmem>>
      %dma_start3A_255 = tpu.memref_squeeze %dma_start3A_254 : memref<1x80xi32, #tpu.memory_space<vmem>> -> memref<80xi32, #tpu.memory_space<vmem>>
      %dma_start3A_256 = arith.constant 0 : i32
      %dma_start3A_257 = arith.constant 0 : i32
      %dma_start3A_258 = tpu.memref_slice %arg2[%dma_start3A_256, %dma_start3A_257] : memref<10000x128xf32, #tpu.memory_space<hbm>> -> memref<10000x128xf32, #tpu.memory_space<hbm>>
      tpu.enqueue_indirect_dma source(%dma_start3A_258 : memref<10000x128xf32, #tpu.memory_space<hbm>>) target(%arg20 : memref<80x128xf32, #tpu.memory_space<vmem>>) offsets(%dma_start3A_255 : memref<80xi32, #tpu.memory_space<vmem>>) semaphore(%arg22 : memref<!tpu.dma_semaphore, #tpu.memory_space<semaphore_mem>>)
      %dma_start3A_259 = arith.constant 0 : i32
      %dma_start3A_260 = tpu.memref_slice %arg12[%add3A_252, %dma_start3A_259] : memref<125x80xi32, #tpu.memory_space<vmem>> -> memref<1x80xi32, #tpu.memory_space<vmem>>
      %dma_start3A_261 = tpu.memref_squeeze %dma_start3A_260 : memref<1x80xi32, #tpu.memory_space<vmem>> -> memref<80xi32, #tpu.memory_space<vmem>>
      %dma_start3A_262 = arith.constant 0 : i32
      %dma_start3A_263 = tpu.memref_slice %arg3[%dma_start3A_262] : memref<10000xf32, #tpu.memory_space<hbm>> -> memref<10000xf32, #tpu.memory_space<hbm>>
      tpu.enqueue_indirect_dma source(%dma_start3A_263 : memref<10000xf32, #tpu.memory_space<hbm>>) target(%arg16 : memref<80xf32, #tpu.memory_space<vmem>>) offsets(%dma_start3A_261 : memref<80xi32, #tpu.memory_space<vmem>>) semaphore(%arg23 : memref<!tpu.dma_semaphore, #tpu.memory_space<semaphore_mem>>)
      %dma_start3A_264 = arith.constant 0 : i32
      %dma_start3A_265 = tpu.memref_slice %arg13[%add3A_252, %dma_start3A_264] : memref<125x80xi32, #tpu.memory_space<vmem>> -> memref<1x80xi32, #tpu.memory_space<vmem>>
      %dma_start3A_266 = tpu.memref_squeeze %dma_start3A_265 : memref<1x80xi32, #tpu.memory_space<vmem>> -> memref<80xi32, #tpu.memory_space<vmem>>
      %dma_start3A_267 = arith.constant 0 : i32
      %dma_start3A_268 = tpu.memref_slice %arg4[%dma_start3A_267] : memref<10000xf32, #tpu.memory_space<hbm>> -> memref<10000xf32, #tpu.memory_space<hbm>>
      tpu.enqueue_indirect_dma source(%dma_start3A_268 : memref<10000xf32, #tpu.memory_space<hbm>>) target(%arg18 : memref<80xf32, #tpu.memory_space<vmem>>) offsets(%dma_start3A_266 : memref<80xi32, #tpu.memory_space<vmem>>) semaphore(%arg24 : memref<!tpu.dma_semaphore, #tpu.memory_space<semaphore_mem>>)
      %add3A_269 = arith.constant 1 : i32
      %add3A_270 = arith.addi %mul3A_134, %add3A_269 : i32
      %dma_wait3A_271 = arith.constant 0 : i32
      %dma_wait3A_272 = tpu.memref_slice %arg3[%dma_wait3A_271] : memref<10000xf32, #tpu.memory_space<hbm>> -> memref<80xf32, #tpu.memory_space<hbm>>
      %dma_wait3A_273 = arith.constant 0 : i32
      %dma_wait3A_274 = tpu.memref_slice %arg3[%dma_wait3A_273] : memref<10000xf32, #tpu.memory_space<hbm>> -> memref<80xf32, #tpu.memory_space<hbm>>
      tpu.wait_dma2 semaphore(%arg23 : memref<!tpu.dma_semaphore, #tpu.memory_space<semaphore_mem>>) src(%dma_wait3A_274 : memref<80xf32, #tpu.memory_space<hbm>>) dst(%arg17 : memref<80xf32, #tpu.memory_space<vmem>>)
      %dma_wait3A_275 = arith.constant 0 : i32
      %dma_wait3A_276 = tpu.memref_slice %arg4[%dma_wait3A_275] : memref<10000xf32, #tpu.memory_space<hbm>> -> memref<80xf32, #tpu.memory_space<hbm>>
      %dma_wait3A_277 = arith.constant 0 : i32
      %dma_wait3A_278 = tpu.memref_slice %arg4[%dma_wait3A_277] : memref<10000xf32, #tpu.memory_space<hbm>> -> memref<80xf32, #tpu.memory_space<hbm>>
      tpu.wait_dma2 semaphore(%arg24 : memref<!tpu.dma_semaphore, #tpu.memory_space<semaphore_mem>>) src(%dma_wait3A_278 : memref<80xf32, #tpu.memory_space<hbm>>) dst(%arg19 : memref<80xf32, #tpu.memory_space<vmem>>)
      %get3A_279 = arith.constant 0 : index
      %get3A_280 = tpu.vector_load %arg17[%get3A_279] {strides = array<i32>} : memref<80xf32, #tpu.memory_space<vmem>>, vector<16xf32>,
      %get3A_281 = arith.constant 0 : index
      %get3A_282 = tpu.vector_load %arg19[%get3A_281] {strides = array<i32>} : memref<80xf32, #tpu.memory_space<vmem>>, vector<16xf32>,
      %add3A_283 = arith.addf %get3A_280, %get3A_282 : vector<16xf32>
      %gt3A_284 = arith.constant 0.000000e+00 : f32
      %gt3A_285 = vector.broadcast %gt3A_284 : f32 to vector<16xf32>
      %gt3A_286 = arith.cmpf ogt, %add3A_283, %gt3A_285 : vector<16xf32>
      %mul3A_287 = arith.constant 2.000000e-01 : f32
      %mul3A_288 = vector.broadcast %mul3A_287 : f32 to vector<16xf32>
      %mul3A_289 = arith.mulf %mul3A_288, %add3A_283 : vector<16xf32>
      %select_n3A_290 = arith.select %gt3A_286, %add3A_283, %mul3A_289 : vector<16xi1>, vector<16xf32>
      %exp3A_291 = math.exp %select_n3A_290 : vector<16xf32>
      %swap3A_292 = arith.constant 0 : index
      %swap3A_293 = tpu.vector_load %arg15[%swap3A_292] {strides = array<i32>} : memref<80xf32, #tpu.memory_space<vmem>>, vector<16xf32>,
      tpu.vector_store %arg15[%swap3A_292], %exp3A_291 {strides = array<i32>} : memref<80xf32, #tpu.memory_space<vmem>>, vector<16xf32>,
      %get3A_294 = arith.constant 16 : index
      %get3A_295 = tpu.vector_load %arg17[%get3A_294] {strides = array<i32>} : memref<80xf32, #tpu.memory_space<vmem>>, vector<16xf32>,
      %get3A_296 = arith.constant 16 : index
      %get3A_297 = tpu.vector_load %arg19[%get3A_296] {strides = array<i32>} : memref<80xf32, #tpu.memory_space<vmem>>, vector<16xf32>,
      %add3A_298 = arith.addf %get3A_295, %get3A_297 : vector<16xf32>
      %gt3A_299 = arith.constant 0.000000e+00 : f32
      %gt3A_300 = vector.broadcast %gt3A_299 : f32 to vector<16xf32>
      %gt3A_301 = arith.cmpf ogt, %add3A_298, %gt3A_300 : vector<16xf32>
      %mul3A_302 = arith.constant 2.000000e-01 : f32
      %mul3A_303 = vector.broadcast %mul3A_302 : f32 to vector<16xf32>
      %mul3A_304 = arith.mulf %mul3A_303, %add3A_298 : vector<16xf32>
      %select_n3A_305 = arith.select %gt3A_301, %add3A_298, %mul3A_304 : vector<16xi1>, vector<16xf32>
      %exp3A_306 = math.exp %select_n3A_305 : vector<16xf32>
      %swap3A_307 = arith.constant 16 : index
      %swap3A_308 = tpu.vector_load %arg15[%swap3A_307] {strides = array<i32>} : memref<80xf32, #tpu.memory_space<vmem>>, vector<16xf32>,
      tpu.vector_store %arg15[%swap3A_307], %exp3A_306 {strides = array<i32>} : memref<80xf32, #tpu.memory_space<vmem>>, vector<16xf32>,
      %get3A_309 = arith.constant 32 : index
      %get3A_310 = tpu.vector_load %arg17[%get3A_309] {strides = array<i32>} : memref<80xf32, #tpu.memory_space<vmem>>, vector<16xf32>,
      %get3A_311 = arith.constant 32 : index
      %get3A_312 = tpu.vector_load %arg19[%get3A_311] {strides = array<i32>} : memref<80xf32, #tpu.memory_space<vmem>>, vector<16xf32>,
      %add3A_313 = arith.addf %get3A_310, %get3A_312 : vector<16xf32>
      %gt3A_314 = arith.constant 0.000000e+00 : f32
      %gt3A_315 = vector.broadcast %gt3A_314 : f32 to vector<16xf32>
      %gt3A_316 = arith.cmpf ogt, %add3A_313, %gt3A_315 : vector<16xf32>
      %mul3A_317 = arith.constant 2.000000e-01 : f32
      %mul3A_318 = vector.broadcast %mul3A_317 : f32 to vector<16xf32>
      %mul3A_319 = arith.mulf %mul3A_318, %add3A_313 : vector<16xf32>
      %select_n3A_320 = arith.select %gt3A_316, %add3A_313, %mul3A_319 : vector<16xi1>, vector<16xf32>
      %exp3A_321 = math.exp %select_n3A_320 : vector<16xf32>
      %swap3A_322 = arith.constant 32 : index
      %swap3A_323 = tpu.vector_load %arg15[%swap3A_322] {strides = array<i32>} : memref<80xf32, #tpu.memory_space<vmem>>, vector<16xf32>,
      tpu.vector_store %arg15[%swap3A_322], %exp3A_321 {strides = array<i32>} : memref<80xf32, #tpu.memory_space<vmem>>, vector<16xf32>,
      %get3A_324 = arith.constant 48 : index
      %get3A_325 = tpu.vector_load %arg17[%get3A_324] {strides = array<i32>} : memref<80xf32, #tpu.memory_space<vmem>>, vector<16xf32>,
      %get3A_326 = arith.constant 48 : index
      %get3A_327 = tpu.vector_load %arg19[%get3A_326] {strides = array<i32>} : memref<80xf32, #tpu.memory_space<vmem>>, vector<16xf32>,
      %add3A_328 = arith.addf %get3A_325, %get3A_327 : vector<16xf32>
      %gt3A_329 = arith.constant 0.000000e+00 : f32
      %gt3A_330 = vector.broadcast %gt3A_329 : f32 to vector<16xf32>
      %gt3A_331 = arith.cmpf ogt, %add3A_328, %gt3A_330 : vector<16xf32>
      %mul3A_332 = arith.constant 2.000000e-01 : f32
      %mul3A_333 = vector.broadcast %mul3A_332 : f32 to vector<16xf32>
      %mul3A_334 = arith.mulf %mul3A_333, %add3A_328 : vector<16xf32>
      %select_n3A_335 = arith.select %gt3A_331, %add3A_328, %mul3A_334 : vector<16xi1>, vector<16xf32>
      %exp3A_336 = math.exp %select_n3A_335 : vector<16xf32>
      %swap3A_337 = arith.constant 48 : index
      %swap3A_338 = tpu.vector_load %arg15[%swap3A_337] {strides = array<i32>} : memref<80xf32, #tpu.memory_space<vmem>>, vector<16xf32>,
      tpu.vector_store %arg15[%swap3A_337], %exp3A_336 {strides = array<i32>} : memref<80xf32, #tpu.memory_space<vmem>>, vector<16xf32>,
      %get3A_339 = arith.constant 64 : index
      %get3A_340 = tpu.vector_load %arg17[%get3A_339] {strides = array<i32>} : memref<80xf32, #tpu.memory_space<vmem>>, vector<16xf32>,
      %get3A_341 = arith.constant 64 : index
      %get3A_342 = tpu.vector_load %arg19[%get3A_341] {strides = array<i32>} : memref<80xf32, #tpu.memory_space<vmem>>, vector<16xf32>,
      %add3A_343 = arith.addf %get3A_340, %get3A_342 : vector<16xf32>
      %gt3A_344 = arith.constant 0.000000e+00 : f32
      %gt3A_345 = vector.broadcast %gt3A_344 : f32 to vector<16xf32>
      %gt3A_346 = arith.cmpf ogt, %add3A_343, %gt3A_345 : vector<16xf32>
      %mul3A_347 = arith.constant 2.000000e-01 : f32
      %mul3A_348 = vector.broadcast %mul3A_347 : f32 to vector<16xf32>
      %mul3A_349 = arith.mulf %mul3A_348, %add3A_343 : vector<16xf32>
      %select_n3A_350 = arith.select %gt3A_346, %add3A_343, %mul3A_349 : vector<16xi1>, vector<16xf32>
      %exp3A_351 = math.exp %select_n3A_350 : vector<16xf32>
      %swap3A_352 = arith.constant 64 : index
      %swap3A_353 = tpu.vector_load %arg15[%swap3A_352] {strides = array<i32>} : memref<80xf32, #tpu.memory_space<vmem>>, vector<16xf32>,
      tpu.vector_store %arg15[%swap3A_352], %exp3A_351 {strides = array<i32>} : memref<80xf32, #tpu.memory_space<vmem>>, vector<16xf32>,
      "tpu.region"() ({
        %run_scoped3A_369 = tpu.sem_alloc : memref<!tpu.dma_semaphore, #tpu.memory_space<semaphore_mem>>
        %dma_start3A_370 = arith.constant 0 : i32
        %dma_start3A_371 = tpu.memref_slice %arg13[%add3A_270, %dma_start3A_370] : memref<125x80xi32, #tpu.memory_space<vmem>> -> memref<1x80xi32, #tpu.memory_space<vmem>>
        %dma_start3A_372 = tpu.memref_squeeze %dma_start3A_371 : memref<1x80xi32, #tpu.memory_space<vmem>> -> memref<80xi32, #tpu.memory_space<vmem>>
        %dma_start3A_373 = arith.constant 0 : i32
        %dma_start3A_374 = tpu.memref_slice %arg27[%dma_start3A_373] : memref<10240xf32, #tpu.memory_space<vmem_shared>> -> memref<10240xf32, #tpu.memory_space<vmem_shared>>
        tpu.enqueue_indirect_dma source(%arg15 : memref<80xf32, #tpu.memory_space<vmem>>) target(%dma_start3A_374 : memref<10240xf32, #tpu.memory_space<vmem_shared>>) offsets(%dma_start3A_372 : memref<80xi32, #tpu.memory_space<vmem>>) semaphore(%run_scoped3A_369 : memref<!tpu.dma_semaphore, #tpu.memory_space<semaphore_mem>>) {add = true}
        %dma_wait3A_375 = arith.constant 0 : i32
        %dma_wait3A_376 = tpu.memref_slice %arg13[%add3A_270, %dma_wait3A_375] : memref<125x80xi32, #tpu.memory_space<vmem>> -> memref<1x80xi32, #tpu.memory_space<vmem>>
        %dma_wait3A_377 = tpu.memref_squeeze %dma_wait3A_376 : memref<1x80xi32, #tpu.memory_space<vmem>> -> memref<80xi32, #tpu.memory_space<vmem>>
        %dma_wait3A_378 = arith.constant 0 : i32
        %dma_wait3A_379 = tpu.memref_slice %arg27[%dma_wait3A_378] : memref<10240xf32, #tpu.memory_space<vmem_shared>> -> memref<10240xf32, #tpu.memory_space<vmem_shared>>
        tpu.wait_indirect_dma semaphore(%run_scoped3A_369 : memref<!tpu.dma_semaphore, #tpu.memory_space<semaphore_mem>>) src(%arg15 : memref<80xf32, #tpu.memory_space<vmem>>) dst(%dma_wait3A_379 : memref<10240xf32, #tpu.memory_space<vmem_shared>>)
        tpu.yield
      }) : () -> ()
      %mul3A_354 = arith.constant 80 : i32
      %mul3A_355 = arith.muli %add3A_270, %mul3A_354 : i32
      %add3A_356 = arith.addi %mul3A_2, %mul3A_355 : i32
      "tpu.region"() ({
        %run_scoped3A_369 = tpu.sem_alloc : memref<!tpu.dma_semaphore, #tpu.memory_space<semaphore_mem>>
        %dma_start3A_370 = tpu.memref_slice %arg11[%add3A_356] : memref<320000xf32, #tpu.memory_space<hbm>> -> memref<80xf32, #tpu.memory_space<hbm>>
        %dma_start3A_371 = tpu.memref_slice %arg11[%add3A_356] : memref<320000xf32, #tpu.memory_space<hbm>> -> memref<80xf32, #tpu.memory_space<hbm>>
        tpu.enqueue_dma source(%arg15 : memref<80xf32, #tpu.memory_space<vmem>>) target(%dma_start3A_371 : memref<80xf32, #tpu.memory_space<hbm>>) target_semaphore(%run_scoped3A_369 : memref<!tpu.dma_semaphore, #tpu.memory_space<semaphore_mem>>)
        %dma_wait3A_372 = tpu.memref_slice %arg11[%add3A_356] : memref<320000xf32, #tpu.memory_space<hbm>> -> memref<80xf32, #tpu.memory_space<hbm>>
        %dma_wait3A_373 = tpu.memref_slice %arg11[%add3A_356] : memref<320000xf32, #tpu.memory_space<hbm>> -> memref<80xf32, #tpu.memory_space<hbm>>
        tpu.wait_dma2 semaphore(%run_scoped3A_369 : memref<!tpu.dma_semaphore, #tpu.memory_space<semaphore_mem>>) src(%arg15 : memref<80xf32, #tpu.memory_space<vmem>>) dst(%dma_wait3A_373 : memref<80xf32, #tpu.memory_space<hbm>>)
        tpu.yield
      }) : () -> ()
      %dma_wait3A_357 = arith.constant 0 : i32
      %dma_wait3A_358 = arith.constant 0 : i32
      %dma_wait3A_359 = tpu.memref_slice %arg2[%dma_wait3A_357, %dma_wait3A_358] : memref<10000x128xf32, #tpu.memory_space<hbm>> -> memref<80x128xf32, #tpu.memory_space<hbm>>
      %dma_wait3A_360 = arith.constant 0 : i32
      %dma_wait3A_361 = arith.constant 0 : i32
      %dma_wait3A_362 = tpu.memref_slice %arg2[%dma_wait3A_360, %dma_wait3A_361] : memref<10000x128xf32, #tpu.memory_space<hbm>> -> memref<80x128xf32, #tpu.memory_space<hbm>>
      tpu.wait_dma2 semaphore(%arg22 : memref<!tpu.dma_semaphore, #tpu.memory_space<semaphore_mem>>) src(%dma_wait3A_362 : memref<80x128xf32, #tpu.memory_space<hbm>>) dst(%arg21 : memref<80x128xf32, #tpu.memory_space<vmem>>)
      %scan3A_363 = arith.constant 0 : i32
      %scan3A_364 = arith.constant 0 : i32
      %scan3A_365 = arith.constant 80 : i32
      %scan3A_366 = arith.addi %scan3A_364, %scan3A_365 : i32
      %scan3A_367 = arith.constant 1 : i32
      scf.for %scan3A_369 = %scan3A_364 to %scan3A_366 step %scan3A_367  : i32 {
        %broadcast_in_dim3A = vector.broadcast %scan3A_369 : i32 to vector<16xi32>
        %gather3A = tpu.vector_load_idx %arg15[%broadcast_in_dim3A] : memref<80xf32, #tpu.memory_space<vmem>>[vector<16xi32>], vector<16xf32>,
        %get3A_370 = arith.index_cast %scan3A_369 : i32 to index
        %get3A_371 = arith.constant 0 : index
        %get3A_372 = tpu.vector_load %arg21[%get3A_370, %get3A_371] {strides = array<i32>} : memref<80x128xf32, #tpu.memory_space<vmem>>, vector<16xf32>,
        %mul3A_373 = arith.mulf %get3A_372, %gather3A : vector<16xf32>
        %swap3A_374 = arith.index_cast %scan3A_369 : i32 to index
        %swap3A_375 = arith.constant 0 : index
        %swap3A_376 = tpu.vector_load %arg21[%swap3A_374, %swap3A_375] {strides = array<i32>} : memref<80x128xf32, #tpu.memory_space<vmem>>, vector<16xf32>,
        tpu.vector_store %arg21[%swap3A_374, %swap3A_375], %mul3A_373 {strides = array<i32>} : memref<80x128xf32, #tpu.memory_space<vmem>>, vector<16xf32>,
        %get3A_377 = arith.index_cast %scan3A_369 : i32 to index
        %get3A_378 = arith.constant 16 : index
        %get3A_379 = tpu.vector_load %arg21[%get3A_377, %get3A_378] {strides = array<i32>} : memref<80x128xf32, #tpu.memory_space<vmem>>, vector<16xf32>,
        %mul3A_380 = arith.mulf %get3A_379, %gather3A : vector<16xf32>
        %swap3A_381 = arith.index_cast %scan3A_369 : i32 to index
        %swap3A_382 = arith.constant 16 : index
        %swap3A_383 = tpu.vector_load %arg21[%swap3A_381, %swap3A_382] {strides = array<i32>} : memref<80x128xf32, #tpu.memory_space<vmem>>, vector<16xf32>,
        tpu.vector_store %arg21[%swap3A_381, %swap3A_382], %mul3A_380 {strides = array<i32>} : memref<80x128xf32, #tpu.memory_space<vmem>>, vector<16xf32>,
        %get3A_384 = arith.index_cast %scan3A_369 : i32 to index
        %get3A_385 = arith.constant 32 : index
        %get3A_386 = tpu.vector_load %arg21[%get3A_384, %get3A_385] {strides = array<i32>} : memref<80x128xf32, #tpu.memory_space<vmem>>, vector<16xf32>,
        %mul3A_387 = arith.mulf %get3A_386, %gather3A : vector<16xf32>
        %swap3A_388 = arith.index_cast %scan3A_369 : i32 to index
        %swap3A_389 = arith.constant 32 : index
        %swap3A_390 = tpu.vector_load %arg21[%swap3A_388, %swap3A_389] {strides = array<i32>} : memref<80x128xf32, #tpu.memory_space<vmem>>, vector<16xf32>,
        tpu.vector_store %arg21[%swap3A_388, %swap3A_389], %mul3A_387 {strides = array<i32>} : memref<80x128xf32, #tpu.memory_space<vmem>>, vector<16xf32>,
        %get3A_391 = arith.index_cast %scan3A_369 : i32 to index
        %get3A_392 = arith.constant 48 : index
        %get3A_393 = tpu.vector_load %arg21[%get3A_391, %get3A_392] {strides = array<i32>} : memref<80x128xf32, #tpu.memory_space<vmem>>, vector<16xf32>,
        %mul3A_394 = arith.mulf %get3A_393, %gather3A : vector<16xf32>
        %swap3A_395 = arith.index_cast %scan3A_369 : i32 to index
        %swap3A_396 = arith.constant 48 : index
        %swap3A_397 = tpu.vector_load %arg21[%swap3A_395, %swap3A_396] {strides = array<i32>} : memref<80x128xf32, #tpu.memory_space<vmem>>, vector<16xf32>,
        tpu.vector_store %arg21[%swap3A_395, %swap3A_396], %mul3A_394 {strides = array<i32>} : memref<80x128xf32, #tpu.memory_space<vmem>>, vector<16xf32>,
        %get3A_398 = arith.index_cast %scan3A_369 : i32 to index
        %get3A_399 = arith.constant 64 : index
        %get3A_400 = tpu.vector_load %arg21[%get3A_398, %get3A_399] {strides = array<i32>} : memref<80x128xf32, #tpu.memory_space<vmem>>, vector<16xf32>,
        %mul3A_401 = arith.mulf %get3A_400, %gather3A : vector<16xf32>
        %swap3A_402 = arith.index_cast %scan3A_369 : i32 to index
        %swap3A_403 = arith.constant 64 : index
        %swap3A_404 = tpu.vector_load %arg21[%swap3A_402, %swap3A_403] {strides = array<i32>} : memref<80x128xf32, #tpu.memory_space<vmem>>, vector<16xf32>,
        tpu.vector_store %arg21[%swap3A_402, %swap3A_403], %mul3A_401 {strides = array<i32>} : memref<80x128xf32, #tpu.memory_space<vmem>>, vector<16xf32>,
        %get3A_405 = arith.index_cast %scan3A_369 : i32 to index
        %get3A_406 = arith.constant 80 : index
        %get3A_407 = tpu.vector_load %arg21[%get3A_405, %get3A_406] {strides = array<i32>} : memref<80x128xf32, #tpu.memory_space<vmem>>, vector<16xf32>,
        %mul3A_408 = arith.mulf %get3A_407, %gather3A : vector<16xf32>
        %swap3A_409 = arith.index_cast %scan3A_369 : i32 to index
        %swap3A_410 = arith.constant 80 : index
        %swap3A_411 = tpu.vector_load %arg21[%swap3A_409, %swap3A_410] {strides = array<i32>} : memref<80x128xf32, #tpu.memory_space<vmem>>, vector<16xf32>,
        tpu.vector_store %arg21[%swap3A_409, %swap3A_410], %mul3A_408 {strides = array<i32>} : memref<80x128xf32, #tpu.memory_space<vmem>>, vector<16xf32>,
        %get3A_412 = arith.index_cast %scan3A_369 : i32 to index
        %get3A_413 = arith.constant 96 : index
        %get3A_414 = tpu.vector_load %arg21[%get3A_412, %get3A_413] {strides = array<i32>} : memref<80x128xf32, #tpu.memory_space<vmem>>, vector<16xf32>,
        %mul3A_415 = arith.mulf %get3A_414, %gather3A : vector<16xf32>
        %swap3A_416 = arith.index_cast %scan3A_369 : i32 to index
        %swap3A_417 = arith.constant 96 : index
        %swap3A_418 = tpu.vector_load %arg21[%swap3A_416, %swap3A_417] {strides = array<i32>} : memref<80x128xf32, #tpu.memory_space<vmem>>, vector<16xf32>,
        tpu.vector_store %arg21[%swap3A_416, %swap3A_417], %mul3A_415 {strides = array<i32>} : memref<80x128xf32, #tpu.memory_space<vmem>>, vector<16xf32>,
        %get3A_419 = arith.index_cast %scan3A_369 : i32 to index
        %get3A_420 = arith.constant 112 : index
        %get3A_421 = tpu.vector_load %arg21[%get3A_419, %get3A_420] {strides = array<i32>} : memref<80x128xf32, #tpu.memory_space<vmem>>, vector<16xf32>,
        %mul3A_422 = arith.mulf %get3A_421, %gather3A : vector<16xf32>
        %swap3A_423 = arith.index_cast %scan3A_369 : i32 to index
        %swap3A_424 = arith.constant 112 : index
        %swap3A_425 = tpu.vector_load %arg21[%swap3A_423, %swap3A_424] {strides = array<i32>} : memref<80x128xf32, #tpu.memory_space<vmem>>, vector<16xf32>,
        tpu.vector_store %arg21[%swap3A_423, %swap3A_424], %mul3A_422 {strides = array<i32>} : memref<80x128xf32, #tpu.memory_space<vmem>>, vector<16xf32>,
      }
      %scan3A_368 = arith.constant 80 : i32
      "tpu.region"() ({
        %run_scoped3A_369 = tpu.sem_alloc : memref<!tpu.dma_semaphore, #tpu.memory_space<semaphore_mem>>
        %dma_start3A_370 = arith.constant 0 : i32
        %dma_start3A_371 = tpu.memref_slice %arg13[%add3A_270, %dma_start3A_370] : memref<125x80xi32, #tpu.memory_space<vmem>> -> memref<1x80xi32, #tpu.memory_space<vmem>>
        %dma_start3A_372 = tpu.memref_squeeze %dma_start3A_371 : memref<1x80xi32, #tpu.memory_space<vmem>> -> memref<80xi32, #tpu.memory_space<vmem>>
        %dma_start3A_373 = arith.constant 0 : i32
        %dma_start3A_374 = arith.constant 0 : i32
        %dma_start3A_375 = tpu.memref_slice %arg26[%dma_start3A_373, %dma_start3A_374] : memref<10240x128xf32, #tpu.memory_space<vmem_shared>> -> memref<10240x128xf32, #tpu.memory_space<vmem_shared>>
        tpu.enqueue_indirect_dma source(%arg21 : memref<80x128xf32, #tpu.memory_space<vmem>>) target(%dma_start3A_375 : memref<10240x128xf32, #tpu.memory_space<vmem_shared>>) offsets(%dma_start3A_372 : memref<80xi32, #tpu.memory_space<vmem>>) semaphore(%run_scoped3A_369 : memref<!tpu.dma_semaphore, #tpu.memory_space<semaphore_mem>>) {add = true}
        %dma_wait3A_376 = arith.constant 0 : i32
        %dma_wait3A_377 = tpu.memref_slice %arg13[%add3A_270, %dma_wait3A_376] : memref<125x80xi32, #tpu.memory_space<vmem>> -> memref<1x80xi32, #tpu.memory_space<vmem>>
        %dma_wait3A_378 = tpu.memref_squeeze %dma_wait3A_377 : memref<1x80xi32, #tpu.memory_space<vmem>> -> memref<80xi32, #tpu.memory_space<vmem>>
        %dma_wait3A_379 = arith.constant 0 : i32
        %dma_wait3A_380 = arith.constant 0 : i32
        %dma_wait3A_381 = tpu.memref_slice %arg26[%dma_wait3A_379, %dma_wait3A_380] : memref<10240x128xf32, #tpu.memory_space<vmem_shared>> -> memref<10240x128xf32, #tpu.memory_space<vmem_shared>>
        tpu.wait_indirect_dma semaphore(%run_scoped3A_369 : memref<!tpu.dma_semaphore, #tpu.memory_space<semaphore_mem>>) src(%arg21 : memref<80x128xf32, #tpu.memory_space<vmem>>) dst(%dma_wait3A_381 : memref<10240x128xf32, #tpu.memory_space<vmem_shared>>)
        tpu.yield
      }) : () -> ()
    }
    %scan3A_29 = arith.constant 62 : i32
    %dma_wait3A = arith.constant 0 : i32
    %dma_wait3A_30 = tpu.memref_slice %arg3[%dma_wait3A] : memref<10000xf32, #tpu.memory_space<hbm>> -> memref<80xf32, #tpu.memory_space<hbm>>
    %dma_wait3A_31 = arith.constant 0 : i32
    %dma_wait3A_32 = tpu.memref_slice %arg3[%dma_wait3A_31] : memref<10000xf32, #tpu.memory_space<hbm>> -> memref<80xf32, #tpu.memory_space<hbm>>
    tpu.wait_dma2 semaphore(%arg23 : memref<!tpu.dma_semaphore, #tpu.memory_space<semaphore_mem>>) src(%dma_wait3A_32 : memref<80xf32, #tpu.memory_space<hbm>>) dst(%arg16 : memref<80xf32, #tpu.memory_space<vmem>>)
    %dma_wait3A_33 = arith.constant 0 : i32
    %dma_wait3A_34 = tpu.memref_slice %arg4[%dma_wait3A_33] : memref<10000xf32, #tpu.memory_space<hbm>> -> memref<80xf32, #tpu.memory_space<hbm>>
    %dma_wait3A_35 = arith.constant 0 : i32
    %dma_wait3A_36 = tpu.memref_slice %arg4[%dma_wait3A_35] : memref<10000xf32, #tpu.memory_space<hbm>> -> memref<80xf32, #tpu.memory_space<hbm>>
    tpu.wait_dma2 semaphore(%arg24 : memref<!tpu.dma_semaphore, #tpu.memory_space<semaphore_mem>>) src(%dma_wait3A_36 : memref<80xf32, #tpu.memory_space<hbm>>) dst(%arg18 : memref<80xf32, #tpu.memory_space<vmem>>)
    %get3A = arith.constant 0 : index
    %get3A_37 = tpu.vector_load %arg16[%get3A] {strides = array<i32>} : memref<80xf32, #tpu.memory_space<vmem>>, vector<16xf32>,
    %get3A_38 = arith.constant 0 : index
    %get3A_39 = tpu.vector_load %arg18[%get3A_38] {strides = array<i32>} : memref<80xf32, #tpu.memory_space<vmem>>, vector<16xf32>,
    %add3A_40 = arith.addf %get3A_37, %get3A_39 : vector<16xf32>
    %gt3A = arith.constant 0.000000e+00 : f32
    %gt3A_41 = vector.broadcast %gt3A : f32 to vector<16xf32>
    %gt3A_42 = arith.cmpf ogt, %add3A_40, %gt3A_41 : vector<16xf32>
    %mul3A_43 = arith.constant 2.000000e-01 : f32
    %mul3A_44 = vector.broadcast %mul3A_43 : f32 to vector<16xf32>
    %mul3A_45 = arith.mulf %mul3A_44, %add3A_40 : vector<16xf32>
    %select_n3A = arith.select %gt3A_42, %add3A_40, %mul3A_45 : vector<16xi1>, vector<16xf32>
    %exp3A = math.exp %select_n3A : vector<16xf32>
    %swap3A = arith.constant 0 : index
    %swap3A_46 = tpu.vector_load %arg14[%swap3A] {strides = array<i32>} : memref<80xf32, #tpu.memory_space<vmem>>, vector<16xf32>,
    tpu.vector_store %arg14[%swap3A], %exp3A {strides = array<i32>} : memref<80xf32, #tpu.memory_space<vmem>>, vector<16xf32>,
    %get3A_47 = arith.constant 16 : index
    %get3A_48 = tpu.vector_load %arg16[%get3A_47] {strides = array<i32>} : memref<80xf32, #tpu.memory_space<vmem>>, vector<16xf32>,
    %get3A_49 = arith.constant 16 : index
    %get3A_50 = tpu.vector_load %arg18[%get3A_49] {strides = array<i32>} : memref<80xf32, #tpu.memory_space<vmem>>, vector<16xf32>,
    %add3A_51 = arith.addf %get3A_48, %get3A_50 : vector<16xf32>
    %gt3A_52 = arith.constant 0.000000e+00 : f32
    %gt3A_53 = vector.broadcast %gt3A_52 : f32 to vector<16xf32>
    %gt3A_54 = arith.cmpf ogt, %add3A_51, %gt3A_53 : vector<16xf32>
    %mul3A_55 = arith.constant 2.000000e-01 : f32
    %mul3A_56 = vector.broadcast %mul3A_55 : f32 to vector<16xf32>
    %mul3A_57 = arith.mulf %mul3A_56, %add3A_51 : vector<16xf32>
    %select_n3A_58 = arith.select %gt3A_54, %add3A_51, %mul3A_57 : vector<16xi1>, vector<16xf32>
    %exp3A_59 = math.exp %select_n3A_58 : vector<16xf32>
    %swap3A_60 = arith.constant 16 : index
    %swap3A_61 = tpu.vector_load %arg14[%swap3A_60] {strides = array<i32>} : memref<80xf32, #tpu.memory_space<vmem>>, vector<16xf32>,
    tpu.vector_store %arg14[%swap3A_60], %exp3A_59 {strides = array<i32>} : memref<80xf32, #tpu.memory_space<vmem>>, vector<16xf32>,
    %get3A_62 = arith.constant 32 : index
    %get3A_63 = tpu.vector_load %arg16[%get3A_62] {strides = array<i32>} : memref<80xf32, #tpu.memory_space<vmem>>, vector<16xf32>,
    %get3A_64 = arith.constant 32 : index
    %get3A_65 = tpu.vector_load %arg18[%get3A_64] {strides = array<i32>} : memref<80xf32, #tpu.memory_space<vmem>>, vector<16xf32>,
    %add3A_66 = arith.addf %get3A_63, %get3A_65 : vector<16xf32>
    %gt3A_67 = arith.constant 0.000000e+00 : f32
    %gt3A_68 = vector.broadcast %gt3A_67 : f32 to vector<16xf32>
    %gt3A_69 = arith.cmpf ogt, %add3A_66, %gt3A_68 : vector<16xf32>
    %mul3A_70 = arith.constant 2.000000e-01 : f32
    %mul3A_71 = vector.broadcast %mul3A_70 : f32 to vector<16xf32>
    %mul3A_72 = arith.mulf %mul3A_71, %add3A_66 : vector<16xf32>
    %select_n3A_73 = arith.select %gt3A_69, %add3A_66, %mul3A_72 : vector<16xi1>, vector<16xf32>
    %exp3A_74 = math.exp %select_n3A_73 : vector<16xf32>
    %swap3A_75 = arith.constant 32 : index
    %swap3A_76 = tpu.vector_load %arg14[%swap3A_75] {strides = array<i32>} : memref<80xf32, #tpu.memory_space<vmem>>, vector<16xf32>,
    tpu.vector_store %arg14[%swap3A_75], %exp3A_74 {strides = array<i32>} : memref<80xf32, #tpu.memory_space<vmem>>, vector<16xf32>,
    %get3A_77 = arith.constant 48 : index
    %get3A_78 = tpu.vector_load %arg16[%get3A_77] {strides = array<i32>} : memref<80xf32, #tpu.memory_space<vmem>>, vector<16xf32>,
    %get3A_79 = arith.constant 48 : index
    %get3A_80 = tpu.vector_load %arg18[%get3A_79] {strides = array<i32>} : memref<80xf32, #tpu.memory_space<vmem>>, vector<16xf32>,
    %add3A_81 = arith.addf %get3A_78, %get3A_80 : vector<16xf32>
    %gt3A_82 = arith.constant 0.000000e+00 : f32
    %gt3A_83 = vector.broadcast %gt3A_82 : f32 to vector<16xf32>
    %gt3A_84 = arith.cmpf ogt, %add3A_81, %gt3A_83 : vector<16xf32>
    %mul3A_85 = arith.constant 2.000000e-01 : f32
    %mul3A_86 = vector.broadcast %mul3A_85 : f32 to vector<16xf32>
    %mul3A_87 = arith.mulf %mul3A_86, %add3A_81 : vector<16xf32>
    %select_n3A_88 = arith.select %gt3A_84, %add3A_81, %mul3A_87 : vector<16xi1>, vector<16xf32>
    %exp3A_89 = math.exp %select_n3A_88 : vector<16xf32>
    %swap3A_90 = arith.constant 48 : index
    %swap3A_91 = tpu.vector_load %arg14[%swap3A_90] {strides = array<i32>} : memref<80xf32, #tpu.memory_space<vmem>>, vector<16xf32>,
    tpu.vector_store %arg14[%swap3A_90], %exp3A_89 {strides = array<i32>} : memref<80xf32, #tpu.memory_space<vmem>>, vector<16xf32>,
    %get3A_92 = arith.constant 64 : index
    %get3A_93 = tpu.vector_load %arg16[%get3A_92] {strides = array<i32>} : memref<80xf32, #tpu.memory_space<vmem>>, vector<16xf32>,
    %get3A_94 = arith.constant 64 : index
    %get3A_95 = tpu.vector_load %arg18[%get3A_94] {strides = array<i32>} : memref<80xf32, #tpu.memory_space<vmem>>, vector<16xf32>,
    %add3A_96 = arith.addf %get3A_93, %get3A_95 : vector<16xf32>
    %gt3A_97 = arith.constant 0.000000e+00 : f32
    %gt3A_98 = vector.broadcast %gt3A_97 : f32 to vector<16xf32>
    %gt3A_99 = arith.cmpf ogt, %add3A_96, %gt3A_98 : vector<16xf32>
    %mul3A_100 = arith.constant 2.000000e-01 : f32
    %mul3A_101 = vector.broadcast %mul3A_100 : f32 to vector<16xf32>
    %mul3A_102 = arith.mulf %mul3A_101, %add3A_96 : vector<16xf32>
    %select_n3A_103 = arith.select %gt3A_99, %add3A_96, %mul3A_102 : vector<16xi1>, vector<16xf32>
    %exp3A_104 = math.exp %select_n3A_103 : vector<16xf32>
    %swap3A_105 = arith.constant 64 : index
    %swap3A_106 = tpu.vector_load %arg14[%swap3A_105] {strides = array<i32>} : memref<80xf32, #tpu.memory_space<vmem>>, vector<16xf32>,
    tpu.vector_store %arg14[%swap3A_105], %exp3A_104 {strides = array<i32>} : memref<80xf32, #tpu.memory_space<vmem>>, vector<16xf32>,
    %run_scoped3A = arith.constant 124 : i32
    "tpu.region"() ({
      %run_scoped3A_132 = tpu.sem_alloc : memref<!tpu.dma_semaphore, #tpu.memory_space<semaphore_mem>>
      %dma_start3A_133 = arith.constant 0 : i32
      %dma_start3A_134 = tpu.memref_slice %arg13[%run_scoped3A, %dma_start3A_133] : memref<125x80xi32, #tpu.memory_space<vmem>> -> memref<1x80xi32, #tpu.memory_space<vmem>>
      %dma_start3A_135 = tpu.memref_squeeze %dma_start3A_134 : memref<1x80xi32, #tpu.memory_space<vmem>> -> memref<80xi32, #tpu.memory_space<vmem>>
      %dma_start3A_136 = arith.constant 0 : i32
      %dma_start3A_137 = tpu.memref_slice %arg27[%dma_start3A_136] : memref<10240xf32, #tpu.memory_space<vmem_shared>> -> memref<10240xf32, #tpu.memory_space<vmem_shared>>
      tpu.enqueue_indirect_dma source(%arg14 : memref<80xf32, #tpu.memory_space<vmem>>) target(%dma_start3A_137 : memref<10240xf32, #tpu.memory_space<vmem_shared>>) offsets(%dma_start3A_135 : memref<80xi32, #tpu.memory_space<vmem>>) semaphore(%run_scoped3A_132 : memref<!tpu.dma_semaphore, #tpu.memory_space<semaphore_mem>>) {add = true}
      %dma_wait3A_138 = arith.constant 0 : i32
      %dma_wait3A_139 = tpu.memref_slice %arg13[%run_scoped3A, %dma_wait3A_138] : memref<125x80xi32, #tpu.memory_space<vmem>> -> memref<1x80xi32, #tpu.memory_space<vmem>>
      %dma_wait3A_140 = tpu.memref_squeeze %dma_wait3A_139 : memref<1x80xi32, #tpu.memory_space<vmem>> -> memref<80xi32, #tpu.memory_space<vmem>>
      %dma_wait3A_141 = arith.constant 0 : i32
      %dma_wait3A_142 = tpu.memref_slice %arg27[%dma_wait3A_141] : memref<10240xf32, #tpu.memory_space<vmem_shared>> -> memref<10240xf32, #tpu.memory_space<vmem_shared>>
      tpu.wait_indirect_dma semaphore(%run_scoped3A_132 : memref<!tpu.dma_semaphore, #tpu.memory_space<semaphore_mem>>) src(%arg14 : memref<80xf32, #tpu.memory_space<vmem>>) dst(%dma_wait3A_142 : memref<10240xf32, #tpu.memory_space<vmem_shared>>)
      tpu.yield
    }) : () -> ()
    %add3A_107 = arith.constant 9920 : i32
    %add3A_108 = arith.addi %mul3A_2, %add3A_107 : i32
    "tpu.region"() ({
      %run_scoped3A_132 = tpu.sem_alloc : memref<!tpu.dma_semaphore, #tpu.memory_space<semaphore_mem>>
      %dma_start3A_133 = tpu.memref_slice %arg11[%add3A_108] : memref<320000xf32, #tpu.memory_space<hbm>> -> memref<80xf32, #tpu.memory_space<hbm>>
      %dma_start3A_134 = tpu.memref_slice %arg11[%add3A_108] : memref<320000xf32, #tpu.memory_space<hbm>> -> memref<80xf32, #tpu.memory_space<hbm>>
      tpu.enqueue_dma source(%arg14 : memref<80xf32, #tpu.memory_space<vmem>>) target(%dma_start3A_134 : memref<80xf32, #tpu.memory_space<hbm>>) target_semaphore(%run_scoped3A_132 : memref<!tpu.dma_semaphore, #tpu.memory_space<semaphore_mem>>)
      %dma_wait3A_135 = tpu.memref_slice %arg11[%add3A_108] : memref<320000xf32, #tpu.memory_space<hbm>> -> memref<80xf32, #tpu.memory_space<hbm>>
      %dma_wait3A_136 = tpu.memref_slice %arg11[%add3A_108] : memref<320000xf32, #tpu.memory_space<hbm>> -> memref<80xf32, #tpu.memory_space<hbm>>
      tpu.wait_dma2 semaphore(%run_scoped3A_132 : memref<!tpu.dma_semaphore, #tpu.memory_space<semaphore_mem>>) src(%arg14 : memref<80xf32, #tpu.memory_space<vmem>>) dst(%dma_wait3A_136 : memref<80xf32, #tpu.memory_space<hbm>>)
      tpu.yield
    }) : () -> ()
    %dma_wait3A_109 = arith.constant 0 : i32
    %dma_wait3A_110 = arith.constant 0 : i32
    %dma_wait3A_111 = tpu.memref_slice %arg2[%dma_wait3A_109, %dma_wait3A_110] : memref<10000x128xf32, #tpu.memory_space<hbm>> -> memref<80x128xf32, #tpu.memory_space<hbm>>
    %dma_wait3A_112 = arith.constant 0 : i32
    %dma_wait3A_113 = arith.constant 0 : i32
    %dma_wait3A_114 = tpu.memref_slice %arg2[%dma_wait3A_112, %dma_wait3A_113] : memref<10000x128xf32, #tpu.memory_space<hbm>> -> memref<80x128xf32, #tpu.memory_space<hbm>>
    tpu.wait_dma2 semaphore(%arg22 : memref<!tpu.dma_semaphore, #tpu.memory_space<semaphore_mem>>) src(%dma_wait3A_114 : memref<80x128xf32, #tpu.memory_space<hbm>>) dst(%arg20 : memref<80x128xf32, #tpu.memory_space<vmem>>)
    %scan3A_115 = arith.constant 0 : i32
    %scan3A_116 = arith.constant 0 : i32
    %scan3A_117 = arith.constant 80 : i32
    %scan3A_118 = arith.addi %scan3A_116, %scan3A_117 : i32
    %scan3A_119 = arith.constant 1 : i32
    scf.for %scan3A_132 = %scan3A_116 to %scan3A_118 step %scan3A_119  : i32 {
      %broadcast_in_dim3A = vector.broadcast %scan3A_132 : i32 to vector<16xi32>
      %gather3A = tpu.vector_load_idx %arg14[%broadcast_in_dim3A] : memref<80xf32, #tpu.memory_space<vmem>>[vector<16xi32>], vector<16xf32>,
      %get3A_133 = arith.index_cast %scan3A_132 : i32 to index
      %get3A_134 = arith.constant 0 : index
      %get3A_135 = tpu.vector_load %arg20[%get3A_133, %get3A_134] {strides = array<i32>} : memref<80x128xf32, #tpu.memory_space<vmem>>, vector<16xf32>,
      %mul3A_136 = arith.mulf %get3A_135, %gather3A : vector<16xf32>
      %swap3A_137 = arith.index_cast %scan3A_132 : i32 to index
      %swap3A_138 = arith.constant 0 : index
      %swap3A_139 = tpu.vector_load %arg20[%swap3A_137, %swap3A_138] {strides = array<i32>} : memref<80x128xf32, #tpu.memory_space<vmem>>, vector<16xf32>,
      tpu.vector_store %arg20[%swap3A_137, %swap3A_138], %mul3A_136 {strides = array<i32>} : memref<80x128xf32, #tpu.memory_space<vmem>>, vector<16xf32>,
      %get3A_140 = arith.index_cast %scan3A_132 : i32 to index
      %get3A_141 = arith.constant 16 : index
      %get3A_142 = tpu.vector_load %arg20[%get3A_140, %get3A_141] {strides = array<i32>} : memref<80x128xf32, #tpu.memory_space<vmem>>, vector<16xf32>,
      %mul3A_143 = arith.mulf %get3A_142, %gather3A : vector<16xf32>
      %swap3A_144 = arith.index_cast %scan3A_132 : i32 to index
      %swap3A_145 = arith.constant 16 : index
      %swap3A_146 = tpu.vector_load %arg20[%swap3A_144, %swap3A_145] {strides = array<i32>} : memref<80x128xf32, #tpu.memory_space<vmem>>, vector<16xf32>,
      tpu.vector_store %arg20[%swap3A_144, %swap3A_145], %mul3A_143 {strides = array<i32>} : memref<80x128xf32, #tpu.memory_space<vmem>>, vector<16xf32>,
      %get3A_147 = arith.index_cast %scan3A_132 : i32 to index
      %get3A_148 = arith.constant 32 : index
      %get3A_149 = tpu.vector_load %arg20[%get3A_147, %get3A_148] {strides = array<i32>} : memref<80x128xf32, #tpu.memory_space<vmem>>, vector<16xf32>,
      %mul3A_150 = arith.mulf %get3A_149, %gather3A : vector<16xf32>
      %swap3A_151 = arith.index_cast %scan3A_132 : i32 to index
      %swap3A_152 = arith.constant 32 : index
      %swap3A_153 = tpu.vector_load %arg20[%swap3A_151, %swap3A_152] {strides = array<i32>} : memref<80x128xf32, #tpu.memory_space<vmem>>, vector<16xf32>,
      tpu.vector_store %arg20[%swap3A_151, %swap3A_152], %mul3A_150 {strides = array<i32>} : memref<80x128xf32, #tpu.memory_space<vmem>>, vector<16xf32>,
      %get3A_154 = arith.index_cast %scan3A_132 : i32 to index
      %get3A_155 = arith.constant 48 : index
      %get3A_156 = tpu.vector_load %arg20[%get3A_154, %get3A_155] {strides = array<i32>} : memref<80x128xf32, #tpu.memory_space<vmem>>, vector<16xf32>,
      %mul3A_157 = arith.mulf %get3A_156, %gather3A : vector<16xf32>
      %swap3A_158 = arith.index_cast %scan3A_132 : i32 to index
      %swap3A_159 = arith.constant 48 : index
      %swap3A_160 = tpu.vector_load %arg20[%swap3A_158, %swap3A_159] {strides = array<i32>} : memref<80x128xf32, #tpu.memory_space<vmem>>, vector<16xf32>,
      tpu.vector_store %arg20[%swap3A_158, %swap3A_159], %mul3A_157 {strides = array<i32>} : memref<80x128xf32, #tpu.memory_space<vmem>>, vector<16xf32>,
      %get3A_161 = arith.index_cast %scan3A_132 : i32 to index
      %get3A_162 = arith.constant 64 : index
      %get3A_163 = tpu.vector_load %arg20[%get3A_161, %get3A_162] {strides = array<i32>} : memref<80x128xf32, #tpu.memory_space<vmem>>, vector<16xf32>,
      %mul3A_164 = arith.mulf %get3A_163, %gather3A : vector<16xf32>
      %swap3A_165 = arith.index_cast %scan3A_132 : i32 to index
      %swap3A_166 = arith.constant 64 : index
      %swap3A_167 = tpu.vector_load %arg20[%swap3A_165, %swap3A_166] {strides = array<i32>} : memref<80x128xf32, #tpu.memory_space<vmem>>, vector<16xf32>,
      tpu.vector_store %arg20[%swap3A_165, %swap3A_166], %mul3A_164 {strides = array<i32>} : memref<80x128xf32, #tpu.memory_space<vmem>>, vector<16xf32>,
      %get3A_168 = arith.index_cast %scan3A_132 : i32 to index
      %get3A_169 = arith.constant 80 : index
      %get3A_170 = tpu.vector_load %arg20[%get3A_168, %get3A_169] {strides = array<i32>} : memref<80x128xf32, #tpu.memory_space<vmem>>, vector<16xf32>,
      %mul3A_171 = arith.mulf %get3A_170, %gather3A : vector<16xf32>
      %swap3A_172 = arith.index_cast %scan3A_132 : i32 to index
      %swap3A_173 = arith.constant 80 : index
      %swap3A_174 = tpu.vector_load %arg20[%swap3A_172, %swap3A_173] {strides = array<i32>} : memref<80x128xf32, #tpu.memory_space<vmem>>, vector<16xf32>,
      tpu.vector_store %arg20[%swap3A_172, %swap3A_173], %mul3A_171 {strides = array<i32>} : memref<80x128xf32, #tpu.memory_space<vmem>>, vector<16xf32>,
      %get3A_175 = arith.index_cast %scan3A_132 : i32 to index
      %get3A_176 = arith.constant 96 : index
      %get3A_177 = tpu.vector_load %arg20[%get3A_175, %get3A_176] {strides = array<i32>} : memref<80x128xf32, #tpu.memory_space<vmem>>, vector<16xf32>,
      %mul3A_178 = arith.mulf %get3A_177, %gather3A : vector<16xf32>
      %swap3A_179 = arith.index_cast %scan3A_132 : i32 to index
      %swap3A_180 = arith.constant 96 : index
      %swap3A_181 = tpu.vector_load %arg20[%swap3A_179, %swap3A_180] {strides = array<i32>} : memref<80x128xf32, #tpu.memory_space<vmem>>, vector<16xf32>,
      tpu.vector_store %arg20[%swap3A_179, %swap3A_180], %mul3A_178 {strides = array<i32>} : memref<80x128xf32, #tpu.memory_space<vmem>>, vector<16xf32>,
      %get3A_182 = arith.index_cast %scan3A_132 : i32 to index
      %get3A_183 = arith.constant 112 : index
      %get3A_184 = tpu.vector_load %arg20[%get3A_182, %get3A_183] {strides = array<i32>} : memref<80x128xf32, #tpu.memory_space<vmem>>, vector<16xf32>,
      %mul3A_185 = arith.mulf %get3A_184, %gather3A : vector<16xf32>
      %swap3A_186 = arith.index_cast %scan3A_132 : i32 to index
      %swap3A_187 = arith.constant 112 : index
      %swap3A_188 = tpu.vector_load %arg20[%swap3A_186, %swap3A_187] {strides = array<i32>} : memref<80x128xf32, #tpu.memory_space<vmem>>, vector<16xf32>,
      tpu.vector_store %arg20[%swap3A_186, %swap3A_187], %mul3A_185 {strides = array<i32>} : memref<80x128xf32, #tpu.memory_space<vmem>>, vector<16xf32>,
    }
    %scan3A_120 = arith.constant 80 : i32
    %run_scoped3A_121 = arith.constant 124 : i32
    "tpu.region"() ({
      %run_scoped3A_132 = tpu.sem_alloc : memref<!tpu.dma_semaphore, #tpu.memory_space<semaphore_mem>>
      %dma_start3A_133 = arith.constant 0 : i32
      %dma_start3A_134 = tpu.memref_slice %arg13[%run_scoped3A_121, %dma_start3A_133] : memref<125x80xi32, #tpu.memory_space<vmem>> -> memref<1x80xi32, #tpu.memory_space<vmem>>
      %dma_start3A_135 = tpu.memref_squeeze %dma_start3A_134 : memref<1x80xi32, #tpu.memory_space<vmem>> -> memref<80xi32, #tpu.memory_space<vmem>>
      %dma_start3A_136 = arith.constant 0 : i32
      %dma_start3A_137 = arith.constant 0 : i32
      %dma_start3A_138 = tpu.memref_slice %arg26[%dma_start3A_136, %dma_start3A_137] : memref<10240x128xf32, #tpu.memory_space<vmem_shared>> -> memref<10240x128xf32, #tpu.memory_space<vmem_shared>>
      tpu.enqueue_indirect_dma source(%arg20 : memref<80x128xf32, #tpu.memory_space<vmem>>) target(%dma_start3A_138 : memref<10240x128xf32, #tpu.memory_space<vmem_shared>>) offsets(%dma_start3A_135 : memref<80xi32, #tpu.memory_space<vmem>>) semaphore(%run_scoped3A_132 : memref<!tpu.dma_semaphore, #tpu.memory_space<semaphore_mem>>) {add = true}
      %dma_wait3A_139 = arith.constant 0 : i32
      %dma_wait3A_140 = tpu.memref_slice %arg13[%run_scoped3A_121, %dma_wait3A_139] : memref<125x80xi32, #tpu.memory_space<vmem>> -> memref<1x80xi32, #tpu.memory_space<vmem>>
      %dma_wait3A_141 = tpu.memref_squeeze %dma_wait3A_140 : memref<1x80xi32, #tpu.memory_space<vmem>> -> memref<80xi32, #tpu.memory_space<vmem>>
      %dma_wait3A_142 = arith.constant 0 : i32
      %dma_wait3A_143 = arith.constant 0 : i32
      %dma_wait3A_144 = tpu.memref_slice %arg26[%dma_wait3A_142, %dma_wait3A_143] : memref<10240x128xf32, #tpu.memory_space<vmem_shared>> -> memref<10240x128xf32, #tpu.memory_space<vmem_shared>>
      tpu.wait_indirect_dma semaphore(%run_scoped3A_132 : memref<!tpu.dma_semaphore, #tpu.memory_space<semaphore_mem>>) src(%arg20 : memref<80x128xf32, #tpu.memory_space<vmem>>) dst(%dma_wait3A_144 : memref<10240x128xf32, #tpu.memory_space<vmem_shared>>)
      tpu.yield
    }) : () -> ()
    %barrier3A_122 = arith.constant 0 : index
    tpu.barrier barrier_id(%barrier3A_122)
    %mul3A_123 = arith.constant 640 : i32
    %mul3A_124 = arith.muli %arg1, %mul3A_123 : i32
    %mul3A_125 = arith.constant 640 : i32
    %mul3A_126 = arith.muli %arg1, %mul3A_125 : i32
    "tpu.region"() ({
      %run_scoped3A_132 = tpu.sem_alloc : memref<!tpu.dma_semaphore, #tpu.memory_space<semaphore_mem>>
      %dma_start3A_133 = arith.constant 0 : i32
      %dma_start3A_134 = tpu.memref_slice %arg9[%arg0, %mul3A_126, %dma_start3A_133] : memref<2x10240x128xf32, #tpu.memory_space<hbm>> -> memref<1x640x128xf32, #tpu.memory_space<hbm>>
      %dma_start3A_135 = tpu.memref_squeeze %dma_start3A_134 : memref<1x640x128xf32, #tpu.memory_space<hbm>> -> memref<640x128xf32, #tpu.memory_space<hbm>>
      %dma_start3A_136 = arith.constant 0 : i32
      %dma_start3A_137 = tpu.memref_slice %arg26[%mul3A_124, %dma_start3A_136] : memref<10240x128xf32, #tpu.memory_space<vmem_shared>> -> memref<640x128xf32, #tpu.memory_space<vmem_shared>>
      tpu.enqueue_dma source(%dma_start3A_137 : memref<640x128xf32, #tpu.memory_space<vmem_shared>>) target(%dma_start3A_135 : memref<640x128xf32, #tpu.memory_space<hbm>>) target_semaphore(%run_scoped3A_132 : memref<!tpu.dma_semaphore, #tpu.memory_space<semaphore_mem>>)
      %dma_wait3A_138 = arith.constant 0 : i32
      %dma_wait3A_139 = tpu.memref_slice %arg9[%arg0, %mul3A_126, %dma_wait3A_138] : memref<2x10240x128xf32, #tpu.memory_space<hbm>> -> memref<1x640x128xf32, #tpu.memory_space<hbm>>
      %dma_wait3A_140 = tpu.memref_squeeze %dma_wait3A_139 : memref<1x640x128xf32, #tpu.memory_space<hbm>> -> memref<640x128xf32, #tpu.memory_space<hbm>>
      %dma_wait3A_141 = arith.constant 0 : i32
      %dma_wait3A_142 = tpu.memref_slice %arg26[%mul3A_124, %dma_wait3A_141] : memref<10240x128xf32, #tpu.memory_space<vmem_shared>> -> memref<640x128xf32, #tpu.memory_space<vmem_shared>>
      tpu.wait_dma2 semaphore(%run_scoped3A_132 : memref<!tpu.dma_semaphore, #tpu.memory_space<semaphore_mem>>) src(%dma_wait3A_142 : memref<640x128xf32, #tpu.memory_space<vmem_shared>>) dst(%dma_wait3A_140 : memref<640x128xf32, #tpu.memory_space<hbm>>)
      tpu.yield
    }) : () -> ()
    %mul3A_127 = arith.constant 640 : i32
    %mul3A_128 = arith.muli %arg1, %mul3A_127 : i32
    %mul3A_129 = arith.constant 640 : i32
    %mul3A_130 = arith.muli %arg1, %mul3A_129 : i32
    %run_scoped3A_131 = arith.constant 0 : i32
    "tpu.region"() ({
      %run_scoped3A_132 = tpu.sem_alloc : memref<!tpu.dma_semaphore, #tpu.memory_space<semaphore_mem>>
      %dma_start3A_133 = tpu.memref_slice %arg10[%arg0, %run_scoped3A_131, %mul3A_130] : memref<2x1x10240xf32, #tpu.memory_space<hbm>> -> memref<1x1x640xf32, #tpu.memory_space<hbm>>
      %dma_start3A_134 = tpu.memref_squeeze %dma_start3A_133 : memref<1x1x640xf32, #tpu.memory_space<hbm>> -> memref<640xf32, #tpu.memory_space<hbm>>
      %dma_start3A_135 = tpu.memref_slice %arg27[%mul3A_128] : memref<10240xf32, #tpu.memory_space<vmem_shared>> -> memref<640xf32, #tpu.memory_space<vmem_shared>>
      tpu.enqueue_dma source(%dma_start3A_135 : memref<640xf32, #tpu.memory_space<vmem_shared>>) target(%dma_start3A_134 : memref<640xf32, #tpu.memory_space<hbm>>) target_semaphore(%run_scoped3A_132 : memref<!tpu.dma_semaphore, #tpu.memory_space<semaphore_mem>>)
      %dma_wait3A_136 = tpu.memref_slice %arg10[%arg0, %run_scoped3A_131, %mul3A_130] : memref<2x1x10240xf32, #tpu.memory_space<hbm>> -> memref<1x1x640xf32, #tpu.memory_space<hbm>>
      %dma_wait3A_137 = tpu.memref_squeeze %dma_wait3A_136 : memref<1x1x640xf32, #tpu.memory_space<hbm>> -> memref<640xf32, #tpu.memory_space<hbm>>
      %dma_wait3A_138 = tpu.memref_slice %arg27[%mul3A_128] : memref<10240xf32, #tpu.memory_space<vmem_shared>> -> memref<640xf32, #tpu.memory_space<vmem_shared>>
      tpu.wait_dma2 semaphore(%run_scoped3A_132 : memref<!tpu.dma_semaphore, #tpu.memory_space<semaphore_mem>>) src(%dma_wait3A_138 : memref<640xf32, #tpu.memory_space<vmem_shared>>) dst(%dma_wait3A_137 : memref<640xf32, #tpu.memory_space<hbm>>)
      tpu.yield
    }) : () -> ()
    return
  }
}

#map = affine_map<(d0, d1) -> (0, 0)>
#map1 = affine_map<(d0, d1) -> (0)>
#map2 = affine_map<(d0, d1) -> (0, 0, 0)>
module attributes {stable_mosaic.version = 14 : i64} {
  func.func @sc_attn_mid_64(%arg0: i32, %arg1: i32, %arg2: memref<10240x64xf32, #tpu.memory_space<hbm>>, %arg3: memref<10240xf32, #tpu.memory_space<hbm>>, %arg4: memref<10240xf32, #tpu.memory_space<hbm>>, %arg5: memref<32x125x80xi32, #tpu.memory_space<hbm>>, %arg6: memref<32x125x80xi32, #tpu.memory_space<hbm>>, %arg7: memref<640x64xf32, #tpu.memory_space<hbm>>, %arg8: memref<640xf32, #tpu.memory_space<hbm>>, %arg9: memref<2x10240x64xf32, #tpu.memory_space<hbm>>, %arg10: memref<2x1x10240xf32, #tpu.memory_space<hbm>>, %arg11: memref<125x80xi32, #tpu.memory_space<vmem>>, %arg12: memref<125x80xi32, #tpu.memory_space<vmem>>, %arg13: memref<80xf32, #tpu.memory_space<vmem>>, %arg14: memref<80xf32, #tpu.memory_space<vmem>>, %arg15: memref<80xf32, #tpu.memory_space<vmem>>, %arg16: memref<80xf32, #tpu.memory_space<vmem>>, %arg17: memref<80xf32, #tpu.memory_space<vmem>>, %arg18: memref<80xf32, #tpu.memory_space<vmem>>, %arg19: memref<80x64xf32, #tpu.memory_space<vmem>>, %arg20: memref<80x64xf32, #tpu.memory_space<vmem>>, %arg21: memref<!tpu.dma_semaphore, #tpu.memory_space<semaphore_mem>>, %arg22: memref<!tpu.dma_semaphore, #tpu.memory_space<semaphore_mem>>, %arg23: memref<!tpu.dma_semaphore, #tpu.memory_space<semaphore_mem>>, %arg24: memref<!tpu.dma_semaphore, #tpu.memory_space<semaphore_mem>>, %arg25: memref<10240x64xf32, #tpu.memory_space<vmem_shared>>, %arg26: memref<10240xf32, #tpu.memory_space<vmem_shared>>) attributes {dimension_semantics = [#tpu.dimension_semantics<core_parallel>, #tpu.dimension_semantics<subcore_parallel>], iteration_bounds = array<i64: 2, 16>, scalar_prefetch = 0 : i64, scratch_operands = 16 : i64, tpu.core_type = #tpu.core_type<sc_vector_subcore>, window_params = [{transform_indices = #map}, {transform_indices = #map1}, {transform_indices = #map1}, {transform_indices = #map2}, {transform_indices = #map2}, {transform_indices = #map}, {transform_indices = #map1}, {transform_indices = #map2}, {transform_indices = #map2}]} {
    %mul3A = arith.constant 2 : i32
    %mul3A_0 = arith.muli %arg1, %mul3A : i32
    %add3A = arith.addi %mul3A_0, %arg0 : i32
    %mul3A_1 = arith.constant 10000 : i32
    %mul3A_2 = arith.muli %add3A, %mul3A_1 : i32
    %mul3A_3 = arith.constant 640 : i32
    %mul3A_4 = arith.muli %arg1, %mul3A_3 : i32
    "tpu.region"() ({
      %run_scoped3A_130 = tpu.sem_alloc : memref<!tpu.dma_semaphore, #tpu.memory_space<semaphore_mem>>
      %dma_start3A_131 = arith.constant 0 : i32
      %dma_start3A_132 = tpu.memref_slice %arg25[%mul3A_4, %dma_start3A_131] : memref<10240x64xf32, #tpu.memory_space<vmem_shared>> -> memref<640x64xf32, #tpu.memory_space<vmem_shared>>
      tpu.enqueue_dma source(%arg7 : memref<640x64xf32, #tpu.memory_space<hbm>>) target(%dma_start3A_132 : memref<640x64xf32, #tpu.memory_space<vmem_shared>>) target_semaphore(%run_scoped3A_130 : memref<!tpu.dma_semaphore, #tpu.memory_space<semaphore_mem>>)
      %dma_wait3A_133 = arith.constant 0 : i32
      %dma_wait3A_134 = tpu.memref_slice %arg25[%mul3A_4, %dma_wait3A_133] : memref<10240x64xf32, #tpu.memory_space<vmem_shared>> -> memref<640x64xf32, #tpu.memory_space<vmem_shared>>
      tpu.wait_dma2 semaphore(%run_scoped3A_130 : memref<!tpu.dma_semaphore, #tpu.memory_space<semaphore_mem>>) src(%arg7 : memref<640x64xf32, #tpu.memory_space<hbm>>) dst(%dma_wait3A_134 : memref<640x64xf32, #tpu.memory_space<vmem_shared>>)
      tpu.yield
    }) : () -> ()
    %mul3A_5 = arith.constant 640 : i32
    %mul3A_6 = arith.muli %arg1, %mul3A_5 : i32
    "tpu.region"() ({
      %run_scoped3A_130 = tpu.sem_alloc : memref<!tpu.dma_semaphore, #tpu.memory_space<semaphore_mem>>
      %dma_start3A_131 = tpu.memref_slice %arg26[%mul3A_6] : memref<10240xf32, #tpu.memory_space<vmem_shared>> -> memref<640xf32, #tpu.memory_space<vmem_shared>>
      tpu.enqueue_dma source(%arg8 : memref<640xf32, #tpu.memory_space<hbm>>) target(%dma_start3A_131 : memref<640xf32, #tpu.memory_space<vmem_shared>>) target_semaphore(%run_scoped3A_130 : memref<!tpu.dma_semaphore, #tpu.memory_space<semaphore_mem>>)
      %dma_wait3A_132 = tpu.memref_slice %arg26[%mul3A_6] : memref<10240xf32, #tpu.memory_space<vmem_shared>> -> memref<640xf32, #tpu.memory_space<vmem_shared>>
      tpu.wait_dma2 semaphore(%run_scoped3A_130 : memref<!tpu.dma_semaphore, #tpu.memory_space<semaphore_mem>>) src(%arg8 : memref<640xf32, #tpu.memory_space<hbm>>) dst(%dma_wait3A_132 : memref<640xf32, #tpu.memory_space<vmem_shared>>)
      tpu.yield
    }) : () -> ()
    "tpu.region"() ({
      %run_scoped3A_130 = tpu.sem_alloc : memref<!tpu.dma_semaphore, #tpu.memory_space<semaphore_mem>>
      %dma_start3A_131 = arith.constant 0 : i32
      %dma_start3A_132 = arith.constant 0 : i32
      %dma_start3A_133 = tpu.memref_slice %arg5[%add3A, %dma_start3A_131, %dma_start3A_132] : memref<32x125x80xi32, #tpu.memory_space<hbm>> -> memref<1x125x80xi32, #tpu.memory_space<hbm>>
      %dma_start3A_134 = tpu.memref_squeeze %dma_start3A_133 : memref<1x125x80xi32, #tpu.memory_space<hbm>> -> memref<125x80xi32, #tpu.memory_space<hbm>>
      %dma_start3A_135 = arith.constant 0 : i32
      %dma_start3A_136 = arith.constant 0 : i32
      %dma_start3A_137 = tpu.memref_slice %arg5[%add3A, %dma_start3A_135, %dma_start3A_136] : memref<32x125x80xi32, #tpu.memory_space<hbm>> -> memref<1x125x80xi32, #tpu.memory_space<hbm>>
      %dma_start3A_138 = tpu.memref_squeeze %dma_start3A_137 : memref<1x125x80xi32, #tpu.memory_space<hbm>> -> memref<125x80xi32, #tpu.memory_space<hbm>>
      tpu.enqueue_dma source(%dma_start3A_138 : memref<125x80xi32, #tpu.memory_space<hbm>>) target(%arg11 : memref<125x80xi32, #tpu.memory_space<vmem>>) target_semaphore(%run_scoped3A_130 : memref<!tpu.dma_semaphore, #tpu.memory_space<semaphore_mem>>)
      %dma_wait3A_139 = arith.constant 0 : i32
      %dma_wait3A_140 = arith.constant 0 : i32
      %dma_wait3A_141 = tpu.memref_slice %arg5[%add3A, %dma_wait3A_139, %dma_wait3A_140] : memref<32x125x80xi32, #tpu.memory_space<hbm>> -> memref<1x125x80xi32, #tpu.memory_space<hbm>>
      %dma_wait3A_142 = tpu.memref_squeeze %dma_wait3A_141 : memref<1x125x80xi32, #tpu.memory_space<hbm>> -> memref<125x80xi32, #tpu.memory_space<hbm>>
      %dma_wait3A_143 = arith.constant 0 : i32
      %dma_wait3A_144 = arith.constant 0 : i32
      %dma_wait3A_145 = tpu.memref_slice %arg5[%add3A, %dma_wait3A_143, %dma_wait3A_144] : memref<32x125x80xi32, #tpu.memory_space<hbm>> -> memref<1x125x80xi32, #tpu.memory_space<hbm>>
      %dma_wait3A_146 = tpu.memref_squeeze %dma_wait3A_145 : memref<1x125x80xi32, #tpu.memory_space<hbm>> -> memref<125x80xi32, #tpu.memory_space<hbm>>
      tpu.wait_dma2 semaphore(%run_scoped3A_130 : memref<!tpu.dma_semaphore, #tpu.memory_space<semaphore_mem>>) src(%dma_wait3A_146 : memref<125x80xi32, #tpu.memory_space<hbm>>) dst(%arg11 : memref<125x80xi32, #tpu.memory_space<vmem>>)
      tpu.yield
    }) : () -> ()
    "tpu.region"() ({
      %run_scoped3A_130 = tpu.sem_alloc : memref<!tpu.dma_semaphore, #tpu.memory_space<semaphore_mem>>
      %dma_start3A_131 = arith.constant 0 : i32
      %dma_start3A_132 = arith.constant 0 : i32
      %dma_start3A_133 = tpu.memref_slice %arg6[%add3A, %dma_start3A_131, %dma_start3A_132] : memref<32x125x80xi32, #tpu.memory_space<hbm>> -> memref<1x125x80xi32, #tpu.memory_space<hbm>>
      %dma_start3A_134 = tpu.memref_squeeze %dma_start3A_133 : memref<1x125x80xi32, #tpu.memory_space<hbm>> -> memref<125x80xi32, #tpu.memory_space<hbm>>
      %dma_start3A_135 = arith.constant 0 : i32
      %dma_start3A_136 = arith.constant 0 : i32
      %dma_start3A_137 = tpu.memref_slice %arg6[%add3A, %dma_start3A_135, %dma_start3A_136] : memref<32x125x80xi32, #tpu.memory_space<hbm>> -> memref<1x125x80xi32, #tpu.memory_space<hbm>>
      %dma_start3A_138 = tpu.memref_squeeze %dma_start3A_137 : memref<1x125x80xi32, #tpu.memory_space<hbm>> -> memref<125x80xi32, #tpu.memory_space<hbm>>
      tpu.enqueue_dma source(%dma_start3A_138 : memref<125x80xi32, #tpu.memory_space<hbm>>) target(%arg12 : memref<125x80xi32, #tpu.memory_space<vmem>>) target_semaphore(%run_scoped3A_130 : memref<!tpu.dma_semaphore, #tpu.memory_space<semaphore_mem>>)
      %dma_wait3A_139 = arith.constant 0 : i32
      %dma_wait3A_140 = arith.constant 0 : i32
      %dma_wait3A_141 = tpu.memref_slice %arg6[%add3A, %dma_wait3A_139, %dma_wait3A_140] : memref<32x125x80xi32, #tpu.memory_space<hbm>> -> memref<1x125x80xi32, #tpu.memory_space<hbm>>
      %dma_wait3A_142 = tpu.memref_squeeze %dma_wait3A_141 : memref<1x125x80xi32, #tpu.memory_space<hbm>> -> memref<125x80xi32, #tpu.memory_space<hbm>>
      %dma_wait3A_143 = arith.constant 0 : i32
      %dma_wait3A_144 = arith.constant 0 : i32
      %dma_wait3A_145 = tpu.memref_slice %arg6[%add3A, %dma_wait3A_143, %dma_wait3A_144] : memref<32x125x80xi32, #tpu.memory_space<hbm>> -> memref<1x125x80xi32, #tpu.memory_space<hbm>>
      %dma_wait3A_146 = tpu.memref_squeeze %dma_wait3A_145 : memref<1x125x80xi32, #tpu.memory_space<hbm>> -> memref<125x80xi32, #tpu.memory_space<hbm>>
      tpu.wait_dma2 semaphore(%run_scoped3A_130 : memref<!tpu.dma_semaphore, #tpu.memory_space<semaphore_mem>>) src(%dma_wait3A_146 : memref<125x80xi32, #tpu.memory_space<hbm>>) dst(%arg12 : memref<125x80xi32, #tpu.memory_space<vmem>>)
      tpu.yield
    }) : () -> ()
    %barrier3A = arith.constant 0 : index
    tpu.barrier barrier_id(%barrier3A)
    %dma_start3A = arith.constant 0 : i32
    %dma_start3A_7 = arith.constant 0 : i32
    %dma_start3A_8 = tpu.memref_slice %arg11[%dma_start3A, %dma_start3A_7] : memref<125x80xi32, #tpu.memory_space<vmem>> -> memref<1x80xi32, #tpu.memory_space<vmem>>
    %dma_start3A_9 = tpu.memref_squeeze %dma_start3A_8 : memref<1x80xi32, #tpu.memory_space<vmem>> -> memref<80xi32, #tpu.memory_space<vmem>>
    %dma_start3A_10 = arith.constant 0 : i32
    %dma_start3A_11 = arith.constant 0 : i32
    %dma_start3A_12 = tpu.memref_slice %arg2[%dma_start3A_10, %dma_start3A_11] : memref<10240x64xf32, #tpu.memory_space<hbm>> -> memref<10240x64xf32, #tpu.memory_space<hbm>>
    tpu.enqueue_indirect_dma source(%dma_start3A_12 : memref<10240x64xf32, #tpu.memory_space<hbm>>) target(%arg19 : memref<80x64xf32, #tpu.memory_space<vmem>>) offsets(%dma_start3A_9 : memref<80xi32, #tpu.memory_space<vmem>>) semaphore(%arg21 : memref<!tpu.dma_semaphore, #tpu.memory_space<semaphore_mem>>)
    %dma_start3A_13 = arith.constant 0 : i32
    %dma_start3A_14 = arith.constant 0 : i32
    %dma_start3A_15 = tpu.memref_slice %arg11[%dma_start3A_13, %dma_start3A_14] : memref<125x80xi32, #tpu.memory_space<vmem>> -> memref<1x80xi32, #tpu.memory_space<vmem>>
    %dma_start3A_16 = tpu.memref_squeeze %dma_start3A_15 : memref<1x80xi32, #tpu.memory_space<vmem>> -> memref<80xi32, #tpu.memory_space<vmem>>
    %dma_start3A_17 = arith.constant 0 : i32
    %dma_start3A_18 = tpu.memref_slice %arg3[%dma_start3A_17] : memref<10240xf32, #tpu.memory_space<hbm>> -> memref<10240xf32, #tpu.memory_space<hbm>>
    tpu.enqueue_indirect_dma source(%dma_start3A_18 : memref<10240xf32, #tpu.memory_space<hbm>>) target(%arg15 : memref<80xf32, #tpu.memory_space<vmem>>) offsets(%dma_start3A_16 : memref<80xi32, #tpu.memory_space<vmem>>) semaphore(%arg22 : memref<!tpu.dma_semaphore, #tpu.memory_space<semaphore_mem>>)
    %dma_start3A_19 = arith.constant 0 : i32
    %dma_start3A_20 = arith.constant 0 : i32
    %dma_start3A_21 = tpu.memref_slice %arg12[%dma_start3A_19, %dma_start3A_20] : memref<125x80xi32, #tpu.memory_space<vmem>> -> memref<1x80xi32, #tpu.memory_space<vmem>>
    %dma_start3A_22 = tpu.memref_squeeze %dma_start3A_21 : memref<1x80xi32, #tpu.memory_space<vmem>> -> memref<80xi32, #tpu.memory_space<vmem>>
    %dma_start3A_23 = arith.constant 0 : i32
    %dma_start3A_24 = tpu.memref_slice %arg4[%dma_start3A_23] : memref<10240xf32, #tpu.memory_space<hbm>> -> memref<10240xf32, #tpu.memory_space<hbm>>
    tpu.enqueue_indirect_dma source(%dma_start3A_24 : memref<10240xf32, #tpu.memory_space<hbm>>) target(%arg17 : memref<80xf32, #tpu.memory_space<vmem>>) offsets(%dma_start3A_22 : memref<80xi32, #tpu.memory_space<vmem>>) semaphore(%arg23 : memref<!tpu.dma_semaphore, #tpu.memory_space<semaphore_mem>>)
    %scan3A = arith.constant 0 : i32
    %scan3A_25 = arith.constant 0 : i32
    %scan3A_26 = arith.constant 62 : i32
    %scan3A_27 = arith.addi %scan3A_25, %scan3A_26 : i32
    %scan3A_28 = arith.constant 1 : i32
    scf.for %scan3A_130 = %scan3A_25 to %scan3A_27 step %scan3A_28  : i32 {
      %mul3A_131 = arith.constant 2 : i32
      %mul3A_132 = arith.muli %scan3A_130, %mul3A_131 : i32
      %add3A_133 = arith.constant 1 : i32
      %add3A_134 = arith.addi %mul3A_132, %add3A_133 : i32
      %dma_start3A_135 = arith.constant 0 : i32
      %dma_start3A_136 = tpu.memref_slice %arg11[%add3A_134, %dma_start3A_135] : memref<125x80xi32, #tpu.memory_space<vmem>> -> memref<1x80xi32, #tpu.memory_space<vmem>>
      %dma_start3A_137 = tpu.memref_squeeze %dma_start3A_136 : memref<1x80xi32, #tpu.memory_space<vmem>> -> memref<80xi32, #tpu.memory_space<vmem>>
      %dma_start3A_138 = arith.constant 0 : i32
      %dma_start3A_139 = arith.constant 0 : i32
      %dma_start3A_140 = tpu.memref_slice %arg2[%dma_start3A_138, %dma_start3A_139] : memref<10240x64xf32, #tpu.memory_space<hbm>> -> memref<10240x64xf32, #tpu.memory_space<hbm>>
      tpu.enqueue_indirect_dma source(%dma_start3A_140 : memref<10240x64xf32, #tpu.memory_space<hbm>>) target(%arg20 : memref<80x64xf32, #tpu.memory_space<vmem>>) offsets(%dma_start3A_137 : memref<80xi32, #tpu.memory_space<vmem>>) semaphore(%arg21 : memref<!tpu.dma_semaphore, #tpu.memory_space<semaphore_mem>>)
      %dma_start3A_141 = arith.constant 0 : i32
      %dma_start3A_142 = tpu.memref_slice %arg11[%add3A_134, %dma_start3A_141] : memref<125x80xi32, #tpu.memory_space<vmem>> -> memref<1x80xi32, #tpu.memory_space<vmem>>
      %dma_start3A_143 = tpu.memref_squeeze %dma_start3A_142 : memref<1x80xi32, #tpu.memory_space<vmem>> -> memref<80xi32, #tpu.memory_space<vmem>>
      %dma_start3A_144 = arith.constant 0 : i32
      %dma_start3A_145 = tpu.memref_slice %arg3[%dma_start3A_144] : memref<10240xf32, #tpu.memory_space<hbm>> -> memref<10240xf32, #tpu.memory_space<hbm>>
      tpu.enqueue_indirect_dma source(%dma_start3A_145 : memref<10240xf32, #tpu.memory_space<hbm>>) target(%arg16 : memref<80xf32, #tpu.memory_space<vmem>>) offsets(%dma_start3A_143 : memref<80xi32, #tpu.memory_space<vmem>>) semaphore(%arg22 : memref<!tpu.dma_semaphore, #tpu.memory_space<semaphore_mem>>)
      %dma_start3A_146 = arith.constant 0 : i32
      %dma_start3A_147 = tpu.memref_slice %arg12[%add3A_134, %dma_start3A_146] : memref<125x80xi32, #tpu.memory_space<vmem>> -> memref<1x80xi32, #tpu.memory_space<vmem>>
      %dma_start3A_148 = tpu.memref_squeeze %dma_start3A_147 : memref<1x80xi32, #tpu.memory_space<vmem>> -> memref<80xi32, #tpu.memory_space<vmem>>
      %dma_start3A_149 = arith.constant 0 : i32
      %dma_start3A_150 = tpu.memref_slice %arg4[%dma_start3A_149] : memref<10240xf32, #tpu.memory_space<hbm>> -> memref<10240xf32, #tpu.memory_space<hbm>>
      tpu.enqueue_indirect_dma source(%dma_start3A_150 : memref<10240xf32, #tpu.memory_space<hbm>>) target(%arg18 : memref<80xf32, #tpu.memory_space<vmem>>) offsets(%dma_start3A_148 : memref<80xi32, #tpu.memory_space<vmem>>) semaphore(%arg23 : memref<!tpu.dma_semaphore, #tpu.memory_space<semaphore_mem>>)
      %dma_wait3A_151 = arith.constant 0 : i32
      %dma_wait3A_152 = tpu.memref_slice %arg3[%dma_wait3A_151] : memref<10240xf32, #tpu.memory_space<hbm>> -> memref<80xf32, #tpu.memory_space<hbm>>
      %dma_wait3A_153 = arith.constant 0 : i32
      %dma_wait3A_154 = tpu.memref_slice %arg3[%dma_wait3A_153] : memref<10240xf32, #tpu.memory_space<hbm>> -> memref<80xf32, #tpu.memory_space<hbm>>
      tpu.wait_dma2 semaphore(%arg22 : memref<!tpu.dma_semaphore, #tpu.memory_space<semaphore_mem>>) src(%dma_wait3A_154 : memref<80xf32, #tpu.memory_space<hbm>>) dst(%arg15 : memref<80xf32, #tpu.memory_space<vmem>>)
      %dma_wait3A_155 = arith.constant 0 : i32
      %dma_wait3A_156 = tpu.memref_slice %arg4[%dma_wait3A_155] : memref<10240xf32, #tpu.memory_space<hbm>> -> memref<80xf32, #tpu.memory_space<hbm>>
      %dma_wait3A_157 = arith.constant 0 : i32
      %dma_wait3A_158 = tpu.memref_slice %arg4[%dma_wait3A_157] : memref<10240xf32, #tpu.memory_space<hbm>> -> memref<80xf32, #tpu.memory_space<hbm>>
      tpu.wait_dma2 semaphore(%arg23 : memref<!tpu.dma_semaphore, #tpu.memory_space<semaphore_mem>>) src(%dma_wait3A_158 : memref<80xf32, #tpu.memory_space<hbm>>) dst(%arg17 : memref<80xf32, #tpu.memory_space<vmem>>)
      %get3A_159 = arith.constant 0 : index
      %get3A_160 = tpu.vector_load %arg15[%get3A_159] {strides = array<i32>} : memref<80xf32, #tpu.memory_space<vmem>>, vector<16xf32>,
      %get3A_161 = arith.constant 0 : index
      %get3A_162 = tpu.vector_load %arg17[%get3A_161] {strides = array<i32>} : memref<80xf32, #tpu.memory_space<vmem>>, vector<16xf32>,
      %add3A_163 = arith.addf %get3A_160, %get3A_162 : vector<16xf32>
      %gt3A_164 = arith.constant 0.000000e+00 : f32
      %gt3A_165 = vector.broadcast %gt3A_164 : f32 to vector<16xf32>
      %gt3A_166 = arith.cmpf ogt, %add3A_163, %gt3A_165 : vector<16xf32>
      %mul3A_167 = arith.constant 2.000000e-01 : f32
      %mul3A_168 = vector.broadcast %mul3A_167 : f32 to vector<16xf32>
      %mul3A_169 = arith.mulf %mul3A_168, %add3A_163 : vector<16xf32>
      %select_n3A_170 = arith.select %gt3A_166, %add3A_163, %mul3A_169 : vector<16xi1>, vector<16xf32>
      %exp3A_171 = math.exp %select_n3A_170 : vector<16xf32>
      %swap3A_172 = arith.constant 0 : index
      %swap3A_173 = tpu.vector_load %arg13[%swap3A_172] {strides = array<i32>} : memref<80xf32, #tpu.memory_space<vmem>>, vector<16xf32>,
      tpu.vector_store %arg13[%swap3A_172], %exp3A_171 {strides = array<i32>} : memref<80xf32, #tpu.memory_space<vmem>>, vector<16xf32>,
      %get3A_174 = arith.constant 16 : index
      %get3A_175 = tpu.vector_load %arg15[%get3A_174] {strides = array<i32>} : memref<80xf32, #tpu.memory_space<vmem>>, vector<16xf32>,
      %get3A_176 = arith.constant 16 : index
      %get3A_177 = tpu.vector_load %arg17[%get3A_176] {strides = array<i32>} : memref<80xf32, #tpu.memory_space<vmem>>, vector<16xf32>,
      %add3A_178 = arith.addf %get3A_175, %get3A_177 : vector<16xf32>
      %gt3A_179 = arith.constant 0.000000e+00 : f32
      %gt3A_180 = vector.broadcast %gt3A_179 : f32 to vector<16xf32>
      %gt3A_181 = arith.cmpf ogt, %add3A_178, %gt3A_180 : vector<16xf32>
      %mul3A_182 = arith.constant 2.000000e-01 : f32
      %mul3A_183 = vector.broadcast %mul3A_182 : f32 to vector<16xf32>
      %mul3A_184 = arith.mulf %mul3A_183, %add3A_178 : vector<16xf32>
      %select_n3A_185 = arith.select %gt3A_181, %add3A_178, %mul3A_184 : vector<16xi1>, vector<16xf32>
      %exp3A_186 = math.exp %select_n3A_185 : vector<16xf32>
      %swap3A_187 = arith.constant 16 : index
      %swap3A_188 = tpu.vector_load %arg13[%swap3A_187] {strides = array<i32>} : memref<80xf32, #tpu.memory_space<vmem>>, vector<16xf32>,
      tpu.vector_store %arg13[%swap3A_187], %exp3A_186 {strides = array<i32>} : memref<80xf32, #tpu.memory_space<vmem>>, vector<16xf32>,
      %get3A_189 = arith.constant 32 : index
      %get3A_190 = tpu.vector_load %arg15[%get3A_189] {strides = array<i32>} : memref<80xf32, #tpu.memory_space<vmem>>, vector<16xf32>,
      %get3A_191 = arith.constant 32 : index
      %get3A_192 = tpu.vector_load %arg17[%get3A_191] {strides = array<i32>} : memref<80xf32, #tpu.memory_space<vmem>>, vector<16xf32>,
      %add3A_193 = arith.addf %get3A_190, %get3A_192 : vector<16xf32>
      %gt3A_194 = arith.constant 0.000000e+00 : f32
      %gt3A_195 = vector.broadcast %gt3A_194 : f32 to vector<16xf32>
      %gt3A_196 = arith.cmpf ogt, %add3A_193, %gt3A_195 : vector<16xf32>
      %mul3A_197 = arith.constant 2.000000e-01 : f32
      %mul3A_198 = vector.broadcast %mul3A_197 : f32 to vector<16xf32>
      %mul3A_199 = arith.mulf %mul3A_198, %add3A_193 : vector<16xf32>
      %select_n3A_200 = arith.select %gt3A_196, %add3A_193, %mul3A_199 : vector<16xi1>, vector<16xf32>
      %exp3A_201 = math.exp %select_n3A_200 : vector<16xf32>
      %swap3A_202 = arith.constant 32 : index
      %swap3A_203 = tpu.vector_load %arg13[%swap3A_202] {strides = array<i32>} : memref<80xf32, #tpu.memory_space<vmem>>, vector<16xf32>,
      tpu.vector_store %arg13[%swap3A_202], %exp3A_201 {strides = array<i32>} : memref<80xf32, #tpu.memory_space<vmem>>, vector<16xf32>,
      %get3A_204 = arith.constant 48 : index
      %get3A_205 = tpu.vector_load %arg15[%get3A_204] {strides = array<i32>} : memref<80xf32, #tpu.memory_space<vmem>>, vector<16xf32>,
      %get3A_206 = arith.constant 48 : index
      %get3A_207 = tpu.vector_load %arg17[%get3A_206] {strides = array<i32>} : memref<80xf32, #tpu.memory_space<vmem>>, vector<16xf32>,
      %add3A_208 = arith.addf %get3A_205, %get3A_207 : vector<16xf32>
      %gt3A_209 = arith.constant 0.000000e+00 : f32
      %gt3A_210 = vector.broadcast %gt3A_209 : f32 to vector<16xf32>
      %gt3A_211 = arith.cmpf ogt, %add3A_208, %gt3A_210 : vector<16xf32>
      %mul3A_212 = arith.constant 2.000000e-01 : f32
      %mul3A_213 = vector.broadcast %mul3A_212 : f32 to vector<16xf32>
      %mul3A_214 = arith.mulf %mul3A_213, %add3A_208 : vector<16xf32>
      %select_n3A_215 = arith.select %gt3A_211, %add3A_208, %mul3A_214 : vector<16xi1>, vector<16xf32>
      %exp3A_216 = math.exp %select_n3A_215 : vector<16xf32>
      %swap3A_217 = arith.constant 48 : index
      %swap3A_218 = tpu.vector_load %arg13[%swap3A_217] {strides = array<i32>} : memref<80xf32, #tpu.memory_space<vmem>>, vector<16xf32>,
      tpu.vector_store %arg13[%swap3A_217], %exp3A_216 {strides = array<i32>} : memref<80xf32, #tpu.memory_space<vmem>>, vector<16xf32>,
      %get3A_219 = arith.constant 64 : index
      %get3A_220 = tpu.vector_load %arg15[%get3A_219] {strides = array<i32>} : memref<80xf32, #tpu.memory_space<vmem>>, vector<16xf32>,
      %get3A_221 = arith.constant 64 : index
      %get3A_222 = tpu.vector_load %arg17[%get3A_221] {strides = array<i32>} : memref<80xf32, #tpu.memory_space<vmem>>, vector<16xf32>,
      %add3A_223 = arith.addf %get3A_220, %get3A_222 : vector<16xf32>
      %gt3A_224 = arith.constant 0.000000e+00 : f32
      %gt3A_225 = vector.broadcast %gt3A_224 : f32 to vector<16xf32>
      %gt3A_226 = arith.cmpf ogt, %add3A_223, %gt3A_225 : vector<16xf32>
      %mul3A_227 = arith.constant 2.000000e-01 : f32
      %mul3A_228 = vector.broadcast %mul3A_227 : f32 to vector<16xf32>
      %mul3A_229 = arith.mulf %mul3A_228, %add3A_223 : vector<16xf32>
      %select_n3A_230 = arith.select %gt3A_226, %add3A_223, %mul3A_229 : vector<16xi1>, vector<16xf32>
      %exp3A_231 = math.exp %select_n3A_230 : vector<16xf32>
      %swap3A_232 = arith.constant 64 : index
      %swap3A_233 = tpu.vector_load %arg13[%swap3A_232] {strides = array<i32>} : memref<80xf32, #tpu.memory_space<vmem>>, vector<16xf32>,
      tpu.vector_store %arg13[%swap3A_232], %exp3A_231 {strides = array<i32>} : memref<80xf32, #tpu.memory_space<vmem>>, vector<16xf32>,
      "tpu.region"() ({
        %run_scoped3A_361 = tpu.sem_alloc : memref<!tpu.dma_semaphore, #tpu.memory_space<semaphore_mem>>
        %dma_start3A_362 = arith.constant 0 : i32
        %dma_start3A_363 = tpu.memref_slice %arg12[%mul3A_132, %dma_start3A_362] : memref<125x80xi32, #tpu.memory_space<vmem>> -> memref<1x80xi32, #tpu.memory_space<vmem>>
        %dma_start3A_364 = tpu.memref_squeeze %dma_start3A_363 : memref<1x80xi32, #tpu.memory_space<vmem>> -> memref<80xi32, #tpu.memory_space<vmem>>
        %dma_start3A_365 = arith.constant 0 : i32
        %dma_start3A_366 = tpu.memref_slice %arg26[%dma_start3A_365] : memref<10240xf32, #tpu.memory_space<vmem_shared>> -> memref<10240xf32, #tpu.memory_space<vmem_shared>>
        tpu.enqueue_indirect_dma source(%arg13 : memref<80xf32, #tpu.memory_space<vmem>>) target(%dma_start3A_366 : memref<10240xf32, #tpu.memory_space<vmem_shared>>) offsets(%dma_start3A_364 : memref<80xi32, #tpu.memory_space<vmem>>) semaphore(%run_scoped3A_361 : memref<!tpu.dma_semaphore, #tpu.memory_space<semaphore_mem>>) {add = true}
        %dma_wait3A_367 = arith.constant 0 : i32
        %dma_wait3A_368 = tpu.memref_slice %arg12[%mul3A_132, %dma_wait3A_367] : memref<125x80xi32, #tpu.memory_space<vmem>> -> memref<1x80xi32, #tpu.memory_space<vmem>>
        %dma_wait3A_369 = tpu.memref_squeeze %dma_wait3A_368 : memref<1x80xi32, #tpu.memory_space<vmem>> -> memref<80xi32, #tpu.memory_space<vmem>>
        %dma_wait3A_370 = arith.constant 0 : i32
        %dma_wait3A_371 = tpu.memref_slice %arg26[%dma_wait3A_370] : memref<10240xf32, #tpu.memory_space<vmem_shared>> -> memref<10240xf32, #tpu.memory_space<vmem_shared>>
        tpu.wait_indirect_dma semaphore(%run_scoped3A_361 : memref<!tpu.dma_semaphore, #tpu.memory_space<semaphore_mem>>) src(%arg13 : memref<80xf32, #tpu.memory_space<vmem>>) dst(%dma_wait3A_371 : memref<10240xf32, #tpu.memory_space<vmem_shared>>)
        tpu.yield
      }) : () -> ()
      %dma_wait3A_234 = arith.constant 0 : i32
      %dma_wait3A_235 = arith.constant 0 : i32
      %dma_wait3A_236 = tpu.memref_slice %arg2[%dma_wait3A_234, %dma_wait3A_235] : memref<10240x64xf32, #tpu.memory_space<hbm>> -> memref<80x64xf32, #tpu.memory_space<hbm>>
      %dma_wait3A_237 = arith.constant 0 : i32
      %dma_wait3A_238 = arith.constant 0 : i32
      %dma_wait3A_239 = tpu.memref_slice %arg2[%dma_wait3A_237, %dma_wait3A_238] : memref<10240x64xf32, #tpu.memory_space<hbm>> -> memref<80x64xf32, #tpu.memory_space<hbm>>
      tpu.wait_dma2 semaphore(%arg21 : memref<!tpu.dma_semaphore, #tpu.memory_space<semaphore_mem>>) src(%dma_wait3A_239 : memref<80x64xf32, #tpu.memory_space<hbm>>) dst(%arg19 : memref<80x64xf32, #tpu.memory_space<vmem>>)
      %scan3A_240 = arith.constant 0 : i32
      %scan3A_241 = arith.constant 0 : i32
      %scan3A_242 = arith.constant 80 : i32
      %scan3A_243 = arith.addi %scan3A_241, %scan3A_242 : i32
      %scan3A_244 = arith.constant 1 : i32
      scf.for %scan3A_361 = %scan3A_241 to %scan3A_243 step %scan3A_244  : i32 {
        %broadcast_in_dim3A = vector.broadcast %scan3A_361 : i32 to vector<16xi32>
        %gather3A = tpu.vector_load_idx %arg13[%broadcast_in_dim3A] : memref<80xf32, #tpu.memory_space<vmem>>[vector<16xi32>], vector<16xf32>,
        %get3A_362 = arith.index_cast %scan3A_361 : i32 to index
        %get3A_363 = arith.constant 0 : index
        %get3A_364 = tpu.vector_load %arg19[%get3A_362, %get3A_363] {strides = array<i32>} : memref<80x64xf32, #tpu.memory_space<vmem>>, vector<16xf32>,
        %mul3A_365 = arith.mulf %get3A_364, %gather3A : vector<16xf32>
        %swap3A_366 = arith.index_cast %scan3A_361 : i32 to index
        %swap3A_367 = arith.constant 0 : index
        %swap3A_368 = tpu.vector_load %arg19[%swap3A_366, %swap3A_367] {strides = array<i32>} : memref<80x64xf32, #tpu.memory_space<vmem>>, vector<16xf32>,
        tpu.vector_store %arg19[%swap3A_366, %swap3A_367], %mul3A_365 {strides = array<i32>} : memref<80x64xf32, #tpu.memory_space<vmem>>, vector<16xf32>,
        %get3A_369 = arith.index_cast %scan3A_361 : i32 to index
        %get3A_370 = arith.constant 16 : index
        %get3A_371 = tpu.vector_load %arg19[%get3A_369, %get3A_370] {strides = array<i32>} : memref<80x64xf32, #tpu.memory_space<vmem>>, vector<16xf32>,
        %mul3A_372 = arith.mulf %get3A_371, %gather3A : vector<16xf32>
        %swap3A_373 = arith.index_cast %scan3A_361 : i32 to index
        %swap3A_374 = arith.constant 16 : index
        %swap3A_375 = tpu.vector_load %arg19[%swap3A_373, %swap3A_374] {strides = array<i32>} : memref<80x64xf32, #tpu.memory_space<vmem>>, vector<16xf32>,
        tpu.vector_store %arg19[%swap3A_373, %swap3A_374], %mul3A_372 {strides = array<i32>} : memref<80x64xf32, #tpu.memory_space<vmem>>, vector<16xf32>,
        %get3A_376 = arith.index_cast %scan3A_361 : i32 to index
        %get3A_377 = arith.constant 32 : index
        %get3A_378 = tpu.vector_load %arg19[%get3A_376, %get3A_377] {strides = array<i32>} : memref<80x64xf32, #tpu.memory_space<vmem>>, vector<16xf32>,
        %mul3A_379 = arith.mulf %get3A_378, %gather3A : vector<16xf32>
        %swap3A_380 = arith.index_cast %scan3A_361 : i32 to index
        %swap3A_381 = arith.constant 32 : index
        %swap3A_382 = tpu.vector_load %arg19[%swap3A_380, %swap3A_381] {strides = array<i32>} : memref<80x64xf32, #tpu.memory_space<vmem>>, vector<16xf32>,
        tpu.vector_store %arg19[%swap3A_380, %swap3A_381], %mul3A_379 {strides = array<i32>} : memref<80x64xf32, #tpu.memory_space<vmem>>, vector<16xf32>,
        %get3A_383 = arith.index_cast %scan3A_361 : i32 to index
        %get3A_384 = arith.constant 48 : index
        %get3A_385 = tpu.vector_load %arg19[%get3A_383, %get3A_384] {strides = array<i32>} : memref<80x64xf32, #tpu.memory_space<vmem>>, vector<16xf32>,
        %mul3A_386 = arith.mulf %get3A_385, %gather3A : vector<16xf32>
        %swap3A_387 = arith.index_cast %scan3A_361 : i32 to index
        %swap3A_388 = arith.constant 48 : index
        %swap3A_389 = tpu.vector_load %arg19[%swap3A_387, %swap3A_388] {strides = array<i32>} : memref<80x64xf32, #tpu.memory_space<vmem>>, vector<16xf32>,
        tpu.vector_store %arg19[%swap3A_387, %swap3A_388], %mul3A_386 {strides = array<i32>} : memref<80x64xf32, #tpu.memory_space<vmem>>, vector<16xf32>,
      }
      %scan3A_245 = arith.constant 80 : i32
      "tpu.region"() ({
        %run_scoped3A_361 = tpu.sem_alloc : memref<!tpu.dma_semaphore, #tpu.memory_space<semaphore_mem>>
        %dma_start3A_362 = arith.constant 0 : i32
        %dma_start3A_363 = tpu.memref_slice %arg12[%mul3A_132, %dma_start3A_362] : memref<125x80xi32, #tpu.memory_space<vmem>> -> memref<1x80xi32, #tpu.memory_space<vmem>>
        %dma_start3A_364 = tpu.memref_squeeze %dma_start3A_363 : memref<1x80xi32, #tpu.memory_space<vmem>> -> memref<80xi32, #tpu.memory_space<vmem>>
        %dma_start3A_365 = arith.constant 0 : i32
        %dma_start3A_366 = arith.constant 0 : i32
        %dma_start3A_367 = tpu.memref_slice %arg25[%dma_start3A_365, %dma_start3A_366] : memref<10240x64xf32, #tpu.memory_space<vmem_shared>> -> memref<10240x64xf32, #tpu.memory_space<vmem_shared>>
        tpu.enqueue_indirect_dma source(%arg19 : memref<80x64xf32, #tpu.memory_space<vmem>>) target(%dma_start3A_367 : memref<10240x64xf32, #tpu.memory_space<vmem_shared>>) offsets(%dma_start3A_364 : memref<80xi32, #tpu.memory_space<vmem>>) semaphore(%run_scoped3A_361 : memref<!tpu.dma_semaphore, #tpu.memory_space<semaphore_mem>>) {add = true}
        %dma_wait3A_368 = arith.constant 0 : i32
        %dma_wait3A_369 = tpu.memref_slice %arg12[%mul3A_132, %dma_wait3A_368] : memref<125x80xi32, #tpu.memory_space<vmem>> -> memref<1x80xi32, #tpu.memory_space<vmem>>
        %dma_wait3A_370 = tpu.memref_squeeze %dma_wait3A_369 : memref<1x80xi32, #tpu.memory_space<vmem>> -> memref<80xi32, #tpu.memory_space<vmem>>
        %dma_wait3A_371 = arith.constant 0 : i32
        %dma_wait3A_372 = arith.constant 0 : i32
        %dma_wait3A_373 = tpu.memref_slice %arg25[%dma_wait3A_371, %dma_wait3A_372] : memref<10240x64xf32, #tpu.memory_space<vmem_shared>> -> memref<10240x64xf32, #tpu.memory_space<vmem_shared>>
        tpu.wait_indirect_dma semaphore(%run_scoped3A_361 : memref<!tpu.dma_semaphore, #tpu.memory_space<semaphore_mem>>) src(%arg19 : memref<80x64xf32, #tpu.memory_space<vmem>>) dst(%dma_wait3A_373 : memref<10240x64xf32, #tpu.memory_space<vmem_shared>>)
        tpu.yield
      }) : () -> ()
      %add3A_246 = arith.constant 2 : i32
      %add3A_247 = arith.addi %mul3A_132, %add3A_246 : i32
      %dma_start3A_248 = arith.constant 0 : i32
      %dma_start3A_249 = tpu.memref_slice %arg11[%add3A_247, %dma_start3A_248] : memref<125x80xi32, #tpu.memory_space<vmem>> -> memref<1x80xi32, #tpu.memory_space<vmem>>
      %dma_start3A_250 = tpu.memref_squeeze %dma_start3A_249 : memref<1x80xi32, #tpu.memory_space<vmem>> -> memref<80xi32, #tpu.memory_space<vmem>>
      %dma_start3A_251 = arith.constant 0 : i32
      %dma_start3A_252 = arith.constant 0 : i32
      %dma_start3A_253 = tpu.memref_slice %arg2[%dma_start3A_251, %dma_start3A_252] : memref<10240x64xf32, #tpu.memory_space<hbm>> -> memref<10240x64xf32, #tpu.memory_space<hbm>>
      tpu.enqueue_indirect_dma source(%dma_start3A_253 : memref<10240x64xf32, #tpu.memory_space<hbm>>) target(%arg19 : memref<80x64xf32, #tpu.memory_space<vmem>>) offsets(%dma_start3A_250 : memref<80xi32, #tpu.memory_space<vmem>>) semaphore(%arg21 : memref<!tpu.dma_semaphore, #tpu.memory_space<semaphore_mem>>)
      %dma_start3A_254 = arith.constant 0 : i32
      %dma_start3A_255 = tpu.memref_slice %arg11[%add3A_247, %dma_start3A_254] : memref<125x80xi32, #tpu.memory_space<vmem>> -> memref<1x80xi32, #tpu.memory_space<vmem>>
      %dma_start3A_256 = tpu.memref_squeeze %dma_start3A_255 : memref<1x80xi32, #tpu.memory_space<vmem>> -> memref<80xi32, #tpu.memory_space<vmem>>
      %dma_start3A_257 = arith.constant 0 : i32
      %dma_start3A_258 = tpu.memref_slice %arg3[%dma_start3A_257] : memref<10240xf32, #tpu.memory_space<hbm>> -> memref<10240xf32, #tpu.memory_space<hbm>>
      tpu.enqueue_indirect_dma source(%dma_start3A_258 : memref<10240xf32, #tpu.memory_space<hbm>>) target(%arg15 : memref<80xf32, #tpu.memory_space<vmem>>) offsets(%dma_start3A_256 : memref<80xi32, #tpu.memory_space<vmem>>) semaphore(%arg22 : memref<!tpu.dma_semaphore, #tpu.memory_space<semaphore_mem>>)
      %dma_start3A_259 = arith.constant 0 : i32
      %dma_start3A_260 = tpu.memref_slice %arg12[%add3A_247, %dma_start3A_259] : memref<125x80xi32, #tpu.memory_space<vmem>> -> memref<1x80xi32, #tpu.memory_space<vmem>>
      %dma_start3A_261 = tpu.memref_squeeze %dma_start3A_260 : memref<1x80xi32, #tpu.memory_space<vmem>> -> memref<80xi32, #tpu.memory_space<vmem>>
      %dma_start3A_262 = arith.constant 0 : i32
      %dma_start3A_263 = tpu.memref_slice %arg4[%dma_start3A_262] : memref<10240xf32, #tpu.memory_space<hbm>> -> memref<10240xf32, #tpu.memory_space<hbm>>
      tpu.enqueue_indirect_dma source(%dma_start3A_263 : memref<10240xf32, #tpu.memory_space<hbm>>) target(%arg17 : memref<80xf32, #tpu.memory_space<vmem>>) offsets(%dma_start3A_261 : memref<80xi32, #tpu.memory_space<vmem>>) semaphore(%arg23 : memref<!tpu.dma_semaphore, #tpu.memory_space<semaphore_mem>>)
      %add3A_264 = arith.constant 1 : i32
      %add3A_265 = arith.addi %mul3A_132, %add3A_264 : i32
      %dma_wait3A_266 = arith.constant 0 : i32
      %dma_wait3A_267 = tpu.memref_slice %arg3[%dma_wait3A_266] : memref<10240xf32, #tpu.memory_space<hbm>> -> memref<80xf32, #tpu.memory_space<hbm>>
      %dma_wait3A_268 = arith.constant 0 : i32
      %dma_wait3A_269 = tpu.memref_slice %arg3[%dma_wait3A_268] : memref<10240xf32, #tpu.memory_space<hbm>> -> memref<80xf32, #tpu.memory_space<hbm>>
      tpu.wait_dma2 semaphore(%arg22 : memref<!tpu.dma_semaphore, #tpu.memory_space<semaphore_mem>>) src(%dma_wait3A_269 : memref<80xf32, #tpu.memory_space<hbm>>) dst(%arg16 : memref<80xf32, #tpu.memory_space<vmem>>)
      %dma_wait3A_270 = arith.constant 0 : i32
      %dma_wait3A_271 = tpu.memref_slice %arg4[%dma_wait3A_270] : memref<10240xf32, #tpu.memory_space<hbm>> -> memref<80xf32, #tpu.memory_space<hbm>>
      %dma_wait3A_272 = arith.constant 0 : i32
      %dma_wait3A_273 = tpu.memref_slice %arg4[%dma_wait3A_272] : memref<10240xf32, #tpu.memory_space<hbm>> -> memref<80xf32, #tpu.memory_space<hbm>>
      tpu.wait_dma2 semaphore(%arg23 : memref<!tpu.dma_semaphore, #tpu.memory_space<semaphore_mem>>) src(%dma_wait3A_273 : memref<80xf32, #tpu.memory_space<hbm>>) dst(%arg18 : memref<80xf32, #tpu.memory_space<vmem>>)
      %get3A_274 = arith.constant 0 : index
      %get3A_275 = tpu.vector_load %arg16[%get3A_274] {strides = array<i32>} : memref<80xf32, #tpu.memory_space<vmem>>, vector<16xf32>,
      %get3A_276 = arith.constant 0 : index
      %get3A_277 = tpu.vector_load %arg18[%get3A_276] {strides = array<i32>} : memref<80xf32, #tpu.memory_space<vmem>>, vector<16xf32>,
      %add3A_278 = arith.addf %get3A_275, %get3A_277 : vector<16xf32>
      %gt3A_279 = arith.constant 0.000000e+00 : f32
      %gt3A_280 = vector.broadcast %gt3A_279 : f32 to vector<16xf32>
      %gt3A_281 = arith.cmpf ogt, %add3A_278, %gt3A_280 : vector<16xf32>
      %mul3A_282 = arith.constant 2.000000e-01 : f32
      %mul3A_283 = vector.broadcast %mul3A_282 : f32 to vector<16xf32>
      %mul3A_284 = arith.mulf %mul3A_283, %add3A_278 : vector<16xf32>
      %select_n3A_285 = arith.select %gt3A_281, %add3A_278, %mul3A_284 : vector<16xi1>, vector<16xf32>
      %exp3A_286 = math.exp %select_n3A_285 : vector<16xf32>
      %swap3A_287 = arith.constant 0 : index
      %swap3A_288 = tpu.vector_load %arg14[%swap3A_287] {strides = array<i32>} : memref<80xf32, #tpu.memory_space<vmem>>, vector<16xf32>,
      tpu.vector_store %arg14[%swap3A_287], %exp3A_286 {strides = array<i32>} : memref<80xf32, #tpu.memory_space<vmem>>, vector<16xf32>,
      %get3A_289 = arith.constant 16 : index
      %get3A_290 = tpu.vector_load %arg16[%get3A_289] {strides = array<i32>} : memref<80xf32, #tpu.memory_space<vmem>>, vector<16xf32>,
      %get3A_291 = arith.constant 16 : index
      %get3A_292 = tpu.vector_load %arg18[%get3A_291] {strides = array<i32>} : memref<80xf32, #tpu.memory_space<vmem>>, vector<16xf32>,
      %add3A_293 = arith.addf %get3A_290, %get3A_292 : vector<16xf32>
      %gt3A_294 = arith.constant 0.000000e+00 : f32
      %gt3A_295 = vector.broadcast %gt3A_294 : f32 to vector<16xf32>
      %gt3A_296 = arith.cmpf ogt, %add3A_293, %gt3A_295 : vector<16xf32>
      %mul3A_297 = arith.constant 2.000000e-01 : f32
      %mul3A_298 = vector.broadcast %mul3A_297 : f32 to vector<16xf32>
      %mul3A_299 = arith.mulf %mul3A_298, %add3A_293 : vector<16xf32>
      %select_n3A_300 = arith.select %gt3A_296, %add3A_293, %mul3A_299 : vector<16xi1>, vector<16xf32>
      %exp3A_301 = math.exp %select_n3A_300 : vector<16xf32>
      %swap3A_302 = arith.constant 16 : index
      %swap3A_303 = tpu.vector_load %arg14[%swap3A_302] {strides = array<i32>} : memref<80xf32, #tpu.memory_space<vmem>>, vector<16xf32>,
      tpu.vector_store %arg14[%swap3A_302], %exp3A_301 {strides = array<i32>} : memref<80xf32, #tpu.memory_space<vmem>>, vector<16xf32>,
      %get3A_304 = arith.constant 32 : index
      %get3A_305 = tpu.vector_load %arg16[%get3A_304] {strides = array<i32>} : memref<80xf32, #tpu.memory_space<vmem>>, vector<16xf32>,
      %get3A_306 = arith.constant 32 : index
      %get3A_307 = tpu.vector_load %arg18[%get3A_306] {strides = array<i32>} : memref<80xf32, #tpu.memory_space<vmem>>, vector<16xf32>,
      %add3A_308 = arith.addf %get3A_305, %get3A_307 : vector<16xf32>
      %gt3A_309 = arith.constant 0.000000e+00 : f32
      %gt3A_310 = vector.broadcast %gt3A_309 : f32 to vector<16xf32>
      %gt3A_311 = arith.cmpf ogt, %add3A_308, %gt3A_310 : vector<16xf32>
      %mul3A_312 = arith.constant 2.000000e-01 : f32
      %mul3A_313 = vector.broadcast %mul3A_312 : f32 to vector<16xf32>
      %mul3A_314 = arith.mulf %mul3A_313, %add3A_308 : vector<16xf32>
      %select_n3A_315 = arith.select %gt3A_311, %add3A_308, %mul3A_314 : vector<16xi1>, vector<16xf32>
      %exp3A_316 = math.exp %select_n3A_315 : vector<16xf32>
      %swap3A_317 = arith.constant 32 : index
      %swap3A_318 = tpu.vector_load %arg14[%swap3A_317] {strides = array<i32>} : memref<80xf32, #tpu.memory_space<vmem>>, vector<16xf32>,
      tpu.vector_store %arg14[%swap3A_317], %exp3A_316 {strides = array<i32>} : memref<80xf32, #tpu.memory_space<vmem>>, vector<16xf32>,
      %get3A_319 = arith.constant 48 : index
      %get3A_320 = tpu.vector_load %arg16[%get3A_319] {strides = array<i32>} : memref<80xf32, #tpu.memory_space<vmem>>, vector<16xf32>,
      %get3A_321 = arith.constant 48 : index
      %get3A_322 = tpu.vector_load %arg18[%get3A_321] {strides = array<i32>} : memref<80xf32, #tpu.memory_space<vmem>>, vector<16xf32>,
      %add3A_323 = arith.addf %get3A_320, %get3A_322 : vector<16xf32>
      %gt3A_324 = arith.constant 0.000000e+00 : f32
      %gt3A_325 = vector.broadcast %gt3A_324 : f32 to vector<16xf32>
      %gt3A_326 = arith.cmpf ogt, %add3A_323, %gt3A_325 : vector<16xf32>
      %mul3A_327 = arith.constant 2.000000e-01 : f32
      %mul3A_328 = vector.broadcast %mul3A_327 : f32 to vector<16xf32>
      %mul3A_329 = arith.mulf %mul3A_328, %add3A_323 : vector<16xf32>
      %select_n3A_330 = arith.select %gt3A_326, %add3A_323, %mul3A_329 : vector<16xi1>, vector<16xf32>
      %exp3A_331 = math.exp %select_n3A_330 : vector<16xf32>
      %swap3A_332 = arith.constant 48 : index
      %swap3A_333 = tpu.vector_load %arg14[%swap3A_332] {strides = array<i32>} : memref<80xf32, #tpu.memory_space<vmem>>, vector<16xf32>,
      tpu.vector_store %arg14[%swap3A_332], %exp3A_331 {strides = array<i32>} : memref<80xf32, #tpu.memory_space<vmem>>, vector<16xf32>,
      %get3A_334 = arith.constant 64 : index
      %get3A_335 = tpu.vector_load %arg16[%get3A_334] {strides = array<i32>} : memref<80xf32, #tpu.memory_space<vmem>>, vector<16xf32>,
      %get3A_336 = arith.constant 64 : index
      %get3A_337 = tpu.vector_load %arg18[%get3A_336] {strides = array<i32>} : memref<80xf32, #tpu.memory_space<vmem>>, vector<16xf32>,
      %add3A_338 = arith.addf %get3A_335, %get3A_337 : vector<16xf32>
      %gt3A_339 = arith.constant 0.000000e+00 : f32
      %gt3A_340 = vector.broadcast %gt3A_339 : f32 to vector<16xf32>
      %gt3A_341 = arith.cmpf ogt, %add3A_338, %gt3A_340 : vector<16xf32>
      %mul3A_342 = arith.constant 2.000000e-01 : f32
      %mul3A_343 = vector.broadcast %mul3A_342 : f32 to vector<16xf32>
      %mul3A_344 = arith.mulf %mul3A_343, %add3A_338 : vector<16xf32>
      %select_n3A_345 = arith.select %gt3A_341, %add3A_338, %mul3A_344 : vector<16xi1>, vector<16xf32>
      %exp3A_346 = math.exp %select_n3A_345 : vector<16xf32>
      %swap3A_347 = arith.constant 64 : index
      %swap3A_348 = tpu.vector_load %arg14[%swap3A_347] {strides = array<i32>} : memref<80xf32, #tpu.memory_space<vmem>>, vector<16xf32>,
      tpu.vector_store %arg14[%swap3A_347], %exp3A_346 {strides = array<i32>} : memref<80xf32, #tpu.memory_space<vmem>>, vector<16xf32>,
      "tpu.region"() ({
        %run_scoped3A_361 = tpu.sem_alloc : memref<!tpu.dma_semaphore, #tpu.memory_space<semaphore_mem>>
        %dma_start3A_362 = arith.constant 0 : i32
        %dma_start3A_363 = tpu.memref_slice %arg12[%add3A_265, %dma_start3A_362] : memref<125x80xi32, #tpu.memory_space<vmem>> -> memref<1x80xi32, #tpu.memory_space<vmem>>
        %dma_start3A_364 = tpu.memref_squeeze %dma_start3A_363 : memref<1x80xi32, #tpu.memory_space<vmem>> -> memref<80xi32, #tpu.memory_space<vmem>>
        %dma_start3A_365 = arith.constant 0 : i32
        %dma_start3A_366 = tpu.memref_slice %arg26[%dma_start3A_365] : memref<10240xf32, #tpu.memory_space<vmem_shared>> -> memref<10240xf32, #tpu.memory_space<vmem_shared>>
        tpu.enqueue_indirect_dma source(%arg14 : memref<80xf32, #tpu.memory_space<vmem>>) target(%dma_start3A_366 : memref<10240xf32, #tpu.memory_space<vmem_shared>>) offsets(%dma_start3A_364 : memref<80xi32, #tpu.memory_space<vmem>>) semaphore(%run_scoped3A_361 : memref<!tpu.dma_semaphore, #tpu.memory_space<semaphore_mem>>) {add = true}
        %dma_wait3A_367 = arith.constant 0 : i32
        %dma_wait3A_368 = tpu.memref_slice %arg12[%add3A_265, %dma_wait3A_367] : memref<125x80xi32, #tpu.memory_space<vmem>> -> memref<1x80xi32, #tpu.memory_space<vmem>>
        %dma_wait3A_369 = tpu.memref_squeeze %dma_wait3A_368 : memref<1x80xi32, #tpu.memory_space<vmem>> -> memref<80xi32, #tpu.memory_space<vmem>>
        %dma_wait3A_370 = arith.constant 0 : i32
        %dma_wait3A_371 = tpu.memref_slice %arg26[%dma_wait3A_370] : memref<10240xf32, #tpu.memory_space<vmem_shared>> -> memref<10240xf32, #tpu.memory_space<vmem_shared>>
        tpu.wait_indirect_dma semaphore(%run_scoped3A_361 : memref<!tpu.dma_semaphore, #tpu.memory_space<semaphore_mem>>) src(%arg14 : memref<80xf32, #tpu.memory_space<vmem>>) dst(%dma_wait3A_371 : memref<10240xf32, #tpu.memory_space<vmem_shared>>)
        tpu.yield
      }) : () -> ()
      %dma_wait3A_349 = arith.constant 0 : i32
      %dma_wait3A_350 = arith.constant 0 : i32
      %dma_wait3A_351 = tpu.memref_slice %arg2[%dma_wait3A_349, %dma_wait3A_350] : memref<10240x64xf32, #tpu.memory_space<hbm>> -> memref<80x64xf32, #tpu.memory_space<hbm>>
      %dma_wait3A_352 = arith.constant 0 : i32
      %dma_wait3A_353 = arith.constant 0 : i32
      %dma_wait3A_354 = tpu.memref_slice %arg2[%dma_wait3A_352, %dma_wait3A_353] : memref<10240x64xf32, #tpu.memory_space<hbm>> -> memref<80x64xf32, #tpu.memory_space<hbm>>
      tpu.wait_dma2 semaphore(%arg21 : memref<!tpu.dma_semaphore, #tpu.memory_space<semaphore_mem>>) src(%dma_wait3A_354 : memref<80x64xf32, #tpu.memory_space<hbm>>) dst(%arg20 : memref<80x64xf32, #tpu.memory_space<vmem>>)
      %scan3A_355 = arith.constant 0 : i32
      %scan3A_356 = arith.constant 0 : i32
      %scan3A_357 = arith.constant 80 : i32
      %scan3A_358 = arith.addi %scan3A_356, %scan3A_357 : i32
      %scan3A_359 = arith.constant 1 : i32
      scf.for %scan3A_361 = %scan3A_356 to %scan3A_358 step %scan3A_359  : i32 {
        %broadcast_in_dim3A = vector.broadcast %scan3A_361 : i32 to vector<16xi32>
        %gather3A = tpu.vector_load_idx %arg14[%broadcast_in_dim3A] : memref<80xf32, #tpu.memory_space<vmem>>[vector<16xi32>], vector<16xf32>,
        %get3A_362 = arith.index_cast %scan3A_361 : i32 to index
        %get3A_363 = arith.constant 0 : index
        %get3A_364 = tpu.vector_load %arg20[%get3A_362, %get3A_363] {strides = array<i32>} : memref<80x64xf32, #tpu.memory_space<vmem>>, vector<16xf32>,
        %mul3A_365 = arith.mulf %get3A_364, %gather3A : vector<16xf32>
        %swap3A_366 = arith.index_cast %scan3A_361 : i32 to index
        %swap3A_367 = arith.constant 0 : index
        %swap3A_368 = tpu.vector_load %arg20[%swap3A_366, %swap3A_367] {strides = array<i32>} : memref<80x64xf32, #tpu.memory_space<vmem>>, vector<16xf32>,
        tpu.vector_store %arg20[%swap3A_366, %swap3A_367], %mul3A_365 {strides = array<i32>} : memref<80x64xf32, #tpu.memory_space<vmem>>, vector<16xf32>,
        %get3A_369 = arith.index_cast %scan3A_361 : i32 to index
        %get3A_370 = arith.constant 16 : index
        %get3A_371 = tpu.vector_load %arg20[%get3A_369, %get3A_370] {strides = array<i32>} : memref<80x64xf32, #tpu.memory_space<vmem>>, vector<16xf32>,
        %mul3A_372 = arith.mulf %get3A_371, %gather3A : vector<16xf32>
        %swap3A_373 = arith.index_cast %scan3A_361 : i32 to index
        %swap3A_374 = arith.constant 16 : index
        %swap3A_375 = tpu.vector_load %arg20[%swap3A_373, %swap3A_374] {strides = array<i32>} : memref<80x64xf32, #tpu.memory_space<vmem>>, vector<16xf32>,
        tpu.vector_store %arg20[%swap3A_373, %swap3A_374], %mul3A_372 {strides = array<i32>} : memref<80x64xf32, #tpu.memory_space<vmem>>, vector<16xf32>,
        %get3A_376 = arith.index_cast %scan3A_361 : i32 to index
        %get3A_377 = arith.constant 32 : index
        %get3A_378 = tpu.vector_load %arg20[%get3A_376, %get3A_377] {strides = array<i32>} : memref<80x64xf32, #tpu.memory_space<vmem>>, vector<16xf32>,
        %mul3A_379 = arith.mulf %get3A_378, %gather3A : vector<16xf32>
        %swap3A_380 = arith.index_cast %scan3A_361 : i32 to index
        %swap3A_381 = arith.constant 32 : index
        %swap3A_382 = tpu.vector_load %arg20[%swap3A_380, %swap3A_381] {strides = array<i32>} : memref<80x64xf32, #tpu.memory_space<vmem>>, vector<16xf32>,
        tpu.vector_store %arg20[%swap3A_380, %swap3A_381], %mul3A_379 {strides = array<i32>} : memref<80x64xf32, #tpu.memory_space<vmem>>, vector<16xf32>,
        %get3A_383 = arith.index_cast %scan3A_361 : i32 to index
        %get3A_384 = arith.constant 48 : index
        %get3A_385 = tpu.vector_load %arg20[%get3A_383, %get3A_384] {strides = array<i32>} : memref<80x64xf32, #tpu.memory_space<vmem>>, vector<16xf32>,
        %mul3A_386 = arith.mulf %get3A_385, %gather3A : vector<16xf32>
        %swap3A_387 = arith.index_cast %scan3A_361 : i32 to index
        %swap3A_388 = arith.constant 48 : index
        %swap3A_389 = tpu.vector_load %arg20[%swap3A_387, %swap3A_388] {strides = array<i32>} : memref<80x64xf32, #tpu.memory_space<vmem>>, vector<16xf32>,
        tpu.vector_store %arg20[%swap3A_387, %swap3A_388], %mul3A_386 {strides = array<i32>} : memref<80x64xf32, #tpu.memory_space<vmem>>, vector<16xf32>,
      }
      %scan3A_360 = arith.constant 80 : i32
      "tpu.region"() ({
        %run_scoped3A_361 = tpu.sem_alloc : memref<!tpu.dma_semaphore, #tpu.memory_space<semaphore_mem>>
        %dma_start3A_362 = arith.constant 0 : i32
        %dma_start3A_363 = tpu.memref_slice %arg12[%add3A_265, %dma_start3A_362] : memref<125x80xi32, #tpu.memory_space<vmem>> -> memref<1x80xi32, #tpu.memory_space<vmem>>
        %dma_start3A_364 = tpu.memref_squeeze %dma_start3A_363 : memref<1x80xi32, #tpu.memory_space<vmem>> -> memref<80xi32, #tpu.memory_space<vmem>>
        %dma_start3A_365 = arith.constant 0 : i32
        %dma_start3A_366 = arith.constant 0 : i32
        %dma_start3A_367 = tpu.memref_slice %arg25[%dma_start3A_365, %dma_start3A_366] : memref<10240x64xf32, #tpu.memory_space<vmem_shared>> -> memref<10240x64xf32, #tpu.memory_space<vmem_shared>>
        tpu.enqueue_indirect_dma source(%arg20 : memref<80x64xf32, #tpu.memory_space<vmem>>) target(%dma_start3A_367 : memref<10240x64xf32, #tpu.memory_space<vmem_shared>>) offsets(%dma_start3A_364 : memref<80xi32, #tpu.memory_space<vmem>>) semaphore(%run_scoped3A_361 : memref<!tpu.dma_semaphore, #tpu.memory_space<semaphore_mem>>) {add = true}
        %dma_wait3A_368 = arith.constant 0 : i32
        %dma_wait3A_369 = tpu.memref_slice %arg12[%add3A_265, %dma_wait3A_368] : memref<125x80xi32, #tpu.memory_space<vmem>> -> memref<1x80xi32, #tpu.memory_space<vmem>>
        %dma_wait3A_370 = tpu.memref_squeeze %dma_wait3A_369 : memref<1x80xi32, #tpu.memory_space<vmem>> -> memref<80xi32, #tpu.memory_space<vmem>>
        %dma_wait3A_371 = arith.constant 0 : i32
        %dma_wait3A_372 = arith.constant 0 : i32
        %dma_wait3A_373 = tpu.memref_slice %arg25[%dma_wait3A_371, %dma_wait3A_372] : memref<10240x64xf32, #tpu.memory_space<vmem_shared>> -> memref<10240x64xf32, #tpu.memory_space<vmem_shared>>
        tpu.wait_indirect_dma semaphore(%run_scoped3A_361 : memref<!tpu.dma_semaphore, #tpu.memory_space<semaphore_mem>>) src(%arg20 : memref<80x64xf32, #tpu.memory_space<vmem>>) dst(%dma_wait3A_373 : memref<10240x64xf32, #tpu.memory_space<vmem_shared>>)
        tpu.yield
      }) : () -> ()
    }
    %scan3A_29 = arith.constant 62 : i32
    %dma_wait3A = arith.constant 0 : i32
    %dma_wait3A_30 = tpu.memref_slice %arg3[%dma_wait3A] : memref<10240xf32, #tpu.memory_space<hbm>> -> memref<80xf32, #tpu.memory_space<hbm>>
    %dma_wait3A_31 = arith.constant 0 : i32
    %dma_wait3A_32 = tpu.memref_slice %arg3[%dma_wait3A_31] : memref<10240xf32, #tpu.memory_space<hbm>> -> memref<80xf32, #tpu.memory_space<hbm>>
    tpu.wait_dma2 semaphore(%arg22 : memref<!tpu.dma_semaphore, #tpu.memory_space<semaphore_mem>>) src(%dma_wait3A_32 : memref<80xf32, #tpu.memory_space<hbm>>) dst(%arg15 : memref<80xf32, #tpu.memory_space<vmem>>)
    %dma_wait3A_33 = arith.constant 0 : i32
    %dma_wait3A_34 = tpu.memref_slice %arg4[%dma_wait3A_33] : memref<10240xf32, #tpu.memory_space<hbm>> -> memref<80xf32, #tpu.memory_space<hbm>>
    %dma_wait3A_35 = arith.constant 0 : i32
    %dma_wait3A_36 = tpu.memref_slice %arg4[%dma_wait3A_35] : memref<10240xf32, #tpu.memory_space<hbm>> -> memref<80xf32, #tpu.memory_space<hbm>>
    tpu.wait_dma2 semaphore(%arg23 : memref<!tpu.dma_semaphore, #tpu.memory_space<semaphore_mem>>) src(%dma_wait3A_36 : memref<80xf32, #tpu.memory_space<hbm>>) dst(%arg17 : memref<80xf32, #tpu.memory_space<vmem>>)
    %get3A = arith.constant 0 : index
    %get3A_37 = tpu.vector_load %arg15[%get3A] {strides = array<i32>} : memref<80xf32, #tpu.memory_space<vmem>>, vector<16xf32>,
    %get3A_38 = arith.constant 0 : index
    %get3A_39 = tpu.vector_load %arg17[%get3A_38] {strides = array<i32>} : memref<80xf32, #tpu.memory_space<vmem>>, vector<16xf32>,
    %add3A_40 = arith.addf %get3A_37, %get3A_39 : vector<16xf32>
    %gt3A = arith.constant 0.000000e+00 : f32
    %gt3A_41 = vector.broadcast %gt3A : f32 to vector<16xf32>
    %gt3A_42 = arith.cmpf ogt, %add3A_40, %gt3A_41 : vector<16xf32>
    %mul3A_43 = arith.constant 2.000000e-01 : f32
    %mul3A_44 = vector.broadcast %mul3A_43 : f32 to vector<16xf32>
    %mul3A_45 = arith.mulf %mul3A_44, %add3A_40 : vector<16xf32>
    %select_n3A = arith.select %gt3A_42, %add3A_40, %mul3A_45 : vector<16xi1>, vector<16xf32>
    %exp3A = math.exp %select_n3A : vector<16xf32>
    %swap3A = arith.constant 0 : index
    %swap3A_46 = tpu.vector_load %arg13[%swap3A] {strides = array<i32>} : memref<80xf32, #tpu.memory_space<vmem>>, vector<16xf32>,
    tpu.vector_store %arg13[%swap3A], %exp3A {strides = array<i32>} : memref<80xf32, #tpu.memory_space<vmem>>, vector<16xf32>,
    %get3A_47 = arith.constant 16 : index
    %get3A_48 = tpu.vector_load %arg15[%get3A_47] {strides = array<i32>} : memref<80xf32, #tpu.memory_space<vmem>>, vector<16xf32>,
    %get3A_49 = arith.constant 16 : index
    %get3A_50 = tpu.vector_load %arg17[%get3A_49] {strides = array<i32>} : memref<80xf32, #tpu.memory_space<vmem>>, vector<16xf32>,
    %add3A_51 = arith.addf %get3A_48, %get3A_50 : vector<16xf32>
    %gt3A_52 = arith.constant 0.000000e+00 : f32
    %gt3A_53 = vector.broadcast %gt3A_52 : f32 to vector<16xf32>
    %gt3A_54 = arith.cmpf ogt, %add3A_51, %gt3A_53 : vector<16xf32>
    %mul3A_55 = arith.constant 2.000000e-01 : f32
    %mul3A_56 = vector.broadcast %mul3A_55 : f32 to vector<16xf32>
    %mul3A_57 = arith.mulf %mul3A_56, %add3A_51 : vector<16xf32>
    %select_n3A_58 = arith.select %gt3A_54, %add3A_51, %mul3A_57 : vector<16xi1>, vector<16xf32>
    %exp3A_59 = math.exp %select_n3A_58 : vector<16xf32>
    %swap3A_60 = arith.constant 16 : index
    %swap3A_61 = tpu.vector_load %arg13[%swap3A_60] {strides = array<i32>} : memref<80xf32, #tpu.memory_space<vmem>>, vector<16xf32>,
    tpu.vector_store %arg13[%swap3A_60], %exp3A_59 {strides = array<i32>} : memref<80xf32, #tpu.memory_space<vmem>>, vector<16xf32>,
    %get3A_62 = arith.constant 32 : index
    %get3A_63 = tpu.vector_load %arg15[%get3A_62] {strides = array<i32>} : memref<80xf32, #tpu.memory_space<vmem>>, vector<16xf32>,
    %get3A_64 = arith.constant 32 : index
    %get3A_65 = tpu.vector_load %arg17[%get3A_64] {strides = array<i32>} : memref<80xf32, #tpu.memory_space<vmem>>, vector<16xf32>,
    %add3A_66 = arith.addf %get3A_63, %get3A_65 : vector<16xf32>
    %gt3A_67 = arith.constant 0.000000e+00 : f32
    %gt3A_68 = vector.broadcast %gt3A_67 : f32 to vector<16xf32>
    %gt3A_69 = arith.cmpf ogt, %add3A_66, %gt3A_68 : vector<16xf32>
    %mul3A_70 = arith.constant 2.000000e-01 : f32
    %mul3A_71 = vector.broadcast %mul3A_70 : f32 to vector<16xf32>
    %mul3A_72 = arith.mulf %mul3A_71, %add3A_66 : vector<16xf32>
    %select_n3A_73 = arith.select %gt3A_69, %add3A_66, %mul3A_72 : vector<16xi1>, vector<16xf32>
    %exp3A_74 = math.exp %select_n3A_73 : vector<16xf32>
    %swap3A_75 = arith.constant 32 : index
    %swap3A_76 = tpu.vector_load %arg13[%swap3A_75] {strides = array<i32>} : memref<80xf32, #tpu.memory_space<vmem>>, vector<16xf32>,
    tpu.vector_store %arg13[%swap3A_75], %exp3A_74 {strides = array<i32>} : memref<80xf32, #tpu.memory_space<vmem>>, vector<16xf32>,
    %get3A_77 = arith.constant 48 : index
    %get3A_78 = tpu.vector_load %arg15[%get3A_77] {strides = array<i32>} : memref<80xf32, #tpu.memory_space<vmem>>, vector<16xf32>,
    %get3A_79 = arith.constant 48 : index
    %get3A_80 = tpu.vector_load %arg17[%get3A_79] {strides = array<i32>} : memref<80xf32, #tpu.memory_space<vmem>>, vector<16xf32>,
    %add3A_81 = arith.addf %get3A_78, %get3A_80 : vector<16xf32>
    %gt3A_82 = arith.constant 0.000000e+00 : f32
    %gt3A_83 = vector.broadcast %gt3A_82 : f32 to vector<16xf32>
    %gt3A_84 = arith.cmpf ogt, %add3A_81, %gt3A_83 : vector<16xf32>
    %mul3A_85 = arith.constant 2.000000e-01 : f32
    %mul3A_86 = vector.broadcast %mul3A_85 : f32 to vector<16xf32>
    %mul3A_87 = arith.mulf %mul3A_86, %add3A_81 : vector<16xf32>
    %select_n3A_88 = arith.select %gt3A_84, %add3A_81, %mul3A_87 : vector<16xi1>, vector<16xf32>
    %exp3A_89 = math.exp %select_n3A_88 : vector<16xf32>
    %swap3A_90 = arith.constant 48 : index
    %swap3A_91 = tpu.vector_load %arg13[%swap3A_90] {strides = array<i32>} : memref<80xf32, #tpu.memory_space<vmem>>, vector<16xf32>,
    tpu.vector_store %arg13[%swap3A_90], %exp3A_89 {strides = array<i32>} : memref<80xf32, #tpu.memory_space<vmem>>, vector<16xf32>,
    %get3A_92 = arith.constant 64 : index
    %get3A_93 = tpu.vector_load %arg15[%get3A_92] {strides = array<i32>} : memref<80xf32, #tpu.memory_space<vmem>>, vector<16xf32>,
    %get3A_94 = arith.constant 64 : index
    %get3A_95 = tpu.vector_load %arg17[%get3A_94] {strides = array<i32>} : memref<80xf32, #tpu.memory_space<vmem>>, vector<16xf32>,
    %add3A_96 = arith.addf %get3A_93, %get3A_95 : vector<16xf32>
    %gt3A_97 = arith.constant 0.000000e+00 : f32
    %gt3A_98 = vector.broadcast %gt3A_97 : f32 to vector<16xf32>
    %gt3A_99 = arith.cmpf ogt, %add3A_96, %gt3A_98 : vector<16xf32>
    %mul3A_100 = arith.constant 2.000000e-01 : f32
    %mul3A_101 = vector.broadcast %mul3A_100 : f32 to vector<16xf32>
    %mul3A_102 = arith.mulf %mul3A_101, %add3A_96 : vector<16xf32>
    %select_n3A_103 = arith.select %gt3A_99, %add3A_96, %mul3A_102 : vector<16xi1>, vector<16xf32>
    %exp3A_104 = math.exp %select_n3A_103 : vector<16xf32>
    %swap3A_105 = arith.constant 64 : index
    %swap3A_106 = tpu.vector_load %arg13[%swap3A_105] {strides = array<i32>} : memref<80xf32, #tpu.memory_space<vmem>>, vector<16xf32>,
    tpu.vector_store %arg13[%swap3A_105], %exp3A_104 {strides = array<i32>} : memref<80xf32, #tpu.memory_space<vmem>>, vector<16xf32>,
    %run_scoped3A = arith.constant 124 : i32
    "tpu.region"() ({
      %run_scoped3A_130 = tpu.sem_alloc : memref<!tpu.dma_semaphore, #tpu.memory_space<semaphore_mem>>
      %dma_start3A_131 = arith.constant 0 : i32
      %dma_start3A_132 = tpu.memref_slice %arg12[%run_scoped3A, %dma_start3A_131] : memref<125x80xi32, #tpu.memory_space<vmem>> -> memref<1x80xi32, #tpu.memory_space<vmem>>
      %dma_start3A_133 = tpu.memref_squeeze %dma_start3A_132 : memref<1x80xi32, #tpu.memory_space<vmem>> -> memref<80xi32, #tpu.memory_space<vmem>>
      %dma_start3A_134 = arith.constant 0 : i32
      %dma_start3A_135 = tpu.memref_slice %arg26[%dma_start3A_134] : memref<10240xf32, #tpu.memory_space<vmem_shared>> -> memref<10240xf32, #tpu.memory_space<vmem_shared>>
      tpu.enqueue_indirect_dma source(%arg13 : memref<80xf32, #tpu.memory_space<vmem>>) target(%dma_start3A_135 : memref<10240xf32, #tpu.memory_space<vmem_shared>>) offsets(%dma_start3A_133 : memref<80xi32, #tpu.memory_space<vmem>>) semaphore(%run_scoped3A_130 : memref<!tpu.dma_semaphore, #tpu.memory_space<semaphore_mem>>) {add = true}
      %dma_wait3A_136 = arith.constant 0 : i32
      %dma_wait3A_137 = tpu.memref_slice %arg12[%run_scoped3A, %dma_wait3A_136] : memref<125x80xi32, #tpu.memory_space<vmem>> -> memref<1x80xi32, #tpu.memory_space<vmem>>
      %dma_wait3A_138 = tpu.memref_squeeze %dma_wait3A_137 : memref<1x80xi32, #tpu.memory_space<vmem>> -> memref<80xi32, #tpu.memory_space<vmem>>
      %dma_wait3A_139 = arith.constant 0 : i32
      %dma_wait3A_140 = tpu.memref_slice %arg26[%dma_wait3A_139] : memref<10240xf32, #tpu.memory_space<vmem_shared>> -> memref<10240xf32, #tpu.memory_space<vmem_shared>>
      tpu.wait_indirect_dma semaphore(%run_scoped3A_130 : memref<!tpu.dma_semaphore, #tpu.memory_space<semaphore_mem>>) src(%arg13 : memref<80xf32, #tpu.memory_space<vmem>>) dst(%dma_wait3A_140 : memref<10240xf32, #tpu.memory_space<vmem_shared>>)
      tpu.yield
    }) : () -> ()
    %dma_wait3A_107 = arith.constant 0 : i32
    %dma_wait3A_108 = arith.constant 0 : i32
    %dma_wait3A_109 = tpu.memref_slice %arg2[%dma_wait3A_107, %dma_wait3A_108] : memref<10240x64xf32, #tpu.memory_space<hbm>> -> memref<80x64xf32, #tpu.memory_space<hbm>>
    %dma_wait3A_110 = arith.constant 0 : i32
    %dma_wait3A_111 = arith.constant 0 : i32
    %dma_wait3A_112 = tpu.memref_slice %arg2[%dma_wait3A_110, %dma_wait3A_111] : memref<10240x64xf32, #tpu.memory_space<hbm>> -> memref<80x64xf32, #tpu.memory_space<hbm>>
    tpu.wait_dma2 semaphore(%arg21 : memref<!tpu.dma_semaphore, #tpu.memory_space<semaphore_mem>>) src(%dma_wait3A_112 : memref<80x64xf32, #tpu.memory_space<hbm>>) dst(%arg19 : memref<80x64xf32, #tpu.memory_space<vmem>>)
    %scan3A_113 = arith.constant 0 : i32
    %scan3A_114 = arith.constant 0 : i32
    %scan3A_115 = arith.constant 80 : i32
    %scan3A_116 = arith.addi %scan3A_114, %scan3A_115 : i32
    %scan3A_117 = arith.constant 1 : i32
    scf.for %scan3A_130 = %scan3A_114 to %scan3A_116 step %scan3A_117  : i32 {
      %broadcast_in_dim3A = vector.broadcast %scan3A_130 : i32 to vector<16xi32>
      %gather3A = tpu.vector_load_idx %arg13[%broadcast_in_dim3A] : memref<80xf32, #tpu.memory_space<vmem>>[vector<16xi32>], vector<16xf32>,
      %get3A_131 = arith.index_cast %scan3A_130 : i32 to index
      %get3A_132 = arith.constant 0 : index
      %get3A_133 = tpu.vector_load %arg19[%get3A_131, %get3A_132] {strides = array<i32>} : memref<80x64xf32, #tpu.memory_space<vmem>>, vector<16xf32>,
      %mul3A_134 = arith.mulf %get3A_133, %gather3A : vector<16xf32>
      %swap3A_135 = arith.index_cast %scan3A_130 : i32 to index
      %swap3A_136 = arith.constant 0 : index
      %swap3A_137 = tpu.vector_load %arg19[%swap3A_135, %swap3A_136] {strides = array<i32>} : memref<80x64xf32, #tpu.memory_space<vmem>>, vector<16xf32>,
      tpu.vector_store %arg19[%swap3A_135, %swap3A_136], %mul3A_134 {strides = array<i32>} : memref<80x64xf32, #tpu.memory_space<vmem>>, vector<16xf32>,
      %get3A_138 = arith.index_cast %scan3A_130 : i32 to index
      %get3A_139 = arith.constant 16 : index
      %get3A_140 = tpu.vector_load %arg19[%get3A_138, %get3A_139] {strides = array<i32>} : memref<80x64xf32, #tpu.memory_space<vmem>>, vector<16xf32>,
      %mul3A_141 = arith.mulf %get3A_140, %gather3A : vector<16xf32>
      %swap3A_142 = arith.index_cast %scan3A_130 : i32 to index
      %swap3A_143 = arith.constant 16 : index
      %swap3A_144 = tpu.vector_load %arg19[%swap3A_142, %swap3A_143] {strides = array<i32>} : memref<80x64xf32, #tpu.memory_space<vmem>>, vector<16xf32>,
      tpu.vector_store %arg19[%swap3A_142, %swap3A_143], %mul3A_141 {strides = array<i32>} : memref<80x64xf32, #tpu.memory_space<vmem>>, vector<16xf32>,
      %get3A_145 = arith.index_cast %scan3A_130 : i32 to index
      %get3A_146 = arith.constant 32 : index
      %get3A_147 = tpu.vector_load %arg19[%get3A_145, %get3A_146] {strides = array<i32>} : memref<80x64xf32, #tpu.memory_space<vmem>>, vector<16xf32>,
      %mul3A_148 = arith.mulf %get3A_147, %gather3A : vector<16xf32>
      %swap3A_149 = arith.index_cast %scan3A_130 : i32 to index
      %swap3A_150 = arith.constant 32 : index
      %swap3A_151 = tpu.vector_load %arg19[%swap3A_149, %swap3A_150] {strides = array<i32>} : memref<80x64xf32, #tpu.memory_space<vmem>>, vector<16xf32>,
      tpu.vector_store %arg19[%swap3A_149, %swap3A_150], %mul3A_148 {strides = array<i32>} : memref<80x64xf32, #tpu.memory_space<vmem>>, vector<16xf32>,
      %get3A_152 = arith.index_cast %scan3A_130 : i32 to index
      %get3A_153 = arith.constant 48 : index
      %get3A_154 = tpu.vector_load %arg19[%get3A_152, %get3A_153] {strides = array<i32>} : memref<80x64xf32, #tpu.memory_space<vmem>>, vector<16xf32>,
      %mul3A_155 = arith.mulf %get3A_154, %gather3A : vector<16xf32>
      %swap3A_156 = arith.index_cast %scan3A_130 : i32 to index
      %swap3A_157 = arith.constant 48 : index
      %swap3A_158 = tpu.vector_load %arg19[%swap3A_156, %swap3A_157] {strides = array<i32>} : memref<80x64xf32, #tpu.memory_space<vmem>>, vector<16xf32>,
      tpu.vector_store %arg19[%swap3A_156, %swap3A_157], %mul3A_155 {strides = array<i32>} : memref<80x64xf32, #tpu.memory_space<vmem>>, vector<16xf32>,
    }
    %scan3A_118 = arith.constant 80 : i32
    %run_scoped3A_119 = arith.constant 124 : i32
    "tpu.region"() ({
      %run_scoped3A_130 = tpu.sem_alloc : memref<!tpu.dma_semaphore, #tpu.memory_space<semaphore_mem>>
      %dma_start3A_131 = arith.constant 0 : i32
      %dma_start3A_132 = tpu.memref_slice %arg12[%run_scoped3A_119, %dma_start3A_131] : memref<125x80xi32, #tpu.memory_space<vmem>> -> memref<1x80xi32, #tpu.memory_space<vmem>>
      %dma_start3A_133 = tpu.memref_squeeze %dma_start3A_132 : memref<1x80xi32, #tpu.memory_space<vmem>> -> memref<80xi32, #tpu.memory_space<vmem>>
      %dma_start3A_134 = arith.constant 0 : i32
      %dma_start3A_135 = arith.constant 0 : i32
      %dma_start3A_136 = tpu.memref_slice %arg25[%dma_start3A_134, %dma_start3A_135] : memref<10240x64xf32, #tpu.memory_space<vmem_shared>> -> memref<10240x64xf32, #tpu.memory_space<vmem_shared>>
      tpu.enqueue_indirect_dma source(%arg19 : memref<80x64xf32, #tpu.memory_space<vmem>>) target(%dma_start3A_136 : memref<10240x64xf32, #tpu.memory_space<vmem_shared>>) offsets(%dma_start3A_133 : memref<80xi32, #tpu.memory_space<vmem>>) semaphore(%run_scoped3A_130 : memref<!tpu.dma_semaphore, #tpu.memory_space<semaphore_mem>>) {add = true}
      %dma_wait3A_137 = arith.constant 0 : i32
      %dma_wait3A_138 = tpu.memref_slice %arg12[%run_scoped3A_119, %dma_wait3A_137] : memref<125x80xi32, #tpu.memory_space<vmem>> -> memref<1x80xi32, #tpu.memory_space<vmem>>
      %dma_wait3A_139 = tpu.memref_squeeze %dma_wait3A_138 : memref<1x80xi32, #tpu.memory_space<vmem>> -> memref<80xi32, #tpu.memory_space<vmem>>
      %dma_wait3A_140 = arith.constant 0 : i32
      %dma_wait3A_141 = arith.constant 0 : i32
      %dma_wait3A_142 = tpu.memref_slice %arg25[%dma_wait3A_140, %dma_wait3A_141] : memref<10240x64xf32, #tpu.memory_space<vmem_shared>> -> memref<10240x64xf32, #tpu.memory_space<vmem_shared>>
      tpu.wait_indirect_dma semaphore(%run_scoped3A_130 : memref<!tpu.dma_semaphore, #tpu.memory_space<semaphore_mem>>) src(%arg19 : memref<80x64xf32, #tpu.memory_space<vmem>>) dst(%dma_wait3A_142 : memref<10240x64xf32, #tpu.memory_space<vmem_shared>>)
      tpu.yield
    }) : () -> ()
    %barrier3A_120 = arith.constant 0 : index
    tpu.barrier barrier_id(%barrier3A_120)
    %mul3A_121 = arith.constant 640 : i32
    %mul3A_122 = arith.muli %arg1, %mul3A_121 : i32
    %mul3A_123 = arith.constant 640 : i32
    %mul3A_124 = arith.muli %arg1, %mul3A_123 : i32
    "tpu.region"() ({
      %run_scoped3A_130 = tpu.sem_alloc : memref<!tpu.dma_semaphore, #tpu.memory_space<semaphore_mem>>
      %dma_start3A_131 = arith.constant 0 : i32
      %dma_start3A_132 = tpu.memref_slice %arg9[%arg0, %mul3A_124, %dma_start3A_131] : memref<2x10240x64xf32, #tpu.memory_space<hbm>> -> memref<1x640x64xf32, #tpu.memory_space<hbm>>
      %dma_start3A_133 = tpu.memref_squeeze %dma_start3A_132 : memref<1x640x64xf32, #tpu.memory_space<hbm>> -> memref<640x64xf32, #tpu.memory_space<hbm>>
      %dma_start3A_134 = arith.constant 0 : i32
      %dma_start3A_135 = tpu.memref_slice %arg25[%mul3A_122, %dma_start3A_134] : memref<10240x64xf32, #tpu.memory_space<vmem_shared>> -> memref<640x64xf32, #tpu.memory_space<vmem_shared>>
      tpu.enqueue_dma source(%dma_start3A_135 : memref<640x64xf32, #tpu.memory_space<vmem_shared>>) target(%dma_start3A_133 : memref<640x64xf32, #tpu.memory_space<hbm>>) target_semaphore(%run_scoped3A_130 : memref<!tpu.dma_semaphore, #tpu.memory_space<semaphore_mem>>)
      %dma_wait3A_136 = arith.constant 0 : i32
      %dma_wait3A_137 = tpu.memref_slice %arg9[%arg0, %mul3A_124, %dma_wait3A_136] : memref<2x10240x64xf32, #tpu.memory_space<hbm>> -> memref<1x640x64xf32, #tpu.memory_space<hbm>>
      %dma_wait3A_138 = tpu.memref_squeeze %dma_wait3A_137 : memref<1x640x64xf32, #tpu.memory_space<hbm>> -> memref<640x64xf32, #tpu.memory_space<hbm>>
      %dma_wait3A_139 = arith.constant 0 : i32
      %dma_wait3A_140 = tpu.memref_slice %arg25[%mul3A_122, %dma_wait3A_139] : memref<10240x64xf32, #tpu.memory_space<vmem_shared>> -> memref<640x64xf32, #tpu.memory_space<vmem_shared>>
      tpu.wait_dma2 semaphore(%run_scoped3A_130 : memref<!tpu.dma_semaphore, #tpu.memory_space<semaphore_mem>>) src(%dma_wait3A_140 : memref<640x64xf32, #tpu.memory_space<vmem_shared>>) dst(%dma_wait3A_138 : memref<640x64xf32, #tpu.memory_space<hbm>>)
      tpu.yield
    }) : () -> ()
    %mul3A_125 = arith.constant 640 : i32
    %mul3A_126 = arith.muli %arg1, %mul3A_125 : i32
    %mul3A_127 = arith.constant 640 : i32
    %mul3A_128 = arith.muli %arg1, %mul3A_127 : i32
    %run_scoped3A_129 = arith.constant 0 : i32
    "tpu.region"() ({
      %run_scoped3A_130 = tpu.sem_alloc : memref<!tpu.dma_semaphore, #tpu.memory_space<semaphore_mem>>
      %dma_start3A_131 = tpu.memref_slice %arg10[%arg0, %run_scoped3A_129, %mul3A_128] : memref<2x1x10240xf32, #tpu.memory_space<hbm>> -> memref<1x1x640xf32, #tpu.memory_space<hbm>>
      %dma_start3A_132 = tpu.memref_squeeze %dma_start3A_131 : memref<1x1x640xf32, #tpu.memory_space<hbm>> -> memref<640xf32, #tpu.memory_space<hbm>>
      %dma_start3A_133 = tpu.memref_slice %arg26[%mul3A_126] : memref<10240xf32, #tpu.memory_space<vmem_shared>> -> memref<640xf32, #tpu.memory_space<vmem_shared>>
      tpu.enqueue_dma source(%dma_start3A_133 : memref<640xf32, #tpu.memory_space<vmem_shared>>) target(%dma_start3A_132 : memref<640xf32, #tpu.memory_space<hbm>>) target_semaphore(%run_scoped3A_130 : memref<!tpu.dma_semaphore, #tpu.memory_space<semaphore_mem>>)
      %dma_wait3A_134 = tpu.memref_slice %arg10[%arg0, %run_scoped3A_129, %mul3A_128] : memref<2x1x10240xf32, #tpu.memory_space<hbm>> -> memref<1x1x640xf32, #tpu.memory_space<hbm>>
      %dma_wait3A_135 = tpu.memref_squeeze %dma_wait3A_134 : memref<1x1x640xf32, #tpu.memory_space<hbm>> -> memref<640xf32, #tpu.memory_space<hbm>>
      %dma_wait3A_136 = tpu.memref_slice %arg26[%mul3A_126] : memref<10240xf32, #tpu.memory_space<vmem_shared>> -> memref<640xf32, #tpu.memory_space<vmem_shared>>
      tpu.wait_dma2 semaphore(%run_scoped3A_130 : memref<!tpu.dma_semaphore, #tpu.memory_space<semaphore_mem>>) src(%dma_wait3A_136 : memref<640xf32, #tpu.memory_space<vmem_shared>>) dst(%dma_wait3A_135 : memref<640xf32, #tpu.memory_space<hbm>>)
      tpu.yield
    }) : () -> ()
    return
  }
}

#map = affine_map<(d0, d1) -> (0, 0)>
#map1 = affine_map<(d0, d1) -> (0, 0, 0)>
#map2 = affine_map<(d0, d1) -> (0)>
module attributes {stable_mosaic.version = 14 : i64} {
  func.func @sc_attn_reuse_128(%arg0: i32, %arg1: i32, %arg2: memref<10240x128xf32, #tpu.memory_space<hbm>>, %arg3: memref<32x125x80xi32, #tpu.memory_space<hbm>>, %arg4: memref<32x125x80xi32, #tpu.memory_space<hbm>>, %arg5: memref<640x128xf32, #tpu.memory_space<hbm>>, %arg6: memref<640xf32, #tpu.memory_space<hbm>>, %arg7: memref<320000xf32, #tpu.memory_space<hbm>>, %arg8: memref<2x10240x128xf32, #tpu.memory_space<hbm>>, %arg9: memref<125x80xi32, #tpu.memory_space<vmem>>, %arg10: memref<125x80xi32, #tpu.memory_space<vmem>>, %arg11: memref<80xf32, #tpu.memory_space<vmem>>, %arg12: memref<80xf32, #tpu.memory_space<vmem>>, %arg13: memref<80xf32, #tpu.memory_space<vmem>>, %arg14: memref<80xf32, #tpu.memory_space<vmem>>, %arg15: memref<80xf32, #tpu.memory_space<vmem>>, %arg16: memref<80xf32, #tpu.memory_space<vmem>>, %arg17: memref<80x128xf32, #tpu.memory_space<vmem>>, %arg18: memref<80x128xf32, #tpu.memory_space<vmem>>, %arg19: memref<!tpu.dma_semaphore, #tpu.memory_space<semaphore_mem>>, %arg20: memref<!tpu.dma_semaphore, #tpu.memory_space<semaphore_mem>>, %arg21: memref<!tpu.dma_semaphore, #tpu.memory_space<semaphore_mem>>, %arg22: memref<!tpu.dma_semaphore, #tpu.memory_space<semaphore_mem>>, %arg23: memref<10240x128xf32, #tpu.memory_space<vmem_shared>>, %arg24: memref<10240xf32, #tpu.memory_space<vmem_shared>>) attributes {dimension_semantics = [#tpu.dimension_semantics<core_parallel>, #tpu.dimension_semantics<subcore_parallel>], iteration_bounds = array<i64: 2, 16>, scalar_prefetch = 0 : i64, scratch_operands = 16 : i64, tpu.core_type = #tpu.core_type<sc_vector_subcore>, window_params = [{transform_indices = #map}, {transform_indices = #map1}, {transform_indices = #map1}, {transform_indices = #map}, {transform_indices = #map2}, {transform_indices = #map2}, {transform_indices = #map1}]} {
    %mul3A = arith.constant 2 : i32
    %mul3A_0 = arith.muli %arg1, %mul3A : i32
    %add3A = arith.addi %mul3A_0, %arg0 : i32
    %mul3A_1 = arith.constant 10000 : i32
    %mul3A_2 = arith.muli %add3A, %mul3A_1 : i32
    %mul3A_3 = arith.constant 640 : i32
    %mul3A_4 = arith.muli %arg1, %mul3A_3 : i32
    "tpu.region"() ({
      %run_scoped3A_42 = tpu.sem_alloc : memref<!tpu.dma_semaphore, #tpu.memory_space<semaphore_mem>>
      %dma_start3A_43 = arith.constant 0 : i32
      %dma_start3A_44 = tpu.memref_slice %arg23[%mul3A_4, %dma_start3A_43] : memref<10240x128xf32, #tpu.memory_space<vmem_shared>> -> memref<640x128xf32, #tpu.memory_space<vmem_shared>>
      tpu.enqueue_dma source(%arg5 : memref<640x128xf32, #tpu.memory_space<hbm>>) target(%dma_start3A_44 : memref<640x128xf32, #tpu.memory_space<vmem_shared>>) target_semaphore(%run_scoped3A_42 : memref<!tpu.dma_semaphore, #tpu.memory_space<semaphore_mem>>)
      %dma_wait3A_45 = arith.constant 0 : i32
      %dma_wait3A_46 = tpu.memref_slice %arg23[%mul3A_4, %dma_wait3A_45] : memref<10240x128xf32, #tpu.memory_space<vmem_shared>> -> memref<640x128xf32, #tpu.memory_space<vmem_shared>>
      tpu.wait_dma2 semaphore(%run_scoped3A_42 : memref<!tpu.dma_semaphore, #tpu.memory_space<semaphore_mem>>) src(%arg5 : memref<640x128xf32, #tpu.memory_space<hbm>>) dst(%dma_wait3A_46 : memref<640x128xf32, #tpu.memory_space<vmem_shared>>)
      tpu.yield
    }) : () -> ()
    %mul3A_5 = arith.constant 640 : i32
    %mul3A_6 = arith.muli %arg1, %mul3A_5 : i32
    "tpu.region"() ({
      %run_scoped3A_42 = tpu.sem_alloc : memref<!tpu.dma_semaphore, #tpu.memory_space<semaphore_mem>>
      %dma_start3A_43 = tpu.memref_slice %arg24[%mul3A_6] : memref<10240xf32, #tpu.memory_space<vmem_shared>> -> memref<640xf32, #tpu.memory_space<vmem_shared>>
      tpu.enqueue_dma source(%arg6 : memref<640xf32, #tpu.memory_space<hbm>>) target(%dma_start3A_43 : memref<640xf32, #tpu.memory_space<vmem_shared>>) target_semaphore(%run_scoped3A_42 : memref<!tpu.dma_semaphore, #tpu.memory_space<semaphore_mem>>)
      %dma_wait3A_44 = tpu.memref_slice %arg24[%mul3A_6] : memref<10240xf32, #tpu.memory_space<vmem_shared>> -> memref<640xf32, #tpu.memory_space<vmem_shared>>
      tpu.wait_dma2 semaphore(%run_scoped3A_42 : memref<!tpu.dma_semaphore, #tpu.memory_space<semaphore_mem>>) src(%arg6 : memref<640xf32, #tpu.memory_space<hbm>>) dst(%dma_wait3A_44 : memref<640xf32, #tpu.memory_space<vmem_shared>>)
      tpu.yield
    }) : () -> ()
    "tpu.region"() ({
      %run_scoped3A_42 = tpu.sem_alloc : memref<!tpu.dma_semaphore, #tpu.memory_space<semaphore_mem>>
      %dma_start3A_43 = arith.constant 0 : i32
      %dma_start3A_44 = arith.constant 0 : i32
      %dma_start3A_45 = tpu.memref_slice %arg3[%add3A, %dma_start3A_43, %dma_start3A_44] : memref<32x125x80xi32, #tpu.memory_space<hbm>> -> memref<1x125x80xi32, #tpu.memory_space<hbm>>
      %dma_start3A_46 = tpu.memref_squeeze %dma_start3A_45 : memref<1x125x80xi32, #tpu.memory_space<hbm>> -> memref<125x80xi32, #tpu.memory_space<hbm>>
      %dma_start3A_47 = arith.constant 0 : i32
      %dma_start3A_48 = arith.constant 0 : i32
      %dma_start3A_49 = tpu.memref_slice %arg3[%add3A, %dma_start3A_47, %dma_start3A_48] : memref<32x125x80xi32, #tpu.memory_space<hbm>> -> memref<1x125x80xi32, #tpu.memory_space<hbm>>
      %dma_start3A_50 = tpu.memref_squeeze %dma_start3A_49 : memref<1x125x80xi32, #tpu.memory_space<hbm>> -> memref<125x80xi32, #tpu.memory_space<hbm>>
      tpu.enqueue_dma source(%dma_start3A_50 : memref<125x80xi32, #tpu.memory_space<hbm>>) target(%arg9 : memref<125x80xi32, #tpu.memory_space<vmem>>) target_semaphore(%run_scoped3A_42 : memref<!tpu.dma_semaphore, #tpu.memory_space<semaphore_mem>>)
      %dma_wait3A_51 = arith.constant 0 : i32
      %dma_wait3A_52 = arith.constant 0 : i32
      %dma_wait3A_53 = tpu.memref_slice %arg3[%add3A, %dma_wait3A_51, %dma_wait3A_52] : memref<32x125x80xi32, #tpu.memory_space<hbm>> -> memref<1x125x80xi32, #tpu.memory_space<hbm>>
      %dma_wait3A_54 = tpu.memref_squeeze %dma_wait3A_53 : memref<1x125x80xi32, #tpu.memory_space<hbm>> -> memref<125x80xi32, #tpu.memory_space<hbm>>
      %dma_wait3A_55 = arith.constant 0 : i32
      %dma_wait3A_56 = arith.constant 0 : i32
      %dma_wait3A_57 = tpu.memref_slice %arg3[%add3A, %dma_wait3A_55, %dma_wait3A_56] : memref<32x125x80xi32, #tpu.memory_space<hbm>> -> memref<1x125x80xi32, #tpu.memory_space<hbm>>
      %dma_wait3A_58 = tpu.memref_squeeze %dma_wait3A_57 : memref<1x125x80xi32, #tpu.memory_space<hbm>> -> memref<125x80xi32, #tpu.memory_space<hbm>>
      tpu.wait_dma2 semaphore(%run_scoped3A_42 : memref<!tpu.dma_semaphore, #tpu.memory_space<semaphore_mem>>) src(%dma_wait3A_58 : memref<125x80xi32, #tpu.memory_space<hbm>>) dst(%arg9 : memref<125x80xi32, #tpu.memory_space<vmem>>)
      tpu.yield
    }) : () -> ()
    "tpu.region"() ({
      %run_scoped3A_42 = tpu.sem_alloc : memref<!tpu.dma_semaphore, #tpu.memory_space<semaphore_mem>>
      %dma_start3A_43 = arith.constant 0 : i32
      %dma_start3A_44 = arith.constant 0 : i32
      %dma_start3A_45 = tpu.memref_slice %arg4[%add3A, %dma_start3A_43, %dma_start3A_44] : memref<32x125x80xi32, #tpu.memory_space<hbm>> -> memref<1x125x80xi32, #tpu.memory_space<hbm>>
      %dma_start3A_46 = tpu.memref_squeeze %dma_start3A_45 : memref<1x125x80xi32, #tpu.memory_space<hbm>> -> memref<125x80xi32, #tpu.memory_space<hbm>>
      %dma_start3A_47 = arith.constant 0 : i32
      %dma_start3A_48 = arith.constant 0 : i32
      %dma_start3A_49 = tpu.memref_slice %arg4[%add3A, %dma_start3A_47, %dma_start3A_48] : memref<32x125x80xi32, #tpu.memory_space<hbm>> -> memref<1x125x80xi32, #tpu.memory_space<hbm>>
      %dma_start3A_50 = tpu.memref_squeeze %dma_start3A_49 : memref<1x125x80xi32, #tpu.memory_space<hbm>> -> memref<125x80xi32, #tpu.memory_space<hbm>>
      tpu.enqueue_dma source(%dma_start3A_50 : memref<125x80xi32, #tpu.memory_space<hbm>>) target(%arg10 : memref<125x80xi32, #tpu.memory_space<vmem>>) target_semaphore(%run_scoped3A_42 : memref<!tpu.dma_semaphore, #tpu.memory_space<semaphore_mem>>)
      %dma_wait3A_51 = arith.constant 0 : i32
      %dma_wait3A_52 = arith.constant 0 : i32
      %dma_wait3A_53 = tpu.memref_slice %arg4[%add3A, %dma_wait3A_51, %dma_wait3A_52] : memref<32x125x80xi32, #tpu.memory_space<hbm>> -> memref<1x125x80xi32, #tpu.memory_space<hbm>>
      %dma_wait3A_54 = tpu.memref_squeeze %dma_wait3A_53 : memref<1x125x80xi32, #tpu.memory_space<hbm>> -> memref<125x80xi32, #tpu.memory_space<hbm>>
      %dma_wait3A_55 = arith.constant 0 : i32
      %dma_wait3A_56 = arith.constant 0 : i32
      %dma_wait3A_57 = tpu.memref_slice %arg4[%add3A, %dma_wait3A_55, %dma_wait3A_56] : memref<32x125x80xi32, #tpu.memory_space<hbm>> -> memref<1x125x80xi32, #tpu.memory_space<hbm>>
      %dma_wait3A_58 = tpu.memref_squeeze %dma_wait3A_57 : memref<1x125x80xi32, #tpu.memory_space<hbm>> -> memref<125x80xi32, #tpu.memory_space<hbm>>
      tpu.wait_dma2 semaphore(%run_scoped3A_42 : memref<!tpu.dma_semaphore, #tpu.memory_space<semaphore_mem>>) src(%dma_wait3A_58 : memref<125x80xi32, #tpu.memory_space<hbm>>) dst(%arg10 : memref<125x80xi32, #tpu.memory_space<vmem>>)
      tpu.yield
    }) : () -> ()
    %barrier3A = arith.constant 0 : index
    tpu.barrier barrier_id(%barrier3A)
    %dma_start3A = arith.constant 0 : i32
    %dma_start3A_7 = arith.constant 0 : i32
    %dma_start3A_8 = tpu.memref_slice %arg9[%dma_start3A, %dma_start3A_7] : memref<125x80xi32, #tpu.memory_space<vmem>> -> memref<1x80xi32, #tpu.memory_space<vmem>>
    %dma_start3A_9 = tpu.memref_squeeze %dma_start3A_8 : memref<1x80xi32, #tpu.memory_space<vmem>> -> memref<80xi32, #tpu.memory_space<vmem>>
    %dma_start3A_10 = arith.constant 0 : i32
    %dma_start3A_11 = arith.constant 0 : i32
    %dma_start3A_12 = tpu.memref_slice %arg2[%dma_start3A_10, %dma_start3A_11] : memref<10240x128xf32, #tpu.memory_space<hbm>> -> memref<10240x128xf32, #tpu.memory_space<hbm>>
    tpu.enqueue_indirect_dma source(%dma_start3A_12 : memref<10240x128xf32, #tpu.memory_space<hbm>>) target(%arg17 : memref<80x128xf32, #tpu.memory_space<vmem>>) offsets(%dma_start3A_9 : memref<80xi32, #tpu.memory_space<vmem>>) semaphore(%arg19 : memref<!tpu.dma_semaphore, #tpu.memory_space<semaphore_mem>>)
    %add3A_13 = arith.constant 0 : i32
    %add3A_14 = arith.addi %mul3A_2, %add3A_13 : i32
    %dma_start3A_15 = tpu.memref_slice %arg7[%add3A_14] : memref<320000xf32, #tpu.memory_space<hbm>> -> memref<80xf32, #tpu.memory_space<hbm>>
    %dma_start3A_16 = tpu.memref_slice %arg7[%add3A_14] : memref<320000xf32, #tpu.memory_space<hbm>> -> memref<80xf32, #tpu.memory_space<hbm>>
    tpu.enqueue_dma source(%dma_start3A_16 : memref<80xf32, #tpu.memory_space<hbm>>) target(%arg11 : memref<80xf32, #tpu.memory_space<vmem>>) target_semaphore(%arg22 : memref<!tpu.dma_semaphore, #tpu.memory_space<semaphore_mem>>)
    %scan3A = arith.constant 0 : i32
    %scan3A_17 = arith.constant 0 : i32
    %scan3A_18 = arith.constant 62 : i32
    %scan3A_19 = arith.addi %scan3A_17, %scan3A_18 : i32
    %scan3A_20 = arith.constant 1 : i32
    scf.for %scan3A_42 = %scan3A_17 to %scan3A_19 step %scan3A_20  : i32 {
      %mul3A_43 = arith.constant 2 : i32
      %mul3A_44 = arith.muli %scan3A_42, %mul3A_43 : i32
      %add3A_45 = arith.constant 1 : i32
      %add3A_46 = arith.addi %mul3A_44, %add3A_45 : i32
      %dma_start3A_47 = arith.constant 0 : i32
      %dma_start3A_48 = tpu.memref_slice %arg9[%add3A_46, %dma_start3A_47] : memref<125x80xi32, #tpu.memory_space<vmem>> -> memref<1x80xi32, #tpu.memory_space<vmem>>
      %dma_start3A_49 = tpu.memref_squeeze %dma_start3A_48 : memref<1x80xi32, #tpu.memory_space<vmem>> -> memref<80xi32, #tpu.memory_space<vmem>>
      %dma_start3A_50 = arith.constant 0 : i32
      %dma_start3A_51 = arith.constant 0 : i32
      %dma_start3A_52 = tpu.memref_slice %arg2[%dma_start3A_50, %dma_start3A_51] : memref<10240x128xf32, #tpu.memory_space<hbm>> -> memref<10240x128xf32, #tpu.memory_space<hbm>>
      tpu.enqueue_indirect_dma source(%dma_start3A_52 : memref<10240x128xf32, #tpu.memory_space<hbm>>) target(%arg18 : memref<80x128xf32, #tpu.memory_space<vmem>>) offsets(%dma_start3A_49 : memref<80xi32, #tpu.memory_space<vmem>>) semaphore(%arg19 : memref<!tpu.dma_semaphore, #tpu.memory_space<semaphore_mem>>)
      %mul3A_53 = arith.constant 80 : i32
      %mul3A_54 = arith.muli %add3A_46, %mul3A_53 : i32
      %add3A_55 = arith.addi %mul3A_2, %mul3A_54 : i32
      %dma_start3A_56 = tpu.memref_slice %arg7[%add3A_55] : memref<320000xf32, #tpu.memory_space<hbm>> -> memref<80xf32, #tpu.memory_space<hbm>>
      %dma_start3A_57 = tpu.memref_slice %arg7[%add3A_55] : memref<320000xf32, #tpu.memory_space<hbm>> -> memref<80xf32, #tpu.memory_space<hbm>>
      tpu.enqueue_dma source(%dma_start3A_57 : memref<80xf32, #tpu.memory_space<hbm>>) target(%arg12 : memref<80xf32, #tpu.memory_space<vmem>>) target_semaphore(%arg22 : memref<!tpu.dma_semaphore, #tpu.memory_space<semaphore_mem>>)
      %dma_wait3A_58 = arith.constant 0 : i32
      %dma_wait3A_59 = tpu.memref_slice %arg7[%dma_wait3A_58] : memref<320000xf32, #tpu.memory_space<hbm>> -> memref<80xf32, #tpu.memory_space<hbm>>
      %dma_wait3A_60 = arith.constant 0 : i32
      %dma_wait3A_61 = tpu.memref_slice %arg7[%dma_wait3A_60] : memref<320000xf32, #tpu.memory_space<hbm>> -> memref<80xf32, #tpu.memory_space<hbm>>
      tpu.wait_dma2 semaphore(%arg22 : memref<!tpu.dma_semaphore, #tpu.memory_space<semaphore_mem>>) src(%dma_wait3A_61 : memref<80xf32, #tpu.memory_space<hbm>>) dst(%arg11 : memref<80xf32, #tpu.memory_space<vmem>>)
      %dma_wait3A_62 = arith.constant 0 : i32
      %dma_wait3A_63 = arith.constant 0 : i32
      %dma_wait3A_64 = tpu.memref_slice %arg2[%dma_wait3A_62, %dma_wait3A_63] : memref<10240x128xf32, #tpu.memory_space<hbm>> -> memref<80x128xf32, #tpu.memory_space<hbm>>
      %dma_wait3A_65 = arith.constant 0 : i32
      %dma_wait3A_66 = arith.constant 0 : i32
      %dma_wait3A_67 = tpu.memref_slice %arg2[%dma_wait3A_65, %dma_wait3A_66] : memref<10240x128xf32, #tpu.memory_space<hbm>> -> memref<80x128xf32, #tpu.memory_space<hbm>>
      tpu.wait_dma2 semaphore(%arg19 : memref<!tpu.dma_semaphore, #tpu.memory_space<semaphore_mem>>) src(%dma_wait3A_67 : memref<80x128xf32, #tpu.memory_space<hbm>>) dst(%arg17 : memref<80x128xf32, #tpu.memory_space<vmem>>)
      %scan3A_68 = arith.constant 0 : i32
      %scan3A_69 = arith.constant 0 : i32
      %scan3A_70 = arith.constant 80 : i32
      %scan3A_71 = arith.addi %scan3A_69, %scan3A_70 : i32
      %scan3A_72 = arith.constant 1 : i32
      scf.for %scan3A_105 = %scan3A_69 to %scan3A_71 step %scan3A_72  : i32 {
        %broadcast_in_dim3A = vector.broadcast %scan3A_105 : i32 to vector<16xi32>
        %gather3A = tpu.vector_load_idx %arg11[%broadcast_in_dim3A] : memref<80xf32, #tpu.memory_space<vmem>>[vector<16xi32>], vector<16xf32>,
        %get3A = arith.index_cast %scan3A_105 : i32 to index
        %get3A_106 = arith.constant 0 : index
        %get3A_107 = tpu.vector_load %arg17[%get3A, %get3A_106] {strides = array<i32>} : memref<80x128xf32, #tpu.memory_space<vmem>>, vector<16xf32>,
        %mul3A_108 = arith.mulf %get3A_107, %gather3A : vector<16xf32>
        %swap3A = arith.index_cast %scan3A_105 : i32 to index
        %swap3A_109 = arith.constant 0 : index
        %swap3A_110 = tpu.vector_load %arg17[%swap3A, %swap3A_109] {strides = array<i32>} : memref<80x128xf32, #tpu.memory_space<vmem>>, vector<16xf32>,
        tpu.vector_store %arg17[%swap3A, %swap3A_109], %mul3A_108 {strides = array<i32>} : memref<80x128xf32, #tpu.memory_space<vmem>>, vector<16xf32>,
        %get3A_111 = arith.index_cast %scan3A_105 : i32 to index
        %get3A_112 = arith.constant 16 : index
        %get3A_113 = tpu.vector_load %arg17[%get3A_111, %get3A_112] {strides = array<i32>} : memref<80x128xf32, #tpu.memory_space<vmem>>, vector<16xf32>,
        %mul3A_114 = arith.mulf %get3A_113, %gather3A : vector<16xf32>
        %swap3A_115 = arith.index_cast %scan3A_105 : i32 to index
        %swap3A_116 = arith.constant 16 : index
        %swap3A_117 = tpu.vector_load %arg17[%swap3A_115, %swap3A_116] {strides = array<i32>} : memref<80x128xf32, #tpu.memory_space<vmem>>, vector<16xf32>,
        tpu.vector_store %arg17[%swap3A_115, %swap3A_116], %mul3A_114 {strides = array<i32>} : memref<80x128xf32, #tpu.memory_space<vmem>>, vector<16xf32>,
        %get3A_118 = arith.index_cast %scan3A_105 : i32 to index
        %get3A_119 = arith.constant 32 : index
        %get3A_120 = tpu.vector_load %arg17[%get3A_118, %get3A_119] {strides = array<i32>} : memref<80x128xf32, #tpu.memory_space<vmem>>, vector<16xf32>,
        %mul3A_121 = arith.mulf %get3A_120, %gather3A : vector<16xf32>
        %swap3A_122 = arith.index_cast %scan3A_105 : i32 to index
        %swap3A_123 = arith.constant 32 : index
        %swap3A_124 = tpu.vector_load %arg17[%swap3A_122, %swap3A_123] {strides = array<i32>} : memref<80x128xf32, #tpu.memory_space<vmem>>, vector<16xf32>,
        tpu.vector_store %arg17[%swap3A_122, %swap3A_123], %mul3A_121 {strides = array<i32>} : memref<80x128xf32, #tpu.memory_space<vmem>>, vector<16xf32>,
        %get3A_125 = arith.index_cast %scan3A_105 : i32 to index
        %get3A_126 = arith.constant 48 : index
        %get3A_127 = tpu.vector_load %arg17[%get3A_125, %get3A_126] {strides = array<i32>} : memref<80x128xf32, #tpu.memory_space<vmem>>, vector<16xf32>,
        %mul3A_128 = arith.mulf %get3A_127, %gather3A : vector<16xf32>
        %swap3A_129 = arith.index_cast %scan3A_105 : i32 to index
        %swap3A_130 = arith.constant 48 : index
        %swap3A_131 = tpu.vector_load %arg17[%swap3A_129, %swap3A_130] {strides = array<i32>} : memref<80x128xf32, #tpu.memory_space<vmem>>, vector<16xf32>,
        tpu.vector_store %arg17[%swap3A_129, %swap3A_130], %mul3A_128 {strides = array<i32>} : memref<80x128xf32, #tpu.memory_space<vmem>>, vector<16xf32>,
        %get3A_132 = arith.index_cast %scan3A_105 : i32 to index
        %get3A_133 = arith.constant 64 : index
        %get3A_134 = tpu.vector_load %arg17[%get3A_132, %get3A_133] {strides = array<i32>} : memref<80x128xf32, #tpu.memory_space<vmem>>, vector<16xf32>,
        %mul3A_135 = arith.mulf %get3A_134, %gather3A : vector<16xf32>
        %swap3A_136 = arith.index_cast %scan3A_105 : i32 to index
        %swap3A_137 = arith.constant 64 : index
        %swap3A_138 = tpu.vector_load %arg17[%swap3A_136, %swap3A_137] {strides = array<i32>} : memref<80x128xf32, #tpu.memory_space<vmem>>, vector<16xf32>,
        tpu.vector_store %arg17[%swap3A_136, %swap3A_137], %mul3A_135 {strides = array<i32>} : memref<80x128xf32, #tpu.memory_space<vmem>>, vector<16xf32>,
        %get3A_139 = arith.index_cast %scan3A_105 : i32 to index
        %get3A_140 = arith.constant 80 : index
        %get3A_141 = tpu.vector_load %arg17[%get3A_139, %get3A_140] {strides = array<i32>} : memref<80x128xf32, #tpu.memory_space<vmem>>, vector<16xf32>,
        %mul3A_142 = arith.mulf %get3A_141, %gather3A : vector<16xf32>
        %swap3A_143 = arith.index_cast %scan3A_105 : i32 to index
        %swap3A_144 = arith.constant 80 : index
        %swap3A_145 = tpu.vector_load %arg17[%swap3A_143, %swap3A_144] {strides = array<i32>} : memref<80x128xf32, #tpu.memory_space<vmem>>, vector<16xf32>,
        tpu.vector_store %arg17[%swap3A_143, %swap3A_144], %mul3A_142 {strides = array<i32>} : memref<80x128xf32, #tpu.memory_space<vmem>>, vector<16xf32>,
        %get3A_146 = arith.index_cast %scan3A_105 : i32 to index
        %get3A_147 = arith.constant 96 : index
        %get3A_148 = tpu.vector_load %arg17[%get3A_146, %get3A_147] {strides = array<i32>} : memref<80x128xf32, #tpu.memory_space<vmem>>, vector<16xf32>,
        %mul3A_149 = arith.mulf %get3A_148, %gather3A : vector<16xf32>
        %swap3A_150 = arith.index_cast %scan3A_105 : i32 to index
        %swap3A_151 = arith.constant 96 : index
        %swap3A_152 = tpu.vector_load %arg17[%swap3A_150, %swap3A_151] {strides = array<i32>} : memref<80x128xf32, #tpu.memory_space<vmem>>, vector<16xf32>,
        tpu.vector_store %arg17[%swap3A_150, %swap3A_151], %mul3A_149 {strides = array<i32>} : memref<80x128xf32, #tpu.memory_space<vmem>>, vector<16xf32>,
        %get3A_153 = arith.index_cast %scan3A_105 : i32 to index
        %get3A_154 = arith.constant 112 : index
        %get3A_155 = tpu.vector_load %arg17[%get3A_153, %get3A_154] {strides = array<i32>} : memref<80x128xf32, #tpu.memory_space<vmem>>, vector<16xf32>,
        %mul3A_156 = arith.mulf %get3A_155, %gather3A : vector<16xf32>
        %swap3A_157 = arith.index_cast %scan3A_105 : i32 to index
        %swap3A_158 = arith.constant 112 : index
        %swap3A_159 = tpu.vector_load %arg17[%swap3A_157, %swap3A_158] {strides = array<i32>} : memref<80x128xf32, #tpu.memory_space<vmem>>, vector<16xf32>,
        tpu.vector_store %arg17[%swap3A_157, %swap3A_158], %mul3A_156 {strides = array<i32>} : memref<80x128xf32, #tpu.memory_space<vmem>>, vector<16xf32>,
      }
      %scan3A_73 = arith.constant 80 : i32
      "tpu.region"() ({
        %run_scoped3A_105 = tpu.sem_alloc : memref<!tpu.dma_semaphore, #tpu.memory_space<semaphore_mem>>
        %dma_start3A_106 = arith.constant 0 : i32
        %dma_start3A_107 = tpu.memref_slice %arg10[%mul3A_44, %dma_start3A_106] : memref<125x80xi32, #tpu.memory_space<vmem>> -> memref<1x80xi32, #tpu.memory_space<vmem>>
        %dma_start3A_108 = tpu.memref_squeeze %dma_start3A_107 : memref<1x80xi32, #tpu.memory_space<vmem>> -> memref<80xi32, #tpu.memory_space<vmem>>
        %dma_start3A_109 = arith.constant 0 : i32
        %dma_start3A_110 = arith.constant 0 : i32
        %dma_start3A_111 = tpu.memref_slice %arg23[%dma_start3A_109, %dma_start3A_110] : memref<10240x128xf32, #tpu.memory_space<vmem_shared>> -> memref<10240x128xf32, #tpu.memory_space<vmem_shared>>
        tpu.enqueue_indirect_dma source(%arg17 : memref<80x128xf32, #tpu.memory_space<vmem>>) target(%dma_start3A_111 : memref<10240x128xf32, #tpu.memory_space<vmem_shared>>) offsets(%dma_start3A_108 : memref<80xi32, #tpu.memory_space<vmem>>) semaphore(%run_scoped3A_105 : memref<!tpu.dma_semaphore, #tpu.memory_space<semaphore_mem>>) {add = true}
        %dma_wait3A_112 = arith.constant 0 : i32
        %dma_wait3A_113 = tpu.memref_slice %arg10[%mul3A_44, %dma_wait3A_112] : memref<125x80xi32, #tpu.memory_space<vmem>> -> memref<1x80xi32, #tpu.memory_space<vmem>>
        %dma_wait3A_114 = tpu.memref_squeeze %dma_wait3A_113 : memref<1x80xi32, #tpu.memory_space<vmem>> -> memref<80xi32, #tpu.memory_space<vmem>>
        %dma_wait3A_115 = arith.constant 0 : i32
        %dma_wait3A_116 = arith.constant 0 : i32
        %dma_wait3A_117 = tpu.memref_slice %arg23[%dma_wait3A_115, %dma_wait3A_116] : memref<10240x128xf32, #tpu.memory_space<vmem_shared>> -> memref<10240x128xf32, #tpu.memory_space<vmem_shared>>
        tpu.wait_indirect_dma semaphore(%run_scoped3A_105 : memref<!tpu.dma_semaphore, #tpu.memory_space<semaphore_mem>>) src(%arg17 : memref<80x128xf32, #tpu.memory_space<vmem>>) dst(%dma_wait3A_117 : memref<10240x128xf32, #tpu.memory_space<vmem_shared>>)
        tpu.yield
      }) : () -> ()
      %add3A_74 = arith.constant 2 : i32
      %add3A_75 = arith.addi %mul3A_44, %add3A_74 : i32
      %dma_start3A_76 = arith.constant 0 : i32
      %dma_start3A_77 = tpu.memref_slice %arg9[%add3A_75, %dma_start3A_76] : memref<125x80xi32, #tpu.memory_space<vmem>> -> memref<1x80xi32, #tpu.memory_space<vmem>>
      %dma_start3A_78 = tpu.memref_squeeze %dma_start3A_77 : memref<1x80xi32, #tpu.memory_space<vmem>> -> memref<80xi32, #tpu.memory_space<vmem>>
      %dma_start3A_79 = arith.constant 0 : i32
      %dma_start3A_80 = arith.constant 0 : i32
      %dma_start3A_81 = tpu.memref_slice %arg2[%dma_start3A_79, %dma_start3A_80] : memref<10240x128xf32, #tpu.memory_space<hbm>> -> memref<10240x128xf32, #tpu.memory_space<hbm>>
      tpu.enqueue_indirect_dma source(%dma_start3A_81 : memref<10240x128xf32, #tpu.memory_space<hbm>>) target(%arg17 : memref<80x128xf32, #tpu.memory_space<vmem>>) offsets(%dma_start3A_78 : memref<80xi32, #tpu.memory_space<vmem>>) semaphore(%arg19 : memref<!tpu.dma_semaphore, #tpu.memory_space<semaphore_mem>>)
      %mul3A_82 = arith.constant 80 : i32
      %mul3A_83 = arith.muli %add3A_75, %mul3A_82 : i32
      %add3A_84 = arith.addi %mul3A_2, %mul3A_83 : i32
      %dma_start3A_85 = tpu.memref_slice %arg7[%add3A_84] : memref<320000xf32, #tpu.memory_space<hbm>> -> memref<80xf32, #tpu.memory_space<hbm>>
      %dma_start3A_86 = tpu.memref_slice %arg7[%add3A_84] : memref<320000xf32, #tpu.memory_space<hbm>> -> memref<80xf32, #tpu.memory_space<hbm>>
      tpu.enqueue_dma source(%dma_start3A_86 : memref<80xf32, #tpu.memory_space<hbm>>) target(%arg11 : memref<80xf32, #tpu.memory_space<vmem>>) target_semaphore(%arg22 : memref<!tpu.dma_semaphore, #tpu.memory_space<semaphore_mem>>)
      %add3A_87 = arith.constant 1 : i32
      %add3A_88 = arith.addi %mul3A_44, %add3A_87 : i32
      %dma_wait3A_89 = arith.constant 0 : i32
      %dma_wait3A_90 = tpu.memref_slice %arg7[%dma_wait3A_89] : memref<320000xf32, #tpu.memory_space<hbm>> -> memref<80xf32, #tpu.memory_space<hbm>>
      %dma_wait3A_91 = arith.constant 0 : i32
      %dma_wait3A_92 = tpu.memref_slice %arg7[%dma_wait3A_91] : memref<320000xf32, #tpu.memory_space<hbm>> -> memref<80xf32, #tpu.memory_space<hbm>>
      tpu.wait_dma2 semaphore(%arg22 : memref<!tpu.dma_semaphore, #tpu.memory_space<semaphore_mem>>) src(%dma_wait3A_92 : memref<80xf32, #tpu.memory_space<hbm>>) dst(%arg12 : memref<80xf32, #tpu.memory_space<vmem>>)
      %dma_wait3A_93 = arith.constant 0 : i32
      %dma_wait3A_94 = arith.constant 0 : i32
      %dma_wait3A_95 = tpu.memref_slice %arg2[%dma_wait3A_93, %dma_wait3A_94] : memref<10240x128xf32, #tpu.memory_space<hbm>> -> memref<80x128xf32, #tpu.memory_space<hbm>>
      %dma_wait3A_96 = arith.constant 0 : i32
      %dma_wait3A_97 = arith.constant 0 : i32
      %dma_wait3A_98 = tpu.memref_slice %arg2[%dma_wait3A_96, %dma_wait3A_97] : memref<10240x128xf32, #tpu.memory_space<hbm>> -> memref<80x128xf32, #tpu.memory_space<hbm>>
      tpu.wait_dma2 semaphore(%arg19 : memref<!tpu.dma_semaphore, #tpu.memory_space<semaphore_mem>>) src(%dma_wait3A_98 : memref<80x128xf32, #tpu.memory_space<hbm>>) dst(%arg18 : memref<80x128xf32, #tpu.memory_space<vmem>>)
      %scan3A_99 = arith.constant 0 : i32
      %scan3A_100 = arith.constant 0 : i32
      %scan3A_101 = arith.constant 80 : i32
      %scan3A_102 = arith.addi %scan3A_100, %scan3A_101 : i32
      %scan3A_103 = arith.constant 1 : i32
      scf.for %scan3A_105 = %scan3A_100 to %scan3A_102 step %scan3A_103  : i32 {
        %broadcast_in_dim3A = vector.broadcast %scan3A_105 : i32 to vector<16xi32>
        %gather3A = tpu.vector_load_idx %arg12[%broadcast_in_dim3A] : memref<80xf32, #tpu.memory_space<vmem>>[vector<16xi32>], vector<16xf32>,
        %get3A = arith.index_cast %scan3A_105 : i32 to index
        %get3A_106 = arith.constant 0 : index
        %get3A_107 = tpu.vector_load %arg18[%get3A, %get3A_106] {strides = array<i32>} : memref<80x128xf32, #tpu.memory_space<vmem>>, vector<16xf32>,
        %mul3A_108 = arith.mulf %get3A_107, %gather3A : vector<16xf32>
        %swap3A = arith.index_cast %scan3A_105 : i32 to index
        %swap3A_109 = arith.constant 0 : index
        %swap3A_110 = tpu.vector_load %arg18[%swap3A, %swap3A_109] {strides = array<i32>} : memref<80x128xf32, #tpu.memory_space<vmem>>, vector<16xf32>,
        tpu.vector_store %arg18[%swap3A, %swap3A_109], %mul3A_108 {strides = array<i32>} : memref<80x128xf32, #tpu.memory_space<vmem>>, vector<16xf32>,
        %get3A_111 = arith.index_cast %scan3A_105 : i32 to index
        %get3A_112 = arith.constant 16 : index
        %get3A_113 = tpu.vector_load %arg18[%get3A_111, %get3A_112] {strides = array<i32>} : memref<80x128xf32, #tpu.memory_space<vmem>>, vector<16xf32>,
        %mul3A_114 = arith.mulf %get3A_113, %gather3A : vector<16xf32>
        %swap3A_115 = arith.index_cast %scan3A_105 : i32 to index
        %swap3A_116 = arith.constant 16 : index
        %swap3A_117 = tpu.vector_load %arg18[%swap3A_115, %swap3A_116] {strides = array<i32>} : memref<80x128xf32, #tpu.memory_space<vmem>>, vector<16xf32>,
        tpu.vector_store %arg18[%swap3A_115, %swap3A_116], %mul3A_114 {strides = array<i32>} : memref<80x128xf32, #tpu.memory_space<vmem>>, vector<16xf32>,
        %get3A_118 = arith.index_cast %scan3A_105 : i32 to index
        %get3A_119 = arith.constant 32 : index
        %get3A_120 = tpu.vector_load %arg18[%get3A_118, %get3A_119] {strides = array<i32>} : memref<80x128xf32, #tpu.memory_space<vmem>>, vector<16xf32>,
        %mul3A_121 = arith.mulf %get3A_120, %gather3A : vector<16xf32>
        %swap3A_122 = arith.index_cast %scan3A_105 : i32 to index
        %swap3A_123 = arith.constant 32 : index
        %swap3A_124 = tpu.vector_load %arg18[%swap3A_122, %swap3A_123] {strides = array<i32>} : memref<80x128xf32, #tpu.memory_space<vmem>>, vector<16xf32>,
        tpu.vector_store %arg18[%swap3A_122, %swap3A_123], %mul3A_121 {strides = array<i32>} : memref<80x128xf32, #tpu.memory_space<vmem>>, vector<16xf32>,
        %get3A_125 = arith.index_cast %scan3A_105 : i32 to index
        %get3A_126 = arith.constant 48 : index
        %get3A_127 = tpu.vector_load %arg18[%get3A_125, %get3A_126] {strides = array<i32>} : memref<80x128xf32, #tpu.memory_space<vmem>>, vector<16xf32>,
        %mul3A_128 = arith.mulf %get3A_127, %gather3A : vector<16xf32>
        %swap3A_129 = arith.index_cast %scan3A_105 : i32 to index
        %swap3A_130 = arith.constant 48 : index
        %swap3A_131 = tpu.vector_load %arg18[%swap3A_129, %swap3A_130] {strides = array<i32>} : memref<80x128xf32, #tpu.memory_space<vmem>>, vector<16xf32>,
        tpu.vector_store %arg18[%swap3A_129, %swap3A_130], %mul3A_128 {strides = array<i32>} : memref<80x128xf32, #tpu.memory_space<vmem>>, vector<16xf32>,
        %get3A_132 = arith.index_cast %scan3A_105 : i32 to index
        %get3A_133 = arith.constant 64 : index
        %get3A_134 = tpu.vector_load %arg18[%get3A_132, %get3A_133] {strides = array<i32>} : memref<80x128xf32, #tpu.memory_space<vmem>>, vector<16xf32>,
        %mul3A_135 = arith.mulf %get3A_134, %gather3A : vector<16xf32>
        %swap3A_136 = arith.index_cast %scan3A_105 : i32 to index
        %swap3A_137 = arith.constant 64 : index
        %swap3A_138 = tpu.vector_load %arg18[%swap3A_136, %swap3A_137] {strides = array<i32>} : memref<80x128xf32, #tpu.memory_space<vmem>>, vector<16xf32>,
        tpu.vector_store %arg18[%swap3A_136, %swap3A_137], %mul3A_135 {strides = array<i32>} : memref<80x128xf32, #tpu.memory_space<vmem>>, vector<16xf32>,
        %get3A_139 = arith.index_cast %scan3A_105 : i32 to index
        %get3A_140 = arith.constant 80 : index
        %get3A_141 = tpu.vector_load %arg18[%get3A_139, %get3A_140] {strides = array<i32>} : memref<80x128xf32, #tpu.memory_space<vmem>>, vector<16xf32>,
        %mul3A_142 = arith.mulf %get3A_141, %gather3A : vector<16xf32>
        %swap3A_143 = arith.index_cast %scan3A_105 : i32 to index
        %swap3A_144 = arith.constant 80 : index
        %swap3A_145 = tpu.vector_load %arg18[%swap3A_143, %swap3A_144] {strides = array<i32>} : memref<80x128xf32, #tpu.memory_space<vmem>>, vector<16xf32>,
        tpu.vector_store %arg18[%swap3A_143, %swap3A_144], %mul3A_142 {strides = array<i32>} : memref<80x128xf32, #tpu.memory_space<vmem>>, vector<16xf32>,
        %get3A_146 = arith.index_cast %scan3A_105 : i32 to index
        %get3A_147 = arith.constant 96 : index
        %get3A_148 = tpu.vector_load %arg18[%get3A_146, %get3A_147] {strides = array<i32>} : memref<80x128xf32, #tpu.memory_space<vmem>>, vector<16xf32>,
        %mul3A_149 = arith.mulf %get3A_148, %gather3A : vector<16xf32>
        %swap3A_150 = arith.index_cast %scan3A_105 : i32 to index
        %swap3A_151 = arith.constant 96 : index
        %swap3A_152 = tpu.vector_load %arg18[%swap3A_150, %swap3A_151] {strides = array<i32>} : memref<80x128xf32, #tpu.memory_space<vmem>>, vector<16xf32>,
        tpu.vector_store %arg18[%swap3A_150, %swap3A_151], %mul3A_149 {strides = array<i32>} : memref<80x128xf32, #tpu.memory_space<vmem>>, vector<16xf32>,
        %get3A_153 = arith.index_cast %scan3A_105 : i32 to index
        %get3A_154 = arith.constant 112 : index
        %get3A_155 = tpu.vector_load %arg18[%get3A_153, %get3A_154] {strides = array<i32>} : memref<80x128xf32, #tpu.memory_space<vmem>>, vector<16xf32>,
        %mul3A_156 = arith.mulf %get3A_155, %gather3A : vector<16xf32>
        %swap3A_157 = arith.index_cast %scan3A_105 : i32 to index
        %swap3A_158 = arith.constant 112 : index
        %swap3A_159 = tpu.vector_load %arg18[%swap3A_157, %swap3A_158] {strides = array<i32>} : memref<80x128xf32, #tpu.memory_space<vmem>>, vector<16xf32>,
        tpu.vector_store %arg18[%swap3A_157, %swap3A_158], %mul3A_156 {strides = array<i32>} : memref<80x128xf32, #tpu.memory_space<vmem>>, vector<16xf32>,
      }
      %scan3A_104 = arith.constant 80 : i32
      "tpu.region"() ({
        %run_scoped3A_105 = tpu.sem_alloc : memref<!tpu.dma_semaphore, #tpu.memory_space<semaphore_mem>>
        %dma_start3A_106 = arith.constant 0 : i32
        %dma_start3A_107 = tpu.memref_slice %arg10[%add3A_88, %dma_start3A_106] : memref<125x80xi32, #tpu.memory_space<vmem>> -> memref<1x80xi32, #tpu.memory_space<vmem>>
        %dma_start3A_108 = tpu.memref_squeeze %dma_start3A_107 : memref<1x80xi32, #tpu.memory_space<vmem>> -> memref<80xi32, #tpu.memory_space<vmem>>
        %dma_start3A_109 = arith.constant 0 : i32
        %dma_start3A_110 = arith.constant 0 : i32
        %dma_start3A_111 = tpu.memref_slice %arg23[%dma_start3A_109, %dma_start3A_110] : memref<10240x128xf32, #tpu.memory_space<vmem_shared>> -> memref<10240x128xf32, #tpu.memory_space<vmem_shared>>
        tpu.enqueue_indirect_dma source(%arg18 : memref<80x128xf32, #tpu.memory_space<vmem>>) target(%dma_start3A_111 : memref<10240x128xf32, #tpu.memory_space<vmem_shared>>) offsets(%dma_start3A_108 : memref<80xi32, #tpu.memory_space<vmem>>) semaphore(%run_scoped3A_105 : memref<!tpu.dma_semaphore, #tpu.memory_space<semaphore_mem>>) {add = true}
        %dma_wait3A_112 = arith.constant 0 : i32
        %dma_wait3A_113 = tpu.memref_slice %arg10[%add3A_88, %dma_wait3A_112] : memref<125x80xi32, #tpu.memory_space<vmem>> -> memref<1x80xi32, #tpu.memory_space<vmem>>
        %dma_wait3A_114 = tpu.memref_squeeze %dma_wait3A_113 : memref<1x80xi32, #tpu.memory_space<vmem>> -> memref<80xi32, #tpu.memory_space<vmem>>
        %dma_wait3A_115 = arith.constant 0 : i32
        %dma_wait3A_116 = arith.constant 0 : i32
        %dma_wait3A_117 = tpu.memref_slice %arg23[%dma_wait3A_115, %dma_wait3A_116] : memref<10240x128xf32, #tpu.memory_space<vmem_shared>> -> memref<10240x128xf32, #tpu.memory_space<vmem_shared>>
        tpu.wait_indirect_dma semaphore(%run_scoped3A_105 : memref<!tpu.dma_semaphore, #tpu.memory_space<semaphore_mem>>) src(%arg18 : memref<80x128xf32, #tpu.memory_space<vmem>>) dst(%dma_wait3A_117 : memref<10240x128xf32, #tpu.memory_space<vmem_shared>>)
        tpu.yield
      }) : () -> ()
    }
    %scan3A_21 = arith.constant 62 : i32
    %dma_wait3A = arith.constant 0 : i32
    %dma_wait3A_22 = tpu.memref_slice %arg7[%dma_wait3A] : memref<320000xf32, #tpu.memory_space<hbm>> -> memref<80xf32, #tpu.memory_space<hbm>>
    %dma_wait3A_23 = arith.constant 0 : i32
    %dma_wait3A_24 = tpu.memref_slice %arg7[%dma_wait3A_23] : memref<320000xf32, #tpu.memory_space<hbm>> -> memref<80xf32, #tpu.memory_space<hbm>>
    tpu.wait_dma2 semaphore(%arg22 : memref<!tpu.dma_semaphore, #tpu.memory_space<semaphore_mem>>) src(%dma_wait3A_24 : memref<80xf32, #tpu.memory_space<hbm>>) dst(%arg11 : memref<80xf32, #tpu.memory_space<vmem>>)
    %dma_wait3A_25 = arith.constant 0 : i32
    %dma_wait3A_26 = arith.constant 0 : i32
    %dma_wait3A_27 = tpu.memref_slice %arg2[%dma_wait3A_25, %dma_wait3A_26] : memref<10240x128xf32, #tpu.memory_space<hbm>> -> memref<80x128xf32, #tpu.memory_space<hbm>>
    %dma_wait3A_28 = arith.constant 0 : i32
    %dma_wait3A_29 = arith.constant 0 : i32
    %dma_wait3A_30 = tpu.memref_slice %arg2[%dma_wait3A_28, %dma_wait3A_29] : memref<10240x128xf32, #tpu.memory_space<hbm>> -> memref<80x128xf32, #tpu.memory_space<hbm>>
    tpu.wait_dma2 semaphore(%arg19 : memref<!tpu.dma_semaphore, #tpu.memory_space<semaphore_mem>>) src(%dma_wait3A_30 : memref<80x128xf32, #tpu.memory_space<hbm>>) dst(%arg17 : memref<80x128xf32, #tpu.memory_space<vmem>>)
    %scan3A_31 = arith.constant 0 : i32
    %scan3A_32 = arith.constant 0 : i32
    %scan3A_33 = arith.constant 80 : i32
    %scan3A_34 = arith.addi %scan3A_32, %scan3A_33 : i32
    %scan3A_35 = arith.constant 1 : i32
    scf.for %scan3A_42 = %scan3A_32 to %scan3A_34 step %scan3A_35  : i32 {
      %broadcast_in_dim3A = vector.broadcast %scan3A_42 : i32 to vector<16xi32>
      %gather3A = tpu.vector_load_idx %arg11[%broadcast_in_dim3A] : memref<80xf32, #tpu.memory_space<vmem>>[vector<16xi32>], vector<16xf32>,
      %get3A = arith.index_cast %scan3A_42 : i32 to index
      %get3A_43 = arith.constant 0 : index
      %get3A_44 = tpu.vector_load %arg17[%get3A, %get3A_43] {strides = array<i32>} : memref<80x128xf32, #tpu.memory_space<vmem>>, vector<16xf32>,
      %mul3A_45 = arith.mulf %get3A_44, %gather3A : vector<16xf32>
      %swap3A = arith.index_cast %scan3A_42 : i32 to index
      %swap3A_46 = arith.constant 0 : index
      %swap3A_47 = tpu.vector_load %arg17[%swap3A, %swap3A_46] {strides = array<i32>} : memref<80x128xf32, #tpu.memory_space<vmem>>, vector<16xf32>,
      tpu.vector_store %arg17[%swap3A, %swap3A_46], %mul3A_45 {strides = array<i32>} : memref<80x128xf32, #tpu.memory_space<vmem>>, vector<16xf32>,
      %get3A_48 = arith.index_cast %scan3A_42 : i32 to index
      %get3A_49 = arith.constant 16 : index
      %get3A_50 = tpu.vector_load %arg17[%get3A_48, %get3A_49] {strides = array<i32>} : memref<80x128xf32, #tpu.memory_space<vmem>>, vector<16xf32>,
      %mul3A_51 = arith.mulf %get3A_50, %gather3A : vector<16xf32>
      %swap3A_52 = arith.index_cast %scan3A_42 : i32 to index
      %swap3A_53 = arith.constant 16 : index
      %swap3A_54 = tpu.vector_load %arg17[%swap3A_52, %swap3A_53] {strides = array<i32>} : memref<80x128xf32, #tpu.memory_space<vmem>>, vector<16xf32>,
      tpu.vector_store %arg17[%swap3A_52, %swap3A_53], %mul3A_51 {strides = array<i32>} : memref<80x128xf32, #tpu.memory_space<vmem>>, vector<16xf32>,
      %get3A_55 = arith.index_cast %scan3A_42 : i32 to index
      %get3A_56 = arith.constant 32 : index
      %get3A_57 = tpu.vector_load %arg17[%get3A_55, %get3A_56] {strides = array<i32>} : memref<80x128xf32, #tpu.memory_space<vmem>>, vector<16xf32>,
      %mul3A_58 = arith.mulf %get3A_57, %gather3A : vector<16xf32>
      %swap3A_59 = arith.index_cast %scan3A_42 : i32 to index
      %swap3A_60 = arith.constant 32 : index
      %swap3A_61 = tpu.vector_load %arg17[%swap3A_59, %swap3A_60] {strides = array<i32>} : memref<80x128xf32, #tpu.memory_space<vmem>>, vector<16xf32>,
      tpu.vector_store %arg17[%swap3A_59, %swap3A_60], %mul3A_58 {strides = array<i32>} : memref<80x128xf32, #tpu.memory_space<vmem>>, vector<16xf32>,
      %get3A_62 = arith.index_cast %scan3A_42 : i32 to index
      %get3A_63 = arith.constant 48 : index
      %get3A_64 = tpu.vector_load %arg17[%get3A_62, %get3A_63] {strides = array<i32>} : memref<80x128xf32, #tpu.memory_space<vmem>>, vector<16xf32>,
      %mul3A_65 = arith.mulf %get3A_64, %gather3A : vector<16xf32>
      %swap3A_66 = arith.index_cast %scan3A_42 : i32 to index
      %swap3A_67 = arith.constant 48 : index
      %swap3A_68 = tpu.vector_load %arg17[%swap3A_66, %swap3A_67] {strides = array<i32>} : memref<80x128xf32, #tpu.memory_space<vmem>>, vector<16xf32>,
      tpu.vector_store %arg17[%swap3A_66, %swap3A_67], %mul3A_65 {strides = array<i32>} : memref<80x128xf32, #tpu.memory_space<vmem>>, vector<16xf32>,
      %get3A_69 = arith.index_cast %scan3A_42 : i32 to index
      %get3A_70 = arith.constant 64 : index
      %get3A_71 = tpu.vector_load %arg17[%get3A_69, %get3A_70] {strides = array<i32>} : memref<80x128xf32, #tpu.memory_space<vmem>>, vector<16xf32>,
      %mul3A_72 = arith.mulf %get3A_71, %gather3A : vector<16xf32>
      %swap3A_73 = arith.index_cast %scan3A_42 : i32 to index
      %swap3A_74 = arith.constant 64 : index
      %swap3A_75 = tpu.vector_load %arg17[%swap3A_73, %swap3A_74] {strides = array<i32>} : memref<80x128xf32, #tpu.memory_space<vmem>>, vector<16xf32>,
      tpu.vector_store %arg17[%swap3A_73, %swap3A_74], %mul3A_72 {strides = array<i32>} : memref<80x128xf32, #tpu.memory_space<vmem>>, vector<16xf32>,
      %get3A_76 = arith.index_cast %scan3A_42 : i32 to index
      %get3A_77 = arith.constant 80 : index
      %get3A_78 = tpu.vector_load %arg17[%get3A_76, %get3A_77] {strides = array<i32>} : memref<80x128xf32, #tpu.memory_space<vmem>>, vector<16xf32>,
      %mul3A_79 = arith.mulf %get3A_78, %gather3A : vector<16xf32>
      %swap3A_80 = arith.index_cast %scan3A_42 : i32 to index
      %swap3A_81 = arith.constant 80 : index
      %swap3A_82 = tpu.vector_load %arg17[%swap3A_80, %swap3A_81] {strides = array<i32>} : memref<80x128xf32, #tpu.memory_space<vmem>>, vector<16xf32>,
      tpu.vector_store %arg17[%swap3A_80, %swap3A_81], %mul3A_79 {strides = array<i32>} : memref<80x128xf32, #tpu.memory_space<vmem>>, vector<16xf32>,
      %get3A_83 = arith.index_cast %scan3A_42 : i32 to index
      %get3A_84 = arith.constant 96 : index
      %get3A_85 = tpu.vector_load %arg17[%get3A_83, %get3A_84] {strides = array<i32>} : memref<80x128xf32, #tpu.memory_space<vmem>>, vector<16xf32>,
      %mul3A_86 = arith.mulf %get3A_85, %gather3A : vector<16xf32>
      %swap3A_87 = arith.index_cast %scan3A_42 : i32 to index
      %swap3A_88 = arith.constant 96 : index
      %swap3A_89 = tpu.vector_load %arg17[%swap3A_87, %swap3A_88] {strides = array<i32>} : memref<80x128xf32, #tpu.memory_space<vmem>>, vector<16xf32>,
      tpu.vector_store %arg17[%swap3A_87, %swap3A_88], %mul3A_86 {strides = array<i32>} : memref<80x128xf32, #tpu.memory_space<vmem>>, vector<16xf32>,
      %get3A_90 = arith.index_cast %scan3A_42 : i32 to index
      %get3A_91 = arith.constant 112 : index
      %get3A_92 = tpu.vector_load %arg17[%get3A_90, %get3A_91] {strides = array<i32>} : memref<80x128xf32, #tpu.memory_space<vmem>>, vector<16xf32>,
      %mul3A_93 = arith.mulf %get3A_92, %gather3A : vector<16xf32>
      %swap3A_94 = arith.index_cast %scan3A_42 : i32 to index
      %swap3A_95 = arith.constant 112 : index
      %swap3A_96 = tpu.vector_load %arg17[%swap3A_94, %swap3A_95] {strides = array<i32>} : memref<80x128xf32, #tpu.memory_space<vmem>>, vector<16xf32>,
      tpu.vector_store %arg17[%swap3A_94, %swap3A_95], %mul3A_93 {strides = array<i32>} : memref<80x128xf32, #tpu.memory_space<vmem>>, vector<16xf32>,
    }
    %scan3A_36 = arith.constant 80 : i32
    %run_scoped3A = arith.constant 124 : i32
    "tpu.region"() ({
      %run_scoped3A_42 = tpu.sem_alloc : memref<!tpu.dma_semaphore, #tpu.memory_space<semaphore_mem>>
      %dma_start3A_43 = arith.constant 0 : i32
      %dma_start3A_44 = tpu.memref_slice %arg10[%run_scoped3A, %dma_start3A_43] : memref<125x80xi32, #tpu.memory_space<vmem>> -> memref<1x80xi32, #tpu.memory_space<vmem>>
      %dma_start3A_45 = tpu.memref_squeeze %dma_start3A_44 : memref<1x80xi32, #tpu.memory_space<vmem>> -> memref<80xi32, #tpu.memory_space<vmem>>
      %dma_start3A_46 = arith.constant 0 : i32
      %dma_start3A_47 = arith.constant 0 : i32
      %dma_start3A_48 = tpu.memref_slice %arg23[%dma_start3A_46, %dma_start3A_47] : memref<10240x128xf32, #tpu.memory_space<vmem_shared>> -> memref<10240x128xf32, #tpu.memory_space<vmem_shared>>
      tpu.enqueue_indirect_dma source(%arg17 : memref<80x128xf32, #tpu.memory_space<vmem>>) target(%dma_start3A_48 : memref<10240x128xf32, #tpu.memory_space<vmem_shared>>) offsets(%dma_start3A_45 : memref<80xi32, #tpu.memory_space<vmem>>) semaphore(%run_scoped3A_42 : memref<!tpu.dma_semaphore, #tpu.memory_space<semaphore_mem>>) {add = true}
      %dma_wait3A_49 = arith.constant 0 : i32
      %dma_wait3A_50 = tpu.memref_slice %arg10[%run_scoped3A, %dma_wait3A_49] : memref<125x80xi32, #tpu.memory_space<vmem>> -> memref<1x80xi32, #tpu.memory_space<vmem>>
      %dma_wait3A_51 = tpu.memref_squeeze %dma_wait3A_50 : memref<1x80xi32, #tpu.memory_space<vmem>> -> memref<80xi32, #tpu.memory_space<vmem>>
      %dma_wait3A_52 = arith.constant 0 : i32
      %dma_wait3A_53 = arith.constant 0 : i32
      %dma_wait3A_54 = tpu.memref_slice %arg23[%dma_wait3A_52, %dma_wait3A_53] : memref<10240x128xf32, #tpu.memory_space<vmem_shared>> -> memref<10240x128xf32, #tpu.memory_space<vmem_shared>>
      tpu.wait_indirect_dma semaphore(%run_scoped3A_42 : memref<!tpu.dma_semaphore, #tpu.memory_space<semaphore_mem>>) src(%arg17 : memref<80x128xf32, #tpu.memory_space<vmem>>) dst(%dma_wait3A_54 : memref<10240x128xf32, #tpu.memory_space<vmem_shared>>)
      tpu.yield
    }) : () -> ()
    %barrier3A_37 = arith.constant 0 : index
    tpu.barrier barrier_id(%barrier3A_37)
    %mul3A_38 = arith.constant 640 : i32
    %mul3A_39 = arith.muli %arg1, %mul3A_38 : i32
    %mul3A_40 = arith.constant 640 : i32
    %mul3A_41 = arith.muli %arg1, %mul3A_40 : i32
    "tpu.region"() ({
      %run_scoped3A_42 = tpu.sem_alloc : memref<!tpu.dma_semaphore, #tpu.memory_space<semaphore_mem>>
      %dma_start3A_43 = arith.constant 0 : i32
      %dma_start3A_44 = tpu.memref_slice %arg8[%arg0, %mul3A_41, %dma_start3A_43] : memref<2x10240x128xf32, #tpu.memory_space<hbm>> -> memref<1x640x128xf32, #tpu.memory_space<hbm>>
      %dma_start3A_45 = tpu.memref_squeeze %dma_start3A_44 : memref<1x640x128xf32, #tpu.memory_space<hbm>> -> memref<640x128xf32, #tpu.memory_space<hbm>>
      %dma_start3A_46 = arith.constant 0 : i32
      %dma_start3A_47 = tpu.memref_slice %arg23[%mul3A_39, %dma_start3A_46] : memref<10240x128xf32, #tpu.memory_space<vmem_shared>> -> memref<640x128xf32, #tpu.memory_space<vmem_shared>>
      tpu.enqueue_dma source(%dma_start3A_47 : memref<640x128xf32, #tpu.memory_space<vmem_shared>>) target(%dma_start3A_45 : memref<640x128xf32, #tpu.memory_space<hbm>>) target_semaphore(%run_scoped3A_42 : memref<!tpu.dma_semaphore, #tpu.memory_space<semaphore_mem>>)
      %dma_wait3A_48 = arith.constant 0 : i32
      %dma_wait3A_49 = tpu.memref_slice %arg8[%arg0, %mul3A_41, %dma_wait3A_48] : memref<2x10240x128xf32, #tpu.memory_space<hbm>> -> memref<1x640x128xf32, #tpu.memory_space<hbm>>
      %dma_wait3A_50 = tpu.memref_squeeze %dma_wait3A_49 : memref<1x640x128xf32, #tpu.memory_space<hbm>> -> memref<640x128xf32, #tpu.memory_space<hbm>>
      %dma_wait3A_51 = arith.constant 0 : i32
      %dma_wait3A_52 = tpu.memref_slice %arg23[%mul3A_39, %dma_wait3A_51] : memref<10240x128xf32, #tpu.memory_space<vmem_shared>> -> memref<640x128xf32, #tpu.memory_space<vmem_shared>>
      tpu.wait_dma2 semaphore(%run_scoped3A_42 : memref<!tpu.dma_semaphore, #tpu.memory_space<semaphore_mem>>) src(%dma_wait3A_52 : memref<640x128xf32, #tpu.memory_space<vmem_shared>>) dst(%dma_wait3A_50 : memref<640x128xf32, #tpu.memory_space<hbm>>)
      tpu.yield
    }) : () -> ()
    return
  }
}

#map = affine_map<(d0, d1) -> (0, 0)>
#map1 = affine_map<(d0, d1) -> (0)>
#map2 = affine_map<(d0, d1) -> (0, 0, 0)>
module attributes {stable_mosaic.version = 14 : i64} {
  func.func @sc_attn_mid_128(%arg0: i32, %arg1: i32, %arg2: memref<10240x128xf32, #tpu.memory_space<hbm>>, %arg3: memref<10240xf32, #tpu.memory_space<hbm>>, %arg4: memref<10240xf32, #tpu.memory_space<hbm>>, %arg5: memref<32x125x80xi32, #tpu.memory_space<hbm>>, %arg6: memref<32x125x80xi32, #tpu.memory_space<hbm>>, %arg7: memref<640x128xf32, #tpu.memory_space<hbm>>, %arg8: memref<640xf32, #tpu.memory_space<hbm>>, %arg9: memref<2x10240x128xf32, #tpu.memory_space<hbm>>, %arg10: memref<2x1x10240xf32, #tpu.memory_space<hbm>>, %arg11: memref<125x80xi32, #tpu.memory_space<vmem>>, %arg12: memref<125x80xi32, #tpu.memory_space<vmem>>, %arg13: memref<80xf32, #tpu.memory_space<vmem>>, %arg14: memref<80xf32, #tpu.memory_space<vmem>>, %arg15: memref<80xf32, #tpu.memory_space<vmem>>, %arg16: memref<80xf32, #tpu.memory_space<vmem>>, %arg17: memref<80xf32, #tpu.memory_space<vmem>>, %arg18: memref<80xf32, #tpu.memory_space<vmem>>, %arg19: memref<80x128xf32, #tpu.memory_space<vmem>>, %arg20: memref<80x128xf32, #tpu.memory_space<vmem>>, %arg21: memref<!tpu.dma_semaphore, #tpu.memory_space<semaphore_mem>>, %arg22: memref<!tpu.dma_semaphore, #tpu.memory_space<semaphore_mem>>, %arg23: memref<!tpu.dma_semaphore, #tpu.memory_space<semaphore_mem>>, %arg24: memref<!tpu.dma_semaphore, #tpu.memory_space<semaphore_mem>>, %arg25: memref<10240x128xf32, #tpu.memory_space<vmem_shared>>, %arg26: memref<10240xf32, #tpu.memory_space<vmem_shared>>) attributes {dimension_semantics = [#tpu.dimension_semantics<core_parallel>, #tpu.dimension_semantics<subcore_parallel>], iteration_bounds = array<i64: 2, 16>, scalar_prefetch = 0 : i64, scratch_operands = 16 : i64, tpu.core_type = #tpu.core_type<sc_vector_subcore>, window_params = [{transform_indices = #map}, {transform_indices = #map1}, {transform_indices = #map1}, {transform_indices = #map2}, {transform_indices = #map2}, {transform_indices = #map}, {transform_indices = #map1}, {transform_indices = #map2}, {transform_indices = #map2}]} {
    %mul3A = arith.constant 2 : i32
    %mul3A_0 = arith.muli %arg1, %mul3A : i32
    %add3A = arith.addi %mul3A_0, %arg0 : i32
    %mul3A_1 = arith.constant 10000 : i32
    %mul3A_2 = arith.muli %add3A, %mul3A_1 : i32
    %mul3A_3 = arith.constant 640 : i32
    %mul3A_4 = arith.muli %arg1, %mul3A_3 : i32
    "tpu.region"() ({
      %run_scoped3A_130 = tpu.sem_alloc : memref<!tpu.dma_semaphore, #tpu.memory_space<semaphore_mem>>
      %dma_start3A_131 = arith.constant 0 : i32
      %dma_start3A_132 = tpu.memref_slice %arg25[%mul3A_4, %dma_start3A_131] : memref<10240x128xf32, #tpu.memory_space<vmem_shared>> -> memref<640x128xf32, #tpu.memory_space<vmem_shared>>
      tpu.enqueue_dma source(%arg7 : memref<640x128xf32, #tpu.memory_space<hbm>>) target(%dma_start3A_132 : memref<640x128xf32, #tpu.memory_space<vmem_shared>>) target_semaphore(%run_scoped3A_130 : memref<!tpu.dma_semaphore, #tpu.memory_space<semaphore_mem>>)
      %dma_wait3A_133 = arith.constant 0 : i32
      %dma_wait3A_134 = tpu.memref_slice %arg25[%mul3A_4, %dma_wait3A_133] : memref<10240x128xf32, #tpu.memory_space<vmem_shared>> -> memref<640x128xf32, #tpu.memory_space<vmem_shared>>
      tpu.wait_dma2 semaphore(%run_scoped3A_130 : memref<!tpu.dma_semaphore, #tpu.memory_space<semaphore_mem>>) src(%arg7 : memref<640x128xf32, #tpu.memory_space<hbm>>) dst(%dma_wait3A_134 : memref<640x128xf32, #tpu.memory_space<vmem_shared>>)
      tpu.yield
    }) : () -> ()
    %mul3A_5 = arith.constant 640 : i32
    %mul3A_6 = arith.muli %arg1, %mul3A_5 : i32
    "tpu.region"() ({
      %run_scoped3A_130 = tpu.sem_alloc : memref<!tpu.dma_semaphore, #tpu.memory_space<semaphore_mem>>
      %dma_start3A_131 = tpu.memref_slice %arg26[%mul3A_6] : memref<10240xf32, #tpu.memory_space<vmem_shared>> -> memref<640xf32, #tpu.memory_space<vmem_shared>>
      tpu.enqueue_dma source(%arg8 : memref<640xf32, #tpu.memory_space<hbm>>) target(%dma_start3A_131 : memref<640xf32, #tpu.memory_space<vmem_shared>>) target_semaphore(%run_scoped3A_130 : memref<!tpu.dma_semaphore, #tpu.memory_space<semaphore_mem>>)
      %dma_wait3A_132 = tpu.memref_slice %arg26[%mul3A_6] : memref<10240xf32, #tpu.memory_space<vmem_shared>> -> memref<640xf32, #tpu.memory_space<vmem_shared>>
      tpu.wait_dma2 semaphore(%run_scoped3A_130 : memref<!tpu.dma_semaphore, #tpu.memory_space<semaphore_mem>>) src(%arg8 : memref<640xf32, #tpu.memory_space<hbm>>) dst(%dma_wait3A_132 : memref<640xf32, #tpu.memory_space<vmem_shared>>)
      tpu.yield
    }) : () -> ()
    "tpu.region"() ({
      %run_scoped3A_130 = tpu.sem_alloc : memref<!tpu.dma_semaphore, #tpu.memory_space<semaphore_mem>>
      %dma_start3A_131 = arith.constant 0 : i32
      %dma_start3A_132 = arith.constant 0 : i32
      %dma_start3A_133 = tpu.memref_slice %arg5[%add3A, %dma_start3A_131, %dma_start3A_132] : memref<32x125x80xi32, #tpu.memory_space<hbm>> -> memref<1x125x80xi32, #tpu.memory_space<hbm>>
      %dma_start3A_134 = tpu.memref_squeeze %dma_start3A_133 : memref<1x125x80xi32, #tpu.memory_space<hbm>> -> memref<125x80xi32, #tpu.memory_space<hbm>>
      %dma_start3A_135 = arith.constant 0 : i32
      %dma_start3A_136 = arith.constant 0 : i32
      %dma_start3A_137 = tpu.memref_slice %arg5[%add3A, %dma_start3A_135, %dma_start3A_136] : memref<32x125x80xi32, #tpu.memory_space<hbm>> -> memref<1x125x80xi32, #tpu.memory_space<hbm>>
      %dma_start3A_138 = tpu.memref_squeeze %dma_start3A_137 : memref<1x125x80xi32, #tpu.memory_space<hbm>> -> memref<125x80xi32, #tpu.memory_space<hbm>>
      tpu.enqueue_dma source(%dma_start3A_138 : memref<125x80xi32, #tpu.memory_space<hbm>>) target(%arg11 : memref<125x80xi32, #tpu.memory_space<vmem>>) target_semaphore(%run_scoped3A_130 : memref<!tpu.dma_semaphore, #tpu.memory_space<semaphore_mem>>)
      %dma_wait3A_139 = arith.constant 0 : i32
      %dma_wait3A_140 = arith.constant 0 : i32
      %dma_wait3A_141 = tpu.memref_slice %arg5[%add3A, %dma_wait3A_139, %dma_wait3A_140] : memref<32x125x80xi32, #tpu.memory_space<hbm>> -> memref<1x125x80xi32, #tpu.memory_space<hbm>>
      %dma_wait3A_142 = tpu.memref_squeeze %dma_wait3A_141 : memref<1x125x80xi32, #tpu.memory_space<hbm>> -> memref<125x80xi32, #tpu.memory_space<hbm>>
      %dma_wait3A_143 = arith.constant 0 : i32
      %dma_wait3A_144 = arith.constant 0 : i32
      %dma_wait3A_145 = tpu.memref_slice %arg5[%add3A, %dma_wait3A_143, %dma_wait3A_144] : memref<32x125x80xi32, #tpu.memory_space<hbm>> -> memref<1x125x80xi32, #tpu.memory_space<hbm>>
      %dma_wait3A_146 = tpu.memref_squeeze %dma_wait3A_145 : memref<1x125x80xi32, #tpu.memory_space<hbm>> -> memref<125x80xi32, #tpu.memory_space<hbm>>
      tpu.wait_dma2 semaphore(%run_scoped3A_130 : memref<!tpu.dma_semaphore, #tpu.memory_space<semaphore_mem>>) src(%dma_wait3A_146 : memref<125x80xi32, #tpu.memory_space<hbm>>) dst(%arg11 : memref<125x80xi32, #tpu.memory_space<vmem>>)
      tpu.yield
    }) : () -> ()
    "tpu.region"() ({
      %run_scoped3A_130 = tpu.sem_alloc : memref<!tpu.dma_semaphore, #tpu.memory_space<semaphore_mem>>
      %dma_start3A_131 = arith.constant 0 : i32
      %dma_start3A_132 = arith.constant 0 : i32
      %dma_start3A_133 = tpu.memref_slice %arg6[%add3A, %dma_start3A_131, %dma_start3A_132] : memref<32x125x80xi32, #tpu.memory_space<hbm>> -> memref<1x125x80xi32, #tpu.memory_space<hbm>>
      %dma_start3A_134 = tpu.memref_squeeze %dma_start3A_133 : memref<1x125x80xi32, #tpu.memory_space<hbm>> -> memref<125x80xi32, #tpu.memory_space<hbm>>
      %dma_start3A_135 = arith.constant 0 : i32
      %dma_start3A_136 = arith.constant 0 : i32
      %dma_start3A_137 = tpu.memref_slice %arg6[%add3A, %dma_start3A_135, %dma_start3A_136] : memref<32x125x80xi32, #tpu.memory_space<hbm>> -> memref<1x125x80xi32, #tpu.memory_space<hbm>>
      %dma_start3A_138 = tpu.memref_squeeze %dma_start3A_137 : memref<1x125x80xi32, #tpu.memory_space<hbm>> -> memref<125x80xi32, #tpu.memory_space<hbm>>
      tpu.enqueue_dma source(%dma_start3A_138 : memref<125x80xi32, #tpu.memory_space<hbm>>) target(%arg12 : memref<125x80xi32, #tpu.memory_space<vmem>>) target_semaphore(%run_scoped3A_130 : memref<!tpu.dma_semaphore, #tpu.memory_space<semaphore_mem>>)
      %dma_wait3A_139 = arith.constant 0 : i32
      %dma_wait3A_140 = arith.constant 0 : i32
      %dma_wait3A_141 = tpu.memref_slice %arg6[%add3A, %dma_wait3A_139, %dma_wait3A_140] : memref<32x125x80xi32, #tpu.memory_space<hbm>> -> memref<1x125x80xi32, #tpu.memory_space<hbm>>
      %dma_wait3A_142 = tpu.memref_squeeze %dma_wait3A_141 : memref<1x125x80xi32, #tpu.memory_space<hbm>> -> memref<125x80xi32, #tpu.memory_space<hbm>>
      %dma_wait3A_143 = arith.constant 0 : i32
      %dma_wait3A_144 = arith.constant 0 : i32
      %dma_wait3A_145 = tpu.memref_slice %arg6[%add3A, %dma_wait3A_143, %dma_wait3A_144] : memref<32x125x80xi32, #tpu.memory_space<hbm>> -> memref<1x125x80xi32, #tpu.memory_space<hbm>>
      %dma_wait3A_146 = tpu.memref_squeeze %dma_wait3A_145 : memref<1x125x80xi32, #tpu.memory_space<hbm>> -> memref<125x80xi32, #tpu.memory_space<hbm>>
      tpu.wait_dma2 semaphore(%run_scoped3A_130 : memref<!tpu.dma_semaphore, #tpu.memory_space<semaphore_mem>>) src(%dma_wait3A_146 : memref<125x80xi32, #tpu.memory_space<hbm>>) dst(%arg12 : memref<125x80xi32, #tpu.memory_space<vmem>>)
      tpu.yield
    }) : () -> ()
    %barrier3A = arith.constant 0 : index
    tpu.barrier barrier_id(%barrier3A)
    %dma_start3A = arith.constant 0 : i32
    %dma_start3A_7 = arith.constant 0 : i32
    %dma_start3A_8 = tpu.memref_slice %arg11[%dma_start3A, %dma_start3A_7] : memref<125x80xi32, #tpu.memory_space<vmem>> -> memref<1x80xi32, #tpu.memory_space<vmem>>
    %dma_start3A_9 = tpu.memref_squeeze %dma_start3A_8 : memref<1x80xi32, #tpu.memory_space<vmem>> -> memref<80xi32, #tpu.memory_space<vmem>>
    %dma_start3A_10 = arith.constant 0 : i32
    %dma_start3A_11 = arith.constant 0 : i32
    %dma_start3A_12 = tpu.memref_slice %arg2[%dma_start3A_10, %dma_start3A_11] : memref<10240x128xf32, #tpu.memory_space<hbm>> -> memref<10240x128xf32, #tpu.memory_space<hbm>>
    tpu.enqueue_indirect_dma source(%dma_start3A_12 : memref<10240x128xf32, #tpu.memory_space<hbm>>) target(%arg19 : memref<80x128xf32, #tpu.memory_space<vmem>>) offsets(%dma_start3A_9 : memref<80xi32, #tpu.memory_space<vmem>>) semaphore(%arg21 : memref<!tpu.dma_semaphore, #tpu.memory_space<semaphore_mem>>)
    %dma_start3A_13 = arith.constant 0 : i32
    %dma_start3A_14 = arith.constant 0 : i32
    %dma_start3A_15 = tpu.memref_slice %arg11[%dma_start3A_13, %dma_start3A_14] : memref<125x80xi32, #tpu.memory_space<vmem>> -> memref<1x80xi32, #tpu.memory_space<vmem>>
    %dma_start3A_16 = tpu.memref_squeeze %dma_start3A_15 : memref<1x80xi32, #tpu.memory_space<vmem>> -> memref<80xi32, #tpu.memory_space<vmem>>
    %dma_start3A_17 = arith.constant 0 : i32
    %dma_start3A_18 = tpu.memref_slice %arg3[%dma_start3A_17] : memref<10240xf32, #tpu.memory_space<hbm>> -> memref<10240xf32, #tpu.memory_space<hbm>>
    tpu.enqueue_indirect_dma source(%dma_start3A_18 : memref<10240xf32, #tpu.memory_space<hbm>>) target(%arg15 : memref<80xf32, #tpu.memory_space<vmem>>) offsets(%dma_start3A_16 : memref<80xi32, #tpu.memory_space<vmem>>) semaphore(%arg22 : memref<!tpu.dma_semaphore, #tpu.memory_space<semaphore_mem>>)
    %dma_start3A_19 = arith.constant 0 : i32
    %dma_start3A_20 = arith.constant 0 : i32
    %dma_start3A_21 = tpu.memref_slice %arg12[%dma_start3A_19, %dma_start3A_20] : memref<125x80xi32, #tpu.memory_space<vmem>> -> memref<1x80xi32, #tpu.memory_space<vmem>>
    %dma_start3A_22 = tpu.memref_squeeze %dma_start3A_21 : memref<1x80xi32, #tpu.memory_space<vmem>> -> memref<80xi32, #tpu.memory_space<vmem>>
    %dma_start3A_23 = arith.constant 0 : i32
    %dma_start3A_24 = tpu.memref_slice %arg4[%dma_start3A_23] : memref<10240xf32, #tpu.memory_space<hbm>> -> memref<10240xf32, #tpu.memory_space<hbm>>
    tpu.enqueue_indirect_dma source(%dma_start3A_24 : memref<10240xf32, #tpu.memory_space<hbm>>) target(%arg17 : memref<80xf32, #tpu.memory_space<vmem>>) offsets(%dma_start3A_22 : memref<80xi32, #tpu.memory_space<vmem>>) semaphore(%arg23 : memref<!tpu.dma_semaphore, #tpu.memory_space<semaphore_mem>>)
    %scan3A = arith.constant 0 : i32
    %scan3A_25 = arith.constant 0 : i32
    %scan3A_26 = arith.constant 62 : i32
    %scan3A_27 = arith.addi %scan3A_25, %scan3A_26 : i32
    %scan3A_28 = arith.constant 1 : i32
    scf.for %scan3A_130 = %scan3A_25 to %scan3A_27 step %scan3A_28  : i32 {
      %mul3A_131 = arith.constant 2 : i32
      %mul3A_132 = arith.muli %scan3A_130, %mul3A_131 : i32
      %add3A_133 = arith.constant 1 : i32
      %add3A_134 = arith.addi %mul3A_132, %add3A_133 : i32
      %dma_start3A_135 = arith.constant 0 : i32
      %dma_start3A_136 = tpu.memref_slice %arg11[%add3A_134, %dma_start3A_135] : memref<125x80xi32, #tpu.memory_space<vmem>> -> memref<1x80xi32, #tpu.memory_space<vmem>>
      %dma_start3A_137 = tpu.memref_squeeze %dma_start3A_136 : memref<1x80xi32, #tpu.memory_space<vmem>> -> memref<80xi32, #tpu.memory_space<vmem>>
      %dma_start3A_138 = arith.constant 0 : i32
      %dma_start3A_139 = arith.constant 0 : i32
      %dma_start3A_140 = tpu.memref_slice %arg2[%dma_start3A_138, %dma_start3A_139] : memref<10240x128xf32, #tpu.memory_space<hbm>> -> memref<10240x128xf32, #tpu.memory_space<hbm>>
      tpu.enqueue_indirect_dma source(%dma_start3A_140 : memref<10240x128xf32, #tpu.memory_space<hbm>>) target(%arg20 : memref<80x128xf32, #tpu.memory_space<vmem>>) offsets(%dma_start3A_137 : memref<80xi32, #tpu.memory_space<vmem>>) semaphore(%arg21 : memref<!tpu.dma_semaphore, #tpu.memory_space<semaphore_mem>>)
      %dma_start3A_141 = arith.constant 0 : i32
      %dma_start3A_142 = tpu.memref_slice %arg11[%add3A_134, %dma_start3A_141] : memref<125x80xi32, #tpu.memory_space<vmem>> -> memref<1x80xi32, #tpu.memory_space<vmem>>
      %dma_start3A_143 = tpu.memref_squeeze %dma_start3A_142 : memref<1x80xi32, #tpu.memory_space<vmem>> -> memref<80xi32, #tpu.memory_space<vmem>>
      %dma_start3A_144 = arith.constant 0 : i32
      %dma_start3A_145 = tpu.memref_slice %arg3[%dma_start3A_144] : memref<10240xf32, #tpu.memory_space<hbm>> -> memref<10240xf32, #tpu.memory_space<hbm>>
      tpu.enqueue_indirect_dma source(%dma_start3A_145 : memref<10240xf32, #tpu.memory_space<hbm>>) target(%arg16 : memref<80xf32, #tpu.memory_space<vmem>>) offsets(%dma_start3A_143 : memref<80xi32, #tpu.memory_space<vmem>>) semaphore(%arg22 : memref<!tpu.dma_semaphore, #tpu.memory_space<semaphore_mem>>)
      %dma_start3A_146 = arith.constant 0 : i32
      %dma_start3A_147 = tpu.memref_slice %arg12[%add3A_134, %dma_start3A_146] : memref<125x80xi32, #tpu.memory_space<vmem>> -> memref<1x80xi32, #tpu.memory_space<vmem>>
      %dma_start3A_148 = tpu.memref_squeeze %dma_start3A_147 : memref<1x80xi32, #tpu.memory_space<vmem>> -> memref<80xi32, #tpu.memory_space<vmem>>
      %dma_start3A_149 = arith.constant 0 : i32
      %dma_start3A_150 = tpu.memref_slice %arg4[%dma_start3A_149] : memref<10240xf32, #tpu.memory_space<hbm>> -> memref<10240xf32, #tpu.memory_space<hbm>>
      tpu.enqueue_indirect_dma source(%dma_start3A_150 : memref<10240xf32, #tpu.memory_space<hbm>>) target(%arg18 : memref<80xf32, #tpu.memory_space<vmem>>) offsets(%dma_start3A_148 : memref<80xi32, #tpu.memory_space<vmem>>) semaphore(%arg23 : memref<!tpu.dma_semaphore, #tpu.memory_space<semaphore_mem>>)
      %dma_wait3A_151 = arith.constant 0 : i32
      %dma_wait3A_152 = tpu.memref_slice %arg3[%dma_wait3A_151] : memref<10240xf32, #tpu.memory_space<hbm>> -> memref<80xf32, #tpu.memory_space<hbm>>
      %dma_wait3A_153 = arith.constant 0 : i32
      %dma_wait3A_154 = tpu.memref_slice %arg3[%dma_wait3A_153] : memref<10240xf32, #tpu.memory_space<hbm>> -> memref<80xf32, #tpu.memory_space<hbm>>
      tpu.wait_dma2 semaphore(%arg22 : memref<!tpu.dma_semaphore, #tpu.memory_space<semaphore_mem>>) src(%dma_wait3A_154 : memref<80xf32, #tpu.memory_space<hbm>>) dst(%arg15 : memref<80xf32, #tpu.memory_space<vmem>>)
      %dma_wait3A_155 = arith.constant 0 : i32
      %dma_wait3A_156 = tpu.memref_slice %arg4[%dma_wait3A_155] : memref<10240xf32, #tpu.memory_space<hbm>> -> memref<80xf32, #tpu.memory_space<hbm>>
      %dma_wait3A_157 = arith.constant 0 : i32
      %dma_wait3A_158 = tpu.memref_slice %arg4[%dma_wait3A_157] : memref<10240xf32, #tpu.memory_space<hbm>> -> memref<80xf32, #tpu.memory_space<hbm>>
      tpu.wait_dma2 semaphore(%arg23 : memref<!tpu.dma_semaphore, #tpu.memory_space<semaphore_mem>>) src(%dma_wait3A_158 : memref<80xf32, #tpu.memory_space<hbm>>) dst(%arg17 : memref<80xf32, #tpu.memory_space<vmem>>)
      %get3A_159 = arith.constant 0 : index
      %get3A_160 = tpu.vector_load %arg15[%get3A_159] {strides = array<i32>} : memref<80xf32, #tpu.memory_space<vmem>>, vector<16xf32>,
      %get3A_161 = arith.constant 0 : index
      %get3A_162 = tpu.vector_load %arg17[%get3A_161] {strides = array<i32>} : memref<80xf32, #tpu.memory_space<vmem>>, vector<16xf32>,
      %add3A_163 = arith.addf %get3A_160, %get3A_162 : vector<16xf32>
      %gt3A_164 = arith.constant 0.000000e+00 : f32
      %gt3A_165 = vector.broadcast %gt3A_164 : f32 to vector<16xf32>
      %gt3A_166 = arith.cmpf ogt, %add3A_163, %gt3A_165 : vector<16xf32>
      %mul3A_167 = arith.constant 2.000000e-01 : f32
      %mul3A_168 = vector.broadcast %mul3A_167 : f32 to vector<16xf32>
      %mul3A_169 = arith.mulf %mul3A_168, %add3A_163 : vector<16xf32>
      %select_n3A_170 = arith.select %gt3A_166, %add3A_163, %mul3A_169 : vector<16xi1>, vector<16xf32>
      %exp3A_171 = math.exp %select_n3A_170 : vector<16xf32>
      %swap3A_172 = arith.constant 0 : index
      %swap3A_173 = tpu.vector_load %arg13[%swap3A_172] {strides = array<i32>} : memref<80xf32, #tpu.memory_space<vmem>>, vector<16xf32>,
      tpu.vector_store %arg13[%swap3A_172], %exp3A_171 {strides = array<i32>} : memref<80xf32, #tpu.memory_space<vmem>>, vector<16xf32>,
      %get3A_174 = arith.constant 16 : index
      %get3A_175 = tpu.vector_load %arg15[%get3A_174] {strides = array<i32>} : memref<80xf32, #tpu.memory_space<vmem>>, vector<16xf32>,
      %get3A_176 = arith.constant 16 : index
      %get3A_177 = tpu.vector_load %arg17[%get3A_176] {strides = array<i32>} : memref<80xf32, #tpu.memory_space<vmem>>, vector<16xf32>,
      %add3A_178 = arith.addf %get3A_175, %get3A_177 : vector<16xf32>
      %gt3A_179 = arith.constant 0.000000e+00 : f32
      %gt3A_180 = vector.broadcast %gt3A_179 : f32 to vector<16xf32>
      %gt3A_181 = arith.cmpf ogt, %add3A_178, %gt3A_180 : vector<16xf32>
      %mul3A_182 = arith.constant 2.000000e-01 : f32
      %mul3A_183 = vector.broadcast %mul3A_182 : f32 to vector<16xf32>
      %mul3A_184 = arith.mulf %mul3A_183, %add3A_178 : vector<16xf32>
      %select_n3A_185 = arith.select %gt3A_181, %add3A_178, %mul3A_184 : vector<16xi1>, vector<16xf32>
      %exp3A_186 = math.exp %select_n3A_185 : vector<16xf32>
      %swap3A_187 = arith.constant 16 : index
      %swap3A_188 = tpu.vector_load %arg13[%swap3A_187] {strides = array<i32>} : memref<80xf32, #tpu.memory_space<vmem>>, vector<16xf32>,
      tpu.vector_store %arg13[%swap3A_187], %exp3A_186 {strides = array<i32>} : memref<80xf32, #tpu.memory_space<vmem>>, vector<16xf32>,
      %get3A_189 = arith.constant 32 : index
      %get3A_190 = tpu.vector_load %arg15[%get3A_189] {strides = array<i32>} : memref<80xf32, #tpu.memory_space<vmem>>, vector<16xf32>,
      %get3A_191 = arith.constant 32 : index
      %get3A_192 = tpu.vector_load %arg17[%get3A_191] {strides = array<i32>} : memref<80xf32, #tpu.memory_space<vmem>>, vector<16xf32>,
      %add3A_193 = arith.addf %get3A_190, %get3A_192 : vector<16xf32>
      %gt3A_194 = arith.constant 0.000000e+00 : f32
      %gt3A_195 = vector.broadcast %gt3A_194 : f32 to vector<16xf32>
      %gt3A_196 = arith.cmpf ogt, %add3A_193, %gt3A_195 : vector<16xf32>
      %mul3A_197 = arith.constant 2.000000e-01 : f32
      %mul3A_198 = vector.broadcast %mul3A_197 : f32 to vector<16xf32>
      %mul3A_199 = arith.mulf %mul3A_198, %add3A_193 : vector<16xf32>
      %select_n3A_200 = arith.select %gt3A_196, %add3A_193, %mul3A_199 : vector<16xi1>, vector<16xf32>
      %exp3A_201 = math.exp %select_n3A_200 : vector<16xf32>
      %swap3A_202 = arith.constant 32 : index
      %swap3A_203 = tpu.vector_load %arg13[%swap3A_202] {strides = array<i32>} : memref<80xf32, #tpu.memory_space<vmem>>, vector<16xf32>,
      tpu.vector_store %arg13[%swap3A_202], %exp3A_201 {strides = array<i32>} : memref<80xf32, #tpu.memory_space<vmem>>, vector<16xf32>,
      %get3A_204 = arith.constant 48 : index
      %get3A_205 = tpu.vector_load %arg15[%get3A_204] {strides = array<i32>} : memref<80xf32, #tpu.memory_space<vmem>>, vector<16xf32>,
      %get3A_206 = arith.constant 48 : index
      %get3A_207 = tpu.vector_load %arg17[%get3A_206] {strides = array<i32>} : memref<80xf32, #tpu.memory_space<vmem>>, vector<16xf32>,
      %add3A_208 = arith.addf %get3A_205, %get3A_207 : vector<16xf32>
      %gt3A_209 = arith.constant 0.000000e+00 : f32
      %gt3A_210 = vector.broadcast %gt3A_209 : f32 to vector<16xf32>
      %gt3A_211 = arith.cmpf ogt, %add3A_208, %gt3A_210 : vector<16xf32>
      %mul3A_212 = arith.constant 2.000000e-01 : f32
      %mul3A_213 = vector.broadcast %mul3A_212 : f32 to vector<16xf32>
      %mul3A_214 = arith.mulf %mul3A_213, %add3A_208 : vector<16xf32>
      %select_n3A_215 = arith.select %gt3A_211, %add3A_208, %mul3A_214 : vector<16xi1>, vector<16xf32>
      %exp3A_216 = math.exp %select_n3A_215 : vector<16xf32>
      %swap3A_217 = arith.constant 48 : index
      %swap3A_218 = tpu.vector_load %arg13[%swap3A_217] {strides = array<i32>} : memref<80xf32, #tpu.memory_space<vmem>>, vector<16xf32>,
      tpu.vector_store %arg13[%swap3A_217], %exp3A_216 {strides = array<i32>} : memref<80xf32, #tpu.memory_space<vmem>>, vector<16xf32>,
      %get3A_219 = arith.constant 64 : index
      %get3A_220 = tpu.vector_load %arg15[%get3A_219] {strides = array<i32>} : memref<80xf32, #tpu.memory_space<vmem>>, vector<16xf32>,
      %get3A_221 = arith.constant 64 : index
      %get3A_222 = tpu.vector_load %arg17[%get3A_221] {strides = array<i32>} : memref<80xf32, #tpu.memory_space<vmem>>, vector<16xf32>,
      %add3A_223 = arith.addf %get3A_220, %get3A_222 : vector<16xf32>
      %gt3A_224 = arith.constant 0.000000e+00 : f32
      %gt3A_225 = vector.broadcast %gt3A_224 : f32 to vector<16xf32>
      %gt3A_226 = arith.cmpf ogt, %add3A_223, %gt3A_225 : vector<16xf32>
      %mul3A_227 = arith.constant 2.000000e-01 : f32
      %mul3A_228 = vector.broadcast %mul3A_227 : f32 to vector<16xf32>
      %mul3A_229 = arith.mulf %mul3A_228, %add3A_223 : vector<16xf32>
      %select_n3A_230 = arith.select %gt3A_226, %add3A_223, %mul3A_229 : vector<16xi1>, vector<16xf32>
      %exp3A_231 = math.exp %select_n3A_230 : vector<16xf32>
      %swap3A_232 = arith.constant 64 : index
      %swap3A_233 = tpu.vector_load %arg13[%swap3A_232] {strides = array<i32>} : memref<80xf32, #tpu.memory_space<vmem>>, vector<16xf32>,
      tpu.vector_store %arg13[%swap3A_232], %exp3A_231 {strides = array<i32>} : memref<80xf32, #tpu.memory_space<vmem>>, vector<16xf32>,
      "tpu.region"() ({
        %run_scoped3A_361 = tpu.sem_alloc : memref<!tpu.dma_semaphore, #tpu.memory_space<semaphore_mem>>
        %dma_start3A_362 = arith.constant 0 : i32
        %dma_start3A_363 = tpu.memref_slice %arg12[%mul3A_132, %dma_start3A_362] : memref<125x80xi32, #tpu.memory_space<vmem>> -> memref<1x80xi32, #tpu.memory_space<vmem>>
        %dma_start3A_364 = tpu.memref_squeeze %dma_start3A_363 : memref<1x80xi32, #tpu.memory_space<vmem>> -> memref<80xi32, #tpu.memory_space<vmem>>
        %dma_start3A_365 = arith.constant 0 : i32
        %dma_start3A_366 = tpu.memref_slice %arg26[%dma_start3A_365] : memref<10240xf32, #tpu.memory_space<vmem_shared>> -> memref<10240xf32, #tpu.memory_space<vmem_shared>>
        tpu.enqueue_indirect_dma source(%arg13 : memref<80xf32, #tpu.memory_space<vmem>>) target(%dma_start3A_366 : memref<10240xf32, #tpu.memory_space<vmem_shared>>) offsets(%dma_start3A_364 : memref<80xi32, #tpu.memory_space<vmem>>) semaphore(%run_scoped3A_361 : memref<!tpu.dma_semaphore, #tpu.memory_space<semaphore_mem>>) {add = true}
        %dma_wait3A_367 = arith.constant 0 : i32
        %dma_wait3A_368 = tpu.memref_slice %arg12[%mul3A_132, %dma_wait3A_367] : memref<125x80xi32, #tpu.memory_space<vmem>> -> memref<1x80xi32, #tpu.memory_space<vmem>>
        %dma_wait3A_369 = tpu.memref_squeeze %dma_wait3A_368 : memref<1x80xi32, #tpu.memory_space<vmem>> -> memref<80xi32, #tpu.memory_space<vmem>>
        %dma_wait3A_370 = arith.constant 0 : i32
        %dma_wait3A_371 = tpu.memref_slice %arg26[%dma_wait3A_370] : memref<10240xf32, #tpu.memory_space<vmem_shared>> -> memref<10240xf32, #tpu.memory_space<vmem_shared>>
        tpu.wait_indirect_dma semaphore(%run_scoped3A_361 : memref<!tpu.dma_semaphore, #tpu.memory_space<semaphore_mem>>) src(%arg13 : memref<80xf32, #tpu.memory_space<vmem>>) dst(%dma_wait3A_371 : memref<10240xf32, #tpu.memory_space<vmem_shared>>)
        tpu.yield
      }) : () -> ()
      %dma_wait3A_234 = arith.constant 0 : i32
      %dma_wait3A_235 = arith.constant 0 : i32
      %dma_wait3A_236 = tpu.memref_slice %arg2[%dma_wait3A_234, %dma_wait3A_235] : memref<10240x128xf32, #tpu.memory_space<hbm>> -> memref<80x128xf32, #tpu.memory_space<hbm>>
      %dma_wait3A_237 = arith.constant 0 : i32
      %dma_wait3A_238 = arith.constant 0 : i32
      %dma_wait3A_239 = tpu.memref_slice %arg2[%dma_wait3A_237, %dma_wait3A_238] : memref<10240x128xf32, #tpu.memory_space<hbm>> -> memref<80x128xf32, #tpu.memory_space<hbm>>
      tpu.wait_dma2 semaphore(%arg21 : memref<!tpu.dma_semaphore, #tpu.memory_space<semaphore_mem>>) src(%dma_wait3A_239 : memref<80x128xf32, #tpu.memory_space<hbm>>) dst(%arg19 : memref<80x128xf32, #tpu.memory_space<vmem>>)
      %scan3A_240 = arith.constant 0 : i32
      %scan3A_241 = arith.constant 0 : i32
      %scan3A_242 = arith.constant 80 : i32
      %scan3A_243 = arith.addi %scan3A_241, %scan3A_242 : i32
      %scan3A_244 = arith.constant 1 : i32
      scf.for %scan3A_361 = %scan3A_241 to %scan3A_243 step %scan3A_244  : i32 {
        %broadcast_in_dim3A = vector.broadcast %scan3A_361 : i32 to vector<16xi32>
        %gather3A = tpu.vector_load_idx %arg13[%broadcast_in_dim3A] : memref<80xf32, #tpu.memory_space<vmem>>[vector<16xi32>], vector<16xf32>,
        %get3A_362 = arith.index_cast %scan3A_361 : i32 to index
        %get3A_363 = arith.constant 0 : index
        %get3A_364 = tpu.vector_load %arg19[%get3A_362, %get3A_363] {strides = array<i32>} : memref<80x128xf32, #tpu.memory_space<vmem>>, vector<16xf32>,
        %mul3A_365 = arith.mulf %get3A_364, %gather3A : vector<16xf32>
        %swap3A_366 = arith.index_cast %scan3A_361 : i32 to index
        %swap3A_367 = arith.constant 0 : index
        %swap3A_368 = tpu.vector_load %arg19[%swap3A_366, %swap3A_367] {strides = array<i32>} : memref<80x128xf32, #tpu.memory_space<vmem>>, vector<16xf32>,
        tpu.vector_store %arg19[%swap3A_366, %swap3A_367], %mul3A_365 {strides = array<i32>} : memref<80x128xf32, #tpu.memory_space<vmem>>, vector<16xf32>,
        %get3A_369 = arith.index_cast %scan3A_361 : i32 to index
        %get3A_370 = arith.constant 16 : index
        %get3A_371 = tpu.vector_load %arg19[%get3A_369, %get3A_370] {strides = array<i32>} : memref<80x128xf32, #tpu.memory_space<vmem>>, vector<16xf32>,
        %mul3A_372 = arith.mulf %get3A_371, %gather3A : vector<16xf32>
        %swap3A_373 = arith.index_cast %scan3A_361 : i32 to index
        %swap3A_374 = arith.constant 16 : index
        %swap3A_375 = tpu.vector_load %arg19[%swap3A_373, %swap3A_374] {strides = array<i32>} : memref<80x128xf32, #tpu.memory_space<vmem>>, vector<16xf32>,
        tpu.vector_store %arg19[%swap3A_373, %swap3A_374], %mul3A_372 {strides = array<i32>} : memref<80x128xf32, #tpu.memory_space<vmem>>, vector<16xf32>,
        %get3A_376 = arith.index_cast %scan3A_361 : i32 to index
        %get3A_377 = arith.constant 32 : index
        %get3A_378 = tpu.vector_load %arg19[%get3A_376, %get3A_377] {strides = array<i32>} : memref<80x128xf32, #tpu.memory_space<vmem>>, vector<16xf32>,
        %mul3A_379 = arith.mulf %get3A_378, %gather3A : vector<16xf32>
        %swap3A_380 = arith.index_cast %scan3A_361 : i32 to index
        %swap3A_381 = arith.constant 32 : index
        %swap3A_382 = tpu.vector_load %arg19[%swap3A_380, %swap3A_381] {strides = array<i32>} : memref<80x128xf32, #tpu.memory_space<vmem>>, vector<16xf32>,
        tpu.vector_store %arg19[%swap3A_380, %swap3A_381], %mul3A_379 {strides = array<i32>} : memref<80x128xf32, #tpu.memory_space<vmem>>, vector<16xf32>,
        %get3A_383 = arith.index_cast %scan3A_361 : i32 to index
        %get3A_384 = arith.constant 48 : index
        %get3A_385 = tpu.vector_load %arg19[%get3A_383, %get3A_384] {strides = array<i32>} : memref<80x128xf32, #tpu.memory_space<vmem>>, vector<16xf32>,
        %mul3A_386 = arith.mulf %get3A_385, %gather3A : vector<16xf32>
        %swap3A_387 = arith.index_cast %scan3A_361 : i32 to index
        %swap3A_388 = arith.constant 48 : index
        %swap3A_389 = tpu.vector_load %arg19[%swap3A_387, %swap3A_388] {strides = array<i32>} : memref<80x128xf32, #tpu.memory_space<vmem>>, vector<16xf32>,
        tpu.vector_store %arg19[%swap3A_387, %swap3A_388], %mul3A_386 {strides = array<i32>} : memref<80x128xf32, #tpu.memory_space<vmem>>, vector<16xf32>,
        %get3A_390 = arith.index_cast %scan3A_361 : i32 to index
        %get3A_391 = arith.constant 64 : index
        %get3A_392 = tpu.vector_load %arg19[%get3A_390, %get3A_391] {strides = array<i32>} : memref<80x128xf32, #tpu.memory_space<vmem>>, vector<16xf32>,
        %mul3A_393 = arith.mulf %get3A_392, %gather3A : vector<16xf32>
        %swap3A_394 = arith.index_cast %scan3A_361 : i32 to index
        %swap3A_395 = arith.constant 64 : index
        %swap3A_396 = tpu.vector_load %arg19[%swap3A_394, %swap3A_395] {strides = array<i32>} : memref<80x128xf32, #tpu.memory_space<vmem>>, vector<16xf32>,
        tpu.vector_store %arg19[%swap3A_394, %swap3A_395], %mul3A_393 {strides = array<i32>} : memref<80x128xf32, #tpu.memory_space<vmem>>, vector<16xf32>,
        %get3A_397 = arith.index_cast %scan3A_361 : i32 to index
        %get3A_398 = arith.constant 80 : index
        %get3A_399 = tpu.vector_load %arg19[%get3A_397, %get3A_398] {strides = array<i32>} : memref<80x128xf32, #tpu.memory_space<vmem>>, vector<16xf32>,
        %mul3A_400 = arith.mulf %get3A_399, %gather3A : vector<16xf32>
        %swap3A_401 = arith.index_cast %scan3A_361 : i32 to index
        %swap3A_402 = arith.constant 80 : index
        %swap3A_403 = tpu.vector_load %arg19[%swap3A_401, %swap3A_402] {strides = array<i32>} : memref<80x128xf32, #tpu.memory_space<vmem>>, vector<16xf32>,
        tpu.vector_store %arg19[%swap3A_401, %swap3A_402], %mul3A_400 {strides = array<i32>} : memref<80x128xf32, #tpu.memory_space<vmem>>, vector<16xf32>,
        %get3A_404 = arith.index_cast %scan3A_361 : i32 to index
        %get3A_405 = arith.constant 96 : index
        %get3A_406 = tpu.vector_load %arg19[%get3A_404, %get3A_405] {strides = array<i32>} : memref<80x128xf32, #tpu.memory_space<vmem>>, vector<16xf32>,
        %mul3A_407 = arith.mulf %get3A_406, %gather3A : vector<16xf32>
        %swap3A_408 = arith.index_cast %scan3A_361 : i32 to index
        %swap3A_409 = arith.constant 96 : index
        %swap3A_410 = tpu.vector_load %arg19[%swap3A_408, %swap3A_409] {strides = array<i32>} : memref<80x128xf32, #tpu.memory_space<vmem>>, vector<16xf32>,
        tpu.vector_store %arg19[%swap3A_408, %swap3A_409], %mul3A_407 {strides = array<i32>} : memref<80x128xf32, #tpu.memory_space<vmem>>, vector<16xf32>,
        %get3A_411 = arith.index_cast %scan3A_361 : i32 to index
        %get3A_412 = arith.constant 112 : index
        %get3A_413 = tpu.vector_load %arg19[%get3A_411, %get3A_412] {strides = array<i32>} : memref<80x128xf32, #tpu.memory_space<vmem>>, vector<16xf32>,
        %mul3A_414 = arith.mulf %get3A_413, %gather3A : vector<16xf32>
        %swap3A_415 = arith.index_cast %scan3A_361 : i32 to index
        %swap3A_416 = arith.constant 112 : index
        %swap3A_417 = tpu.vector_load %arg19[%swap3A_415, %swap3A_416] {strides = array<i32>} : memref<80x128xf32, #tpu.memory_space<vmem>>, vector<16xf32>,
        tpu.vector_store %arg19[%swap3A_415, %swap3A_416], %mul3A_414 {strides = array<i32>} : memref<80x128xf32, #tpu.memory_space<vmem>>, vector<16xf32>,
      }
      %scan3A_245 = arith.constant 80 : i32
      "tpu.region"() ({
        %run_scoped3A_361 = tpu.sem_alloc : memref<!tpu.dma_semaphore, #tpu.memory_space<semaphore_mem>>
        %dma_start3A_362 = arith.constant 0 : i32
        %dma_start3A_363 = tpu.memref_slice %arg12[%mul3A_132, %dma_start3A_362] : memref<125x80xi32, #tpu.memory_space<vmem>> -> memref<1x80xi32, #tpu.memory_space<vmem>>
        %dma_start3A_364 = tpu.memref_squeeze %dma_start3A_363 : memref<1x80xi32, #tpu.memory_space<vmem>> -> memref<80xi32, #tpu.memory_space<vmem>>
        %dma_start3A_365 = arith.constant 0 : i32
        %dma_start3A_366 = arith.constant 0 : i32
        %dma_start3A_367 = tpu.memref_slice %arg25[%dma_start3A_365, %dma_start3A_366] : memref<10240x128xf32, #tpu.memory_space<vmem_shared>> -> memref<10240x128xf32, #tpu.memory_space<vmem_shared>>
        tpu.enqueue_indirect_dma source(%arg19 : memref<80x128xf32, #tpu.memory_space<vmem>>) target(%dma_start3A_367 : memref<10240x128xf32, #tpu.memory_space<vmem_shared>>) offsets(%dma_start3A_364 : memref<80xi32, #tpu.memory_space<vmem>>) semaphore(%run_scoped3A_361 : memref<!tpu.dma_semaphore, #tpu.memory_space<semaphore_mem>>) {add = true}
        %dma_wait3A_368 = arith.constant 0 : i32
        %dma_wait3A_369 = tpu.memref_slice %arg12[%mul3A_132, %dma_wait3A_368] : memref<125x80xi32, #tpu.memory_space<vmem>> -> memref<1x80xi32, #tpu.memory_space<vmem>>
        %dma_wait3A_370 = tpu.memref_squeeze %dma_wait3A_369 : memref<1x80xi32, #tpu.memory_space<vmem>> -> memref<80xi32, #tpu.memory_space<vmem>>
        %dma_wait3A_371 = arith.constant 0 : i32
        %dma_wait3A_372 = arith.constant 0 : i32
        %dma_wait3A_373 = tpu.memref_slice %arg25[%dma_wait3A_371, %dma_wait3A_372] : memref<10240x128xf32, #tpu.memory_space<vmem_shared>> -> memref<10240x128xf32, #tpu.memory_space<vmem_shared>>
        tpu.wait_indirect_dma semaphore(%run_scoped3A_361 : memref<!tpu.dma_semaphore, #tpu.memory_space<semaphore_mem>>) src(%arg19 : memref<80x128xf32, #tpu.memory_space<vmem>>) dst(%dma_wait3A_373 : memref<10240x128xf32, #tpu.memory_space<vmem_shared>>)
        tpu.yield
      }) : () -> ()
      %add3A_246 = arith.constant 2 : i32
      %add3A_247 = arith.addi %mul3A_132, %add3A_246 : i32
      %dma_start3A_248 = arith.constant 0 : i32
      %dma_start3A_249 = tpu.memref_slice %arg11[%add3A_247, %dma_start3A_248] : memref<125x80xi32, #tpu.memory_space<vmem>> -> memref<1x80xi32, #tpu.memory_space<vmem>>
      %dma_start3A_250 = tpu.memref_squeeze %dma_start3A_249 : memref<1x80xi32, #tpu.memory_space<vmem>> -> memref<80xi32, #tpu.memory_space<vmem>>
      %dma_start3A_251 = arith.constant 0 : i32
      %dma_start3A_252 = arith.constant 0 : i32
      %dma_start3A_253 = tpu.memref_slice %arg2[%dma_start3A_251, %dma_start3A_252] : memref<10240x128xf32, #tpu.memory_space<hbm>> -> memref<10240x128xf32, #tpu.memory_space<hbm>>
      tpu.enqueue_indirect_dma source(%dma_start3A_253 : memref<10240x128xf32, #tpu.memory_space<hbm>>) target(%arg19 : memref<80x128xf32, #tpu.memory_space<vmem>>) offsets(%dma_start3A_250 : memref<80xi32, #tpu.memory_space<vmem>>) semaphore(%arg21 : memref<!tpu.dma_semaphore, #tpu.memory_space<semaphore_mem>>)
      %dma_start3A_254 = arith.constant 0 : i32
      %dma_start3A_255 = tpu.memref_slice %arg11[%add3A_247, %dma_start3A_254] : memref<125x80xi32, #tpu.memory_space<vmem>> -> memref<1x80xi32, #tpu.memory_space<vmem>>
      %dma_start3A_256 = tpu.memref_squeeze %dma_start3A_255 : memref<1x80xi32, #tpu.memory_space<vmem>> -> memref<80xi32, #tpu.memory_space<vmem>>
      %dma_start3A_257 = arith.constant 0 : i32
      %dma_start3A_258 = tpu.memref_slice %arg3[%dma_start3A_257] : memref<10240xf32, #tpu.memory_space<hbm>> -> memref<10240xf32, #tpu.memory_space<hbm>>
      tpu.enqueue_indirect_dma source(%dma_start3A_258 : memref<10240xf32, #tpu.memory_space<hbm>>) target(%arg15 : memref<80xf32, #tpu.memory_space<vmem>>) offsets(%dma_start3A_256 : memref<80xi32, #tpu.memory_space<vmem>>) semaphore(%arg22 : memref<!tpu.dma_semaphore, #tpu.memory_space<semaphore_mem>>)
      %dma_start3A_259 = arith.constant 0 : i32
      %dma_start3A_260 = tpu.memref_slice %arg12[%add3A_247, %dma_start3A_259] : memref<125x80xi32, #tpu.memory_space<vmem>> -> memref<1x80xi32, #tpu.memory_space<vmem>>
      %dma_start3A_261 = tpu.memref_squeeze %dma_start3A_260 : memref<1x80xi32, #tpu.memory_space<vmem>> -> memref<80xi32, #tpu.memory_space<vmem>>
      %dma_start3A_262 = arith.constant 0 : i32
      %dma_start3A_263 = tpu.memref_slice %arg4[%dma_start3A_262] : memref<10240xf32, #tpu.memory_space<hbm>> -> memref<10240xf32, #tpu.memory_space<hbm>>
      tpu.enqueue_indirect_dma source(%dma_start3A_263 : memref<10240xf32, #tpu.memory_space<hbm>>) target(%arg17 : memref<80xf32, #tpu.memory_space<vmem>>) offsets(%dma_start3A_261 : memref<80xi32, #tpu.memory_space<vmem>>) semaphore(%arg23 : memref<!tpu.dma_semaphore, #tpu.memory_space<semaphore_mem>>)
      %add3A_264 = arith.constant 1 : i32
      %add3A_265 = arith.addi %mul3A_132, %add3A_264 : i32
      %dma_wait3A_266 = arith.constant 0 : i32
      %dma_wait3A_267 = tpu.memref_slice %arg3[%dma_wait3A_266] : memref<10240xf32, #tpu.memory_space<hbm>> -> memref<80xf32, #tpu.memory_space<hbm>>
      %dma_wait3A_268 = arith.constant 0 : i32
      %dma_wait3A_269 = tpu.memref_slice %arg3[%dma_wait3A_268] : memref<10240xf32, #tpu.memory_space<hbm>> -> memref<80xf32, #tpu.memory_space<hbm>>
      tpu.wait_dma2 semaphore(%arg22 : memref<!tpu.dma_semaphore, #tpu.memory_space<semaphore_mem>>) src(%dma_wait3A_269 : memref<80xf32, #tpu.memory_space<hbm>>) dst(%arg16 : memref<80xf32, #tpu.memory_space<vmem>>)
      %dma_wait3A_270 = arith.constant 0 : i32
      %dma_wait3A_271 = tpu.memref_slice %arg4[%dma_wait3A_270] : memref<10240xf32, #tpu.memory_space<hbm>> -> memref<80xf32, #tpu.memory_space<hbm>>
      %dma_wait3A_272 = arith.constant 0 : i32
      %dma_wait3A_273 = tpu.memref_slice %arg4[%dma_wait3A_272] : memref<10240xf32, #tpu.memory_space<hbm>> -> memref<80xf32, #tpu.memory_space<hbm>>
      tpu.wait_dma2 semaphore(%arg23 : memref<!tpu.dma_semaphore, #tpu.memory_space<semaphore_mem>>) src(%dma_wait3A_273 : memref<80xf32, #tpu.memory_space<hbm>>) dst(%arg18 : memref<80xf32, #tpu.memory_space<vmem>>)
      %get3A_274 = arith.constant 0 : index
      %get3A_275 = tpu.vector_load %arg16[%get3A_274] {strides = array<i32>} : memref<80xf32, #tpu.memory_space<vmem>>, vector<16xf32>,
      %get3A_276 = arith.constant 0 : index
      %get3A_277 = tpu.vector_load %arg18[%get3A_276] {strides = array<i32>} : memref<80xf32, #tpu.memory_space<vmem>>, vector<16xf32>,
      %add3A_278 = arith.addf %get3A_275, %get3A_277 : vector<16xf32>
      %gt3A_279 = arith.constant 0.000000e+00 : f32
      %gt3A_280 = vector.broadcast %gt3A_279 : f32 to vector<16xf32>
      %gt3A_281 = arith.cmpf ogt, %add3A_278, %gt3A_280 : vector<16xf32>
      %mul3A_282 = arith.constant 2.000000e-01 : f32
      %mul3A_283 = vector.broadcast %mul3A_282 : f32 to vector<16xf32>
      %mul3A_284 = arith.mulf %mul3A_283, %add3A_278 : vector<16xf32>
      %select_n3A_285 = arith.select %gt3A_281, %add3A_278, %mul3A_284 : vector<16xi1>, vector<16xf32>
      %exp3A_286 = math.exp %select_n3A_285 : vector<16xf32>
      %swap3A_287 = arith.constant 0 : index
      %swap3A_288 = tpu.vector_load %arg14[%swap3A_287] {strides = array<i32>} : memref<80xf32, #tpu.memory_space<vmem>>, vector<16xf32>,
      tpu.vector_store %arg14[%swap3A_287], %exp3A_286 {strides = array<i32>} : memref<80xf32, #tpu.memory_space<vmem>>, vector<16xf32>,
      %get3A_289 = arith.constant 16 : index
      %get3A_290 = tpu.vector_load %arg16[%get3A_289] {strides = array<i32>} : memref<80xf32, #tpu.memory_space<vmem>>, vector<16xf32>,
      %get3A_291 = arith.constant 16 : index
      %get3A_292 = tpu.vector_load %arg18[%get3A_291] {strides = array<i32>} : memref<80xf32, #tpu.memory_space<vmem>>, vector<16xf32>,
      %add3A_293 = arith.addf %get3A_290, %get3A_292 : vector<16xf32>
      %gt3A_294 = arith.constant 0.000000e+00 : f32
      %gt3A_295 = vector.broadcast %gt3A_294 : f32 to vector<16xf32>
      %gt3A_296 = arith.cmpf ogt, %add3A_293, %gt3A_295 : vector<16xf32>
      %mul3A_297 = arith.constant 2.000000e-01 : f32
      %mul3A_298 = vector.broadcast %mul3A_297 : f32 to vector<16xf32>
      %mul3A_299 = arith.mulf %mul3A_298, %add3A_293 : vector<16xf32>
      %select_n3A_300 = arith.select %gt3A_296, %add3A_293, %mul3A_299 : vector<16xi1>, vector<16xf32>
      %exp3A_301 = math.exp %select_n3A_300 : vector<16xf32>
      %swap3A_302 = arith.constant 16 : index
      %swap3A_303 = tpu.vector_load %arg14[%swap3A_302] {strides = array<i32>} : memref<80xf32, #tpu.memory_space<vmem>>, vector<16xf32>,
      tpu.vector_store %arg14[%swap3A_302], %exp3A_301 {strides = array<i32>} : memref<80xf32, #tpu.memory_space<vmem>>, vector<16xf32>,
      %get3A_304 = arith.constant 32 : index
      %get3A_305 = tpu.vector_load %arg16[%get3A_304] {strides = array<i32>} : memref<80xf32, #tpu.memory_space<vmem>>, vector<16xf32>,
      %get3A_306 = arith.constant 32 : index
      %get3A_307 = tpu.vector_load %arg18[%get3A_306] {strides = array<i32>} : memref<80xf32, #tpu.memory_space<vmem>>, vector<16xf32>,
      %add3A_308 = arith.addf %get3A_305, %get3A_307 : vector<16xf32>
      %gt3A_309 = arith.constant 0.000000e+00 : f32
      %gt3A_310 = vector.broadcast %gt3A_309 : f32 to vector<16xf32>
      %gt3A_311 = arith.cmpf ogt, %add3A_308, %gt3A_310 : vector<16xf32>
      %mul3A_312 = arith.constant 2.000000e-01 : f32
      %mul3A_313 = vector.broadcast %mul3A_312 : f32 to vector<16xf32>
      %mul3A_314 = arith.mulf %mul3A_313, %add3A_308 : vector<16xf32>
      %select_n3A_315 = arith.select %gt3A_311, %add3A_308, %mul3A_314 : vector<16xi1>, vector<16xf32>
      %exp3A_316 = math.exp %select_n3A_315 : vector<16xf32>
      %swap3A_317 = arith.constant 32 : index
      %swap3A_318 = tpu.vector_load %arg14[%swap3A_317] {strides = array<i32>} : memref<80xf32, #tpu.memory_space<vmem>>, vector<16xf32>,
      tpu.vector_store %arg14[%swap3A_317], %exp3A_316 {strides = array<i32>} : memref<80xf32, #tpu.memory_space<vmem>>, vector<16xf32>,
      %get3A_319 = arith.constant 48 : index
      %get3A_320 = tpu.vector_load %arg16[%get3A_319] {strides = array<i32>} : memref<80xf32, #tpu.memory_space<vmem>>, vector<16xf32>,
      %get3A_321 = arith.constant 48 : index
      %get3A_322 = tpu.vector_load %arg18[%get3A_321] {strides = array<i32>} : memref<80xf32, #tpu.memory_space<vmem>>, vector<16xf32>,
      %add3A_323 = arith.addf %get3A_320, %get3A_322 : vector<16xf32>
      %gt3A_324 = arith.constant 0.000000e+00 : f32
      %gt3A_325 = vector.broadcast %gt3A_324 : f32 to vector<16xf32>
      %gt3A_326 = arith.cmpf ogt, %add3A_323, %gt3A_325 : vector<16xf32>
      %mul3A_327 = arith.constant 2.000000e-01 : f32
      %mul3A_328 = vector.broadcast %mul3A_327 : f32 to vector<16xf32>
      %mul3A_329 = arith.mulf %mul3A_328, %add3A_323 : vector<16xf32>
      %select_n3A_330 = arith.select %gt3A_326, %add3A_323, %mul3A_329 : vector<16xi1>, vector<16xf32>
      %exp3A_331 = math.exp %select_n3A_330 : vector<16xf32>
      %swap3A_332 = arith.constant 48 : index
      %swap3A_333 = tpu.vector_load %arg14[%swap3A_332] {strides = array<i32>} : memref<80xf32, #tpu.memory_space<vmem>>, vector<16xf32>,
      tpu.vector_store %arg14[%swap3A_332], %exp3A_331 {strides = array<i32>} : memref<80xf32, #tpu.memory_space<vmem>>, vector<16xf32>,
      %get3A_334 = arith.constant 64 : index
      %get3A_335 = tpu.vector_load %arg16[%get3A_334] {strides = array<i32>} : memref<80xf32, #tpu.memory_space<vmem>>, vector<16xf32>,
      %get3A_336 = arith.constant 64 : index
      %get3A_337 = tpu.vector_load %arg18[%get3A_336] {strides = array<i32>} : memref<80xf32, #tpu.memory_space<vmem>>, vector<16xf32>,
      %add3A_338 = arith.addf %get3A_335, %get3A_337 : vector<16xf32>
      %gt3A_339 = arith.constant 0.000000e+00 : f32
      %gt3A_340 = vector.broadcast %gt3A_339 : f32 to vector<16xf32>
      %gt3A_341 = arith.cmpf ogt, %add3A_338, %gt3A_340 : vector<16xf32>
      %mul3A_342 = arith.constant 2.000000e-01 : f32
      %mul3A_343 = vector.broadcast %mul3A_342 : f32 to vector<16xf32>
      %mul3A_344 = arith.mulf %mul3A_343, %add3A_338 : vector<16xf32>
      %select_n3A_345 = arith.select %gt3A_341, %add3A_338, %mul3A_344 : vector<16xi1>, vector<16xf32>
      %exp3A_346 = math.exp %select_n3A_345 : vector<16xf32>
      %swap3A_347 = arith.constant 64 : index
      %swap3A_348 = tpu.vector_load %arg14[%swap3A_347] {strides = array<i32>} : memref<80xf32, #tpu.memory_space<vmem>>, vector<16xf32>,
      tpu.vector_store %arg14[%swap3A_347], %exp3A_346 {strides = array<i32>} : memref<80xf32, #tpu.memory_space<vmem>>, vector<16xf32>,
      "tpu.region"() ({
        %run_scoped3A_361 = tpu.sem_alloc : memref<!tpu.dma_semaphore, #tpu.memory_space<semaphore_mem>>
        %dma_start3A_362 = arith.constant 0 : i32
        %dma_start3A_363 = tpu.memref_slice %arg12[%add3A_265, %dma_start3A_362] : memref<125x80xi32, #tpu.memory_space<vmem>> -> memref<1x80xi32, #tpu.memory_space<vmem>>
        %dma_start3A_364 = tpu.memref_squeeze %dma_start3A_363 : memref<1x80xi32, #tpu.memory_space<vmem>> -> memref<80xi32, #tpu.memory_space<vmem>>
        %dma_start3A_365 = arith.constant 0 : i32
        %dma_start3A_366 = tpu.memref_slice %arg26[%dma_start3A_365] : memref<10240xf32, #tpu.memory_space<vmem_shared>> -> memref<10240xf32, #tpu.memory_space<vmem_shared>>
        tpu.enqueue_indirect_dma source(%arg14 : memref<80xf32, #tpu.memory_space<vmem>>) target(%dma_start3A_366 : memref<10240xf32, #tpu.memory_space<vmem_shared>>) offsets(%dma_start3A_364 : memref<80xi32, #tpu.memory_space<vmem>>) semaphore(%run_scoped3A_361 : memref<!tpu.dma_semaphore, #tpu.memory_space<semaphore_mem>>) {add = true}
        %dma_wait3A_367 = arith.constant 0 : i32
        %dma_wait3A_368 = tpu.memref_slice %arg12[%add3A_265, %dma_wait3A_367] : memref<125x80xi32, #tpu.memory_space<vmem>> -> memref<1x80xi32, #tpu.memory_space<vmem>>
        %dma_wait3A_369 = tpu.memref_squeeze %dma_wait3A_368 : memref<1x80xi32, #tpu.memory_space<vmem>> -> memref<80xi32, #tpu.memory_space<vmem>>
        %dma_wait3A_370 = arith.constant 0 : i32
        %dma_wait3A_371 = tpu.memref_slice %arg26[%dma_wait3A_370] : memref<10240xf32, #tpu.memory_space<vmem_shared>> -> memref<10240xf32, #tpu.memory_space<vmem_shared>>
        tpu.wait_indirect_dma semaphore(%run_scoped3A_361 : memref<!tpu.dma_semaphore, #tpu.memory_space<semaphore_mem>>) src(%arg14 : memref<80xf32, #tpu.memory_space<vmem>>) dst(%dma_wait3A_371 : memref<10240xf32, #tpu.memory_space<vmem_shared>>)
        tpu.yield
      }) : () -> ()
      %dma_wait3A_349 = arith.constant 0 : i32
      %dma_wait3A_350 = arith.constant 0 : i32
      %dma_wait3A_351 = tpu.memref_slice %arg2[%dma_wait3A_349, %dma_wait3A_350] : memref<10240x128xf32, #tpu.memory_space<hbm>> -> memref<80x128xf32, #tpu.memory_space<hbm>>
      %dma_wait3A_352 = arith.constant 0 : i32
      %dma_wait3A_353 = arith.constant 0 : i32
      %dma_wait3A_354 = tpu.memref_slice %arg2[%dma_wait3A_352, %dma_wait3A_353] : memref<10240x128xf32, #tpu.memory_space<hbm>> -> memref<80x128xf32, #tpu.memory_space<hbm>>
      tpu.wait_dma2 semaphore(%arg21 : memref<!tpu.dma_semaphore, #tpu.memory_space<semaphore_mem>>) src(%dma_wait3A_354 : memref<80x128xf32, #tpu.memory_space<hbm>>) dst(%arg20 : memref<80x128xf32, #tpu.memory_space<vmem>>)
      %scan3A_355 = arith.constant 0 : i32
      %scan3A_356 = arith.constant 0 : i32
      %scan3A_357 = arith.constant 80 : i32
      %scan3A_358 = arith.addi %scan3A_356, %scan3A_357 : i32
      %scan3A_359 = arith.constant 1 : i32
      scf.for %scan3A_361 = %scan3A_356 to %scan3A_358 step %scan3A_359  : i32 {
        %broadcast_in_dim3A = vector.broadcast %scan3A_361 : i32 to vector<16xi32>
        %gather3A = tpu.vector_load_idx %arg14[%broadcast_in_dim3A] : memref<80xf32, #tpu.memory_space<vmem>>[vector<16xi32>], vector<16xf32>,
        %get3A_362 = arith.index_cast %scan3A_361 : i32 to index
        %get3A_363 = arith.constant 0 : index
        %get3A_364 = tpu.vector_load %arg20[%get3A_362, %get3A_363] {strides = array<i32>} : memref<80x128xf32, #tpu.memory_space<vmem>>, vector<16xf32>,
        %mul3A_365 = arith.mulf %get3A_364, %gather3A : vector<16xf32>
        %swap3A_366 = arith.index_cast %scan3A_361 : i32 to index
        %swap3A_367 = arith.constant 0 : index
        %swap3A_368 = tpu.vector_load %arg20[%swap3A_366, %swap3A_367] {strides = array<i32>} : memref<80x128xf32, #tpu.memory_space<vmem>>, vector<16xf32>,
        tpu.vector_store %arg20[%swap3A_366, %swap3A_367], %mul3A_365 {strides = array<i32>} : memref<80x128xf32, #tpu.memory_space<vmem>>, vector<16xf32>,
        %get3A_369 = arith.index_cast %scan3A_361 : i32 to index
        %get3A_370 = arith.constant 16 : index
        %get3A_371 = tpu.vector_load %arg20[%get3A_369, %get3A_370] {strides = array<i32>} : memref<80x128xf32, #tpu.memory_space<vmem>>, vector<16xf32>,
        %mul3A_372 = arith.mulf %get3A_371, %gather3A : vector<16xf32>
        %swap3A_373 = arith.index_cast %scan3A_361 : i32 to index
        %swap3A_374 = arith.constant 16 : index
        %swap3A_375 = tpu.vector_load %arg20[%swap3A_373, %swap3A_374] {strides = array<i32>} : memref<80x128xf32, #tpu.memory_space<vmem>>, vector<16xf32>,
        tpu.vector_store %arg20[%swap3A_373, %swap3A_374], %mul3A_372 {strides = array<i32>} : memref<80x128xf32, #tpu.memory_space<vmem>>, vector<16xf32>,
        %get3A_376 = arith.index_cast %scan3A_361 : i32 to index
        %get3A_377 = arith.constant 32 : index
        %get3A_378 = tpu.vector_load %arg20[%get3A_376, %get3A_377] {strides = array<i32>} : memref<80x128xf32, #tpu.memory_space<vmem>>, vector<16xf32>,
        %mul3A_379 = arith.mulf %get3A_378, %gather3A : vector<16xf32>
        %swap3A_380 = arith.index_cast %scan3A_361 : i32 to index
        %swap3A_381 = arith.constant 32 : index
        %swap3A_382 = tpu.vector_load %arg20[%swap3A_380, %swap3A_381] {strides = array<i32>} : memref<80x128xf32, #tpu.memory_space<vmem>>, vector<16xf32>,
        tpu.vector_store %arg20[%swap3A_380, %swap3A_381], %mul3A_379 {strides = array<i32>} : memref<80x128xf32, #tpu.memory_space<vmem>>, vector<16xf32>,
        %get3A_383 = arith.index_cast %scan3A_361 : i32 to index
        %get3A_384 = arith.constant 48 : index
        %get3A_385 = tpu.vector_load %arg20[%get3A_383, %get3A_384] {strides = array<i32>} : memref<80x128xf32, #tpu.memory_space<vmem>>, vector<16xf32>,
        %mul3A_386 = arith.mulf %get3A_385, %gather3A : vector<16xf32>
        %swap3A_387 = arith.index_cast %scan3A_361 : i32 to index
        %swap3A_388 = arith.constant 48 : index
        %swap3A_389 = tpu.vector_load %arg20[%swap3A_387, %swap3A_388] {strides = array<i32>} : memref<80x128xf32, #tpu.memory_space<vmem>>, vector<16xf32>,
        tpu.vector_store %arg20[%swap3A_387, %swap3A_388], %mul3A_386 {strides = array<i32>} : memref<80x128xf32, #tpu.memory_space<vmem>>, vector<16xf32>,
        %get3A_390 = arith.index_cast %scan3A_361 : i32 to index
        %get3A_391 = arith.constant 64 : index
        %get3A_392 = tpu.vector_load %arg20[%get3A_390, %get3A_391] {strides = array<i32>} : memref<80x128xf32, #tpu.memory_space<vmem>>, vector<16xf32>,
        %mul3A_393 = arith.mulf %get3A_392, %gather3A : vector<16xf32>
        %swap3A_394 = arith.index_cast %scan3A_361 : i32 to index
        %swap3A_395 = arith.constant 64 : index
        %swap3A_396 = tpu.vector_load %arg20[%swap3A_394, %swap3A_395] {strides = array<i32>} : memref<80x128xf32, #tpu.memory_space<vmem>>, vector<16xf32>,
        tpu.vector_store %arg20[%swap3A_394, %swap3A_395], %mul3A_393 {strides = array<i32>} : memref<80x128xf32, #tpu.memory_space<vmem>>, vector<16xf32>,
        %get3A_397 = arith.index_cast %scan3A_361 : i32 to index
        %get3A_398 = arith.constant 80 : index
        %get3A_399 = tpu.vector_load %arg20[%get3A_397, %get3A_398] {strides = array<i32>} : memref<80x128xf32, #tpu.memory_space<vmem>>, vector<16xf32>,
        %mul3A_400 = arith.mulf %get3A_399, %gather3A : vector<16xf32>
        %swap3A_401 = arith.index_cast %scan3A_361 : i32 to index
        %swap3A_402 = arith.constant 80 : index
        %swap3A_403 = tpu.vector_load %arg20[%swap3A_401, %swap3A_402] {strides = array<i32>} : memref<80x128xf32, #tpu.memory_space<vmem>>, vector<16xf32>,
        tpu.vector_store %arg20[%swap3A_401, %swap3A_402], %mul3A_400 {strides = array<i32>} : memref<80x128xf32, #tpu.memory_space<vmem>>, vector<16xf32>,
        %get3A_404 = arith.index_cast %scan3A_361 : i32 to index
        %get3A_405 = arith.constant 96 : index
        %get3A_406 = tpu.vector_load %arg20[%get3A_404, %get3A_405] {strides = array<i32>} : memref<80x128xf32, #tpu.memory_space<vmem>>, vector<16xf32>,
        %mul3A_407 = arith.mulf %get3A_406, %gather3A : vector<16xf32>
        %swap3A_408 = arith.index_cast %scan3A_361 : i32 to index
        %swap3A_409 = arith.constant 96 : index
        %swap3A_410 = tpu.vector_load %arg20[%swap3A_408, %swap3A_409] {strides = array<i32>} : memref<80x128xf32, #tpu.memory_space<vmem>>, vector<16xf32>,
        tpu.vector_store %arg20[%swap3A_408, %swap3A_409], %mul3A_407 {strides = array<i32>} : memref<80x128xf32, #tpu.memory_space<vmem>>, vector<16xf32>,
        %get3A_411 = arith.index_cast %scan3A_361 : i32 to index
        %get3A_412 = arith.constant 112 : index
        %get3A_413 = tpu.vector_load %arg20[%get3A_411, %get3A_412] {strides = array<i32>} : memref<80x128xf32, #tpu.memory_space<vmem>>, vector<16xf32>,
        %mul3A_414 = arith.mulf %get3A_413, %gather3A : vector<16xf32>
        %swap3A_415 = arith.index_cast %scan3A_361 : i32 to index
        %swap3A_416 = arith.constant 112 : index
        %swap3A_417 = tpu.vector_load %arg20[%swap3A_415, %swap3A_416] {strides = array<i32>} : memref<80x128xf32, #tpu.memory_space<vmem>>, vector<16xf32>,
        tpu.vector_store %arg20[%swap3A_415, %swap3A_416], %mul3A_414 {strides = array<i32>} : memref<80x128xf32, #tpu.memory_space<vmem>>, vector<16xf32>,
      }
      %scan3A_360 = arith.constant 80 : i32
      "tpu.region"() ({
        %run_scoped3A_361 = tpu.sem_alloc : memref<!tpu.dma_semaphore, #tpu.memory_space<semaphore_mem>>
        %dma_start3A_362 = arith.constant 0 : i32
        %dma_start3A_363 = tpu.memref_slice %arg12[%add3A_265, %dma_start3A_362] : memref<125x80xi32, #tpu.memory_space<vmem>> -> memref<1x80xi32, #tpu.memory_space<vmem>>
        %dma_start3A_364 = tpu.memref_squeeze %dma_start3A_363 : memref<1x80xi32, #tpu.memory_space<vmem>> -> memref<80xi32, #tpu.memory_space<vmem>>
        %dma_start3A_365 = arith.constant 0 : i32
        %dma_start3A_366 = arith.constant 0 : i32
        %dma_start3A_367 = tpu.memref_slice %arg25[%dma_start3A_365, %dma_start3A_366] : memref<10240x128xf32, #tpu.memory_space<vmem_shared>> -> memref<10240x128xf32, #tpu.memory_space<vmem_shared>>
        tpu.enqueue_indirect_dma source(%arg20 : memref<80x128xf32, #tpu.memory_space<vmem>>) target(%dma_start3A_367 : memref<10240x128xf32, #tpu.memory_space<vmem_shared>>) offsets(%dma_start3A_364 : memref<80xi32, #tpu.memory_space<vmem>>) semaphore(%run_scoped3A_361 : memref<!tpu.dma_semaphore, #tpu.memory_space<semaphore_mem>>) {add = true}
        %dma_wait3A_368 = arith.constant 0 : i32
        %dma_wait3A_369 = tpu.memref_slice %arg12[%add3A_265, %dma_wait3A_368] : memref<125x80xi32, #tpu.memory_space<vmem>> -> memref<1x80xi32, #tpu.memory_space<vmem>>
        %dma_wait3A_370 = tpu.memref_squeeze %dma_wait3A_369 : memref<1x80xi32, #tpu.memory_space<vmem>> -> memref<80xi32, #tpu.memory_space<vmem>>
        %dma_wait3A_371 = arith.constant 0 : i32
        %dma_wait3A_372 = arith.constant 0 : i32
        %dma_wait3A_373 = tpu.memref_slice %arg25[%dma_wait3A_371, %dma_wait3A_372] : memref<10240x128xf32, #tpu.memory_space<vmem_shared>> -> memref<10240x128xf32, #tpu.memory_space<vmem_shared>>
        tpu.wait_indirect_dma semaphore(%run_scoped3A_361 : memref<!tpu.dma_semaphore, #tpu.memory_space<semaphore_mem>>) src(%arg20 : memref<80x128xf32, #tpu.memory_space<vmem>>) dst(%dma_wait3A_373 : memref<10240x128xf32, #tpu.memory_space<vmem_shared>>)
        tpu.yield
      }) : () -> ()
    }
    %scan3A_29 = arith.constant 62 : i32
    %dma_wait3A = arith.constant 0 : i32
    %dma_wait3A_30 = tpu.memref_slice %arg3[%dma_wait3A] : memref<10240xf32, #tpu.memory_space<hbm>> -> memref<80xf32, #tpu.memory_space<hbm>>
    %dma_wait3A_31 = arith.constant 0 : i32
    %dma_wait3A_32 = tpu.memref_slice %arg3[%dma_wait3A_31] : memref<10240xf32, #tpu.memory_space<hbm>> -> memref<80xf32, #tpu.memory_space<hbm>>
    tpu.wait_dma2 semaphore(%arg22 : memref<!tpu.dma_semaphore, #tpu.memory_space<semaphore_mem>>) src(%dma_wait3A_32 : memref<80xf32, #tpu.memory_space<hbm>>) dst(%arg15 : memref<80xf32, #tpu.memory_space<vmem>>)
    %dma_wait3A_33 = arith.constant 0 : i32
    %dma_wait3A_34 = tpu.memref_slice %arg4[%dma_wait3A_33] : memref<10240xf32, #tpu.memory_space<hbm>> -> memref<80xf32, #tpu.memory_space<hbm>>
    %dma_wait3A_35 = arith.constant 0 : i32
    %dma_wait3A_36 = tpu.memref_slice %arg4[%dma_wait3A_35] : memref<10240xf32, #tpu.memory_space<hbm>> -> memref<80xf32, #tpu.memory_space<hbm>>
    tpu.wait_dma2 semaphore(%arg23 : memref<!tpu.dma_semaphore, #tpu.memory_space<semaphore_mem>>) src(%dma_wait3A_36 : memref<80xf32, #tpu.memory_space<hbm>>) dst(%arg17 : memref<80xf32, #tpu.memory_space<vmem>>)
    %get3A = arith.constant 0 : index
    %get3A_37 = tpu.vector_load %arg15[%get3A] {strides = array<i32>} : memref<80xf32, #tpu.memory_space<vmem>>, vector<16xf32>,
    %get3A_38 = arith.constant 0 : index
    %get3A_39 = tpu.vector_load %arg17[%get3A_38] {strides = array<i32>} : memref<80xf32, #tpu.memory_space<vmem>>, vector<16xf32>,
    %add3A_40 = arith.addf %get3A_37, %get3A_39 : vector<16xf32>
    %gt3A = arith.constant 0.000000e+00 : f32
    %gt3A_41 = vector.broadcast %gt3A : f32 to vector<16xf32>
    %gt3A_42 = arith.cmpf ogt, %add3A_40, %gt3A_41 : vector<16xf32>
    %mul3A_43 = arith.constant 2.000000e-01 : f32
    %mul3A_44 = vector.broadcast %mul3A_43 : f32 to vector<16xf32>
    %mul3A_45 = arith.mulf %mul3A_44, %add3A_40 : vector<16xf32>
    %select_n3A = arith.select %gt3A_42, %add3A_40, %mul3A_45 : vector<16xi1>, vector<16xf32>
    %exp3A = math.exp %select_n3A : vector<16xf32>
    %swap3A = arith.constant 0 : index
    %swap3A_46 = tpu.vector_load %arg13[%swap3A] {strides = array<i32>} : memref<80xf32, #tpu.memory_space<vmem>>, vector<16xf32>,
    tpu.vector_store %arg13[%swap3A], %exp3A {strides = array<i32>} : memref<80xf32, #tpu.memory_space<vmem>>, vector<16xf32>,
    %get3A_47 = arith.constant 16 : index
    %get3A_48 = tpu.vector_load %arg15[%get3A_47] {strides = array<i32>} : memref<80xf32, #tpu.memory_space<vmem>>, vector<16xf32>,
    %get3A_49 = arith.constant 16 : index
    %get3A_50 = tpu.vector_load %arg17[%get3A_49] {strides = array<i32>} : memref<80xf32, #tpu.memory_space<vmem>>, vector<16xf32>,
    %add3A_51 = arith.addf %get3A_48, %get3A_50 : vector<16xf32>
    %gt3A_52 = arith.constant 0.000000e+00 : f32
    %gt3A_53 = vector.broadcast %gt3A_52 : f32 to vector<16xf32>
    %gt3A_54 = arith.cmpf ogt, %add3A_51, %gt3A_53 : vector<16xf32>
    %mul3A_55 = arith.constant 2.000000e-01 : f32
    %mul3A_56 = vector.broadcast %mul3A_55 : f32 to vector<16xf32>
    %mul3A_57 = arith.mulf %mul3A_56, %add3A_51 : vector<16xf32>
    %select_n3A_58 = arith.select %gt3A_54, %add3A_51, %mul3A_57 : vector<16xi1>, vector<16xf32>
    %exp3A_59 = math.exp %select_n3A_58 : vector<16xf32>
    %swap3A_60 = arith.constant 16 : index
    %swap3A_61 = tpu.vector_load %arg13[%swap3A_60] {strides = array<i32>} : memref<80xf32, #tpu.memory_space<vmem>>, vector<16xf32>,
    tpu.vector_store %arg13[%swap3A_60], %exp3A_59 {strides = array<i32>} : memref<80xf32, #tpu.memory_space<vmem>>, vector<16xf32>,
    %get3A_62 = arith.constant 32 : index
    %get3A_63 = tpu.vector_load %arg15[%get3A_62] {strides = array<i32>} : memref<80xf32, #tpu.memory_space<vmem>>, vector<16xf32>,
    %get3A_64 = arith.constant 32 : index
    %get3A_65 = tpu.vector_load %arg17[%get3A_64] {strides = array<i32>} : memref<80xf32, #tpu.memory_space<vmem>>, vector<16xf32>,
    %add3A_66 = arith.addf %get3A_63, %get3A_65 : vector<16xf32>
    %gt3A_67 = arith.constant 0.000000e+00 : f32
    %gt3A_68 = vector.broadcast %gt3A_67 : f32 to vector<16xf32>
    %gt3A_69 = arith.cmpf ogt, %add3A_66, %gt3A_68 : vector<16xf32>
    %mul3A_70 = arith.constant 2.000000e-01 : f32
    %mul3A_71 = vector.broadcast %mul3A_70 : f32 to vector<16xf32>
    %mul3A_72 = arith.mulf %mul3A_71, %add3A_66 : vector<16xf32>
    %select_n3A_73 = arith.select %gt3A_69, %add3A_66, %mul3A_72 : vector<16xi1>, vector<16xf32>
    %exp3A_74 = math.exp %select_n3A_73 : vector<16xf32>
    %swap3A_75 = arith.constant 32 : index
    %swap3A_76 = tpu.vector_load %arg13[%swap3A_75] {strides = array<i32>} : memref<80xf32, #tpu.memory_space<vmem>>, vector<16xf32>,
    tpu.vector_store %arg13[%swap3A_75], %exp3A_74 {strides = array<i32>} : memref<80xf32, #tpu.memory_space<vmem>>, vector<16xf32>,
    %get3A_77 = arith.constant 48 : index
    %get3A_78 = tpu.vector_load %arg15[%get3A_77] {strides = array<i32>} : memref<80xf32, #tpu.memory_space<vmem>>, vector<16xf32>,
    %get3A_79 = arith.constant 48 : index
    %get3A_80 = tpu.vector_load %arg17[%get3A_79] {strides = array<i32>} : memref<80xf32, #tpu.memory_space<vmem>>, vector<16xf32>,
    %add3A_81 = arith.addf %get3A_78, %get3A_80 : vector<16xf32>
    %gt3A_82 = arith.constant 0.000000e+00 : f32
    %gt3A_83 = vector.broadcast %gt3A_82 : f32 to vector<16xf32>
    %gt3A_84 = arith.cmpf ogt, %add3A_81, %gt3A_83 : vector<16xf32>
    %mul3A_85 = arith.constant 2.000000e-01 : f32
    %mul3A_86 = vector.broadcast %mul3A_85 : f32 to vector<16xf32>
    %mul3A_87 = arith.mulf %mul3A_86, %add3A_81 : vector<16xf32>
    %select_n3A_88 = arith.select %gt3A_84, %add3A_81, %mul3A_87 : vector<16xi1>, vector<16xf32>
    %exp3A_89 = math.exp %select_n3A_88 : vector<16xf32>
    %swap3A_90 = arith.constant 48 : index
    %swap3A_91 = tpu.vector_load %arg13[%swap3A_90] {strides = array<i32>} : memref<80xf32, #tpu.memory_space<vmem>>, vector<16xf32>,
    tpu.vector_store %arg13[%swap3A_90], %exp3A_89 {strides = array<i32>} : memref<80xf32, #tpu.memory_space<vmem>>, vector<16xf32>,
    %get3A_92 = arith.constant 64 : index
    %get3A_93 = tpu.vector_load %arg15[%get3A_92] {strides = array<i32>} : memref<80xf32, #tpu.memory_space<vmem>>, vector<16xf32>,
    %get3A_94 = arith.constant 64 : index
    %get3A_95 = tpu.vector_load %arg17[%get3A_94] {strides = array<i32>} : memref<80xf32, #tpu.memory_space<vmem>>, vector<16xf32>,
    %add3A_96 = arith.addf %get3A_93, %get3A_95 : vector<16xf32>
    %gt3A_97 = arith.constant 0.000000e+00 : f32
    %gt3A_98 = vector.broadcast %gt3A_97 : f32 to vector<16xf32>
    %gt3A_99 = arith.cmpf ogt, %add3A_96, %gt3A_98 : vector<16xf32>
    %mul3A_100 = arith.constant 2.000000e-01 : f32
    %mul3A_101 = vector.broadcast %mul3A_100 : f32 to vector<16xf32>
    %mul3A_102 = arith.mulf %mul3A_101, %add3A_96 : vector<16xf32>
    %select_n3A_103 = arith.select %gt3A_99, %add3A_96, %mul3A_102 : vector<16xi1>, vector<16xf32>
    %exp3A_104 = math.exp %select_n3A_103 : vector<16xf32>
    %swap3A_105 = arith.constant 64 : index
    %swap3A_106 = tpu.vector_load %arg13[%swap3A_105] {strides = array<i32>} : memref<80xf32, #tpu.memory_space<vmem>>, vector<16xf32>,
    tpu.vector_store %arg13[%swap3A_105], %exp3A_104 {strides = array<i32>} : memref<80xf32, #tpu.memory_space<vmem>>, vector<16xf32>,
    %run_scoped3A = arith.constant 124 : i32
    "tpu.region"() ({
      %run_scoped3A_130 = tpu.sem_alloc : memref<!tpu.dma_semaphore, #tpu.memory_space<semaphore_mem>>
      %dma_start3A_131 = arith.constant 0 : i32
      %dma_start3A_132 = tpu.memref_slice %arg12[%run_scoped3A, %dma_start3A_131] : memref<125x80xi32, #tpu.memory_space<vmem>> -> memref<1x80xi32, #tpu.memory_space<vmem>>
      %dma_start3A_133 = tpu.memref_squeeze %dma_start3A_132 : memref<1x80xi32, #tpu.memory_space<vmem>> -> memref<80xi32, #tpu.memory_space<vmem>>
      %dma_start3A_134 = arith.constant 0 : i32
      %dma_start3A_135 = tpu.memref_slice %arg26[%dma_start3A_134] : memref<10240xf32, #tpu.memory_space<vmem_shared>> -> memref<10240xf32, #tpu.memory_space<vmem_shared>>
      tpu.enqueue_indirect_dma source(%arg13 : memref<80xf32, #tpu.memory_space<vmem>>) target(%dma_start3A_135 : memref<10240xf32, #tpu.memory_space<vmem_shared>>) offsets(%dma_start3A_133 : memref<80xi32, #tpu.memory_space<vmem>>) semaphore(%run_scoped3A_130 : memref<!tpu.dma_semaphore, #tpu.memory_space<semaphore_mem>>) {add = true}
      %dma_wait3A_136 = arith.constant 0 : i32
      %dma_wait3A_137 = tpu.memref_slice %arg12[%run_scoped3A, %dma_wait3A_136] : memref<125x80xi32, #tpu.memory_space<vmem>> -> memref<1x80xi32, #tpu.memory_space<vmem>>
      %dma_wait3A_138 = tpu.memref_squeeze %dma_wait3A_137 : memref<1x80xi32, #tpu.memory_space<vmem>> -> memref<80xi32, #tpu.memory_space<vmem>>
      %dma_wait3A_139 = arith.constant 0 : i32
      %dma_wait3A_140 = tpu.memref_slice %arg26[%dma_wait3A_139] : memref<10240xf32, #tpu.memory_space<vmem_shared>> -> memref<10240xf32, #tpu.memory_space<vmem_shared>>
      tpu.wait_indirect_dma semaphore(%run_scoped3A_130 : memref<!tpu.dma_semaphore, #tpu.memory_space<semaphore_mem>>) src(%arg13 : memref<80xf32, #tpu.memory_space<vmem>>) dst(%dma_wait3A_140 : memref<10240xf32, #tpu.memory_space<vmem_shared>>)
      tpu.yield
    }) : () -> ()
    %dma_wait3A_107 = arith.constant 0 : i32
    %dma_wait3A_108 = arith.constant 0 : i32
    %dma_wait3A_109 = tpu.memref_slice %arg2[%dma_wait3A_107, %dma_wait3A_108] : memref<10240x128xf32, #tpu.memory_space<hbm>> -> memref<80x128xf32, #tpu.memory_space<hbm>>
    %dma_wait3A_110 = arith.constant 0 : i32
    %dma_wait3A_111 = arith.constant 0 : i32
    %dma_wait3A_112 = tpu.memref_slice %arg2[%dma_wait3A_110, %dma_wait3A_111] : memref<10240x128xf32, #tpu.memory_space<hbm>> -> memref<80x128xf32, #tpu.memory_space<hbm>>
    tpu.wait_dma2 semaphore(%arg21 : memref<!tpu.dma_semaphore, #tpu.memory_space<semaphore_mem>>) src(%dma_wait3A_112 : memref<80x128xf32, #tpu.memory_space<hbm>>) dst(%arg19 : memref<80x128xf32, #tpu.memory_space<vmem>>)
    %scan3A_113 = arith.constant 0 : i32
    %scan3A_114 = arith.constant 0 : i32
    %scan3A_115 = arith.constant 80 : i32
    %scan3A_116 = arith.addi %scan3A_114, %scan3A_115 : i32
    %scan3A_117 = arith.constant 1 : i32
    scf.for %scan3A_130 = %scan3A_114 to %scan3A_116 step %scan3A_117  : i32 {
      %broadcast_in_dim3A = vector.broadcast %scan3A_130 : i32 to vector<16xi32>
      %gather3A = tpu.vector_load_idx %arg13[%broadcast_in_dim3A] : memref<80xf32, #tpu.memory_space<vmem>>[vector<16xi32>], vector<16xf32>,
      %get3A_131 = arith.index_cast %scan3A_130 : i32 to index
      %get3A_132 = arith.constant 0 : index
      %get3A_133 = tpu.vector_load %arg19[%get3A_131, %get3A_132] {strides = array<i32>} : memref<80x128xf32, #tpu.memory_space<vmem>>, vector<16xf32>,
      %mul3A_134 = arith.mulf %get3A_133, %gather3A : vector<16xf32>
      %swap3A_135 = arith.index_cast %scan3A_130 : i32 to index
      %swap3A_136 = arith.constant 0 : index
      %swap3A_137 = tpu.vector_load %arg19[%swap3A_135, %swap3A_136] {strides = array<i32>} : memref<80x128xf32, #tpu.memory_space<vmem>>, vector<16xf32>,
      tpu.vector_store %arg19[%swap3A_135, %swap3A_136], %mul3A_134 {strides = array<i32>} : memref<80x128xf32, #tpu.memory_space<vmem>>, vector<16xf32>,
      %get3A_138 = arith.index_cast %scan3A_130 : i32 to index
      %get3A_139 = arith.constant 16 : index
      %get3A_140 = tpu.vector_load %arg19[%get3A_138, %get3A_139] {strides = array<i32>} : memref<80x128xf32, #tpu.memory_space<vmem>>, vector<16xf32>,
      %mul3A_141 = arith.mulf %get3A_140, %gather3A : vector<16xf32>
      %swap3A_142 = arith.index_cast %scan3A_130 : i32 to index
      %swap3A_143 = arith.constant 16 : index
      %swap3A_144 = tpu.vector_load %arg19[%swap3A_142, %swap3A_143] {strides = array<i32>} : memref<80x128xf32, #tpu.memory_space<vmem>>, vector<16xf32>,
      tpu.vector_store %arg19[%swap3A_142, %swap3A_143], %mul3A_141 {strides = array<i32>} : memref<80x128xf32, #tpu.memory_space<vmem>>, vector<16xf32>,
      %get3A_145 = arith.index_cast %scan3A_130 : i32 to index
      %get3A_146 = arith.constant 32 : index
      %get3A_147 = tpu.vector_load %arg19[%get3A_145, %get3A_146] {strides = array<i32>} : memref<80x128xf32, #tpu.memory_space<vmem>>, vector<16xf32>,
      %mul3A_148 = arith.mulf %get3A_147, %gather3A : vector<16xf32>
      %swap3A_149 = arith.index_cast %scan3A_130 : i32 to index
      %swap3A_150 = arith.constant 32 : index
      %swap3A_151 = tpu.vector_load %arg19[%swap3A_149, %swap3A_150] {strides = array<i32>} : memref<80x128xf32, #tpu.memory_space<vmem>>, vector<16xf32>,
      tpu.vector_store %arg19[%swap3A_149, %swap3A_150], %mul3A_148 {strides = array<i32>} : memref<80x128xf32, #tpu.memory_space<vmem>>, vector<16xf32>,
      %get3A_152 = arith.index_cast %scan3A_130 : i32 to index
      %get3A_153 = arith.constant 48 : index
      %get3A_154 = tpu.vector_load %arg19[%get3A_152, %get3A_153] {strides = array<i32>} : memref<80x128xf32, #tpu.memory_space<vmem>>, vector<16xf32>,
      %mul3A_155 = arith.mulf %get3A_154, %gather3A : vector<16xf32>
      %swap3A_156 = arith.index_cast %scan3A_130 : i32 to index
      %swap3A_157 = arith.constant 48 : index
      %swap3A_158 = tpu.vector_load %arg19[%swap3A_156, %swap3A_157] {strides = array<i32>} : memref<80x128xf32, #tpu.memory_space<vmem>>, vector<16xf32>,
      tpu.vector_store %arg19[%swap3A_156, %swap3A_157], %mul3A_155 {strides = array<i32>} : memref<80x128xf32, #tpu.memory_space<vmem>>, vector<16xf32>,
      %get3A_159 = arith.index_cast %scan3A_130 : i32 to index
      %get3A_160 = arith.constant 64 : index
      %get3A_161 = tpu.vector_load %arg19[%get3A_159, %get3A_160] {strides = array<i32>} : memref<80x128xf32, #tpu.memory_space<vmem>>, vector<16xf32>,
      %mul3A_162 = arith.mulf %get3A_161, %gather3A : vector<16xf32>
      %swap3A_163 = arith.index_cast %scan3A_130 : i32 to index
      %swap3A_164 = arith.constant 64 : index
      %swap3A_165 = tpu.vector_load %arg19[%swap3A_163, %swap3A_164] {strides = array<i32>} : memref<80x128xf32, #tpu.memory_space<vmem>>, vector<16xf32>,
      tpu.vector_store %arg19[%swap3A_163, %swap3A_164], %mul3A_162 {strides = array<i32>} : memref<80x128xf32, #tpu.memory_space<vmem>>, vector<16xf32>,
      %get3A_166 = arith.index_cast %scan3A_130 : i32 to index
      %get3A_167 = arith.constant 80 : index
      %get3A_168 = tpu.vector_load %arg19[%get3A_166, %get3A_167] {strides = array<i32>} : memref<80x128xf32, #tpu.memory_space<vmem>>, vector<16xf32>,
      %mul3A_169 = arith.mulf %get3A_168, %gather3A : vector<16xf32>
      %swap3A_170 = arith.index_cast %scan3A_130 : i32 to index
      %swap3A_171 = arith.constant 80 : index
      %swap3A_172 = tpu.vector_load %arg19[%swap3A_170, %swap3A_171] {strides = array<i32>} : memref<80x128xf32, #tpu.memory_space<vmem>>, vector<16xf32>,
      tpu.vector_store %arg19[%swap3A_170, %swap3A_171], %mul3A_169 {strides = array<i32>} : memref<80x128xf32, #tpu.memory_space<vmem>>, vector<16xf32>,
      %get3A_173 = arith.index_cast %scan3A_130 : i32 to index
      %get3A_174 = arith.constant 96 : index
      %get3A_175 = tpu.vector_load %arg19[%get3A_173, %get3A_174] {strides = array<i32>} : memref<80x128xf32, #tpu.memory_space<vmem>>, vector<16xf32>,
      %mul3A_176 = arith.mulf %get3A_175, %gather3A : vector<16xf32>
      %swap3A_177 = arith.index_cast %scan3A_130 : i32 to index
      %swap3A_178 = arith.constant 96 : index
      %swap3A_179 = tpu.vector_load %arg19[%swap3A_177, %swap3A_178] {strides = array<i32>} : memref<80x128xf32, #tpu.memory_space<vmem>>, vector<16xf32>,
      tpu.vector_store %arg19[%swap3A_177, %swap3A_178], %mul3A_176 {strides = array<i32>} : memref<80x128xf32, #tpu.memory_space<vmem>>, vector<16xf32>,
      %get3A_180 = arith.index_cast %scan3A_130 : i32 to index
      %get3A_181 = arith.constant 112 : index
      %get3A_182 = tpu.vector_load %arg19[%get3A_180, %get3A_181] {strides = array<i32>} : memref<80x128xf32, #tpu.memory_space<vmem>>, vector<16xf32>,
      %mul3A_183 = arith.mulf %get3A_182, %gather3A : vector<16xf32>
      %swap3A_184 = arith.index_cast %scan3A_130 : i32 to index
      %swap3A_185 = arith.constant 112 : index
      %swap3A_186 = tpu.vector_load %arg19[%swap3A_184, %swap3A_185] {strides = array<i32>} : memref<80x128xf32, #tpu.memory_space<vmem>>, vector<16xf32>,
      tpu.vector_store %arg19[%swap3A_184, %swap3A_185], %mul3A_183 {strides = array<i32>} : memref<80x128xf32, #tpu.memory_space<vmem>>, vector<16xf32>,
    }
    %scan3A_118 = arith.constant 80 : i32
    %run_scoped3A_119 = arith.constant 124 : i32
    "tpu.region"() ({
      %run_scoped3A_130 = tpu.sem_alloc : memref<!tpu.dma_semaphore, #tpu.memory_space<semaphore_mem>>
      %dma_start3A_131 = arith.constant 0 : i32
      %dma_start3A_132 = tpu.memref_slice %arg12[%run_scoped3A_119, %dma_start3A_131] : memref<125x80xi32, #tpu.memory_space<vmem>> -> memref<1x80xi32, #tpu.memory_space<vmem>>
      %dma_start3A_133 = tpu.memref_squeeze %dma_start3A_132 : memref<1x80xi32, #tpu.memory_space<vmem>> -> memref<80xi32, #tpu.memory_space<vmem>>
      %dma_start3A_134 = arith.constant 0 : i32
      %dma_start3A_135 = arith.constant 0 : i32
      %dma_start3A_136 = tpu.memref_slice %arg25[%dma_start3A_134, %dma_start3A_135] : memref<10240x128xf32, #tpu.memory_space<vmem_shared>> -> memref<10240x128xf32, #tpu.memory_space<vmem_shared>>
      tpu.enqueue_indirect_dma source(%arg19 : memref<80x128xf32, #tpu.memory_space<vmem>>) target(%dma_start3A_136 : memref<10240x128xf32, #tpu.memory_space<vmem_shared>>) offsets(%dma_start3A_133 : memref<80xi32, #tpu.memory_space<vmem>>) semaphore(%run_scoped3A_130 : memref<!tpu.dma_semaphore, #tpu.memory_space<semaphore_mem>>) {add = true}
      %dma_wait3A_137 = arith.constant 0 : i32
      %dma_wait3A_138 = tpu.memref_slice %arg12[%run_scoped3A_119, %dma_wait3A_137] : memref<125x80xi32, #tpu.memory_space<vmem>> -> memref<1x80xi32, #tpu.memory_space<vmem>>
      %dma_wait3A_139 = tpu.memref_squeeze %dma_wait3A_138 : memref<1x80xi32, #tpu.memory_space<vmem>> -> memref<80xi32, #tpu.memory_space<vmem>>
      %dma_wait3A_140 = arith.constant 0 : i32
      %dma_wait3A_141 = arith.constant 0 : i32
      %dma_wait3A_142 = tpu.memref_slice %arg25[%dma_wait3A_140, %dma_wait3A_141] : memref<10240x128xf32, #tpu.memory_space<vmem_shared>> -> memref<10240x128xf32, #tpu.memory_space<vmem_shared>>
      tpu.wait_indirect_dma semaphore(%run_scoped3A_130 : memref<!tpu.dma_semaphore, #tpu.memory_space<semaphore_mem>>) src(%arg19 : memref<80x128xf32, #tpu.memory_space<vmem>>) dst(%dma_wait3A_142 : memref<10240x128xf32, #tpu.memory_space<vmem_shared>>)
      tpu.yield
    }) : () -> ()
    %barrier3A_120 = arith.constant 0 : index
    tpu.barrier barrier_id(%barrier3A_120)
    %mul3A_121 = arith.constant 640 : i32
    %mul3A_122 = arith.muli %arg1, %mul3A_121 : i32
    %mul3A_123 = arith.constant 640 : i32
    %mul3A_124 = arith.muli %arg1, %mul3A_123 : i32
    "tpu.region"() ({
      %run_scoped3A_130 = tpu.sem_alloc : memref<!tpu.dma_semaphore, #tpu.memory_space<semaphore_mem>>
      %dma_start3A_131 = arith.constant 0 : i32
      %dma_start3A_132 = tpu.memref_slice %arg9[%arg0, %mul3A_124, %dma_start3A_131] : memref<2x10240x128xf32, #tpu.memory_space<hbm>> -> memref<1x640x128xf32, #tpu.memory_space<hbm>>
      %dma_start3A_133 = tpu.memref_squeeze %dma_start3A_132 : memref<1x640x128xf32, #tpu.memory_space<hbm>> -> memref<640x128xf32, #tpu.memory_space<hbm>>
      %dma_start3A_134 = arith.constant 0 : i32
      %dma_start3A_135 = tpu.memref_slice %arg25[%mul3A_122, %dma_start3A_134] : memref<10240x128xf32, #tpu.memory_space<vmem_shared>> -> memref<640x128xf32, #tpu.memory_space<vmem_shared>>
      tpu.enqueue_dma source(%dma_start3A_135 : memref<640x128xf32, #tpu.memory_space<vmem_shared>>) target(%dma_start3A_133 : memref<640x128xf32, #tpu.memory_space<hbm>>) target_semaphore(%run_scoped3A_130 : memref<!tpu.dma_semaphore, #tpu.memory_space<semaphore_mem>>)
      %dma_wait3A_136 = arith.constant 0 : i32
      %dma_wait3A_137 = tpu.memref_slice %arg9[%arg0, %mul3A_124, %dma_wait3A_136] : memref<2x10240x128xf32, #tpu.memory_space<hbm>> -> memref<1x640x128xf32, #tpu.memory_space<hbm>>
      %dma_wait3A_138 = tpu.memref_squeeze %dma_wait3A_137 : memref<1x640x128xf32, #tpu.memory_space<hbm>> -> memref<640x128xf32, #tpu.memory_space<hbm>>
      %dma_wait3A_139 = arith.constant 0 : i32
      %dma_wait3A_140 = tpu.memref_slice %arg25[%mul3A_122, %dma_wait3A_139] : memref<10240x128xf32, #tpu.memory_space<vmem_shared>> -> memref<640x128xf32, #tpu.memory_space<vmem_shared>>
      tpu.wait_dma2 semaphore(%run_scoped3A_130 : memref<!tpu.dma_semaphore, #tpu.memory_space<semaphore_mem>>) src(%dma_wait3A_140 : memref<640x128xf32, #tpu.memory_space<vmem_shared>>) dst(%dma_wait3A_138 : memref<640x128xf32, #tpu.memory_space<hbm>>)
      tpu.yield
    }) : () -> ()
    %mul3A_125 = arith.constant 640 : i32
    %mul3A_126 = arith.muli %arg1, %mul3A_125 : i32
    %mul3A_127 = arith.constant 640 : i32
    %mul3A_128 = arith.muli %arg1, %mul3A_127 : i32
    %run_scoped3A_129 = arith.constant 0 : i32
    "tpu.region"() ({
      %run_scoped3A_130 = tpu.sem_alloc : memref<!tpu.dma_semaphore, #tpu.memory_space<semaphore_mem>>
      %dma_start3A_131 = tpu.memref_slice %arg10[%arg0, %run_scoped3A_129, %mul3A_128] : memref<2x1x10240xf32, #tpu.memory_space<hbm>> -> memref<1x1x640xf32, #tpu.memory_space<hbm>>
      %dma_start3A_132 = tpu.memref_squeeze %dma_start3A_131 : memref<1x1x640xf32, #tpu.memory_space<hbm>> -> memref<640xf32, #tpu.memory_space<hbm>>
      %dma_start3A_133 = tpu.memref_slice %arg26[%mul3A_126] : memref<10240xf32, #tpu.memory_space<vmem_shared>> -> memref<640xf32, #tpu.memory_space<vmem_shared>>
      tpu.enqueue_dma source(%dma_start3A_133 : memref<640xf32, #tpu.memory_space<vmem_shared>>) target(%dma_start3A_132 : memref<640xf32, #tpu.memory_space<hbm>>) target_semaphore(%run_scoped3A_130 : memref<!tpu.dma_semaphore, #tpu.memory_space<semaphore_mem>>)
      %dma_wait3A_134 = tpu.memref_slice %arg10[%arg0, %run_scoped3A_129, %mul3A_128] : memref<2x1x10240xf32, #tpu.memory_space<hbm>> -> memref<1x1x640xf32, #tpu.memory_space<hbm>>
      %dma_wait3A_135 = tpu.memref_squeeze %dma_wait3A_134 : memref<1x1x640xf32, #tpu.memory_space<hbm>> -> memref<640xf32, #tpu.memory_space<hbm>>
      %dma_wait3A_136 = tpu.memref_slice %arg26[%mul3A_126] : memref<10240xf32, #tpu.memory_space<vmem_shared>> -> memref<640xf32, #tpu.memory_space<vmem_shared>>
      tpu.wait_dma2 semaphore(%run_scoped3A_130 : memref<!tpu.dma_semaphore, #tpu.memory_space<semaphore_mem>>) src(%dma_wait3A_136 : memref<640xf32, #tpu.memory_space<vmem_shared>>) dst(%dma_wait3A_135 : memref<640xf32, #tpu.memory_space<hbm>>)
      tpu.yield
    }) : () -> ()
    return
  }
}

module attributes {stable_mosaic.version = 14 : i64} {
  func.func @body(%arg0: i32, %arg1: memref<1000x128xf32, #tpu.memory_space<vmem>>, %arg2: memref<128x128xf32, #tpu.memory_space<vmem>>, %arg3: memref<1x128xf32, #tpu.memory_space<vmem>>, %arg4: memref<1x128xf32, #tpu.memory_space<vmem>>, %arg5: memref<1000x128xf32, #tpu.memory_space<vmem>>, %arg6: memref<1x1x1000xf32, #tpu.memory_space<vmem>>, %arg7: memref<1x1x1000xf32, #tpu.memory_space<vmem>>) attributes {dimension_semantics = [#tpu.dimension_semantics<arbitrary>], iteration_bounds = array<i64: 10>, scalar_prefetch = 0 : i64, scratch_operands = 0 : i64, tpu.core_type = #tpu.core_type<tc>, window_params = [{transform_indices = @transform_0, window_bounds = array<i64: 1000, 128>}, {pipeline_mode = #tpu.pipeline_mode<synchronous>, transform_indices = @transform_1, window_bounds = array<i64: 128, 128>}, {pipeline_mode = #tpu.pipeline_mode<synchronous>, transform_indices = @transform_2, window_bounds = array<i64: 1, 128>}, {pipeline_mode = #tpu.pipeline_mode<synchronous>, transform_indices = @transform_3, window_bounds = array<i64: 1, 128>}, {transform_indices = @transform_4, window_bounds = array<i64: 1000, 128>}, {transform_indices = @transform_5, window_bounds = array<i64: 1, 1, 1000>}, {transform_indices = @transform_6, window_bounds = array<i64: 1, 1, 1000>}]} {
    %get3A = arith.constant 0 : index
    %get3A_0 = arith.constant 0 : index
    %get3A_1 = vector.load %arg1[%get3A, %get3A_0] : memref<1000x128xf32, #tpu.memory_space<vmem>>, vector<1000x128xf32>
    %get3A_2 = arith.constant 0 : index
    %get3A_3 = arith.constant 0 : index
    %get3A_4 = vector.load %arg2[%get3A_2, %get3A_3] : memref<128x128xf32, #tpu.memory_space<vmem>>, vector<128x128xf32>
    %dot_general3A = arith.constant dense<0.000000e+00> : vector<1000x128xf32>
    %dot_general3A_5 = tpu.matmul %get3A_1, %get3A_4, %dot_general3A {dimension_numbers = #tpu.dot_dimension_numbers<[1], [0], [0], [1], [0, 0, 1, 1], [], []>, transpose_lhs_hint = false} : vector<1000x128xf32>, vector<128x128xf32>, vector<1000x128xf32> -> vector<1000x128xf32>
    %swap3A = arith.constant 0 : index
    %swap3A_6 = arith.constant 0 : index
    %swap3A_7 = vector.load %arg5[%swap3A, %swap3A_6] : memref<1000x128xf32, #tpu.memory_space<vmem>>, vector<1000x128xf32>
    tpu.vector_store %arg5[%swap3A, %swap3A_6], %dot_general3A_5 {strides = array<i32>} : memref<1000x128xf32, #tpu.memory_space<vmem>>, vector<1000x128xf32>,
    %get3A_8 = arith.constant 0 : index
    %get3A_9 = arith.constant 0 : index
    %get3A_10 = vector.load %arg3[%get3A_8, %get3A_9] : memref<1x128xf32, #tpu.memory_space<vmem>>, vector<1x128xf32>
    %mul3A = vector.broadcast %get3A_10 : vector<1x128xf32> to vector<1000x128xf32>
    %mul3A_11 = arith.mulf %dot_general3A_5, %mul3A : vector<1000x128xf32>
    %reduce_sum3A = arith.constant dense<0.000000e+00> : vector<1000xf32>
    %reduce_sum3A_12 = vector.multi_reduction <add>, %mul3A_11, %reduce_sum3A [1] : vector<1000x128xf32> to vector<1000xf32>
    %reshape3A = vector.shape_cast %reduce_sum3A_12 : vector<1000xf32> to vector<1x1x1000xf32>
    %swap3A_13 = arith.constant 0 : index
    %swap3A_14 = arith.constant 0 : index
    %swap3A_15 = arith.constant 0 : index
    %swap3A_16 = vector.load %arg6[%swap3A_13, %swap3A_14, %swap3A_15] : memref<1x1x1000xf32, #tpu.memory_space<vmem>>, vector<1x1x1000xf32>
    tpu.vector_store %arg6[%swap3A_13, %swap3A_14, %swap3A_15], %reshape3A {strides = array<i32>} : memref<1x1x1000xf32, #tpu.memory_space<vmem>>, vector<1x1x1000xf32>,
    %get3A_17 = arith.constant 0 : index
    %get3A_18 = arith.constant 0 : index
    %get3A_19 = vector.load %arg4[%get3A_17, %get3A_18] : memref<1x128xf32, #tpu.memory_space<vmem>>, vector<1x128xf32>
    %mul3A_20 = vector.broadcast %get3A_19 : vector<1x128xf32> to vector<1000x128xf32>
    %mul3A_21 = arith.mulf %dot_general3A_5, %mul3A_20 : vector<1000x128xf32>
    %reduce_sum3A_22 = arith.constant dense<0.000000e+00> : vector<1000xf32>
    %reduce_sum3A_23 = vector.multi_reduction <add>, %mul3A_21, %reduce_sum3A_22 [1] : vector<1000x128xf32> to vector<1000xf32>
    %reshape3A_24 = vector.shape_cast %reduce_sum3A_23 : vector<1000xf32> to vector<1x1x1000xf32>
    %swap3A_25 = arith.constant 0 : index
    %swap3A_26 = arith.constant 0 : index
    %swap3A_27 = arith.constant 0 : index
    %swap3A_28 = vector.load %arg7[%swap3A_25, %swap3A_26, %swap3A_27] : memref<1x1x1000xf32, #tpu.memory_space<vmem>>, vector<1x1x1000xf32>
    tpu.vector_store %arg7[%swap3A_25, %swap3A_26, %swap3A_27], %reshape3A_24 {strides = array<i32>} : memref<1x1x1000xf32, #tpu.memory_space<vmem>>, vector<1x1x1000xf32>,
    return
  }
  func.func @transform_0(%arg0: i32) -> (i32, i32) {
    %c0_i32 = arith.constant 0 : i32
    %c0_i32_0 = arith.constant 0 : i32
    return %arg0, %c0_i32 : i32, i32
  }
  func.func @transform_1(%arg0: i32) -> (i32, i32) {
    %c0_i32 = arith.constant 0 : i32
    %c0_i32_0 = arith.constant 0 : i32
    %c0_i32_1 = arith.constant 0 : i32
    return %c0_i32, %c0_i32_0 : i32, i32
  }
  func.func @transform_2(%arg0: i32) -> (i32, i32) {
    %c0_i32 = arith.constant 0 : i32
    %c0_i32_0 = arith.constant 0 : i32
    %c0_i32_1 = arith.constant 0 : i32
    return %c0_i32, %c0_i32_0 : i32, i32
  }
  func.func @transform_3(%arg0: i32) -> (i32, i32) {
    %c0_i32 = arith.constant 0 : i32
    %c0_i32_0 = arith.constant 0 : i32
    %c0_i32_1 = arith.constant 0 : i32
    return %c0_i32, %c0_i32_0 : i32, i32
  }
  func.func @transform_4(%arg0: i32) -> (i32, i32) {
    %c0_i32 = arith.constant 0 : i32
    %c0_i32_0 = arith.constant 0 : i32
    return %arg0, %c0_i32 : i32, i32
  }
  func.func @transform_5(%arg0: i32) -> (i32, i32, i32) {
    %c0_i32 = arith.constant 0 : i32
    %c0_i32_0 = arith.constant 0 : i32
    %c0_i32_1 = arith.constant 0 : i32
    return %arg0, %c0_i32, %c0_i32_0 : i32, i32, i32
  }
  func.func @transform_6(%arg0: i32) -> (i32, i32, i32) {
    %c0_i32 = arith.constant 0 : i32
    %c0_i32_0 = arith.constant 0 : i32
    %c0_i32_1 = arith.constant 0 : i32
    return %arg0, %c0_i32, %c0_i32_0 : i32, i32, i32
  }
}

module attributes {stable_mosaic.version = 14 : i64} {
  func.func @body(%arg0: i32, %arg1: memref<2x1024x128xf32, #tpu.memory_space<vmem>>, %arg2: memref<1024x2xf32, #tpu.memory_space<vmem>>, %arg3: memref<128x128xf32, #tpu.memory_space<vmem>>, %arg4: memref<1x128xf32, #tpu.memory_space<vmem>>, %arg5: memref<1x128xf32, #tpu.memory_space<vmem>>, %arg6: memref<1024x128xf32, #tpu.memory_space<vmem>>, %arg7: memref<1x1x1024xf32, #tpu.memory_space<vmem>>, %arg8: memref<1x1x1024xf32, #tpu.memory_space<vmem>>) attributes {dimension_semantics = [#tpu.dimension_semantics<arbitrary>], iteration_bounds = array<i64: 10>, scalar_prefetch = 0 : i64, scratch_operands = 0 : i64, tpu.core_type = #tpu.core_type<tc>, window_params = [{transform_indices = @transform_0, window_bounds = array<i64: 2, 1024, 128>}, {transform_indices = @transform_1, window_bounds = array<i64: 1024, 2>}, {pipeline_mode = #tpu.pipeline_mode<synchronous>, transform_indices = @transform_2, window_bounds = array<i64: 128, 128>}, {pipeline_mode = #tpu.pipeline_mode<synchronous>, transform_indices = @transform_3, window_bounds = array<i64: 1, 128>}, {pipeline_mode = #tpu.pipeline_mode<synchronous>, transform_indices = @transform_4, window_bounds = array<i64: 1, 128>}, {transform_indices = @transform_5, window_bounds = array<i64: 1024, 128>}, {transform_indices = @transform_6, window_bounds = array<i64: 1, 1, 1024>}, {transform_indices = @transform_7, window_bounds = array<i64: 1, 1, 1024>}]} {
    %get3A = arith.constant 0 : index
    %get3A_0 = arith.constant 0 : index
    %get3A_1 = arith.constant 0 : index
    %get3A_2 = vector.load %arg1[%get3A, %get3A_0, %get3A_1] : memref<2x1024x128xf32, #tpu.memory_space<vmem>>, vector<2x1024x128xf32>
    %get3A_3 = arith.constant 0 : index
    %get3A_4 = arith.constant 0 : index
    %get3A_5 = vector.load %arg2[%get3A_3, %get3A_4] : memref<1024x2xf32, #tpu.memory_space<vmem>>, vector<1024x2xf32>
    %reduce_sum3A = arith.constant dense<0.000000e+00> : vector<1024xf32>
    %reduce_sum3A_6 = vector.multi_reduction <add>, %get3A_5, %reduce_sum3A [1] : vector<1024x2xf32> to vector<1024xf32>
    %add3A = arith.constant 1.000000e-16 : f32
    %add3A_7 = vector.broadcast %add3A : f32 to vector<1024xf32>
    %add3A_8 = arith.addf %reduce_sum3A_6, %add3A_7 : vector<1024xf32>
    %slice3A = vector.extract_strided_slice %get3A_2 {offsets = [0, 0, 0], sizes = [1, 1024, 128], strides = [1, 1, 1]} : vector<2x1024x128xf32> to vector<1x1024x128xf32>
    %squeeze3A = vector.shape_cast %slice3A : vector<1x1024x128xf32> to vector<1024x128xf32>
    %slice3A_9 = vector.extract_strided_slice %get3A_2 {offsets = [1, 0, 0], sizes = [1, 1024, 128], strides = [1, 1, 1]} : vector<2x1024x128xf32> to vector<1x1024x128xf32>
    %squeeze3A_10 = vector.shape_cast %slice3A_9 : vector<1x1024x128xf32> to vector<1024x128xf32>
    %add3A_11 = arith.addf %squeeze3A, %squeeze3A_10 : vector<1024x128xf32>
    %broadcast_in_dim3A = vector.shape_cast %add3A_8 : vector<1024xf32> to vector<1024x1xf32>
    %div3A = vector.broadcast %broadcast_in_dim3A : vector<1024x1xf32> to vector<1024x128xf32>
    %div3A_12 = arith.divf %add3A_11, %div3A : vector<1024x128xf32>
    %gt3A = arith.constant 0.000000e+00 : f32
    %gt3A_13 = vector.broadcast %gt3A : f32 to vector<1024x128xf32>
    %gt3A_14 = arith.cmpf ogt, %div3A_12, %gt3A_13 : vector<1024x128xf32>
    %min3A = arith.constant 0.000000e+00 : f32
    %min3A_15 = vector.broadcast %min3A : f32 to vector<1024x128xf32>
    %min3A_16 = arith.minimumf %div3A_12, %min3A_15 : vector<1024x128xf32>
    %exp3A = math.exp %min3A_16 : vector<1024x128xf32>
    %sub3A = arith.constant 1.000000e+00 : f32
    %sub3A_17 = vector.broadcast %sub3A : f32 to vector<1024x128xf32>
    %sub3A_18 = arith.subf %exp3A, %sub3A_17 : vector<1024x128xf32>
    %select_n3A = arith.select %gt3A_14, %div3A_12, %sub3A_18 : vector<1024x128xi1>, vector<1024x128xf32>
    %get3A_19 = arith.constant 0 : index
    %get3A_20 = arith.constant 0 : index
    %get3A_21 = vector.load %arg3[%get3A_19, %get3A_20] : memref<128x128xf32, #tpu.memory_space<vmem>>, vector<128x128xf32>
    %dot_general3A = arith.constant dense<0.000000e+00> : vector<1024x128xf32>
    %dot_general3A_22 = tpu.matmul %select_n3A, %get3A_21, %dot_general3A {dimension_numbers = #tpu.dot_dimension_numbers<[1], [0], [0], [1], [0, 0, 1, 1], [], []>, transpose_lhs_hint = false} : vector<1024x128xf32>, vector<128x128xf32>, vector<1024x128xf32> -> vector<1024x128xf32>
    %swap3A = arith.constant 0 : index
    %swap3A_23 = arith.constant 0 : index
    %swap3A_24 = vector.load %arg6[%swap3A, %swap3A_23] : memref<1024x128xf32, #tpu.memory_space<vmem>>, vector<1024x128xf32>
    tpu.vector_store %arg6[%swap3A, %swap3A_23], %dot_general3A_22 {strides = array<i32>} : memref<1024x128xf32, #tpu.memory_space<vmem>>, vector<1024x128xf32>,
    %get3A_25 = arith.constant 0 : index
    %get3A_26 = arith.constant 0 : index
    %get3A_27 = vector.load %arg4[%get3A_25, %get3A_26] : memref<1x128xf32, #tpu.memory_space<vmem>>, vector<1x128xf32>
    %mul3A = vector.broadcast %get3A_27 : vector<1x128xf32> to vector<1024x128xf32>
    %mul3A_28 = arith.mulf %dot_general3A_22, %mul3A : vector<1024x128xf32>
    %reduce_sum3A_29 = arith.constant dense<0.000000e+00> : vector<1024xf32>
    %reduce_sum3A_30 = vector.multi_reduction <add>, %mul3A_28, %reduce_sum3A_29 [1] : vector<1024x128xf32> to vector<1024xf32>
    %reshape3A = vector.shape_cast %reduce_sum3A_30 : vector<1024xf32> to vector<1x1x1024xf32>
    %swap3A_31 = arith.constant 0 : index
    %swap3A_32 = arith.constant 0 : index
    %swap3A_33 = arith.constant 0 : index
    %swap3A_34 = vector.load %arg7[%swap3A_31, %swap3A_32, %swap3A_33] : memref<1x1x1024xf32, #tpu.memory_space<vmem>>, vector<1x1x1024xf32>
    tpu.vector_store %arg7[%swap3A_31, %swap3A_32, %swap3A_33], %reshape3A {strides = array<i32>} : memref<1x1x1024xf32, #tpu.memory_space<vmem>>, vector<1x1x1024xf32>,
    %get3A_35 = arith.constant 0 : index
    %get3A_36 = arith.constant 0 : index
    %get3A_37 = vector.load %arg5[%get3A_35, %get3A_36] : memref<1x128xf32, #tpu.memory_space<vmem>>, vector<1x128xf32>
    %mul3A_38 = vector.broadcast %get3A_37 : vector<1x128xf32> to vector<1024x128xf32>
    %mul3A_39 = arith.mulf %dot_general3A_22, %mul3A_38 : vector<1024x128xf32>
    %reduce_sum3A_40 = arith.constant dense<0.000000e+00> : vector<1024xf32>
    %reduce_sum3A_41 = vector.multi_reduction <add>, %mul3A_39, %reduce_sum3A_40 [1] : vector<1024x128xf32> to vector<1024xf32>
    %reshape3A_42 = vector.shape_cast %reduce_sum3A_41 : vector<1024xf32> to vector<1x1x1024xf32>
    %swap3A_43 = arith.constant 0 : index
    %swap3A_44 = arith.constant 0 : index
    %swap3A_45 = arith.constant 0 : index
    %swap3A_46 = vector.load %arg8[%swap3A_43, %swap3A_44, %swap3A_45] : memref<1x1x1024xf32, #tpu.memory_space<vmem>>, vector<1x1x1024xf32>
    tpu.vector_store %arg8[%swap3A_43, %swap3A_44, %swap3A_45], %reshape3A_42 {strides = array<i32>} : memref<1x1x1024xf32, #tpu.memory_space<vmem>>, vector<1x1x1024xf32>,
    return
  }
  func.func @transform_0(%arg0: i32) -> (i32, i32, i32) {
    %c0_i32 = arith.constant 0 : i32
    %c0_i32_0 = arith.constant 0 : i32
    %c0_i32_1 = arith.constant 0 : i32
    return %c0_i32, %arg0, %c0_i32_0 : i32, i32, i32
  }
  func.func @transform_1(%arg0: i32) -> (i32, i32) {
    %c0_i32 = arith.constant 0 : i32
    %c0_i32_0 = arith.constant 0 : i32
    return %arg0, %c0_i32 : i32, i32
  }
  func.func @transform_2(%arg0: i32) -> (i32, i32) {
    %c0_i32 = arith.constant 0 : i32
    %c0_i32_0 = arith.constant 0 : i32
    %c0_i32_1 = arith.constant 0 : i32
    return %c0_i32, %c0_i32_0 : i32, i32
  }
  func.func @transform_3(%arg0: i32) -> (i32, i32) {
    %c0_i32 = arith.constant 0 : i32
    %c0_i32_0 = arith.constant 0 : i32
    %c0_i32_1 = arith.constant 0 : i32
    return %c0_i32, %c0_i32_0 : i32, i32
  }
  func.func @transform_4(%arg0: i32) -> (i32, i32) {
    %c0_i32 = arith.constant 0 : i32
    %c0_i32_0 = arith.constant 0 : i32
    %c0_i32_1 = arith.constant 0 : i32
    return %c0_i32, %c0_i32_0 : i32, i32
  }
  func.func @transform_5(%arg0: i32) -> (i32, i32) {
    %c0_i32 = arith.constant 0 : i32
    %c0_i32_0 = arith.constant 0 : i32
    return %arg0, %c0_i32 : i32, i32
  }
  func.func @transform_6(%arg0: i32) -> (i32, i32, i32) {
    %c0_i32 = arith.constant 0 : i32
    %c0_i32_0 = arith.constant 0 : i32
    %c0_i32_1 = arith.constant 0 : i32
    return %arg0, %c0_i32, %c0_i32_0 : i32, i32, i32
  }
  func.func @transform_7(%arg0: i32) -> (i32, i32, i32) {
    %c0_i32 = arith.constant 0 : i32
    %c0_i32_0 = arith.constant 0 : i32
    %c0_i32_1 = arith.constant 0 : i32
    return %arg0, %c0_i32, %c0_i32_0 : i32, i32, i32
  }
}

module attributes {stable_mosaic.version = 14 : i64} {
  func.func @body(%arg0: i32, %arg1: memref<2x1024x128xf32, #tpu.memory_space<vmem>>, %arg2: memref<1024x2xf32, #tpu.memory_space<vmem>>, %arg3: memref<128x64xf32, #tpu.memory_space<vmem>>, %arg4: memref<1x64xf32, #tpu.memory_space<vmem>>, %arg5: memref<1x64xf32, #tpu.memory_space<vmem>>, %arg6: memref<1024x64xf32, #tpu.memory_space<vmem>>, %arg7: memref<1x1x1024xf32, #tpu.memory_space<vmem>>, %arg8: memref<1x1x1024xf32, #tpu.memory_space<vmem>>) attributes {dimension_semantics = [#tpu.dimension_semantics<arbitrary>], iteration_bounds = array<i64: 10>, scalar_prefetch = 0 : i64, scratch_operands = 0 : i64, tpu.core_type = #tpu.core_type<tc>, window_params = [{transform_indices = @transform_0, window_bounds = array<i64: 2, 1024, 128>}, {transform_indices = @transform_1, window_bounds = array<i64: 1024, 2>}, {pipeline_mode = #tpu.pipeline_mode<synchronous>, transform_indices = @transform_2, window_bounds = array<i64: 128, 64>}, {pipeline_mode = #tpu.pipeline_mode<synchronous>, transform_indices = @transform_3, window_bounds = array<i64: 1, 64>}, {pipeline_mode = #tpu.pipeline_mode<synchronous>, transform_indices = @transform_4, window_bounds = array<i64: 1, 64>}, {transform_indices = @transform_5, window_bounds = array<i64: 1024, 64>}, {transform_indices = @transform_6, window_bounds = array<i64: 1, 1, 1024>}, {transform_indices = @transform_7, window_bounds = array<i64: 1, 1, 1024>}]} {
    %get3A = arith.constant 0 : index
    %get3A_0 = arith.constant 0 : index
    %get3A_1 = arith.constant 0 : index
    %get3A_2 = vector.load %arg1[%get3A, %get3A_0, %get3A_1] : memref<2x1024x128xf32, #tpu.memory_space<vmem>>, vector<2x1024x128xf32>
    %get3A_3 = arith.constant 0 : index
    %get3A_4 = arith.constant 0 : index
    %get3A_5 = vector.load %arg2[%get3A_3, %get3A_4] : memref<1024x2xf32, #tpu.memory_space<vmem>>, vector<1024x2xf32>
    %reduce_sum3A = arith.constant dense<0.000000e+00> : vector<1024xf32>
    %reduce_sum3A_6 = vector.multi_reduction <add>, %get3A_5, %reduce_sum3A [1] : vector<1024x2xf32> to vector<1024xf32>
    %add3A = arith.constant 1.000000e-16 : f32
    %add3A_7 = vector.broadcast %add3A : f32 to vector<1024xf32>
    %add3A_8 = arith.addf %reduce_sum3A_6, %add3A_7 : vector<1024xf32>
    %slice3A = vector.extract_strided_slice %get3A_2 {offsets = [0, 0, 0], sizes = [1, 1024, 128], strides = [1, 1, 1]} : vector<2x1024x128xf32> to vector<1x1024x128xf32>
    %squeeze3A = vector.shape_cast %slice3A : vector<1x1024x128xf32> to vector<1024x128xf32>
    %slice3A_9 = vector.extract_strided_slice %get3A_2 {offsets = [1, 0, 0], sizes = [1, 1024, 128], strides = [1, 1, 1]} : vector<2x1024x128xf32> to vector<1x1024x128xf32>
    %squeeze3A_10 = vector.shape_cast %slice3A_9 : vector<1x1024x128xf32> to vector<1024x128xf32>
    %add3A_11 = arith.addf %squeeze3A, %squeeze3A_10 : vector<1024x128xf32>
    %broadcast_in_dim3A = vector.shape_cast %add3A_8 : vector<1024xf32> to vector<1024x1xf32>
    %div3A = vector.broadcast %broadcast_in_dim3A : vector<1024x1xf32> to vector<1024x128xf32>
    %div3A_12 = arith.divf %add3A_11, %div3A : vector<1024x128xf32>
    %gt3A = arith.constant 0.000000e+00 : f32
    %gt3A_13 = vector.broadcast %gt3A : f32 to vector<1024x128xf32>
    %gt3A_14 = arith.cmpf ogt, %div3A_12, %gt3A_13 : vector<1024x128xf32>
    %min3A = arith.constant 0.000000e+00 : f32
    %min3A_15 = vector.broadcast %min3A : f32 to vector<1024x128xf32>
    %min3A_16 = arith.minimumf %div3A_12, %min3A_15 : vector<1024x128xf32>
    %exp3A = math.exp %min3A_16 : vector<1024x128xf32>
    %sub3A = arith.constant 1.000000e+00 : f32
    %sub3A_17 = vector.broadcast %sub3A : f32 to vector<1024x128xf32>
    %sub3A_18 = arith.subf %exp3A, %sub3A_17 : vector<1024x128xf32>
    %select_n3A = arith.select %gt3A_14, %div3A_12, %sub3A_18 : vector<1024x128xi1>, vector<1024x128xf32>
    %get3A_19 = arith.constant 0 : index
    %get3A_20 = arith.constant 0 : index
    %get3A_21 = vector.load %arg3[%get3A_19, %get3A_20] : memref<128x64xf32, #tpu.memory_space<vmem>>, vector<128x64xf32>
    %dot_general3A = arith.constant dense<0.000000e+00> : vector<1024x64xf32>
    %dot_general3A_22 = tpu.matmul %select_n3A, %get3A_21, %dot_general3A {dimension_numbers = #tpu.dot_dimension_numbers<[1], [0], [0], [1], [0, 0, 1, 1], [], []>, transpose_lhs_hint = false} : vector<1024x128xf32>, vector<128x64xf32>, vector<1024x64xf32> -> vector<1024x64xf32>
    %swap3A = arith.constant 0 : index
    %swap3A_23 = arith.constant 0 : index
    %swap3A_24 = vector.load %arg6[%swap3A, %swap3A_23] : memref<1024x64xf32, #tpu.memory_space<vmem>>, vector<1024x64xf32>
    tpu.vector_store %arg6[%swap3A, %swap3A_23], %dot_general3A_22 {strides = array<i32>} : memref<1024x64xf32, #tpu.memory_space<vmem>>, vector<1024x64xf32>,
    %get3A_25 = arith.constant 0 : index
    %get3A_26 = arith.constant 0 : index
    %get3A_27 = vector.load %arg4[%get3A_25, %get3A_26] : memref<1x64xf32, #tpu.memory_space<vmem>>, vector<1x64xf32>
    %mul3A = vector.broadcast %get3A_27 : vector<1x64xf32> to vector<1024x64xf32>
    %mul3A_28 = arith.mulf %dot_general3A_22, %mul3A : vector<1024x64xf32>
    %reduce_sum3A_29 = arith.constant dense<0.000000e+00> : vector<1024xf32>
    %reduce_sum3A_30 = vector.multi_reduction <add>, %mul3A_28, %reduce_sum3A_29 [1] : vector<1024x64xf32> to vector<1024xf32>
    %reshape3A = vector.shape_cast %reduce_sum3A_30 : vector<1024xf32> to vector<1x1x1024xf32>
    %swap3A_31 = arith.constant 0 : index
    %swap3A_32 = arith.constant 0 : index
    %swap3A_33 = arith.constant 0 : index
    %swap3A_34 = vector.load %arg7[%swap3A_31, %swap3A_32, %swap3A_33] : memref<1x1x1024xf32, #tpu.memory_space<vmem>>, vector<1x1x1024xf32>
    tpu.vector_store %arg7[%swap3A_31, %swap3A_32, %swap3A_33], %reshape3A {strides = array<i32>} : memref<1x1x1024xf32, #tpu.memory_space<vmem>>, vector<1x1x1024xf32>,
    %get3A_35 = arith.constant 0 : index
    %get3A_36 = arith.constant 0 : index
    %get3A_37 = vector.load %arg5[%get3A_35, %get3A_36] : memref<1x64xf32, #tpu.memory_space<vmem>>, vector<1x64xf32>
    %mul3A_38 = vector.broadcast %get3A_37 : vector<1x64xf32> to vector<1024x64xf32>
    %mul3A_39 = arith.mulf %dot_general3A_22, %mul3A_38 : vector<1024x64xf32>
    %reduce_sum3A_40 = arith.constant dense<0.000000e+00> : vector<1024xf32>
    %reduce_sum3A_41 = vector.multi_reduction <add>, %mul3A_39, %reduce_sum3A_40 [1] : vector<1024x64xf32> to vector<1024xf32>
    %reshape3A_42 = vector.shape_cast %reduce_sum3A_41 : vector<1024xf32> to vector<1x1x1024xf32>
    %swap3A_43 = arith.constant 0 : index
    %swap3A_44 = arith.constant 0 : index
    %swap3A_45 = arith.constant 0 : index
    %swap3A_46 = vector.load %arg8[%swap3A_43, %swap3A_44, %swap3A_45] : memref<1x1x1024xf32, #tpu.memory_space<vmem>>, vector<1x1x1024xf32>
    tpu.vector_store %arg8[%swap3A_43, %swap3A_44, %swap3A_45], %reshape3A_42 {strides = array<i32>} : memref<1x1x1024xf32, #tpu.memory_space<vmem>>, vector<1x1x1024xf32>,
    return
  }
  func.func @transform_0(%arg0: i32) -> (i32, i32, i32) {
    %c0_i32 = arith.constant 0 : i32
    %c0_i32_0 = arith.constant 0 : i32
    %c0_i32_1 = arith.constant 0 : i32
    return %c0_i32, %arg0, %c0_i32_0 : i32, i32, i32
  }
  func.func @transform_1(%arg0: i32) -> (i32, i32) {
    %c0_i32 = arith.constant 0 : i32
    %c0_i32_0 = arith.constant 0 : i32
    return %arg0, %c0_i32 : i32, i32
  }
  func.func @transform_2(%arg0: i32) -> (i32, i32) {
    %c0_i32 = arith.constant 0 : i32
    %c0_i32_0 = arith.constant 0 : i32
    %c0_i32_1 = arith.constant 0 : i32
    return %c0_i32, %c0_i32_0 : i32, i32
  }
  func.func @transform_3(%arg0: i32) -> (i32, i32) {
    %c0_i32 = arith.constant 0 : i32
    %c0_i32_0 = arith.constant 0 : i32
    %c0_i32_1 = arith.constant 0 : i32
    return %c0_i32, %c0_i32_0 : i32, i32
  }
  func.func @transform_4(%arg0: i32) -> (i32, i32) {
    %c0_i32 = arith.constant 0 : i32
    %c0_i32_0 = arith.constant 0 : i32
    %c0_i32_1 = arith.constant 0 : i32
    return %c0_i32, %c0_i32_0 : i32, i32
  }
  func.func @transform_5(%arg0: i32) -> (i32, i32) {
    %c0_i32 = arith.constant 0 : i32
    %c0_i32_0 = arith.constant 0 : i32
    return %arg0, %c0_i32 : i32, i32
  }
  func.func @transform_6(%arg0: i32) -> (i32, i32, i32) {
    %c0_i32 = arith.constant 0 : i32
    %c0_i32_0 = arith.constant 0 : i32
    %c0_i32_1 = arith.constant 0 : i32
    return %arg0, %c0_i32, %c0_i32_0 : i32, i32, i32
  }
  func.func @transform_7(%arg0: i32) -> (i32, i32, i32) {
    %c0_i32 = arith.constant 0 : i32
    %c0_i32_0 = arith.constant 0 : i32
    %c0_i32_1 = arith.constant 0 : i32
    return %arg0, %c0_i32, %c0_i32_0 : i32, i32, i32
  }
}

module attributes {stable_mosaic.version = 14 : i64} {
  func.func @body(%arg0: i32, %arg1: memref<2x1024x64xf32, #tpu.memory_space<vmem>>, %arg2: memref<1024x2xf32, #tpu.memory_space<vmem>>, %arg3: memref<64x128xf32, #tpu.memory_space<vmem>>, %arg4: memref<64x64xf32, #tpu.memory_space<vmem>>, %arg5: memref<1024x64xf32, #tpu.memory_space<vmem>>, %arg6: memref<1024x128xf32, #tpu.memory_space<vmem>>, %arg7: memref<1024x64xf32, #tpu.memory_space<vmem>>) attributes {dimension_semantics = [#tpu.dimension_semantics<arbitrary>], iteration_bounds = array<i64: 10>, scalar_prefetch = 0 : i64, scratch_operands = 0 : i64, tpu.core_type = #tpu.core_type<tc>, window_params = [{transform_indices = @transform_0, window_bounds = array<i64: 2, 1024, 64>}, {transform_indices = @transform_1, window_bounds = array<i64: 1024, 2>}, {pipeline_mode = #tpu.pipeline_mode<synchronous>, transform_indices = @transform_2, window_bounds = array<i64: 64, 128>}, {pipeline_mode = #tpu.pipeline_mode<synchronous>, transform_indices = @transform_3, window_bounds = array<i64: 64, 64>}, {transform_indices = @transform_4, window_bounds = array<i64: 1024, 64>}, {transform_indices = @transform_5, window_bounds = array<i64: 1024, 128>}, {transform_indices = @transform_6, window_bounds = array<i64: 1024, 64>}]} {
    %get3A = arith.constant 0 : index
    %get3A_0 = arith.constant 0 : index
    %get3A_1 = arith.constant 0 : index
    %get3A_2 = vector.load %arg1[%get3A, %get3A_0, %get3A_1] : memref<2x1024x64xf32, #tpu.memory_space<vmem>>, vector<2x1024x64xf32>
    %get3A_3 = arith.constant 0 : index
    %get3A_4 = arith.constant 0 : index
    %get3A_5 = vector.load %arg2[%get3A_3, %get3A_4] : memref<1024x2xf32, #tpu.memory_space<vmem>>, vector<1024x2xf32>
    %reduce_sum3A = arith.constant dense<0.000000e+00> : vector<1024xf32>
    %reduce_sum3A_6 = vector.multi_reduction <add>, %get3A_5, %reduce_sum3A [1] : vector<1024x2xf32> to vector<1024xf32>
    %add3A = arith.constant 1.000000e-16 : f32
    %add3A_7 = vector.broadcast %add3A : f32 to vector<1024xf32>
    %add3A_8 = arith.addf %reduce_sum3A_6, %add3A_7 : vector<1024xf32>
    %slice3A = vector.extract_strided_slice %get3A_2 {offsets = [0, 0, 0], sizes = [1, 1024, 64], strides = [1, 1, 1]} : vector<2x1024x64xf32> to vector<1x1024x64xf32>
    %squeeze3A = vector.shape_cast %slice3A : vector<1x1024x64xf32> to vector<1024x64xf32>
    %slice3A_9 = vector.extract_strided_slice %get3A_2 {offsets = [1, 0, 0], sizes = [1, 1024, 64], strides = [1, 1, 1]} : vector<2x1024x64xf32> to vector<1x1024x64xf32>
    %squeeze3A_10 = vector.shape_cast %slice3A_9 : vector<1x1024x64xf32> to vector<1024x64xf32>
    %add3A_11 = arith.addf %squeeze3A, %squeeze3A_10 : vector<1024x64xf32>
    %broadcast_in_dim3A = vector.shape_cast %add3A_8 : vector<1024xf32> to vector<1024x1xf32>
    %div3A = vector.broadcast %broadcast_in_dim3A : vector<1024x1xf32> to vector<1024x64xf32>
    %div3A_12 = arith.divf %add3A_11, %div3A : vector<1024x64xf32>
    %swap3A = arith.constant 0 : index
    %swap3A_13 = arith.constant 0 : index
    %swap3A_14 = vector.load %arg5[%swap3A, %swap3A_13] : memref<1024x64xf32, #tpu.memory_space<vmem>>, vector<1024x64xf32>
    tpu.vector_store %arg5[%swap3A, %swap3A_13], %div3A_12 {strides = array<i32>} : memref<1024x64xf32, #tpu.memory_space<vmem>>, vector<1024x64xf32>,
    %get3A_15 = arith.constant 0 : index
    %get3A_16 = arith.constant 0 : index
    %get3A_17 = vector.load %arg3[%get3A_15, %get3A_16] : memref<64x128xf32, #tpu.memory_space<vmem>>, vector<64x128xf32>
    %dot_general3A = arith.constant dense<0.000000e+00> : vector<1024x128xf32>
    %dot_general3A_18 = tpu.matmul %div3A_12, %get3A_17, %dot_general3A {dimension_numbers = #tpu.dot_dimension_numbers<[1], [0], [0], [1], [0, 0, 1, 1], [], []>, transpose_lhs_hint = false} : vector<1024x64xf32>, vector<64x128xf32>, vector<1024x128xf32> -> vector<1024x128xf32>
    %swap3A_19 = arith.constant 0 : index
    %swap3A_20 = arith.constant 0 : index
    %swap3A_21 = vector.load %arg6[%swap3A_19, %swap3A_20] : memref<1024x128xf32, #tpu.memory_space<vmem>>, vector<1024x128xf32>
    tpu.vector_store %arg6[%swap3A_19, %swap3A_20], %dot_general3A_18 {strides = array<i32>} : memref<1024x128xf32, #tpu.memory_space<vmem>>, vector<1024x128xf32>,
    %get3A_22 = arith.constant 0 : index
    %get3A_23 = arith.constant 0 : index
    %get3A_24 = vector.load %arg4[%get3A_22, %get3A_23] : memref<64x64xf32, #tpu.memory_space<vmem>>, vector<64x64xf32>
    %dot_general3A_25 = arith.constant dense<0.000000e+00> : vector<1024x64xf32>
    %dot_general3A_26 = tpu.matmul %div3A_12, %get3A_24, %dot_general3A_25 {dimension_numbers = #tpu.dot_dimension_numbers<[1], [0], [0], [1], [0, 0, 1, 1], [], []>, transpose_lhs_hint = false} : vector<1024x64xf32>, vector<64x64xf32>, vector<1024x64xf32> -> vector<1024x64xf32>
    %swap3A_27 = arith.constant 0 : index
    %swap3A_28 = arith.constant 0 : index
    %swap3A_29 = vector.load %arg7[%swap3A_27, %swap3A_28] : memref<1024x64xf32, #tpu.memory_space<vmem>>, vector<1024x64xf32>
    tpu.vector_store %arg7[%swap3A_27, %swap3A_28], %dot_general3A_26 {strides = array<i32>} : memref<1024x64xf32, #tpu.memory_space<vmem>>, vector<1024x64xf32>,
    return
  }
  func.func @transform_0(%arg0: i32) -> (i32, i32, i32) {
    %c0_i32 = arith.constant 0 : i32
    %c0_i32_0 = arith.constant 0 : i32
    %c0_i32_1 = arith.constant 0 : i32
    return %c0_i32, %arg0, %c0_i32_0 : i32, i32, i32
  }
  func.func @transform_1(%arg0: i32) -> (i32, i32) {
    %c0_i32 = arith.constant 0 : i32
    %c0_i32_0 = arith.constant 0 : i32
    return %arg0, %c0_i32 : i32, i32
  }
  func.func @transform_2(%arg0: i32) -> (i32, i32) {
    %c0_i32 = arith.constant 0 : i32
    %c0_i32_0 = arith.constant 0 : i32
    %c0_i32_1 = arith.constant 0 : i32
    return %c0_i32, %c0_i32_0 : i32, i32
  }
  func.func @transform_3(%arg0: i32) -> (i32, i32) {
    %c0_i32 = arith.constant 0 : i32
    %c0_i32_0 = arith.constant 0 : i32
    %c0_i32_1 = arith.constant 0 : i32
    return %c0_i32, %c0_i32_0 : i32, i32
  }
  func.func @transform_4(%arg0: i32) -> (i32, i32) {
    %c0_i32 = arith.constant 0 : i32
    %c0_i32_0 = arith.constant 0 : i32
    return %arg0, %c0_i32 : i32, i32
  }
  func.func @transform_5(%arg0: i32) -> (i32, i32) {
    %c0_i32 = arith.constant 0 : i32
    %c0_i32_0 = arith.constant 0 : i32
    return %arg0, %c0_i32 : i32, i32
  }
  func.func @transform_6(%arg0: i32) -> (i32, i32) {
    %c0_i32 = arith.constant 0 : i32
    %c0_i32_0 = arith.constant 0 : i32
    return %arg0, %c0_i32 : i32, i32
  }
}

module attributes {stable_mosaic.version = 14 : i64} {
  func.func @body(%arg0: i32, %arg1: memref<2x1024x128xf32, #tpu.memory_space<vmem>>, %arg2: memref<1024x2xf32, #tpu.memory_space<vmem>>, %arg3: memref<128x128xf32, #tpu.memory_space<vmem>>, %arg4: memref<1024x128xf32, #tpu.memory_space<vmem>>) attributes {dimension_semantics = [#tpu.dimension_semantics<arbitrary>], iteration_bounds = array<i64: 10>, scalar_prefetch = 0 : i64, scratch_operands = 0 : i64, tpu.core_type = #tpu.core_type<tc>, window_params = [{transform_indices = @transform_0, window_bounds = array<i64: 2, 1024, 128>}, {transform_indices = @transform_1, window_bounds = array<i64: 1024, 2>}, {pipeline_mode = #tpu.pipeline_mode<synchronous>, transform_indices = @transform_2, window_bounds = array<i64: 128, 128>}, {transform_indices = @transform_3, window_bounds = array<i64: 1024, 128>}]} {
    %get3A = arith.constant 0 : index
    %get3A_0 = arith.constant 0 : index
    %get3A_1 = arith.constant 0 : index
    %get3A_2 = vector.load %arg1[%get3A, %get3A_0, %get3A_1] : memref<2x1024x128xf32, #tpu.memory_space<vmem>>, vector<2x1024x128xf32>
    %get3A_3 = arith.constant 0 : index
    %get3A_4 = arith.constant 0 : index
    %get3A_5 = vector.load %arg2[%get3A_3, %get3A_4] : memref<1024x2xf32, #tpu.memory_space<vmem>>, vector<1024x2xf32>
    %reduce_sum3A = arith.constant dense<0.000000e+00> : vector<1024xf32>
    %reduce_sum3A_6 = vector.multi_reduction <add>, %get3A_5, %reduce_sum3A [1] : vector<1024x2xf32> to vector<1024xf32>
    %add3A = arith.constant 1.000000e-16 : f32
    %add3A_7 = vector.broadcast %add3A : f32 to vector<1024xf32>
    %add3A_8 = arith.addf %reduce_sum3A_6, %add3A_7 : vector<1024xf32>
    %slice3A = vector.extract_strided_slice %get3A_2 {offsets = [0, 0, 0], sizes = [1, 1024, 128], strides = [1, 1, 1]} : vector<2x1024x128xf32> to vector<1x1024x128xf32>
    %squeeze3A = vector.shape_cast %slice3A : vector<1x1024x128xf32> to vector<1024x128xf32>
    %slice3A_9 = vector.extract_strided_slice %get3A_2 {offsets = [1, 0, 0], sizes = [1, 1024, 128], strides = [1, 1, 1]} : vector<2x1024x128xf32> to vector<1x1024x128xf32>
    %squeeze3A_10 = vector.shape_cast %slice3A_9 : vector<1x1024x128xf32> to vector<1024x128xf32>
    %add3A_11 = arith.addf %squeeze3A, %squeeze3A_10 : vector<1024x128xf32>
    %broadcast_in_dim3A = vector.shape_cast %add3A_8 : vector<1024xf32> to vector<1024x1xf32>
    %div3A = vector.broadcast %broadcast_in_dim3A : vector<1024x1xf32> to vector<1024x128xf32>
    %div3A_12 = arith.divf %add3A_11, %div3A : vector<1024x128xf32>
    %gt3A = arith.constant 0.000000e+00 : f32
    %gt3A_13 = vector.broadcast %gt3A : f32 to vector<1024x128xf32>
    %gt3A_14 = arith.cmpf ogt, %div3A_12, %gt3A_13 : vector<1024x128xf32>
    %min3A = arith.constant 0.000000e+00 : f32
    %min3A_15 = vector.broadcast %min3A : f32 to vector<1024x128xf32>
    %min3A_16 = arith.minimumf %div3A_12, %min3A_15 : vector<1024x128xf32>
    %exp3A = math.exp %min3A_16 : vector<1024x128xf32>
    %sub3A = arith.constant 1.000000e+00 : f32
    %sub3A_17 = vector.broadcast %sub3A : f32 to vector<1024x128xf32>
    %sub3A_18 = arith.subf %exp3A, %sub3A_17 : vector<1024x128xf32>
    %select_n3A = arith.select %gt3A_14, %div3A_12, %sub3A_18 : vector<1024x128xi1>, vector<1024x128xf32>
    %get3A_19 = arith.constant 0 : index
    %get3A_20 = arith.constant 0 : index
    %get3A_21 = vector.load %arg3[%get3A_19, %get3A_20] : memref<128x128xf32, #tpu.memory_space<vmem>>, vector<128x128xf32>
    %dot_general3A = arith.constant dense<0.000000e+00> : vector<1024x128xf32>
    %dot_general3A_22 = tpu.matmul %select_n3A, %get3A_21, %dot_general3A {dimension_numbers = #tpu.dot_dimension_numbers<[1], [0], [0], [1], [0, 0, 1, 1], [], []>, transpose_lhs_hint = false} : vector<1024x128xf32>, vector<128x128xf32>, vector<1024x128xf32> -> vector<1024x128xf32>
    %swap3A = arith.constant 0 : index
    %swap3A_23 = arith.constant 0 : index
    %swap3A_24 = vector.load %arg4[%swap3A, %swap3A_23] : memref<1024x128xf32, #tpu.memory_space<vmem>>, vector<1024x128xf32>
    tpu.vector_store %arg4[%swap3A, %swap3A_23], %dot_general3A_22 {strides = array<i32>} : memref<1024x128xf32, #tpu.memory_space<vmem>>, vector<1024x128xf32>,
    return
  }
  func.func @transform_0(%arg0: i32) -> (i32, i32, i32) {
    %c0_i32 = arith.constant 0 : i32
    %c0_i32_0 = arith.constant 0 : i32
    %c0_i32_1 = arith.constant 0 : i32
    return %c0_i32, %arg0, %c0_i32_0 : i32, i32, i32
  }
  func.func @transform_1(%arg0: i32) -> (i32, i32) {
    %c0_i32 = arith.constant 0 : i32
    %c0_i32_0 = arith.constant 0 : i32
    return %arg0, %c0_i32 : i32, i32
  }
  func.func @transform_2(%arg0: i32) -> (i32, i32) {
    %c0_i32 = arith.constant 0 : i32
    %c0_i32_0 = arith.constant 0 : i32
    %c0_i32_1 = arith.constant 0 : i32
    return %c0_i32, %c0_i32_0 : i32, i32
  }
  func.func @transform_3(%arg0: i32) -> (i32, i32) {
    %c0_i32 = arith.constant 0 : i32
    %c0_i32_0 = arith.constant 0 : i32
    return %arg0, %c0_i32 : i32, i32
  }
}

</mosaic_0001>

<sc_bundles>
// kernel: sc_attn_first_128.3.cloned.1.call-start
scs
__scs_entry_jumppad:
0x0: {  	(pc) =	sbr.rel $0x88, $3  }
0x1: {  	(tag) =	ssettag $0x0;
	lr =	simm.s32 $0x1  }
0x2: {  	[smem:$0x3F95] =	sst lr;
	_ =	strace $0xD0000000  }
0x3: {  	_ = 	snop  }
0x4: {  	_ = 	snop  }
0x5: {  	_ = 	snop  }
0x6: {  	_ = 	snop  }
0x7: {  	_ = 	snop  }
__scs_overlays_trampoline_lowered:
0x8: {  	[smem:$0x3FA4] =	sst s0  }
0x9: {  	[smem:$0x3FA5] =	sst s1  }
0xa: {  	[smem:$0x3FA6] =	sst s2  }
0xb: {  	[smem:$0x3FA7] =	sst s3  }
0xc: {  	[smem:$0x3FA8] =	sst s4  }
0xd: {  	[smem:$0x3FA9] =	sst s5  }
0xe: {  	[smem:$0x3FAA] =	sst s6  }
0xf: {  	[smem:$0x3FAB] =	sst s7  }
0x10: {  	[smem:$0x3FAC] =	sst s8  }
0x11: {  	[smem:$0x3FAD] =	sst s9;
	s0 =	simm.s32 @!p0 $0x0  }
0x12: {  	s1 =	sld [smem:$0x3F93];
	s0 =	simm.s32 @p0 $0x1  }
0x13: {  	[smem:$0x3FAE] =	sst s0;
	s0 =	simm.s32 @!p1 $0x0  }
0x14: {  	s2 =	sld [smem:$0x3F92];
	s0 =	simm.s32 @p1 $0x1  }
0x15: {  	[smem:$0x3FAF] =	sst s0;
	s0 =	simm.s32 @!p2 $0x0  }
0x16: {  	s3 =	sld [smem:$0x3FDB];
	s0 =	simm.s32 @p2 $0x1  }
0x17: {  	s4 =	simm.s32 $0x1BF5;
	[smem:$0x3FB1] =	sst s0  }
0x18: {  	s0 =	sld [smem:$0x3F94];
	_ =	swait.ge [sflag:s4], $0x0  }
0x19: {  	s7 =	sld [smem:$0x3F95]  }
0x1a: {  	s8 =	sadd.s32 $0xFFFFE003, lr  }
0x1b: {  	s9 =	sadd.s32 $0xFFFFFEF7, lr;
	s5 =	simm.s32 $0xFFFFFFFF;
	p2 =	slt.u32 s8, $0xFFFFF086  }
0x1c: {  	p1 =	slt.u32 s9, $0xF7A;
	s5 =	simm.s32 @!p2 $0x0  }
0x1d: {  	s5 =	simm.s32 @p1 $0x1;
	p0 =	seq.s32 s7, s2  }
0x1e: {  	s7 =	smul.u32 @!p0 $0xF7A, s2;
	p2 =	seq.s32 @!p0 s5, $0x0  }
0x1f: {  	s9 =	smul.u32 $0xF7A, s1;
	s8 =	simm.s32 @!p0 $0x1BF5;
	p2 =	por !p2, p0  }
0x20: {  	[sflag:s8] =	ssyncset.s32 @!p0 $0xFFFFF086;
	s6 =	sadd.s32 @!p0 s3, s7;
	s7 =	simm.s32 @!p0 $0x108  }
0x21: {  	s3 =	sadd.s32 s3, s9;
	s6 =	sadd.s32 @!p0 $0x88, s6;
	s7 =	simm.s32 @p2 $0x1082  }
0x22: {  	[simem:s7], [sflag:s8] =	dma.local @!p0 [hbm:s6], $0xF7A  }
0x23: {  	s9 =	sor.u32 $0xD0000000, s2;
	s6 =	simm.s32 $0x108;
	_ =	swait.ge @!p0 [sflag:s8], $0x0  }
0x24: {  	s3 =	sadd.s32 $0x88, s3;
	s6 =	simm.s32 @!p1 $0x1082;
	[sflag:s4] =	ssyncset.s32 $0xFFFFF086  }
0x25: {  	[simem:s6], [sflag:s4] =	dma.local [hbm:s3], $0xF7A  }
0x26: {  	[smem:$0x3F95] =	sst s1;
	(tag) =	ssettag s2;
	_ =	strace s9  }
0x27: {  	s1 =	sld [smem:$0x3FA5]  }
0x28: {  	s2 =	sld [smem:$0x3FA6]  }
0x29: {  	s4 =	sld [smem:$0x3FA8]  }
0x2a: {  	p0 =	seq.s32 s5, $0x0;
	s5 =	sld [smem:$0x3FA9]  }
0x2b: {  	s6 =	sld [smem:$0x3FAA]  }
0x2c: {  	s7 =	sld [smem:$0x3FAB]  }
0x2d: {  	s3 =	simm.s32 $0x108;
	s8 =	sld [smem:$0x3FAC]  }
0x2e: {  	s3 =	simm.s32 @!p0 $0x1082;
	s9 =	sld [smem:$0x3FAD]  }
0x2f: {  	lr =	sadd.s32 s0, s3;
	s0 =	sld [smem:$0x3FA4]  }
0x30: {  	s3 =	sld [smem:$0x3FA7]  }
0x31: {  	[smem:$0x3FB0] =	sst s10  }
0x32: {  	s10 =	sld [smem:$0x3FAE];
	_ =	sdelay $0x3  }
0x33: {  	p0 =	seq.s32 s10, $0x1;
	s10 =	sld [smem:$0x3FB0];
	_ =	sdelay $0x3  }
0x34: {  	[smem:$0x3FB0] =	sst s10  }
0x35: {  	s10 =	sld [smem:$0x3FAF];
	_ =	sdelay $0x3  }
0x36: {  	p1 =	seq.s32 s10, $0x1;
	s10 =	sld [smem:$0x3FB0];
	_ =	sdelay $0x3  }
0x37: {  	[smem:$0x3FB0] =	sst s10  }
0x38: {  	s10 =	sld [smem:$0x3FB1]  }
0x39: {  	_ = 	snop;
	(pc) =	sbr.ind lr, $3  }
0x3a: {  	_ = 	snop  }
0x3b: {  	_ = 	snop  }
0x3c: {  	p2 =	seq.s32 s10, $0x1;
	s10 =	sld [smem:$0x3FB0]  }
0x3d: {  	_ =	shalt  }
0x3e: {  	_ =	shalt  }
0x3f: {  	_ =	shalt  }
0x40: {  	_ =	shalt  }
0x41: {  	_ =	shalt  }
0x42: {  	_ =	shalt  }
0x43: {  	_ =	shalt  }
0x44: {  	_ =	shalt  }
0x45: {  	_ =	shalt  }
0x46: {  	_ =	shalt  }
0x47: {  	_ =	shalt  }
0x48: {  	_ =	shalt  }
0x49: {  	_ =	shalt  }
0x4a: {  	_ =	shalt  }
0x4b: {  	_ =	shalt  }
0x4c: {  	_ =	shalt  }
0x4d: {  	_ =	shalt  }
0x4e: {  	_ =	shalt  }
0x4f: {  	_ =	shalt  }
0x50: {  	_ =	shalt  }
0x51: {  	_ =	shalt  }
0x52: {  	_ =	shalt  }
0x53: {  	_ =	shalt  }
0x54: {  	_ =	shalt  }
0x55: {  	_ =	shalt  }
0x56: {  	_ =	shalt  }
0x57: {  	_ =	shalt  }
0x58: {  	_ =	shalt  }
0x59: {  	_ =	shalt  }
0x5a: {  	_ =	shalt  }
0x5b: {  	_ =	shalt  }
0x5c: {  	_ =	shalt  }
0x5d: {  	_ =	shalt  }
0x5e: {  	_ =	shalt  }
0x5f: {  	_ =	shalt  }
0x60: {  	_ =	shalt  }
0x61: {  	_ =	shalt  }
0x62: {  	_ =	shalt  }
0x63: {  	_ =	shalt  }
0x64: {  	_ =	shalt  }
0x65: {  	_ =	shalt  }
0x66: {  	_ =	shalt  }
0x67: {  	_ =	shalt  }
0x68: {  	_ =	shalt  }
0x69: {  	_ =	shalt  }
0x6a: {  	_ =	shalt  }
0x6b: {  	_ =	shalt  }
0x6c: {  	_ =	shalt  }
0x6d: {  	_ =	shalt  }
0x6e: {  	_ =	shalt  }
0x6f: {  	_ =	shalt  }
0x70: {  	_ =	shalt  }
0x71: {  	_ =	shalt  }
0x72: {  	_ =	shalt  }
0x73: {  	_ =	shalt  }
0x74: {  	_ =	shalt  }
0x75: {  	_ =	shalt  }
0x76: {  	_ =	shalt  }
0x77: {  	_ =	shalt  }
0x78: {  	_ =	shalt  }
0x79: {  	_ =	shalt  }
0x7a: {  	_ =	shalt  }
0x7b: {  	_ =	shalt  }
0x7c: {  	_ =	shalt  }
0x7d: {  	_ =	shalt  }
0x7e: {  	_ =	shalt  }
0x7f: {  	_ =	shalt  }
0x80: {  	_ =	shalt  }
0x81: {  	_ =	shalt  }
0x82: {  	_ =	shalt  }
0x83: {  	_ =	shalt  }
0x84: {  	_ =	shalt  }
0x85: {  	_ =	shalt  }
0x86: {  	_ =	shalt  }
0x87: {  	_ =	shalt  }
.Lfunc_end0:
.L_simem_size_0:
called_computation_lowered:
.L_overlay_start_0:
0x88: {  	s2 =	sld [smem:$0x3FD9]  }
0x89: {  	s3 =	sld [smem:$0x3FFE];
	_ =	sdelay $0x1  }
0x8a: {  	s1 =	srdreg.scid  }
0x8b: {  	s0 =	sand.u32 $0x1, s1  }
0x8c: {  	s14 =	sshll.u32 s0, $0xA;
	s2 =	sadd.s32 s3, s2  }
0x8d: {  	s2 =	sadd.s32 s2, s14  }
0x8e: {  	[smem:$0x3FBC] =	sst s2  }
0x8f: {  	_ = 	snop  }
0x90: {  	s2 =	sld [smem:$0x3FD0];
	_ =	sdelay $0x2  }
0x91: {  	s15 =	simm.s32 $0xA;
	s4 =	simm.s32 $0x10  }
0x92: {  	[smem:s4], [sflag:s15] =	dma.local [hbm:s2], $0x1  }
0x93: {  	_ =	swait.eq [sflag:s15], $0x1  }
0x94: {  	s16 =	sld [smem:$0x10];
	[sflag:s15] =	ssyncset.done $0x0  }
0x95: {  	s17 =	sld [smem:$0x11];
	[sflag:s15] =	ssyncadd.s32 $0xFFFFFFFF  }
0x96: {  	s18 =	sld [smem:$0x12];
	(tm) =	ssettm $0x1  }
0x97: {  	s5 =	sld [smem:$0x3FFB];
	_ =	sdelay $0x3  }
0x98: {  	_ =	strace s5  }
0x99: {  	s5 =	sld [smem:$0x3FFC];
	_ =	sdelay $0x3  }
0x9a: {  	_ =	strace s5  }
0x9b: {  	s5 =	sld [smem:$0x3FFD];
	_ =	sdelay $0x3  }
0x9c: {  	_ =	strace s5  }
0x9d: {  	_ =	strace $0x8FFFFFFF  }
0x9e: {  	s19 =	sld [smem:$0x3FDB];
	_ =	sdelay $0x1  }
0x9f: {  	s6 =	simm.s32 $_scs_section_size  }
0xa0: {  	s7 =	simm.s32 $_size__tile_overlayer_lowered;
	s8 =	simm.s32 $_tile_overlayer_lowered  }
0xa1: {  	s22 =	simm.s32 $0x1BFF;
	s21 =	sshll.u32 s8, $0x1;
	s5 =	sadd.s32 s6, s19  }
0xa2: {  	s9 =	simm.s32 $0x0;
	s20 =	sshll.u32 s7, $0x1;
	s7 =	sadd.s32 s21, s5  }
0xa3: {  	[timem:s9], [sflag:s22] =	dma.local [hbm:s7], s20  }
0xa4: {  	_ =	swait.ge [sflag:s22], s20  }
0xa5: {  	s6 =	ssub.s32 $0x0, s20;
	[sflag:s22] =	ssyncset.done $0x0  }
0xa6: {  	[sflag:s22] =	ssyncadd.s32 s6;
	_ =	sdelay $0x1  }
0xa7: {  	s23 =	simm.s32 $0x1B8B  }
0xa8: {  	_ =	swait.ge [sflag:s23], $0x1  }
0xa9: {  	[sflag:s23] =	ssyncset.done $0x0  }
0xaa: {  	s25 =	simm.s32 $0x1B8E;
	s24 =	sld [smem:$0x3FFE];
	[sflag:s23] =	ssyncadd.s32 $0xFFFFFFFF  }
0xab: {  	s26 =	simm.s32 $execute0_lowered;
	[smem:$0x3FD2] =	sst s25  }
0xac: {  	s7 =	sshll.u32 s26, $0x1;
	_ =	strace $0x80000046;
	[dreg:$0x1] =	wrdreg $0xFFFFFFFF  }
0xad: {  	s28 =	simm.s32 $_size_execute0_lowered;
	s5 =	sadd.s32 s5, s7;
	[dreg:$0x0] =	wrdreg $0x0  }
0xae: {  	s7 =	sshll.u32 s28, $0x1;
	[dreg:$0x2] =	wrdreg s5  }
0xaf: {  	[dreg:$0x3] =	wrdreg s7  }
0xb0: {  	[dreg:$0x4] =	wrdreg $0xC0  }
0xb1: {  	_ =	task [dreg:s9], $0x5FFFF  }
0xb2: {  	[dreg:$0x1] =	wrdreg $0xFFFFFFFF  }
0xb3: {  	[dreg:$0x0] =	wrdreg $0x60  }
0xb4: {  	[dreg:$0x2] =	wrdreg s17  }
0xb5: {  	[dreg:$0x3] =	wrdreg s16  }
0xb6: {  	[dreg:$0x4] =	wrdreg s24  }
0xb7: {  	[dreg:$0x5] =	wrdreg s18  }
0xb8: {  	[dreg:$0x6] =	wrdreg $0xA0000  }
0xb9: {  	[dreg:$0x7] =	wrdreg $0x1E0000  }
0xba: {  	[dreg:$0x8] =	wrdreg $0x9  }
0xbb: {  	_ =	task.clear_ibuf [dreg:s9], $0x9FFFF;
	_ =	strace $0x90000046  }
0xbc: {  	s29 =	simm.s32 $0x9;
	_ =	strace $0x80000048  }
0xbd: {  	_ =	swait.ge [sflag:s29], $0x1  }
0xbe: {  	[sflag:s29] =	ssyncadd.s32 $0xFFFFFFFF  }
0xbf: {  	_ =	strace $0x90000048  }
0xc0: {  	_ =	sfence  }
0xc1: {  	s30 =	sld [smem:$0x0];
	_ =	sdelay $0x2  }
0xc2: {  	s31 =	sshll.u32 s1, $0xD;
	s1 =	sshrl.u32 s1, $0x2  }
0xc3: {  	s3 =	sand.u32 $0x4000, s31;
	s1 =	sadd.s32 s1, s30  }
0xc4: {  	s0 =	sor.u32 s3, s0;
	s1 =	sshll.u32 s1, $0x11  }
0xc5: {  	s0 =	sor.u32 s1, s0  }
0xc6: {  	s0 =	sadd.s32 $0x8F2B, s0  }
0xc7: {  	[sflag:s0] =	ssyncadd.remote.s32 $0x1  }
0xc8: {  	_ =	sfence.sel $0xFFFF  }
0xc9: {  	[dreg:$0x0] =	wrdreg $0xFFFFFFFF;
	(pc) =	sbr.abs _section_cstart, $3  }
0xca: {  	[dreg:$0x1] =	wrdreg $0xFFFFFFFF  }
0xcb: {  	_ =	task.clear_ibuf [dreg:s9], $0x2FFFF;
	_ =	strace $0x9FFFFFFF  }
0xcc: {  	(tm) =	ssettm $0x7FFFFFFF  }
0xcd: {  	_ =	shalt  }
tec
execute0_lowered:
.L_overlay_start_1:
0x0: {  	(tag) =	ssettag $0x1  }
0x1: {  	s1 =	rddreg [dreg:$0x0]  }
0x2: {  	s2 =	rddreg [dreg:$0x1]  }
0x3: {  	s0 =	rddreg [dreg:$0x2]  }
0x4: {  	s3 =	srdreg.scid;
	s7 =	rddreg [dreg:$0x3]  }
0x5: {  	s16 =	stileid.u32;
	s4 =	rddreg [dreg:$0x4]  }
0x6: {  	s8 =	simm.s32 $0x0;
	s20 =	simm.s32 $0x4;
	s28 =	simm.s32 $0x7800  }
0x7: {  	s29 =	simm.s32 $0x4F10;
	s30 =	simm.s32 $0x4FB0;
	s31 =	simm.s32 $0x2  }
0x8: {  	s3 =	sand.u32 $0x1, s3;
	s5 =	sshll.u32 s16, $0x1;
	s9 =	smul.u32 $0x14000, s16  }
0x9: {  	[smem:$0x7FF] =	sst s8;
	s8 =	sadd.s32 $0x17A00, s0;
	s11 =	sadd.s32 $0x18200, s0  }
0xa: {  	s23 =	sadd.s32 $0x18000, s0;
	s6 =	sor.u32 s3, s5;
	s5 =	rddreg [dreg:$0x5]  }
0xb: {  	s15 =	smul.u32 $0x280, s16;
	_ =	strace $0x80000047;
	[dreg:$0x7] =	wrdreg s11  }
0xc: {  	s25 =	sshll.u32 s16, $0x6;
	s10 =	smul.u32 $0x140000, s3;
	[dreg:$0x8] =	wrdreg s23  }
0xd: {  	s12 =	ssub.s32 $0x2, s3;
	s11 =	sadd.s32 $0x6AA00, s0;
	s3 =	smul.u32 $0x2800, s3  }
0xe: {  	s23 =	simm.s32 $0x50;
	s6 =	smul.u32 $0x2710, s6;
	s24 =	sshrl.u32 s12, $0x1  }
0xf: {  	s26 =	sadd.s32 s15, s5;
	s10 =	sadd.s32 s9, s10;
	s9 =	sadd.s32 s9, s4  }
0x10: {  	s3 =	sadd.s32 s15, s3;
	s15 =	sshrl.u32 s26, $0x3;
	s26 =	simm.s32 $0x4F60  }
0x11: {  	s13 =	sshrl.u32 s6, $0x3;
	s10 =	sshrl.u32 s10, $0x3;
	s3 =	sshrl.u32 s3, $0x3  }
0x12: {  	[dreg:$0x10] =	wrdreg s15;
	s14 =	sadd.s32 s13, s0;
	s3 =	sadd.s32 s7, s3  }
0x13: {  	s10 =	sadd.s32 s10, s0;
	s17 =	sadd.s32 $0xDC00, s14;
	[dreg:$0xd] =	wrdreg s3  }
0x14: {  	s13 =	sadd.s32 s11, s13;
	s14 =	sadd.s32 $0x3E00, s14;
	[dreg:$0x9] =	wrdreg s17  }
0x15: {  	s0 =	ssub.s32 s12, s24;
	s13 =	sadd.s32 $0x4D8, s13;
	[dreg:$0xa] =	wrdreg s14  }
0x16: {  	s12 =	sor.u32 $0x1C04, s25;
	s10 =	sadd.s32 $0x1AA00, s10;
	[dreg:$0xb] =	wrdreg s13  }
0x17: {  	s24 =	simm.s32 $0x5000;
	s0 =	smax.u32 s0, $0x1;
	[dreg:$0xc] =	wrdreg s10  }
0x18: {  	s25 =	simm.s32 $0x4EC0;
	s3 =	simm.s32 $0x3;
	[dreg:$0xe] =	wrdreg s0  }
0x19: {  	s13 =	sshrl.u32 s9, $0x3;
	s0 =	simm.s32 $0x4E20;
	s9 =	simm.s32 $0x1  }
0x1a: {  	s10 =	simm.s32 $0x4E70;
	s14 =	simm.s32 $0x0;
	[dreg:$0xf] =	wrdreg s13  }
.LBB2_1:
0x1b: {  	s7 =	rddreg [dreg:$0x7]  }
0x1c: {  	[spmem:s13], [sflag:s12] =	dma.local [hbm:s7], $0x2800  }
0x1d: {  	_ =	swait.ge [sflag:s20], $0x2800  }
0x1e: {  	[sflag:s20] =	ssyncset.done $0x0  }
0x1f: {  	s17 =	rddreg [dreg:$0x8];
	[sflag:s20] =	ssyncadd.s32 $0xFFFFD800  }
0x20: {  	[spmem:s15], [sflag:s12] =	dma.local [hbm:s17], $0x50  }
0x21: {  	_ =	swait.ge [sflag:s20], $0x50  }
0x22: {  	[sflag:s20] =	ssyncset.done $0x0  }
0x23: {  	s18 =	simm.s32 $0x0;
	s19 =	rddreg [dreg:$0x9];
	[sflag:s20] =	ssyncadd.s32 $0xFFFFFFB0  }
0x24: {  	[tilespmem:s18], [sflag:$0x4] =	stream.linear.gather [hbm4b:s19+s18], $0x2710, $0x38;
	[tilespmem:$0x1E280] =	vst v63  }
0x25: {  	_ =	swait.ge [sflag:s20], $0x2710  }
0x26: {  	[sflag:s20] =	ssyncset.done $0x0  }
0x27: {  	s22 =	simm.s32 $0x2710;
	s21 =	rddreg [dreg:$0xa];
	[sflag:s20] =	ssyncadd.s32 $0xFFFFD8F0  }
0x28: {  	[tilespmem:s22], [sflag:$0x4] =	stream.linear.gather [hbm4b:s21+s18], $0x2710, $0x38;
	[tilespmem:$0x1E280] =	vst v63  }
0x29: {  	_ =	swait.ge [sflag:s20], $0x2710  }
0x2a: {  	[sflag:s20] =	ssyncset.done $0x0  }
0x2b: {  	[sflag:s20] =	ssyncadd.s32 $0xFFFFD8F0  }
0x2c: {  	[bflag:$0x0] =	sbarrier.arrive $0xFFFF  }
0x2d: {  	[tilespmem:s24], [sflag:$0x1] =	stream.indirect.gather [hbm4b:s1+s23], $0x80, s18, s23, $0xb8;
	[tilespmem:$0x1E280] =	vst v63  }
0x2e: {  	_ = 	snop  }
0x2f: {  	[tilespmem:s25], [sflag:$0x2] =	stream.indirect.gather [hbm4b:s2+s23], $0x1, s18, s23, $0xb8;
	[tilespmem:$0x1E280] =	vst v63  }
0x30: {  	_ = 	snop  }
0x31: {  	[tilespmem:s26], [sflag:$0x3] =	stream.indirect.gather [hbm4b:s8+s23], $0x1, s22, s23, $0xb8;
	[tilespmem:$0x1E280] =	vst v63  }
0x32: {  	s22 =	simm.s32 $0x0  }
.LBB2_2:
0x33: {  	s17 =	smul.u32 $0xA0, s22;
	_ =	sdelay $0x1  }
0x34: {  	s16 =	sadd.s32 $0x50, s17  }
0x35: {  	[tilespmem:s28], [sflag:$0x1] =	stream.indirect.gather [hbm4b:s1+s23], $0x80, s16, s23, $0xb8;
	[tilespmem:$0x1E280] =	vst v63  }
0x36: {  	_ = 	snop  }
0x37: {  	[tilespmem:s29], [sflag:$0x2] =	stream.indirect.gather [hbm4b:s2+s23], $0x1, s16, s23, $0xb8;
	[tilespmem:$0x1E280] =	vst v63  }
0x38: {  	s15 =	sadd.s32 $0x2760, s17  }
0x39: {  	[tilespmem:s30], [sflag:$0x3] =	stream.indirect.gather [hbm4b:s8+s23], $0x1, s15, s23, $0xb8;
	[tilespmem:$0x1E280] =	vst v63  }
0x3a: {  	_ =	swait.ge [sflag:s31], $0x50  }
0x3b: {  	[sflag:s31] =	ssyncset.done $0x0  }
0x3c: {  	[sflag:s31] =	ssyncadd.s32 $0xFFFFFFB0  }
0x3d: {  	_ =	swait.ge [sflag:s3], $0x50  }
0x3e: {  	[sflag:s3] =	ssyncset.done $0x0  }
0x3f: {  	[sflag:s3] =	ssyncadd.s32 $0xFFFFFFB0  }
0x40: {  	v0 =	vld [tilespmem:$0x4EC0]  }
0x41: {  	v1 =	vld [tilespmem:$0x4F60]  }
0x42: {  	v2 =	vld [tilespmem:$0x4ED0]  }
0x43: {  	v3 =	vld [tilespmem:$0x4F70]  }
0x44: {  	v4 =	vld [tilespmem:$0x4EE0]  }
0x45: {  	v5 =	vld [tilespmem:$0x4F80]  }
0x46: {  	v6 =	vld [tilespmem:$0x4F90];
	v0 =	vadd.f32 v1, v0  }
0x47: {  	v8 =	vld [tilespmem:$0x4F00]  }
0x48: {  	v1 =	vld [tilespmem:$0x4EF0];
	v7 =	vmul.f32 $2.000000030e-01, v0  }
0x49: {  	v9 =	vld [tilespmem:$0x4FA0];
	vm0 =	vgt.f32 v0, $0.0e+00  }
0x4a: {  	v2 =	vadd.f32 v3, v2;
	v0 =	vsel vm0, v0, v7  }
0x4b: {  	v0 =	vmul.f32 $1.442695020e+00, v0  }
0x4c: {  	v4 =	vadd.f32 v5, v4;
	v3 =	vmul.f32 $2.000000030e-01, v2  }
0x4d: {  	vm12 =	vgt.f32 v2, $0.0e+00;
	(erf) = vpow2.f32 v0;
	v0 =	vadd.f32 v6, v1  }
0x4e: {  	v1 =	vsel vm12, v2, v3;
	v2 =	vmul.f32 $2.000000030e-01, v4;
	v3 =	vadd.f32 v9, v8  }
0x4f: {  	vm13 =	vgt.f32 v4, $0.0e+00;
	v1 =	vmul.f32 $1.442695020e+00, v1;
	v5 =	vmul.f32 $2.000000030e-01, v0  }
0x50: {  	v2 =	vsel vm13, v4, v2;
	vm14 =	vgt.f32 v0, $0.0e+00;
	v4 =	vmul.f32 $2.000000030e-01, v3  }
0x51: {  	vm15 =	vgt.f32 v3, $0.0e+00;
	v2 =	vmul.f32 $1.442695020e+00, v2;
	v0 =	vsel vm14, v0, v5  }
0x52: {  	(erf) = vpow2.f32 v1;
	v1 =	vsel vm15, v3, v4;
	v0 =	vmul.f32 $1.442695020e+00, v0  }
0x53: {  	(erf) = vpow2.f32 v2;
	v1 =	vmul.f32 $1.442695020e+00, v1  }
0x54: {  	(erf) = vpow2.f32 v0  }
0x55: {  	(erf) = vpow2.f32 v1;
	_ =	sdelay $0x4  }
0x56: {  	v0 =	vpop (erf)  }
0x57: {  	[tilespmem:$0x4E20] =	vst v0;
	v1 =	vpop (erf)  }
0x58: {  	s7 =	smul.u32 $0x280, s22;
	[tilespmem:$0x4E30] =	vst v1;
	v0 =	vpop (erf)  }
0x59: {  	[tilespmem:$0x4E40] =	vst v0;
	v1 =	vpop (erf)  }
0x5a: {  	s7 =	sshra.s32 s7, $0x2;
	[tilespmem:$0x4E50] =	vst v1;
	v0 =	vpop (erf)  }
0x5b: {  	s18 =	sadd.s32 $0x2710, s7;
	[tilespmem:$0x4E60] =	vst v0  }
0x5c: {  	[spmem:s5] =	stream.indirect.scatter.add.f32 [tilespmem:s0], [sflag:$0x4], $0x1, s18, s23, $0xb8;
	[tilespmem:$0x1E280] =	vst v63  }
0x5d: {  	s21 =	sadd.s32 s6, s17;
	_ =	swait.ge [sflag:s20], $0x50  }
0x5e: {  	s7 =	sshrl.u32 s21, $0x3;
	[sflag:s20] =	ssyncset.done $0x0  }
0x5f: {  	s13 =	simm.s32 $0x0;
	s7 =	sadd.s32 s11, s7;
	[sflag:s20] =	ssyncadd.s32 $0xFFFFFFB0  }
0x60: {  	[hbm4b:s7+s13] =	stream.linear.scatter [tilespmem:s0], [sflag:$0x4], $0x50, $0x38;
	[tilespmem:$0x1E280] =	vst v63  }
0x61: {  	_ =	swait.ge [sflag:s20], $0x50  }
0x62: {  	[sflag:s20] =	ssyncset.done $0x0  }
0x63: {  	[sflag:s20] =	ssyncadd.s32 $0xFFFFFFB0  }
0x64: {  	_ =	swait.ge [sflag:s9], $0x2800  }
0x65: {  	v0 =	vmov s13;
	[sflag:s9] =	ssyncset.done $0x0  }
0x66: {  	s13 =	simm.s32 $0x5040;
	[sflag:s9] =	ssyncadd.s32 $0xFFFFD800  }
0x67: {  	v4 =	vld [tilespmem:s13+$0x30]  }
0x68: {  	v7 =	vld [tilespmem:s13+$0x10]  }
0x69: {  	v5 =	vld [tilespmem:s13+$0xFFFFFFC0]  }
0x6a: {  	v1 =	vld.idx.msk [tilespmem:v0+s0+$0x0], $0xffff  }
0x6b: {  	v9 =	vld [tilespmem:s13+$0xFFFFFFE0]  }
0x6c: {  	v0 =	vld [tilespmem:s13+$0xFFFFFFF0]  }
0x6d: {  	v2 =	vld [tilespmem:s13+$0x20]  }
0x6e: {  	v3 =	vld [tilespmem:s13+$0xFFFFFFD0]  }
0x6f: {  	v8 =	vmul.f32 v4, v1;
	v4 =	vld [tilespmem:s13+$0x0]  }
0x70: {  	v6 =	vmul.f32 v5, v1  }
0x71: {  	s19 =	simm.s32 $0x5040;
	s7 =	simm.s32 $0x1;
	v5 =	vmul.f32 v9, v1;
	v7 =	vmul.f32 v7, v1  }
.LBB2_3:
0x72: {  	p0 =	sne.s32 s7, $0x4F  }
0x73: {  	v3 =	vmul.f32 v3, v1;
	v2 =	vmul.f32 v2, v1;
	[tilespmem:s13+$0x30] =	vst v8;
	s19 =	sadd.s32 $0x80, s19;
	s21 =	smov.u32 s7;
	s7 =	sadd.s32 $0x1, s7  }
0x74: {  	[tilespmem:s13+$0xFFFFFFC0] =	vst v6;
	v6 =	vmul.f32 v0, v1;
	v1 =	vmul.f32 v4, v1  }
0x75: {  	[tilespmem:s13+$0x10] =	vst v7  }
0x76: {  	v4 =	vmov s21;
	[tilespmem:s13+$0xFFFFFFE0] =	vst v5  }
0x77: {  	v0 =	vld [tilespmem:s19+$0xFFFFFFF0];
	[tilespmem:s13+$0xFFFFFFF0] =	vst v6  }
0x78: {  	v5 =	vld [tilespmem:s19+$0x30];
	[tilespmem:s13+$0x0] =	vst v1  }
0x79: {  	v7 =	vld [tilespmem:s19+$0x10];
	[tilespmem:s13+$0x20] =	vst v2  }
0x7a: {  	v6 =	vld [tilespmem:s19+$0xFFFFFFC0];
	[tilespmem:s13+$0xFFFFFFD0] =	vst v3;
	s13 =	smov.u32 s19  }
0x7b: {  	v1 =	vld.idx.msk [tilespmem:v4+s0+$0x0], $0xffff  }
0x7c: {  	v9 =	vld [tilespmem:s19+$0xFFFFFFE0]  }
0x7d: {  	v2 =	vld [tilespmem:s19+$0x20]  }
.Ltmp0:
0x7e: {  	v3 =	vld [tilespmem:s19+$0xFFFFFFD0];
	(pc) =	sbr.rel @p0 .LBB2_3-.Ltmp0, $3  }
0x7f: {  	v4 =	vld [tilespmem:s19+$0x0];
	_ =	sdelay $0x1  }
0x80: {  	v6 =	vmul.f32 v6, v1;
	v8 =	vmul.f32 v5, v1  }
0x81: {  	v7 =	vmul.f32 v7, v1;
	v5 =	vmul.f32 v9, v1  }
0x82: {  	[tilespmem:s13+$0x30] =	vst v8  }
0x83: {  	[tilespmem:s13+$0xFFFFFFC0] =	vst v6  }
0x84: {  	v0 =	vmul.f32 v0, v1;
	[tilespmem:s13+$0x10] =	vst v7  }
0x85: {  	v2 =	vmul.f32 v2, v1;
	[tilespmem:s13+$0xFFFFFFE0] =	vst v5  }
0x86: {  	v4 =	vmul.f32 v4, v1;
	[tilespmem:s13+$0xFFFFFFF0] =	vst v0  }
0x87: {  	v0 =	vmul.f32 v3, v1;
	[tilespmem:s13+$0x20] =	vst v2  }
0x88: {  	[tilespmem:s13+$0x0] =	vst v4  }
0x89: {  	[tilespmem:s13+$0xFFFFFFD0] =	vst v0  }
0x8a: {  	[spmem:s4] =	stream.indirect.scatter.add.f32 [tilespmem:s24], [sflag:$0x4], $0x80, s18, s23, $0xb8;
	[tilespmem:$0x1E280] =	vst v63  }
0x8b: {  	_ =	swait.ge [sflag:s20], $0x2800  }
0x8c: {  	[sflag:s20] =	ssyncset.done $0x0  }
0x8d: {  	s7 =	sadd.s32 $0xA0, s17;
	[sflag:s20] =	ssyncadd.s32 $0xFFFFD800  }
0x8e: {  	[tilespmem:s24], [sflag:$0x1] =	stream.indirect.gather [hbm4b:s1+s23], $0x80, s7, s23, $0xb8;
	[tilespmem:$0x1E280] =	vst v63  }
0x8f: {  	_ = 	snop  }
0x90: {  	[tilespmem:s25], [sflag:$0x2] =	stream.indirect.gather [hbm4b:s2+s23], $0x1, s7, s23, $0xb8;
	[tilespmem:$0x1E280] =	vst v63  }
0x91: {  	s18 =	sadd.s32 $0x27B0, s17  }
0x92: {  	[tilespmem:s26], [sflag:$0x3] =	stream.indirect.gather [hbm4b:s8+s23], $0x1, s18, s23, $0xb8;
	[tilespmem:$0x1E280] =	vst v63  }
0x93: {  	_ =	swait.ge [sflag:s31], $0x50  }
0x94: {  	[sflag:s31] =	ssyncset.done $0x0  }
0x95: {  	[sflag:s31] =	ssyncadd.s32 $0xFFFFFFB0  }
0x96: {  	_ =	swait.ge [sflag:s3], $0x50  }
0x97: {  	[sflag:s3] =	ssyncset.done $0x0  }
0x98: {  	[sflag:s3] =	ssyncadd.s32 $0xFFFFFFB0  }
0x99: {  	v0 =	vld [tilespmem:$0x4F10]  }
0x9a: {  	v1 =	vld [tilespmem:$0x4FB0]  }
0x9b: {  	v2 =	vld [tilespmem:$0x4F20]  }
0x9c: {  	v3 =	vld [tilespmem:$0x4FC0]  }
0x9d: {  	v4 =	vld [tilespmem:$0x4F30]  }
0x9e: {  	v5 =	vld [tilespmem:$0x4FD0]  }
0x9f: {  	v6 =	vld [tilespmem:$0x4FE0];
	v0 =	vadd.f32 v1, v0  }
0xa0: {  	v8 =	vld [tilespmem:$0x4F50]  }
0xa1: {  	v1 =	vld [tilespmem:$0x4F40];
	v7 =	vmul.f32 $2.000000030e-01, v0  }
0xa2: {  	v9 =	vld [tilespmem:$0x4FF0];
	vm0 =	vgt.f32 v0, $0.0e+00  }
0xa3: {  	v2 =	vadd.f32 v3, v2;
	v0 =	vsel vm0, v0, v7  }
0xa4: {  	v0 =	vmul.f32 $1.442695020e+00, v0  }
0xa5: {  	v4 =	vadd.f32 v5, v4;
	v3 =	vmul.f32 $2.000000030e-01, v2  }
0xa6: {  	vm12 =	vgt.f32 v2, $0.0e+00;
	(erf) = vpow2.f32 v0;
	v0 =	vadd.f32 v6, v1  }
0xa7: {  	v1 =	vsel vm12, v2, v3;
	v2 =	vmul.f32 $2.000000030e-01, v4;
	v3 =	vadd.f32 v9, v8  }
0xa8: {  	vm13 =	vgt.f32 v4, $0.0e+00;
	v1 =	vmul.f32 $1.442695020e+00, v1;
	v5 =	vmul.f32 $2.000000030e-01, v0  }
0xa9: {  	v2 =	vsel vm13, v4, v2;
	vm14 =	vgt.f32 v0, $0.0e+00;
	v4 =	vmul.f32 $2.000000030e-01, v3  }
0xaa: {  	vm15 =	vgt.f32 v3, $0.0e+00;
	v2 =	vmul.f32 $1.442695020e+00, v2;
	v0 =	vsel vm14, v0, v5  }
0xab: {  	(erf) = vpow2.f32 v1;
	v1 =	vsel vm15, v3, v4;
	v0 =	vmul.f32 $1.442695020e+00, v0  }
0xac: {  	(erf) = vpow2.f32 v2;
	v1 =	vmul.f32 $1.442695020e+00, v1  }
0xad: {  	(erf) = vpow2.f32 v0  }
0xae: {  	(erf) = vpow2.f32 v1;
	_ =	sdelay $0x4  }
0xaf: {  	v0 =	vpop (erf)  }
0xb0: {  	[tilespmem:$0x4E70] =	vst v0;
	v1 =	vpop (erf)  }
0xb1: {  	[tilespmem:$0x4E80] =	vst v1;
	v0 =	vpop (erf)  }
0xb2: {  	[tilespmem:$0x4E90] =	vst v0;
	v1 =	vpop (erf)  }
0xb3: {  	[tilespmem:$0x4EA0] =	vst v1;
	v0 =	vpop (erf)  }
0xb4: {  	[tilespmem:$0x4EB0] =	vst v0  }
0xb5: {  	[spmem:s5] =	stream.indirect.scatter.add.f32 [tilespmem:s10], [sflag:$0x4], $0x1, s15, s23, $0xb8;
	[tilespmem:$0x1E280] =	vst v63  }
0xb6: {  	s19 =	sadd.s32 s6, s16;
	_ =	swait.ge [sflag:s20], $0x50  }
0xb7: {  	s7 =	sshrl.u32 s19, $0x3;
	[sflag:s20] =	ssyncset.done $0x0  }
0xb8: {  	s21 =	simm.s32 $0x0;
	s7 =	sadd.s32 s11, s7;
	[sflag:s20] =	ssyncadd.s32 $0xFFFFFFB0  }
0xb9: {  	[hbm4b:s7+s21] =	stream.linear.scatter [tilespmem:s10], [sflag:$0x4], $0x50, $0x38;
	[tilespmem:$0x1E280] =	vst v63  }
0xba: {  	_ =	swait.ge [sflag:s20], $0x50  }
0xbb: {  	[sflag:s20] =	ssyncset.done $0x0  }
0xbc: {  	[sflag:s20] =	ssyncadd.s32 $0xFFFFFFB0  }
0xbd: {  	_ =	swait.ge [sflag:s9], $0x2800  }
0xbe: {  	v0 =	vmov s21;
	[sflag:s9] =	ssyncset.done $0x0  }
0xbf: {  	s13 =	simm.s32 $0x7840;
	[sflag:s9] =	ssyncadd.s32 $0xFFFFD800  }
0xc0: {  	v4 =	vld [tilespmem:s13+$0x30]  }
0xc1: {  	v7 =	vld [tilespmem:s13+$0x10]  }
0xc2: {  	v5 =	vld [tilespmem:s13+$0xFFFFFFC0]  }
0xc3: {  	v1 =	vld.idx.msk [tilespmem:v0+s10+$0x0], $0xffff  }
0xc4: {  	v9 =	vld [tilespmem:s13+$0xFFFFFFE0]  }
0xc5: {  	v0 =	vld [tilespmem:s13+$0xFFFFFFF0]  }
0xc6: {  	v2 =	vld [tilespmem:s13+$0x20]  }
0xc7: {  	v3 =	vld [tilespmem:s13+$0xFFFFFFD0]  }
0xc8: {  	v8 =	vmul.f32 v4, v1;
	v4 =	vld [tilespmem:s13+$0x0]  }
0xc9: {  	v6 =	vmul.f32 v5, v1  }
0xca: {  	s16 =	simm.s32 $0x7840;
	s7 =	simm.s32 $0x1;
	v5 =	vmul.f32 v9, v1;
	v7 =	vmul.f32 v7, v1  }
.LBB2_5:
0xcb: {  	p0 =	sne.s32 s7, $0x4F  }
0xcc: {  	v3 =	vmul.f32 v3, v1;
	v2 =	vmul.f32 v2, v1;
	[tilespmem:s13+$0x30] =	vst v8;
	s16 =	sadd.s32 $0x80, s16;
	s17 =	smov.u32 s7;
	s7 =	sadd.s32 $0x1, s7  }
0xcd: {  	[tilespmem:s13+$0xFFFFFFC0] =	vst v6;
	v6 =	vmul.f32 v0, v1;
	v1 =	vmul.f32 v4, v1  }
0xce: {  	[tilespmem:s13+$0x10] =	vst v7  }
0xcf: {  	v4 =	vmov s17;
	[tilespmem:s13+$0xFFFFFFE0] =	vst v5  }
0xd0: {  	v0 =	vld [tilespmem:s16+$0xFFFFFFF0];
	[tilespmem:s13+$0xFFFFFFF0] =	vst v6  }
0xd1: {  	v5 =	vld [tilespmem:s16+$0x30];
	[tilespmem:s13+$0x0] =	vst v1  }
0xd2: {  	v7 =	vld [tilespmem:s16+$0x10];
	[tilespmem:s13+$0x20] =	vst v2  }
0xd3: {  	v6 =	vld [tilespmem:s16+$0xFFFFFFC0];
	[tilespmem:s13+$0xFFFFFFD0] =	vst v3;
	s13 =	smov.u32 s16  }
0xd4: {  	v1 =	vld.idx.msk [tilespmem:v4+s10+$0x0], $0xffff  }
0xd5: {  	v9 =	vld [tilespmem:s16+$0xFFFFFFE0]  }
0xd6: {  	v2 =	vld [tilespmem:s16+$0x20]  }
.Ltmp1:
0xd7: {  	v3 =	vld [tilespmem:s16+$0xFFFFFFD0];
	(pc) =	sbr.rel @p0 .LBB2_5-.Ltmp1, $3  }
0xd8: {  	v4 =	vld [tilespmem:s16+$0x0];
	_ =	sdelay $0x1  }
0xd9: {  	v6 =	vmul.f32 v6, v1;
	v8 =	vmul.f32 v5, v1  }
0xda: {  	v7 =	vmul.f32 v7, v1;
	v5 =	vmul.f32 v9, v1  }
0xdb: {  	[tilespmem:s13+$0x30] =	vst v8  }
0xdc: {  	[tilespmem:s13+$0xFFFFFFC0] =	vst v6  }
0xdd: {  	v0 =	vmul.f32 v0, v1;
	[tilespmem:s13+$0x10] =	vst v7  }
0xde: {  	v2 =	vmul.f32 v2, v1;
	[tilespmem:s13+$0xFFFFFFE0] =	vst v5  }
0xdf: {  	v63 =	vmul.f32 v3, v1;
	[tilespmem:s13+$0xFFFFFFF0] =	vst v0  }
0xe0: {  	s22 =	sadd.s32 $0x1, s22;
	v4 =	vmul.f32 v4, v1;
	[tilespmem:s13+$0x20] =	vst v2  }
0xe1: {  	p0 =	sne.s32 s22, $0x3E;
	[tilespmem:s13+$0xFFFFFFD0] =	vst v63  }
.Ltmp2:
0xe2: {  	[tilespmem:s13+$0x0] =	vst v4;
	(pc) =	sbr.rel @p0 .LBB2_2-.Ltmp2, $4  }
0xe3: {  	[spmem:s4] =	stream.indirect.scatter.add.f32 [tilespmem:s28], [sflag:$0x4], $0x80, s15, s23, $0xb8;
	[tilespmem:$0x1E280] =	vst v63  }
0xe4: {  	_ =	swait.ge [sflag:s20], $0x2800  }
0xe5: {  	[sflag:s20] =	ssyncset.done $0x0  }
0xe6: {  	[sflag:s20] =	ssyncadd.s32 $0xFFFFD800  }
0xe7: {  	_ =	swait.ge [sflag:s31], $0x50  }
0xe8: {  	[sflag:s31] =	ssyncset.done $0x0  }
0xe9: {  	[sflag:s31] =	ssyncadd.s32 $0xFFFFFFB0  }
0xea: {  	_ =	swait.ge [sflag:s3], $0x50  }
0xeb: {  	[sflag:s3] =	ssyncset.done $0x0  }
0xec: {  	[sflag:s3] =	ssyncadd.s32 $0xFFFFFFB0  }
0xed: {  	v0 =	vld [tilespmem:$0x4EC0]  }
0xee: {  	v1 =	vld [tilespmem:$0x4F60]  }
0xef: {  	v2 =	vld [tilespmem:$0x4ED0]  }
0xf0: {  	v3 =	vld [tilespmem:$0x4F70]  }
0xf1: {  	v4 =	vld [tilespmem:$0x4EE0]  }
0xf2: {  	v5 =	vld [tilespmem:$0x4F80]  }
0xf3: {  	v6 =	vld [tilespmem:$0x4F90];
	v0 =	vadd.f32 v1, v0  }
0xf4: {  	v8 =	vld [tilespmem:$0x4F00]  }
0xf5: {  	v1 =	vld [tilespmem:$0x4EF0];
	v7 =	vmul.f32 $2.000000030e-01, v0  }
0xf6: {  	v9 =	vld [tilespmem:$0x4FA0];
	vm0 =	vgt.f32 v0, $0.0e+00  }
0xf7: {  	v2 =	vadd.f32 v3, v2;
	v0 =	vsel vm0, v0, v7  }
0xf8: {  	v0 =	vmul.f32 $1.442695020e+00, v0  }
0xf9: {  	v4 =	vadd.f32 v5, v4;
	v3 =	vmul.f32 $2.000000030e-01, v2  }
0xfa: {  	vm12 =	vgt.f32 v2, $0.0e+00;
	(erf) = vpow2.f32 v0;
	v0 =	vadd.f32 v6, v1  }
0xfb: {  	v1 =	vsel vm12, v2, v3;
	v2 =	vmul.f32 $2.000000030e-01, v4;
	v3 =	vadd.f32 v9, v8  }
0xfc: {  	vm13 =	vgt.f32 v4, $0.0e+00;
	v1 =	vmul.f32 $1.442695020e+00, v1;
	v5 =	vmul.f32 $2.000000030e-01, v0  }
0xfd: {  	v2 =	vsel vm13, v4, v2;
	vm14 =	vgt.f32 v0, $0.0e+00;
	v4 =	vmul.f32 $2.000000030e-01, v3  }
0xfe: {  	vm15 =	vgt.f32 v3, $0.0e+00;
	v2 =	vmul.f32 $1.442695020e+00, v2;
	v0 =	vsel vm14, v0, v5  }
0xff: {  	(erf) = vpow2.f32 v1;
	v1 =	vsel vm15, v3, v4;
	v0 =	vmul.f32 $1.442695020e+00, v0  }
0x100: {  	(erf) = vpow2.f32 v2;
	v1 =	vmul.f32 $1.442695020e+00, v1  }
0x101: {  	(erf) = vpow2.f32 v0  }
0x102: {  	(erf) = vpow2.f32 v1;
	_ =	sdelay $0x4  }
0x103: {  	v0 =	vpop (erf)  }
0x104: {  	[tilespmem:$0x4E20] =	vst v0;
	v1 =	vpop (erf)  }
0x105: {  	[tilespmem:$0x4E30] =	vst v1;
	v0 =	vpop (erf)  }
0x106: {  	[tilespmem:$0x4E40] =	vst v0;
	v1 =	vpop (erf)  }
0x107: {  	[tilespmem:$0x4E50] =	vst v1;
	v0 =	vpop (erf)  }
0x108: {  	s17 =	simm.s32 $0x4DD0;
	[tilespmem:$0x4E60] =	vst v0  }
0x109: {  	[spmem:s5] =	stream.indirect.scatter.add.f32 [tilespmem:s0], [sflag:$0x4], $0x1, s17, s23, $0xb8;
	[tilespmem:$0x1E280] =	vst v63  }
0x10a: {  	_ =	swait.ge [sflag:s20], $0x50  }
0x10b: {  	[sflag:s20] =	ssyncset.done $0x0  }
0x10c: {  	s7 =	simm.s32 $0x0;
	s13 =	rddreg [dreg:$0xb];
	[sflag:s20] =	ssyncadd.s32 $0xFFFFFFB0  }
0x10d: {  	[hbm4b:s13+s7] =	stream.linear.scatter [tilespmem:s0], [sflag:$0x4], $0x50, $0x38;
	[tilespmem:$0x1E280] =	vst v63  }
0x10e: {  	_ =	swait.ge [sflag:s20], $0x50  }
0x10f: {  	[sflag:s20] =	ssyncset.done $0x0  }
0x110: {  	[sflag:s20] =	ssyncadd.s32 $0xFFFFFFB0  }
0x111: {  	_ =	swait.ge [sflag:s9], $0x2800  }
0x112: {  	v0 =	vmov s7;
	[sflag:s9] =	ssyncset.done $0x0  }
0x113: {  	s13 =	simm.s32 $0x5040;
	[sflag:s9] =	ssyncadd.s32 $0xFFFFD800  }
0x114: {  	v4 =	vld [tilespmem:s13+$0x30]  }
0x115: {  	v7 =	vld [tilespmem:s13+$0x10]  }
0x116: {  	v5 =	vld [tilespmem:s13+$0xFFFFFFC0]  }
0x117: {  	v1 =	vld.idx.msk [tilespmem:v0+s0+$0x0], $0xffff  }
0x118: {  	v9 =	vld [tilespmem:s13+$0xFFFFFFE0]  }
0x119: {  	v0 =	vld [tilespmem:s13+$0xFFFFFFF0]  }
0x11a: {  	v2 =	vld [tilespmem:s13+$0x20]  }
0x11b: {  	v3 =	vld [tilespmem:s13+$0xFFFFFFD0]  }
0x11c: {  	v8 =	vmul.f32 v4, v1;
	v4 =	vld [tilespmem:s13+$0x0]  }
0x11d: {  	v6 =	vmul.f32 v5, v1  }
0x11e: {  	s15 =	simm.s32 $0x5040;
	s7 =	simm.s32 $0x1;
	v5 =	vmul.f32 v9, v1;
	v7 =	vmul.f32 v7, v1  }
.LBB2_8:
0x11f: {  	p0 =	sne.s32 s7, $0x4F  }
0x120: {  	v3 =	vmul.f32 v3, v1;
	v2 =	vmul.f32 v2, v1;
	[tilespmem:s13+$0x30] =	vst v8;
	s15 =	sadd.s32 $0x80, s15;
	s16 =	smov.u32 s7;
	s7 =	sadd.s32 $0x1, s7  }
0x121: {  	[tilespmem:s13+$0xFFFFFFC0] =	vst v6;
	v6 =	vmul.f32 v0, v1;
	v1 =	vmul.f32 v4, v1  }
0x122: {  	[tilespmem:s13+$0x10] =	vst v7  }
0x123: {  	v4 =	vmov s16;
	[tilespmem:s13+$0xFFFFFFE0] =	vst v5  }
0x124: {  	v0 =	vld [tilespmem:s15+$0xFFFFFFF0];
	[tilespmem:s13+$0xFFFFFFF0] =	vst v6  }
0x125: {  	v5 =	vld [tilespmem:s15+$0x30];
	[tilespmem:s13+$0x0] =	vst v1  }
0x126: {  	v7 =	vld [tilespmem:s15+$0x10];
	[tilespmem:s13+$0x20] =	vst v2  }
0x127: {  	v6 =	vld [tilespmem:s15+$0xFFFFFFC0];
	[tilespmem:s13+$0xFFFFFFD0] =	vst v3;
	s13 =	smov.u32 s15  }
0x128: {  	v1 =	vld.idx.msk [tilespmem:v4+s0+$0x0], $0xffff  }
0x129: {  	v9 =	vld [tilespmem:s15+$0xFFFFFFE0]  }
0x12a: {  	v2 =	vld [tilespmem:s15+$0x20]  }
.Ltmp3:
0x12b: {  	v3 =	vld [tilespmem:s15+$0xFFFFFFD0];
	(pc) =	sbr.rel @p0 .LBB2_8-.Ltmp3, $3  }
0x12c: {  	v4 =	vld [tilespmem:s15+$0x0];
	_ =	sdelay $0x1  }
0x12d: {  	v6 =	vmul.f32 v6, v1;
	v8 =	vmul.f32 v5, v1  }
0x12e: {  	v7 =	vmul.f32 v7, v1;
	v5 =	vmul.f32 v9, v1  }
0x12f: {  	[tilespmem:s13+$0x30] =	vst v8  }
0x130: {  	[tilespmem:s13+$0xFFFFFFC0] =	vst v6  }
0x131: {  	v0 =	vmul.f32 v0, v1;
	[tilespmem:s13+$0x10] =	vst v7  }
0x132: {  	v2 =	vmul.f32 v2, v1;
	[tilespmem:s13+$0xFFFFFFE0] =	vst v5  }
0x133: {  	v63 =	vmul.f32 v3, v1;
	[tilespmem:s13+$0xFFFFFFF0] =	vst v0  }
0x134: {  	v4 =	vmul.f32 v4, v1;
	[tilespmem:s13+$0x20] =	vst v2  }
0x135: {  	[tilespmem:s13+$0xFFFFFFD0] =	vst v63  }
0x136: {  	[tilespmem:s13+$0x0] =	vst v4  }
0x137: {  	[spmem:s4] =	stream.indirect.scatter.add.f32 [tilespmem:s24], [sflag:$0x4], $0x80, s17, s23, $0xb8;
	[tilespmem:$0x1E280] =	vst v63  }
0x138: {  	_ =	swait.ge [sflag:s20], $0x2800  }
0x139: {  	[sflag:s20] =	ssyncset.done $0x0  }
0x13a: {  	[sflag:s20] =	ssyncadd.s32 $0xFFFFD800  }
0x13b: {  	[bflag:$0x0] =	sbarrier.arrive $0xFFFF  }
0x13c: {  	s7 =	rddreg [dreg:$0xc]  }
0x13d: {  	s13 =	rddreg [dreg:$0xf]  }
0x13e: {  	[hbm:s7], [sflag:s12] =	dma.local [spmem:s13], $0x2800  }
0x13f: {  	_ =	swait.ge [sflag:s20], $0x2800  }
0x140: {  	[sflag:s20] =	ssyncset.done $0x0;
	s21 =	rddreg [dreg:$0xd]  }
0x141: {  	s15 =	rddreg [dreg:$0x10];
	[sflag:s20] =	ssyncadd.s32 $0xFFFFD800  }
0x142: {  	[hbm:s21], [sflag:s12] =	dma.local [spmem:s15], $0x50  }
0x143: {  	_ =	swait.ge [sflag:s20], $0x50  }
0x144: {  	s14 =	sadd.s32 $0x1, s14;
	s22 =	rddreg [dreg:$0xe]  }
0x145: {  	p0 =	sne.s32 s14, s22  }
.Ltmp4:
0x146: {  	_ = 	snop;
	(pc) =	sbr.rel @p0 .LBB2_1-.Ltmp4, $3  }
0x147: {  	_ =	sdelay $0x1  }
0x148: {  	[sflag:s20] =	ssyncset.done $0x0  }
0x149: {  	[sflag:s20] =	ssyncadd.s32 $0xFFFFFFB0  }
0x14a: {  	_ =	sfence.sel $0x180000  }
0x14b: {  	[bflag:$0x0] =	sbarrier.arrive $0xFFFF  }
0x14c: {  	_ =	strace $0x90000047  }
0x14d: {  	s0 =	stileid.u32;
	[bflag:$0x2] =	sbarrier.arrive $0xFFFF  }
0x14e: {  	p0 =	sne.s32 s0, $0x0;
	s0 =	rddreg [dreg:$0x6]  }
0x14f: {  	s0 =	sadd.s32 @!p0 $0x100000, s0  }
0x150: {  	[sflag:s0] =	ssyncadd.tile.s32 @!p0 $0x1;
	_ =	shalt  }
.Lfunc_end2:
_tile_overlayer_lowered:
.L_overlay_start_2:
0x151: {  	(tag) =	ssettag $0x2  }
0x152: {  	s0 =	rddreg [dreg:$0x0];
	s2 =	stileid.u32  }
0x153: {  	s1 =	rddreg [dreg:$0x1];
	p0 =	sne.s32 s2, $0x0  }
0x154: {  	s3 =	rddreg [dreg:$0x2];
	[bflag:$0x3] =	sbarrier.arrive $0xFFFF;
	s2 =	simm.s32 @!p0 $0x1C04  }
0x155: {  	[timem:s3], [sflag:s2] =	dma.local @!p0 [hbm:s0], s1  }
0x156: {  	s0 =	simm.s32 @!p0 $0x4  }
0x157: {  	_ =	swait.ge @!p0 [sflag:s0], s1  }
0x158: {  	s1 =	ssub.s32 @!p0 $0x0, s1;
	[sflag:s0] =	ssyncset.done @!p0 $0x0  }
0x159: {  	[sflag:s0] =	ssyncadd.s32 @!p0 s1  }
0x15a: {  	[bflag:$0x3] =	sbarrier.arrive $0xFFFF  }
0x15b: {  	_ =	shalt  }

// kernel: sc_attn_mid_128.3.cloned.1.call-start
scs
__scs_entry_jumppad:
0x0: {  	(pc) =	sbr.rel $0x88, $3  }
0x1: {  	(tag) =	ssettag $0x0;
	lr =	simm.s32 $0x1  }
0x2: {  	[smem:$0x3F95] =	sst lr;
	_ =	strace $0xD0000000  }
0x3: {  	_ = 	snop  }
0x4: {  	_ = 	snop  }
0x5: {  	_ = 	snop  }
0x6: {  	_ = 	snop  }
0x7: {  	_ = 	snop  }
__scs_overlays_trampoline_lowered:
0x8: {  	[smem:$0x3FA4] =	sst s0  }
0x9: {  	[smem:$0x3FA5] =	sst s1  }
0xa: {  	[smem:$0x3FA6] =	sst s2  }
0xb: {  	[smem:$0x3FA7] =	sst s3  }
0xc: {  	[smem:$0x3FA8] =	sst s4  }
0xd: {  	[smem:$0x3FA9] =	sst s5  }
0xe: {  	[smem:$0x3FAA] =	sst s6  }
0xf: {  	[smem:$0x3FAB] =	sst s7  }
0x10: {  	[smem:$0x3FAC] =	sst s8  }
0x11: {  	[smem:$0x3FAD] =	sst s9;
	s0 =	simm.s32 @!p0 $0x0  }
0x12: {  	s1 =	sld [smem:$0x3F93];
	s0 =	simm.s32 @p0 $0x1  }
0x13: {  	[smem:$0x3FAE] =	sst s0;
	s0 =	simm.s32 @!p1 $0x0  }
0x14: {  	s2 =	sld [smem:$0x3F92];
	s0 =	simm.s32 @p1 $0x1  }
0x15: {  	[smem:$0x3FAF] =	sst s0;
	s0 =	simm.s32 @!p2 $0x0  }
0x16: {  	s3 =	sld [smem:$0x3FDB];
	s0 =	simm.s32 @p2 $0x1  }
0x17: {  	s4 =	simm.s32 $0x1BF5;
	[smem:$0x3FB1] =	sst s0  }
0x18: {  	s0 =	sld [smem:$0x3F94];
	_ =	swait.ge [sflag:s4], $0x0  }
0x19: {  	s7 =	sld [smem:$0x3F95]  }
0x1a: {  	s8 =	sadd.s32 $0xFFFFE003, lr  }
0x1b: {  	s9 =	sadd.s32 $0xFFFFFEF7, lr;
	s5 =	simm.s32 $0xFFFFFFFF;
	p2 =	slt.u32 s8, $0xFFFFF086  }
0x1c: {  	p1 =	slt.u32 s9, $0xF7A;
	s5 =	simm.s32 @!p2 $0x0  }
0x1d: {  	s5 =	simm.s32 @p1 $0x1;
	p0 =	seq.s32 s7, s2  }
0x1e: {  	s7 =	smul.u32 @!p0 $0xF7A, s2;
	p2 =	seq.s32 @!p0 s5, $0x0  }
0x1f: {  	s9 =	smul.u32 $0xF7A, s1;
	s8 =	simm.s32 @!p0 $0x1BF5;
	p2 =	por !p2, p0  }
0x20: {  	[sflag:s8] =	ssyncset.s32 @!p0 $0xFFFFF086;
	s6 =	sadd.s32 @!p0 s3, s7;
	s7 =	simm.s32 @!p0 $0x108  }
0x21: {  	s3 =	sadd.s32 s3, s9;
	s6 =	sadd.s32 @!p0 $0x88, s6;
	s7 =	simm.s32 @p2 $0x1082  }
0x22: {  	[simem:s7], [sflag:s8] =	dma.local @!p0 [hbm:s6], $0xF7A  }
0x23: {  	s9 =	sor.u32 $0xD0000000, s2;
	s6 =	simm.s32 $0x108;
	_ =	swait.ge @!p0 [sflag:s8], $0x0  }
0x24: {  	s3 =	sadd.s32 $0x88, s3;
	s6 =	simm.s32 @!p1 $0x1082;
	[sflag:s4] =	ssyncset.s32 $0xFFFFF086  }
0x25: {  	[simem:s6], [sflag:s4] =	dma.local [hbm:s3], $0xF7A  }
0x26: {  	[smem:$0x3F95] =	sst s1;
	(tag) =	ssettag s2;
	_ =	strace s9  }
0x27: {  	s1 =	sld [smem:$0x3FA5]  }
0x28: {  	s2 =	sld [smem:$0x3FA6]  }
0x29: {  	s4 =	sld [smem:$0x3FA8]  }
0x2a: {  	p0 =	seq.s32 s5, $0x0;
	s5 =	sld [smem:$0x3FA9]  }
0x2b: {  	s6 =	sld [smem:$0x3FAA]  }
0x2c: {  	s7 =	sld [smem:$0x3FAB]  }
0x2d: {  	s3 =	simm.s32 $0x108;
	s8 =	sld [smem:$0x3FAC]  }
0x2e: {  	s3 =	simm.s32 @!p0 $0x1082;
	s9 =	sld [smem:$0x3FAD]  }
0x2f: {  	lr =	sadd.s32 s0, s3;
	s0 =	sld [smem:$0x3FA4]  }
0x30: {  	s3 =	sld [smem:$0x3FA7]  }
0x31: {  	[smem:$0x3FB0] =	sst s10  }
0x32: {  	s10 =	sld [smem:$0x3FAE];
	_ =	sdelay $0x3  }
0x33: {  	p0 =	seq.s32 s10, $0x1;
	s10 =	sld [smem:$0x3FB0];
	_ =	sdelay $0x3  }
0x34: {  	[smem:$0x3FB0] =	sst s10  }
0x35: {  	s10 =	sld [smem:$0x3FAF];
	_ =	sdelay $0x3  }
0x36: {  	p1 =	seq.s32 s10, $0x1;
	s10 =	sld [smem:$0x3FB0];
	_ =	sdelay $0x3  }
0x37: {  	[smem:$0x3FB0] =	sst s10  }
0x38: {  	s10 =	sld [smem:$0x3FB1]  }
0x39: {  	_ = 	snop;
	(pc) =	sbr.ind lr, $3  }
0x3a: {  	_ = 	snop  }
0x3b: {  	_ = 	snop  }
0x3c: {  	p2 =	seq.s32 s10, $0x1;
	s10 =	sld [smem:$0x3FB0]  }
0x3d: {  	_ =	shalt  }
0x3e: {  	_ =	shalt  }
0x3f: {  	_ =	shalt  }
0x40: {  	_ =	shalt  }
0x41: {  	_ =	shalt  }
0x42: {  	_ =	shalt  }
0x43: {  	_ =	shalt  }
0x44: {  	_ =	shalt  }
0x45: {  	_ =	shalt  }
0x46: {  	_ =	shalt  }
0x47: {  	_ =	shalt  }
0x48: {  	_ =	shalt  }
0x49: {  	_ =	shalt  }
0x4a: {  	_ =	shalt  }
0x4b: {  	_ =	shalt  }
0x4c: {  	_ =	shalt  }
0x4d: {  	_ =	shalt  }
0x4e: {  	_ =	shalt  }
0x4f: {  	_ =	shalt  }
0x50: {  	_ =	shalt  }
0x51: {  	_ =	shalt  }
0x52: {  	_ =	shalt  }
0x53: {  	_ =	shalt  }
0x54: {  	_ =	shalt  }
0x55: {  	_ =	shalt  }
0x56: {  	_ =	shalt  }
0x57: {  	_ =	shalt  }
0x58: {  	_ =	shalt  }
0x59: {  	_ =	shalt  }
0x5a: {  	_ =	shalt  }
0x5b: {  	_ =	shalt  }
0x5c: {  	_ =	shalt  }
0x5d: {  	_ =	shalt  }
0x5e: {  	_ =	shalt  }
0x5f: {  	_ =	shalt  }
0x60: {  	_ =	shalt  }
0x61: {  	_ =	shalt  }
0x62: {  	_ =	shalt  }
0x63: {  	_ =	shalt  }
0x64: {  	_ =	shalt  }
0x65: {  	_ =	shalt  }
0x66: {  	_ =	shalt  }
0x67: {  	_ =	shalt  }
0x68: {  	_ =	shalt  }
0x69: {  	_ =	shalt  }
0x6a: {  	_ =	shalt  }
0x6b: {  	_ =	shalt  }
0x6c: {  	_ =	shalt  }
0x6d: {  	_ =	shalt  }
0x6e: {  	_ =	shalt  }
0x6f: {  	_ =	shalt  }
0x70: {  	_ =	shalt  }
0x71: {  	_ =	shalt  }
0x72: {  	_ =	shalt  }
0x73: {  	_ =	shalt  }
0x74: {  	_ =	shalt  }
0x75: {  	_ =	shalt  }
0x76: {  	_ =	shalt  }
0x77: {  	_ =	shalt  }
0x78: {  	_ =	shalt  }
0x79: {  	_ =	shalt  }
0x7a: {  	_ =	shalt  }
0x7b: {  	_ =	shalt  }
0x7c: {  	_ =	shalt  }
0x7d: {  	_ =	shalt  }
0x7e: {  	_ =	shalt  }
0x7f: {  	_ =	shalt  }
0x80: {  	_ =	shalt  }
0x81: {  	_ =	shalt  }
0x82: {  	_ =	shalt  }
0x83: {  	_ =	shalt  }
0x84: {  	_ =	shalt  }
0x85: {  	_ =	shalt  }
0x86: {  	_ =	shalt  }
0x87: {  	_ =	shalt  }
.Lfunc_end0:
.L_simem_size_0:
called_computation.1_lowered:
.L_overlay_start_0:
0x88: {  	s2 =	sld [smem:$0x3FD9]  }
0x89: {  	s3 =	sld [smem:$0x3FFE];
	_ =	sdelay $0x1  }
0x8a: {  	s1 =	srdreg.scid  }
0x8b: {  	s0 =	sand.u32 $0x1, s1  }
0x8c: {  	s14 =	sshll.u32 s0, $0xA;
	s2 =	sadd.s32 s3, s2  }
0x8d: {  	s2 =	sadd.s32 s2, s14  }
0x8e: {  	[smem:$0x3FBC] =	sst s2  }
0x8f: {  	_ = 	snop  }
0x90: {  	s2 =	sld [smem:$0x3FD0];
	_ =	sdelay $0x2  }
0x91: {  	s15 =	simm.s32 $0xA;
	s4 =	simm.s32 $0x10  }
0x92: {  	[smem:s4], [sflag:s15] =	dma.local [hbm:s2], $0x1  }
0x93: {  	_ =	swait.eq [sflag:s15], $0x1  }
0x94: {  	s16 =	sld [smem:$0x10];
	[sflag:s15] =	ssyncset.done $0x0  }
0x95: {  	s17 =	sld [smem:$0x11];
	[sflag:s15] =	ssyncadd.s32 $0xFFFFFFFF  }
0x96: {  	s18 =	sld [smem:$0x12];
	(tm) =	ssettm $0x1  }
0x97: {  	s5 =	sld [smem:$0x3FFB];
	_ =	sdelay $0x3  }
0x98: {  	_ =	strace s5  }
0x99: {  	s5 =	sld [smem:$0x3FFC];
	_ =	sdelay $0x3  }
0x9a: {  	_ =	strace s5  }
0x9b: {  	s5 =	sld [smem:$0x3FFD];
	_ =	sdelay $0x3  }
0x9c: {  	_ =	strace s5  }
0x9d: {  	_ =	strace $0x8FFFFFFF  }
0x9e: {  	s19 =	sld [smem:$0x3FDB];
	_ =	sdelay $0x1  }
0x9f: {  	s6 =	simm.s32 $_scs_section_size  }
0xa0: {  	s7 =	simm.s32 $_size__tile_overlayer_lowered;
	s8 =	simm.s32 $_tile_overlayer_lowered  }
0xa1: {  	s22 =	simm.s32 $0x1BFF;
	s21 =	sshll.u32 s8, $0x1;
	s5 =	sadd.s32 s6, s19  }
0xa2: {  	s9 =	simm.s32 $0x0;
	s20 =	sshll.u32 s7, $0x1;
	s7 =	sadd.s32 s21, s5  }
0xa3: {  	[timem:s9], [sflag:s22] =	dma.local [hbm:s7], s20  }
0xa4: {  	_ =	swait.ge [sflag:s22], s20  }
0xa5: {  	s6 =	ssub.s32 $0x0, s20;
	[sflag:s22] =	ssyncset.done $0x0  }
0xa6: {  	[sflag:s22] =	ssyncadd.s32 s6;
	_ =	sdelay $0x1  }
0xa7: {  	s23 =	simm.s32 $0x1B8B  }
0xa8: {  	_ =	swait.ge [sflag:s23], $0x1  }
0xa9: {  	[sflag:s23] =	ssyncset.done $0x0  }
0xaa: {  	s25 =	simm.s32 $0x1B8E;
	s24 =	sld [smem:$0x3FFE];
	[sflag:s23] =	ssyncadd.s32 $0xFFFFFFFF  }
0xab: {  	s26 =	simm.s32 $execute0_lowered;
	[smem:$0x3FD2] =	sst s25  }
0xac: {  	s7 =	sshll.u32 s26, $0x1;
	_ =	strace $0x80000049;
	[dreg:$0x1] =	wrdreg $0xFFFFFFFF  }
0xad: {  	s28 =	simm.s32 $_size_execute0_lowered;
	s5 =	sadd.s32 s5, s7;
	[dreg:$0x0] =	wrdreg $0x0  }
0xae: {  	s7 =	sshll.u32 s28, $0x1;
	[dreg:$0x2] =	wrdreg s5  }
0xaf: {  	[dreg:$0x3] =	wrdreg s7  }
0xb0: {  	[dreg:$0x4] =	wrdreg $0xC0  }
0xb1: {  	_ =	task [dreg:s9], $0x5FFFF  }
0xb2: {  	[dreg:$0x1] =	wrdreg $0xFFFFFFFF  }
0xb3: {  	[dreg:$0x0] =	wrdreg $0x60  }
0xb4: {  	[dreg:$0x2] =	wrdreg s24  }
0xb5: {  	[dreg:$0x3] =	wrdreg s16  }
0xb6: {  	[dreg:$0x4] =	wrdreg s17  }
0xb7: {  	[dreg:$0x5] =	wrdreg s18  }
0xb8: {  	[dreg:$0x6] =	wrdreg $0xA0000  }
0xb9: {  	[dreg:$0x7] =	wrdreg $0x1E0000  }
0xba: {  	[dreg:$0x8] =	wrdreg $0x9  }
0xbb: {  	_ =	task.clear_ibuf [dreg:s9], $0x9FFFF;
	_ =	strace $0x90000049  }
0xbc: {  	s29 =	simm.s32 $0x9;
	_ =	strace $0x8000004B  }
0xbd: {  	_ =	swait.ge [sflag:s29], $0x1  }
0xbe: {  	[sflag:s29] =	ssyncadd.s32 $0xFFFFFFFF  }
0xbf: {  	_ =	strace $0x9000004B  }
0xc0: {  	_ =	sfence  }
0xc1: {  	s30 =	sld [smem:$0x0];
	_ =	sdelay $0x2  }
0xc2: {  	s31 =	sshll.u32 s1, $0xD;
	s1 =	sshrl.u32 s1, $0x2  }
0xc3: {  	s3 =	sand.u32 $0x4000, s31;
	s1 =	sadd.s32 s1, s30  }
0xc4: {  	s0 =	sor.u32 s3, s0;
	s1 =	sshll.u32 s1, $0x11  }
0xc5: {  	s0 =	sor.u32 s1, s0  }
0xc6: {  	s0 =	sadd.s32 $0x8F2B, s0  }
0xc7: {  	[sflag:s0] =	ssyncadd.remote.s32 $0x1  }
0xc8: {  	_ =	sfence.sel $0xFFFF  }
0xc9: {  	[dreg:$0x0] =	wrdreg $0xFFFFFFFF;
	(pc) =	sbr.abs _section_cstart, $3  }
0xca: {  	[dreg:$0x1] =	wrdreg $0xFFFFFFFF  }
0xcb: {  	_ =	task.clear_ibuf [dreg:s9], $0x2FFFF;
	_ =	strace $0x9FFFFFFF  }
0xcc: {  	(tm) =	ssettm $0x7FFFFFFF  }
0xcd: {  	_ =	shalt  }
tec
execute0_lowered:
.L_overlay_start_1:
0x0: {  	(tag) =	ssettag $0x1  }
0x1: {  	s0 =	rddreg [dreg:$0x0]  }
0x2: {  	s1 =	rddreg [dreg:$0x1]  }
0x3: {  	s2 =	rddreg [dreg:$0x2];
	s3 =	srdreg.scid  }
0x4: {  	s14 =	stileid.u32;
	s8 =	rddreg [dreg:$0x3]  }
0x5: {  	s4 =	rddreg [dreg:$0x4];
	s17 =	simm.s32 $0x4;
	s28 =	simm.s32 $0x2  }
0x6: {  	s29 =	simm.s32 $0x3;
	s30 =	simm.s32 $0x4E20;
	s31 =	simm.s32 $0x1  }
0x7: {  	s3 =	sand.u32 $0x1, s3;
	s5 =	sshll.u32 s14, $0x1;
	s10 =	smul.u32 $0x14000, s14  }
0x8: {  	s7 =	sadd.s32 $0x1AA00, s0;
	s12 =	sadd.s32 $0x18200, s0;
	s13 =	smul.u32 $0x280, s14  }
0x9: {  	s18 =	sadd.s32 $0x18000, s0;
	s22 =	sshll.u32 s14, $0x6;
	s11 =	smul.u32 $0x140000, s3  }
0xa: {  	s6 =	sor.u32 s3, s5;
	s19 =	ssub.s32 $0x2, s3;
	s3 =	smul.u32 $0x2800, s3  }
0xb: {  	s5 =	rddreg [dreg:$0x5];
	s9 =	smul.u32 $0x4E2, s6;
	s6 =	simm.s32 $0x0  }
0xc: {  	s20 =	sshrl.u32 s19, $0x1;
	s21 =	sadd.s32 s10, s4;
	s23 =	sadd.s32 s13, s5  }
0xd: {  	[smem:$0x7FF] =	sst s6;
	s11 =	sadd.s32 s10, s11;
	s10 =	sor.u32 $0x1C04, s22  }
0xe: {  	s3 =	sadd.s32 s13, s3;
	s16 =	sshrl.u32 s21, $0x3;
	s21 =	simm.s32 $0x5000  }
0xf: {  	s22 =	simm.s32 $0x4EC0;
	_ =	strace $0x8000004A;
	[dreg:$0x7] =	wrdreg s12  }
0x10: {  	s9 =	sadd.s32 s9, s0;
	[dreg:$0x8] =	wrdreg s18;
	s11 =	sshrl.u32 s11, $0x3  }
0x11: {  	s3 =	sshrl.u32 s3, $0x3;
	s18 =	sshrl.u32 s23, $0x3;
	s23 =	simm.s32 $0x4F60  }
0x12: {  	s0 =	sadd.s32 s11, s0;
	s11 =	ssub.s32 s19, s20;
	s24 =	sadd.s32 $0xDC00, s9  }
0x13: {  	s9 =	sadd.s32 $0x3E00, s9;
	s25 =	sadd.s32 s8, s3;
	[dreg:$0x9] =	wrdreg s24  }
0x14: {  	s20 =	simm.s32 $0x50;
	s3 =	simm.s32 $0x4E70;
	[dreg:$0xa] =	wrdreg s9  }
0x15: {  	s8 =	simm.s32 $0x0;
	s0 =	sadd.s32 $0x74800, s0;
	[dreg:$0xc] =	wrdreg s25  }
0x16: {  	s26 =	smax.u32 s11, $0x1;
	s24 =	simm.s32 $0x7800;
	[dreg:$0xb] =	wrdreg s0  }
0x17: {  	s25 =	simm.s32 $0x4F10;
	[dreg:$0xd] =	wrdreg s26;
	s26 =	simm.s32 $0x4FB0  }
.LBB2_1:
0x18: {  	s0 =	rddreg [dreg:$0x7]  }
0x19: {  	[spmem:s16], [sflag:s10] =	dma.local [hbm:s0], $0x2800  }
0x1a: {  	_ =	swait.ge [sflag:s17], $0x2800  }
0x1b: {  	[sflag:s17] =	ssyncset.done $0x0  }
0x1c: {  	s14 =	rddreg [dreg:$0x8];
	[sflag:s17] =	ssyncadd.s32 $0xFFFFD800  }
0x1d: {  	[spmem:s18], [sflag:s10] =	dma.local [hbm:s14], $0x50  }
0x1e: {  	_ =	swait.ge [sflag:s17], $0x50  }
0x1f: {  	[sflag:s17] =	ssyncset.done $0x0  }
0x20: {  	s15 =	rddreg [dreg:$0x9];
	[sflag:s17] =	ssyncadd.s32 $0xFFFFFFB0  }
0x21: {  	[tilespmem:s6], [sflag:$0x4] =	stream.linear.gather [hbm4b:s15+s6], $0x2710, $0x38;
	[tilespmem:$0x1E280] =	vst v63  }
0x22: {  	_ =	swait.ge [sflag:s17], $0x2710  }
0x23: {  	[sflag:s17] =	ssyncset.done $0x0  }
0x24: {  	s9 =	simm.s32 $0x2710;
	s19 =	rddreg [dreg:$0xa];
	[sflag:s17] =	ssyncadd.s32 $0xFFFFD8F0  }
0x25: {  	[tilespmem:s9], [sflag:$0x4] =	stream.linear.gather [hbm4b:s19+s6], $0x2710, $0x38;
	[tilespmem:$0x1E280] =	vst v63  }
0x26: {  	_ =	swait.ge [sflag:s17], $0x2710  }
0x27: {  	[sflag:s17] =	ssyncset.done $0x0  }
0x28: {  	[sflag:s17] =	ssyncadd.s32 $0xFFFFD8F0  }
0x29: {  	[bflag:$0x0] =	sbarrier.arrive $0xFFFF  }
0x2a: {  	[tilespmem:s21], [sflag:$0x1] =	stream.indirect.gather [hbm4b:s7+s20], $0x80, s6, s20, $0xb8;
	[tilespmem:$0x1E280] =	vst v63  }
0x2b: {  	_ = 	snop  }
0x2c: {  	[tilespmem:s22], [sflag:$0x2] =	stream.indirect.gather [hbm4b:s1+s20], $0x1, s6, s20, $0xb8;
	[tilespmem:$0x1E280] =	vst v63  }
0x2d: {  	_ = 	snop  }
0x2e: {  	[tilespmem:s23], [sflag:$0x3] =	stream.indirect.gather [hbm4b:s2+s20], $0x1, s9, s20, $0xb8;
	[tilespmem:$0x1E280] =	vst v63  }
0x2f: {  	s9 =	simm.s32 $0x0  }
.LBB2_2:
0x30: {  	s19 =	smul.u32 $0xA0, s9;
	_ =	sdelay $0x1  }
0x31: {  	s11 =	sadd.s32 $0x50, s19  }
0x32: {  	[tilespmem:s24], [sflag:$0x1] =	stream.indirect.gather [hbm4b:s7+s20], $0x80, s11, s20, $0xb8;
	[tilespmem:$0x1E280] =	vst v63  }
0x33: {  	_ = 	snop  }
0x34: {  	[tilespmem:s25], [sflag:$0x2] =	stream.indirect.gather [hbm4b:s1+s20], $0x1, s11, s20, $0xb8;
	[tilespmem:$0x1E280] =	vst v63  }
0x35: {  	s11 =	sadd.s32 $0x2760, s19  }
0x36: {  	[tilespmem:s26], [sflag:$0x3] =	stream.indirect.gather [hbm4b:s2+s20], $0x1, s11, s20, $0xb8;
	[tilespmem:$0x1E280] =	vst v63  }
0x37: {  	_ =	swait.ge [sflag:s28], $0x50  }
0x38: {  	[sflag:s28] =	ssyncset.done $0x0  }
0x39: {  	[sflag:s28] =	ssyncadd.s32 $0xFFFFFFB0  }
0x3a: {  	_ =	swait.ge [sflag:s29], $0x50  }
0x3b: {  	[sflag:s29] =	ssyncset.done $0x0  }
0x3c: {  	[sflag:s29] =	ssyncadd.s32 $0xFFFFFFB0  }
0x3d: {  	v0 =	vld [tilespmem:$0x4EC0]  }
0x3e: {  	v1 =	vld [tilespmem:$0x4F60]  }
0x3f: {  	v2 =	vld [tilespmem:$0x4ED0]  }
0x40: {  	v3 =	vld [tilespmem:$0x4F70]  }
0x41: {  	v4 =	vld [tilespmem:$0x4EE0]  }
0x42: {  	v5 =	vld [tilespmem:$0x4F80]  }
0x43: {  	v6 =	vld [tilespmem:$0x4F90];
	v0 =	vadd.f32 v1, v0  }
0x44: {  	v8 =	vld [tilespmem:$0x4F00]  }
0x45: {  	v1 =	vld [tilespmem:$0x4EF0];
	v7 =	vmul.f32 $2.000000030e-01, v0  }
0x46: {  	v9 =	vld [tilespmem:$0x4FA0];
	vm0 =	vgt.f32 v0, $0.0e+00  }
0x47: {  	v2 =	vadd.f32 v3, v2;
	v0 =	vsel vm0, v0, v7  }
0x48: {  	v0 =	vmul.f32 $1.442695020e+00, v0  }
0x49: {  	v4 =	vadd.f32 v5, v4;
	v3 =	vmul.f32 $2.000000030e-01, v2  }
0x4a: {  	vm12 =	vgt.f32 v2, $0.0e+00;
	(erf) = vpow2.f32 v0;
	v0 =	vadd.f32 v6, v1  }
0x4b: {  	v1 =	vsel vm12, v2, v3;
	v2 =	vmul.f32 $2.000000030e-01, v4;
	v3 =	vadd.f32 v9, v8  }
0x4c: {  	vm13 =	vgt.f32 v4, $0.0e+00;
	v1 =	vmul.f32 $1.442695020e+00, v1;
	v5 =	vmul.f32 $2.000000030e-01, v0  }
0x4d: {  	v2 =	vsel vm13, v4, v2;
	vm14 =	vgt.f32 v0, $0.0e+00;
	v4 =	vmul.f32 $2.000000030e-01, v3  }
0x4e: {  	vm15 =	vgt.f32 v3, $0.0e+00;
	v2 =	vmul.f32 $1.442695020e+00, v2;
	v0 =	vsel vm14, v0, v5  }
0x4f: {  	(erf) = vpow2.f32 v1;
	v1 =	vsel vm15, v3, v4;
	v0 =	vmul.f32 $1.442695020e+00, v0  }
0x50: {  	(erf) = vpow2.f32 v2;
	v1 =	vmul.f32 $1.442695020e+00, v1  }
0x51: {  	(erf) = vpow2.f32 v0  }
0x52: {  	(erf) = vpow2.f32 v1;
	_ =	sdelay $0x4  }
0x53: {  	v0 =	vpop (erf)  }
0x54: {  	[tilespmem:$0x4E20] =	vst v0;
	v1 =	vpop (erf)  }
0x55: {  	s12 =	smul.u32 $0x280, s9;
	[tilespmem:$0x4E30] =	vst v1;
	v0 =	vpop (erf)  }
0x56: {  	[tilespmem:$0x4E40] =	vst v0;
	v1 =	vpop (erf)  }
0x57: {  	s12 =	sshra.s32 s12, $0x2;
	[tilespmem:$0x4E50] =	vst v1;
	v0 =	vpop (erf)  }
0x58: {  	s12 =	sadd.s32 $0x2710, s12;
	[tilespmem:$0x4E60] =	vst v0  }
0x59: {  	[spmem:s5] =	stream.indirect.scatter.add.f32 [tilespmem:s30], [sflag:$0x4], $0x1, s12, s20, $0xb8;
	[tilespmem:$0x1E280] =	vst v63  }
0x5a: {  	_ =	swait.ge [sflag:s17], $0x50  }
0x5b: {  	[sflag:s17] =	ssyncset.done $0x0  }
0x5c: {  	[sflag:s17] =	ssyncadd.s32 $0xFFFFFFB0  }
0x5d: {  	s13 =	simm.s32 $0x0;
	_ =	swait.ge [sflag:s31], $0x2800  }
0x5e: {  	v0 =	vmov s13;
	[sflag:s31] =	ssyncset.done $0x0  }
0x5f: {  	s13 =	simm.s32 $0x5040;
	[sflag:s31] =	ssyncadd.s32 $0xFFFFD800  }
0x60: {  	v4 =	vld [tilespmem:s13+$0x30]  }
0x61: {  	v7 =	vld [tilespmem:s13+$0x10]  }
0x62: {  	v5 =	vld [tilespmem:s13+$0xFFFFFFC0]  }
0x63: {  	v1 =	vld.idx.msk [tilespmem:v0+s30+$0x0], $0xffff  }
0x64: {  	v9 =	vld [tilespmem:s13+$0xFFFFFFE0]  }
0x65: {  	v0 =	vld [tilespmem:s13+$0xFFFFFFF0]  }
0x66: {  	v2 =	vld [tilespmem:s13+$0x20]  }
0x67: {  	v3 =	vld [tilespmem:s13+$0xFFFFFFD0]  }
0x68: {  	v8 =	vmul.f32 v4, v1;
	v4 =	vld [tilespmem:s13+$0x0]  }
0x69: {  	v6 =	vmul.f32 v5, v1  }
0x6a: {  	s14 =	simm.s32 $0x1;
	s15 =	simm.s32 $0x5040;
	v5 =	vmul.f32 v9, v1;
	v7 =	vmul.f32 v7, v1  }
.LBB2_3:
0x6b: {  	p0 =	sne.s32 s14, $0x4F  }
0x6c: {  	v3 =	vmul.f32 v3, v1;
	v2 =	vmul.f32 v2, v1;
	[tilespmem:s13+$0x30] =	vst v8;
	s15 =	sadd.s32 $0x80, s15;
	s0 =	smov.u32 s14;
	s14 =	sadd.s32 $0x1, s14  }
0x6d: {  	[tilespmem:s13+$0xFFFFFFC0] =	vst v6;
	v6 =	vmul.f32 v0, v1;
	v1 =	vmul.f32 v4, v1  }
0x6e: {  	[tilespmem:s13+$0x10] =	vst v7  }
0x6f: {  	v4 =	vmov s0;
	[tilespmem:s13+$0xFFFFFFE0] =	vst v5  }
0x70: {  	v0 =	vld [tilespmem:s15+$0xFFFFFFF0];
	[tilespmem:s13+$0xFFFFFFF0] =	vst v6  }
0x71: {  	v5 =	vld [tilespmem:s15+$0x30];
	[tilespmem:s13+$0x0] =	vst v1  }
0x72: {  	v7 =	vld [tilespmem:s15+$0x10];
	[tilespmem:s13+$0x20] =	vst v2  }
0x73: {  	v6 =	vld [tilespmem:s15+$0xFFFFFFC0];
	[tilespmem:s13+$0xFFFFFFD0] =	vst v3;
	s13 =	smov.u32 s15  }
0x74: {  	v1 =	vld.idx.msk [tilespmem:v4+s30+$0x0], $0xffff  }
0x75: {  	v9 =	vld [tilespmem:s15+$0xFFFFFFE0]  }
0x76: {  	v2 =	vld [tilespmem:s15+$0x20]  }
.Ltmp0:
0x77: {  	v3 =	vld [tilespmem:s15+$0xFFFFFFD0];
	(pc) =	sbr.rel @p0 .LBB2_3-.Ltmp0, $3  }
0x78: {  	v4 =	vld [tilespmem:s15+$0x0];
	_ =	sdelay $0x1  }
0x79: {  	v6 =	vmul.f32 v6, v1;
	v8 =	vmul.f32 v5, v1  }
0x7a: {  	v7 =	vmul.f32 v7, v1;
	v5 =	vmul.f32 v9, v1  }
0x7b: {  	[tilespmem:s13+$0x30] =	vst v8  }
0x7c: {  	[tilespmem:s13+$0xFFFFFFC0] =	vst v6  }
0x7d: {  	v0 =	vmul.f32 v0, v1;
	[tilespmem:s13+$0x10] =	vst v7  }
0x7e: {  	v2 =	vmul.f32 v2, v1;
	[tilespmem:s13+$0xFFFFFFE0] =	vst v5  }
0x7f: {  	v4 =	vmul.f32 v4, v1;
	[tilespmem:s13+$0xFFFFFFF0] =	vst v0  }
0x80: {  	v0 =	vmul.f32 v3, v1;
	[tilespmem:s13+$0x20] =	vst v2  }
0x81: {  	[tilespmem:s13+$0x0] =	vst v4  }
0x82: {  	[tilespmem:s13+$0xFFFFFFD0] =	vst v0  }
0x83: {  	[spmem:s4] =	stream.indirect.scatter.add.f32 [tilespmem:s21], [sflag:$0x4], $0x80, s12, s20, $0xb8;
	[tilespmem:$0x1E280] =	vst v63  }
0x84: {  	_ =	swait.ge [sflag:s17], $0x2800  }
0x85: {  	[sflag:s17] =	ssyncset.done $0x0  }
0x86: {  	s0 =	sadd.s32 $0xA0, s19;
	[sflag:s17] =	ssyncadd.s32 $0xFFFFD800  }
0x87: {  	[tilespmem:s21], [sflag:$0x1] =	stream.indirect.gather [hbm4b:s7+s20], $0x80, s0, s20, $0xb8;
	[tilespmem:$0x1E280] =	vst v63  }
0x88: {  	_ = 	snop  }
0x89: {  	[tilespmem:s22], [sflag:$0x2] =	stream.indirect.gather [hbm4b:s1+s20], $0x1, s0, s20, $0xb8;
	[tilespmem:$0x1E280] =	vst v63  }
0x8a: {  	s15 =	sadd.s32 $0x27B0, s19  }
0x8b: {  	[tilespmem:s23], [sflag:$0x3] =	stream.indirect.gather [hbm4b:s2+s20], $0x1, s15, s20, $0xb8;
	[tilespmem:$0x1E280] =	vst v63  }
0x8c: {  	_ =	swait.ge [sflag:s28], $0x50  }
0x8d: {  	[sflag:s28] =	ssyncset.done $0x0  }
0x8e: {  	[sflag:s28] =	ssyncadd.s32 $0xFFFFFFB0  }
0x8f: {  	_ =	swait.ge [sflag:s29], $0x50  }
0x90: {  	[sflag:s29] =	ssyncset.done $0x0  }
0x91: {  	[sflag:s29] =	ssyncadd.s32 $0xFFFFFFB0  }
0x92: {  	v0 =	vld [tilespmem:$0x4F10]  }
0x93: {  	v1 =	vld [tilespmem:$0x4FB0]  }
0x94: {  	v2 =	vld [tilespmem:$0x4F20]  }
0x95: {  	v3 =	vld [tilespmem:$0x4FC0]  }
0x96: {  	v4 =	vld [tilespmem:$0x4F30]  }
0x97: {  	v5 =	vld [tilespmem:$0x4FD0]  }
0x98: {  	v6 =	vld [tilespmem:$0x4FE0];
	v0 =	vadd.f32 v1, v0  }
0x99: {  	v8 =	vld [tilespmem:$0x4F50]  }
0x9a: {  	v1 =	vld [tilespmem:$0x4F40];
	v7 =	vmul.f32 $2.000000030e-01, v0  }
0x9b: {  	v9 =	vld [tilespmem:$0x4FF0];
	vm0 =	vgt.f32 v0, $0.0e+00  }
0x9c: {  	v2 =	vadd.f32 v3, v2;
	v0 =	vsel vm0, v0, v7  }
0x9d: {  	v0 =	vmul.f32 $1.442695020e+00, v0  }
0x9e: {  	v4 =	vadd.f32 v5, v4;
	v3 =	vmul.f32 $2.000000030e-01, v2  }
0x9f: {  	vm12 =	vgt.f32 v2, $0.0e+00;
	(erf) = vpow2.f32 v0;
	v0 =	vadd.f32 v6, v1  }
0xa0: {  	v1 =	vsel vm12, v2, v3;
	v2 =	vmul.f32 $2.000000030e-01, v4;
	v3 =	vadd.f32 v9, v8  }
0xa1: {  	vm13 =	vgt.f32 v4, $0.0e+00;
	v1 =	vmul.f32 $1.442695020e+00, v1;
	v5 =	vmul.f32 $2.000000030e-01, v0  }
0xa2: {  	v2 =	vsel vm13, v4, v2;
	vm14 =	vgt.f32 v0, $0.0e+00;
	v4 =	vmul.f32 $2.000000030e-01, v3  }
0xa3: {  	vm15 =	vgt.f32 v3, $0.0e+00;
	v2 =	vmul.f32 $1.442695020e+00, v2;
	v0 =	vsel vm14, v0, v5  }
0xa4: {  	(erf) = vpow2.f32 v1;
	v1 =	vsel vm15, v3, v4;
	v0 =	vmul.f32 $1.442695020e+00, v0  }
0xa5: {  	(erf) = vpow2.f32 v2;
	v1 =	vmul.f32 $1.442695020e+00, v1  }
0xa6: {  	(erf) = vpow2.f32 v0  }
0xa7: {  	(erf) = vpow2.f32 v1;
	_ =	sdelay $0x4  }
0xa8: {  	v0 =	vpop (erf)  }
0xa9: {  	[tilespmem:$0x4E70] =	vst v0;
	v1 =	vpop (erf)  }
0xaa: {  	[tilespmem:$0x4E80] =	vst v1;
	v0 =	vpop (erf)  }
0xab: {  	[tilespmem:$0x4E90] =	vst v0;
	v1 =	vpop (erf)  }
0xac: {  	[tilespmem:$0x4EA0] =	vst v1;
	v0 =	vpop (erf)  }
0xad: {  	[tilespmem:$0x4EB0] =	vst v0  }
0xae: {  	[spmem:s5] =	stream.indirect.scatter.add.f32 [tilespmem:s3], [sflag:$0x4], $0x1, s11, s20, $0xb8;
	[tilespmem:$0x1E280] =	vst v63  }
0xaf: {  	_ =	swait.ge [sflag:s17], $0x50  }
0xb0: {  	[sflag:s17] =	ssyncset.done $0x0  }
0xb1: {  	[sflag:s17] =	ssyncadd.s32 $0xFFFFFFB0  }
0xb2: {  	s19 =	simm.s32 $0x0;
	_ =	swait.ge [sflag:s31], $0x2800  }
0xb3: {  	v0 =	vmov s19;
	[sflag:s31] =	ssyncset.done $0x0  }
0xb4: {  	s12 =	simm.s32 $0x7840;
	[sflag:s31] =	ssyncadd.s32 $0xFFFFD800  }
0xb5: {  	v4 =	vld [tilespmem:s12+$0x30]  }
0xb6: {  	v7 =	vld [tilespmem:s12+$0x10]  }
0xb7: {  	v5 =	vld [tilespmem:s12+$0xFFFFFFC0]  }
0xb8: {  	v1 =	vld.idx.msk [tilespmem:v0+s3+$0x0], $0xffff  }
0xb9: {  	v9 =	vld [tilespmem:s12+$0xFFFFFFE0]  }
0xba: {  	v0 =	vld [tilespmem:s12+$0xFFFFFFF0]  }
0xbb: {  	v2 =	vld [tilespmem:s12+$0x20]  }
0xbc: {  	v3 =	vld [tilespmem:s12+$0xFFFFFFD0]  }
0xbd: {  	v8 =	vmul.f32 v4, v1;
	v4 =	vld [tilespmem:s12+$0x0]  }
0xbe: {  	v6 =	vmul.f32 v5, v1  }
0xbf: {  	s14 =	simm.s32 $0x7840;
	s13 =	simm.s32 $0x1;
	v5 =	vmul.f32 v9, v1;
	v7 =	vmul.f32 v7, v1  }
.LBB2_5:
0xc0: {  	p0 =	sne.s32 s13, $0x4F  }
0xc1: {  	v3 =	vmul.f32 v3, v1;
	v2 =	vmul.f32 v2, v1;
	[tilespmem:s12+$0x30] =	vst v8;
	s14 =	sadd.s32 $0x80, s14;
	s0 =	smov.u32 s13;
	s13 =	sadd.s32 $0x1, s13  }
0xc2: {  	[tilespmem:s12+$0xFFFFFFC0] =	vst v6;
	v6 =	vmul.f32 v0, v1;
	v1 =	vmul.f32 v4, v1  }
0xc3: {  	[tilespmem:s12+$0x10] =	vst v7  }
0xc4: {  	v4 =	vmov s0;
	[tilespmem:s12+$0xFFFFFFE0] =	vst v5  }
0xc5: {  	v0 =	vld [tilespmem:s14+$0xFFFFFFF0];
	[tilespmem:s12+$0xFFFFFFF0] =	vst v6  }
0xc6: {  	v5 =	vld [tilespmem:s14+$0x30];
	[tilespmem:s12+$0x0] =	vst v1  }
0xc7: {  	v7 =	vld [tilespmem:s14+$0x10];
	[tilespmem:s12+$0x20] =	vst v2  }
0xc8: {  	v6 =	vld [tilespmem:s14+$0xFFFFFFC0];
	[tilespmem:s12+$0xFFFFFFD0] =	vst v3;
	s12 =	smov.u32 s14  }
0xc9: {  	v1 =	vld.idx.msk [tilespmem:v4+s3+$0x0], $0xffff  }
0xca: {  	v9 =	vld [tilespmem:s14+$0xFFFFFFE0]  }
0xcb: {  	v2 =	vld [tilespmem:s14+$0x20]  }
.Ltmp1:
0xcc: {  	v3 =	vld [tilespmem:s14+$0xFFFFFFD0];
	(pc) =	sbr.rel @p0 .LBB2_5-.Ltmp1, $3  }
0xcd: {  	v4 =	vld [tilespmem:s14+$0x0];
	_ =	sdelay $0x1  }
0xce: {  	v6 =	vmul.f32 v6, v1;
	v8 =	vmul.f32 v5, v1  }
0xcf: {  	v7 =	vmul.f32 v7, v1;
	v5 =	vmul.f32 v9, v1  }
0xd0: {  	[tilespmem:s12+$0x30] =	vst v8  }
0xd1: {  	[tilespmem:s12+$0xFFFFFFC0] =	vst v6  }
0xd2: {  	v0 =	vmul.f32 v0, v1;
	[tilespmem:s12+$0x10] =	vst v7  }
0xd3: {  	v2 =	vmul.f32 v2, v1;
	[tilespmem:s12+$0xFFFFFFE0] =	vst v5  }
0xd4: {  	v63 =	vmul.f32 v3, v1;
	[tilespmem:s12+$0xFFFFFFF0] =	vst v0  }
0xd5: {  	s9 =	sadd.s32 $0x1, s9;
	v4 =	vmul.f32 v4, v1;
	[tilespmem:s12+$0x20] =	vst v2  }
0xd6: {  	p0 =	sne.s32 s9, $0x3E;
	[tilespmem:s12+$0xFFFFFFD0] =	vst v63  }
.Ltmp2:
0xd7: {  	[tilespmem:s12+$0x0] =	vst v4;
	(pc) =	sbr.rel @p0 .LBB2_2-.Ltmp2, $4  }
0xd8: {  	[spmem:s4] =	stream.indirect.scatter.add.f32 [tilespmem:s24], [sflag:$0x4], $0x80, s11, s20, $0xb8;
	[tilespmem:$0x1E280] =	vst v63  }
0xd9: {  	_ =	swait.ge [sflag:s17], $0x2800  }
0xda: {  	[sflag:s17] =	ssyncset.done $0x0  }
0xdb: {  	[sflag:s17] =	ssyncadd.s32 $0xFFFFD800  }
0xdc: {  	_ =	swait.ge [sflag:s28], $0x50  }
0xdd: {  	[sflag:s28] =	ssyncset.done $0x0  }
0xde: {  	[sflag:s28] =	ssyncadd.s32 $0xFFFFFFB0  }
0xdf: {  	_ =	swait.ge [sflag:s29], $0x50  }
0xe0: {  	[sflag:s29] =	ssyncset.done $0x0  }
0xe1: {  	[sflag:s29] =	ssyncadd.s32 $0xFFFFFFB0  }
0xe2: {  	v0 =	vld [tilespmem:$0x4EC0]  }
0xe3: {  	v1 =	vld [tilespmem:$0x4F60]  }
0xe4: {  	v2 =	vld [tilespmem:$0x4ED0]  }
0xe5: {  	v3 =	vld [tilespmem:$0x4F70]  }
0xe6: {  	v4 =	vld [tilespmem:$0x4EE0]  }
0xe7: {  	v5 =	vld [tilespmem:$0x4F80]  }
0xe8: {  	v6 =	vld [tilespmem:$0x4F90];
	v0 =	vadd.f32 v1, v0  }
0xe9: {  	v8 =	vld [tilespmem:$0x4F00]  }
0xea: {  	v1 =	vld [tilespmem:$0x4EF0];
	v7 =	vmul.f32 $2.000000030e-01, v0  }
0xeb: {  	v9 =	vld [tilespmem:$0x4FA0];
	vm0 =	vgt.f32 v0, $0.0e+00  }
0xec: {  	v2 =	vadd.f32 v3, v2;
	v0 =	vsel vm0, v0, v7  }
0xed: {  	v0 =	vmul.f32 $1.442695020e+00, v0  }
0xee: {  	v4 =	vadd.f32 v5, v4;
	v3 =	vmul.f32 $2.000000030e-01, v2  }
0xef: {  	vm12 =	vgt.f32 v2, $0.0e+00;
	(erf) = vpow2.f32 v0;
	v0 =	vadd.f32 v6, v1  }
0xf0: {  	v1 =	vsel vm12, v2, v3;
	v2 =	vmul.f32 $2.000000030e-01, v4;
	v3 =	vadd.f32 v9, v8  }
0xf1: {  	vm13 =	vgt.f32 v4, $0.0e+00;
	v1 =	vmul.f32 $1.442695020e+00, v1;
	v5 =	vmul.f32 $2.000000030e-01, v0  }
0xf2: {  	v2 =	vsel vm13, v4, v2;
	vm14 =	vgt.f32 v0, $0.0e+00;
	v4 =	vmul.f32 $2.000000030e-01, v3  }
0xf3: {  	vm15 =	vgt.f32 v3, $0.0e+00;
	v2 =	vmul.f32 $1.442695020e+00, v2;
	v0 =	vsel vm14, v0, v5  }
0xf4: {  	(erf) = vpow2.f32 v1;
	v1 =	vsel vm15, v3, v4;
	v0 =	vmul.f32 $1.442695020e+00, v0  }
0xf5: {  	(erf) = vpow2.f32 v2;
	v1 =	vmul.f32 $1.442695020e+00, v1  }
0xf6: {  	(erf) = vpow2.f32 v0  }
0xf7: {  	(erf) = vpow2.f32 v1;
	_ =	sdelay $0x4  }
0xf8: {  	v0 =	vpop (erf)  }
0xf9: {  	[tilespmem:$0x4E20] =	vst v0;
	v1 =	vpop (erf)  }
0xfa: {  	[tilespmem:$0x4E30] =	vst v1;
	v0 =	vpop (erf)  }
0xfb: {  	[tilespmem:$0x4E40] =	vst v0;
	v1 =	vpop (erf)  }
0xfc: {  	[tilespmem:$0x4E50] =	vst v1;
	v0 =	vpop (erf)  }
0xfd: {  	s13 =	simm.s32 $0x4DD0;
	[tilespmem:$0x4E60] =	vst v0  }
0xfe: {  	[spmem:s5] =	stream.indirect.scatter.add.f32 [tilespmem:s30], [sflag:$0x4], $0x1, s13, s20, $0xb8;
	[tilespmem:$0x1E280] =	vst v63  }
0xff: {  	_ =	swait.ge [sflag:s17], $0x50  }
0x100: {  	[sflag:s17] =	ssyncset.done $0x0  }
0x101: {  	[sflag:s17] =	ssyncadd.s32 $0xFFFFFFB0  }
0x102: {  	s0 =	simm.s32 $0x0;
	_ =	swait.ge [sflag:s31], $0x2800  }
0x103: {  	v0 =	vmov s0;
	[sflag:s31] =	ssyncset.done $0x0  }
0x104: {  	s9 =	simm.s32 $0x5040;
	[sflag:s31] =	ssyncadd.s32 $0xFFFFD800  }
0x105: {  	v4 =	vld [tilespmem:s9+$0x30]  }
0x106: {  	v7 =	vld [tilespmem:s9+$0x10]  }
0x107: {  	v5 =	vld [tilespmem:s9+$0xFFFFFFC0]  }
0x108: {  	v1 =	vld.idx.msk [tilespmem:v0+s30+$0x0], $0xffff  }
0x109: {  	v9 =	vld [tilespmem:s9+$0xFFFFFFE0]  }
0x10a: {  	v0 =	vld [tilespmem:s9+$0xFFFFFFF0]  }
0x10b: {  	v2 =	vld [tilespmem:s9+$0x20]  }
0x10c: {  	v3 =	vld [tilespmem:s9+$0xFFFFFFD0]  }
0x10d: {  	v8 =	vmul.f32 v4, v1;
	v4 =	vld [tilespmem:s9+$0x0]  }
0x10e: {  	v6 =	vmul.f32 v5, v1  }
0x10f: {  	s11 =	simm.s32 $0x1;
	s12 =	simm.s32 $0x5040;
	v5 =	vmul.f32 v9, v1;
	v7 =	vmul.f32 v7, v1  }
.LBB2_8:
0x110: {  	p0 =	sne.s32 s11, $0x4F  }
0x111: {  	v3 =	vmul.f32 v3, v1;
	v2 =	vmul.f32 v2, v1;
	[tilespmem:s9+$0x30] =	vst v8;
	s12 =	sadd.s32 $0x80, s12;
	s0 =	smov.u32 s11;
	s11 =	sadd.s32 $0x1, s11  }
0x112: {  	[tilespmem:s9+$0xFFFFFFC0] =	vst v6;
	v6 =	vmul.f32 v0, v1;
	v1 =	vmul.f32 v4, v1  }
0x113: {  	[tilespmem:s9+$0x10] =	vst v7  }
0x114: {  	v4 =	vmov s0;
	[tilespmem:s9+$0xFFFFFFE0] =	vst v5  }
0x115: {  	v0 =	vld [tilespmem:s12+$0xFFFFFFF0];
	[tilespmem:s9+$0xFFFFFFF0] =	vst v6  }
0x116: {  	v5 =	vld [tilespmem:s12+$0x30];
	[tilespmem:s9+$0x0] =	vst v1  }
0x117: {  	v7 =	vld [tilespmem:s12+$0x10];
	[tilespmem:s9+$0x20] =	vst v2  }
0x118: {  	v6 =	vld [tilespmem:s12+$0xFFFFFFC0];
	[tilespmem:s9+$0xFFFFFFD0] =	vst v3;
	s9 =	smov.u32 s12  }
0x119: {  	v1 =	vld.idx.msk [tilespmem:v4+s30+$0x0], $0xffff  }
0x11a: {  	v9 =	vld [tilespmem:s12+$0xFFFFFFE0]  }
0x11b: {  	v2 =	vld [tilespmem:s12+$0x20]  }
.Ltmp3:
0x11c: {  	v3 =	vld [tilespmem:s12+$0xFFFFFFD0];
	(pc) =	sbr.rel @p0 .LBB2_8-.Ltmp3, $3  }
0x11d: {  	v4 =	vld [tilespmem:s12+$0x0];
	_ =	sdelay $0x1  }
0x11e: {  	v6 =	vmul.f32 v6, v1;
	v8 =	vmul.f32 v5, v1  }
0x11f: {  	v7 =	vmul.f32 v7, v1;
	v5 =	vmul.f32 v9, v1  }
0x120: {  	[tilespmem:s9+$0x30] =	vst v8  }
0x121: {  	[tilespmem:s9+$0xFFFFFFC0] =	vst v6  }
0x122: {  	v0 =	vmul.f32 v0, v1;
	[tilespmem:s9+$0x10] =	vst v7  }
0x123: {  	v2 =	vmul.f32 v2, v1;
	[tilespmem:s9+$0xFFFFFFE0] =	vst v5  }
0x124: {  	v63 =	vmul.f32 v3, v1;
	[tilespmem:s9+$0xFFFFFFF0] =	vst v0  }
0x125: {  	v4 =	vmul.f32 v4, v1;
	[tilespmem:s9+$0x20] =	vst v2  }
0x126: {  	[tilespmem:s9+$0xFFFFFFD0] =	vst v63  }
0x127: {  	[tilespmem:s9+$0x0] =	vst v4  }
0x128: {  	[spmem:s4] =	stream.indirect.scatter.add.f32 [tilespmem:s21], [sflag:$0x4], $0x80, s13, s20, $0xb8;
	[tilespmem:$0x1E280] =	vst v63  }
0x129: {  	_ =	swait.ge [sflag:s17], $0x2800  }
0x12a: {  	[sflag:s17] =	ssyncset.done $0x0  }
0x12b: {  	[sflag:s17] =	ssyncadd.s32 $0xFFFFD800  }
0x12c: {  	[bflag:$0x0] =	sbarrier.arrive $0xFFFF  }
0x12d: {  	s0 =	rddreg [dreg:$0xb]  }
0x12e: {  	[hbm:s0], [sflag:s10] =	dma.local [spmem:s16], $0x2800  }
0x12f: {  	_ =	swait.ge [sflag:s17], $0x2800  }
0x130: {  	[sflag:s17] =	ssyncset.done $0x0  }
0x131: {  	s15 =	rddreg [dreg:$0xc];
	[sflag:s17] =	ssyncadd.s32 $0xFFFFD800  }
0x132: {  	[hbm:s15], [sflag:s10] =	dma.local [spmem:s18], $0x50  }
0x133: {  	_ =	swait.ge [sflag:s17], $0x50  }
0x134: {  	s8 =	sadd.s32 $0x1, s8;
	s19 =	rddreg [dreg:$0xd]  }
0x135: {  	p0 =	sne.s32 s8, s19  }
.Ltmp4:
0x136: {  	_ = 	snop;
	(pc) =	sbr.rel @p0 .LBB2_1-.Ltmp4, $3  }
0x137: {  	_ =	sdelay $0x1  }
0x138: {  	[sflag:s17] =	ssyncset.done $0x0  }
0x139: {  	[sflag:s17] =	ssyncadd.s32 $0xFFFFFFB0  }
0x13a: {  	_ =	sfence.sel $0x180000  }
0x13b: {  	[bflag:$0x0] =	sbarrier.arrive $0xFFFF  }
0x13c: {  	_ =	strace $0x9000004A  }
0x13d: {  	s0 =	stileid.u32;
	[bflag:$0x2] =	sbarrier.arrive $0xFFFF  }
0x13e: {  	p0 =	sne.s32 s0, $0x0;
	s0 =	rddreg [dreg:$0x6]  }
0x13f: {  	s0 =	sadd.s32 @!p0 $0x100000, s0  }
0x140: {  	[sflag:s0] =	ssyncadd.tile.s32 @!p0 $0x1;
	_ =	shalt  }
.Lfunc_end2:
_tile_overlayer_lowered:
.L_overlay_start_2:
0x141: {  	(tag) =	ssettag $0x2  }
0x142: {  	s0 =	rddreg [dreg:$0x0];
	s2 =	stileid.u32  }
0x143: {  	s1 =	rddreg [dreg:$0x1];
	p0 =	sne.s32 s2, $0x0  }
0x144: {  	s3 =	rddreg [dreg:$0x2];
	[bflag:$0x3] =	sbarrier.arrive $0xFFFF;
	s2 =	simm.s32 @!p0 $0x1C04  }
0x145: {  	[timem:s3], [sflag:s2] =	dma.local @!p0 [hbm:s0], s1  }
0x146: {  	s0 =	simm.s32 @!p0 $0x4  }
0x147: {  	_ =	swait.ge @!p0 [sflag:s0], s1  }
0x148: {  	s1 =	ssub.s32 @!p0 $0x0, s1;
	[sflag:s0] =	ssyncset.done @!p0 $0x0  }
0x149: {  	[sflag:s0] =	ssyncadd.s32 @!p0 s1  }
0x14a: {  	[bflag:$0x3] =	sbarrier.arrive $0xFFFF  }
0x14b: {  	_ =	shalt  }

// kernel: sc_attn_mid_64.3.cloned.1.call-start
scs
__scs_entry_jumppad:
0x0: {  	(pc) =	sbr.rel $0x88, $3  }
0x1: {  	(tag) =	ssettag $0x0;
	lr =	simm.s32 $0x1  }
0x2: {  	[smem:$0x3F95] =	sst lr;
	_ =	strace $0xD0000000  }
0x3: {  	_ = 	snop  }
0x4: {  	_ = 	snop  }
0x5: {  	_ = 	snop  }
0x6: {  	_ = 	snop  }
0x7: {  	_ = 	snop  }
__scs_overlays_trampoline_lowered:
0x8: {  	[smem:$0x3FA4] =	sst s0  }
0x9: {  	[smem:$0x3FA5] =	sst s1  }
0xa: {  	[smem:$0x3FA6] =	sst s2  }
0xb: {  	[smem:$0x3FA7] =	sst s3  }
0xc: {  	[smem:$0x3FA8] =	sst s4  }
0xd: {  	[smem:$0x3FA9] =	sst s5  }
0xe: {  	[smem:$0x3FAA] =	sst s6  }
0xf: {  	[smem:$0x3FAB] =	sst s7  }
0x10: {  	[smem:$0x3FAC] =	sst s8  }
0x11: {  	[smem:$0x3FAD] =	sst s9;
	s0 =	simm.s32 @!p0 $0x0  }
0x12: {  	s1 =	sld [smem:$0x3F93];
	s0 =	simm.s32 @p0 $0x1  }
0x13: {  	[smem:$0x3FAE] =	sst s0;
	s0 =	simm.s32 @!p1 $0x0  }
0x14: {  	s2 =	sld [smem:$0x3F92];
	s0 =	simm.s32 @p1 $0x1  }
0x15: {  	[smem:$0x3FAF] =	sst s0;
	s0 =	simm.s32 @!p2 $0x0  }
0x16: {  	s3 =	sld [smem:$0x3FDB];
	s0 =	simm.s32 @p2 $0x1  }
0x17: {  	s4 =	simm.s32 $0x1BF5;
	[smem:$0x3FB1] =	sst s0  }
0x18: {  	s0 =	sld [smem:$0x3F94];
	_ =	swait.ge [sflag:s4], $0x0  }
0x19: {  	s7 =	sld [smem:$0x3F95]  }
0x1a: {  	s8 =	sadd.s32 $0xFFFFE003, lr  }
0x1b: {  	s9 =	sadd.s32 $0xFFFFFEF7, lr;
	s5 =	simm.s32 $0xFFFFFFFF;
	p2 =	slt.u32 s8, $0xFFFFF086  }
0x1c: {  	p1 =	slt.u32 s9, $0xF7A;
	s5 =	simm.s32 @!p2 $0x0  }
0x1d: {  	s5 =	simm.s32 @p1 $0x1;
	p0 =	seq.s32 s7, s2  }
0x1e: {  	s7 =	smul.u32 @!p0 $0xF7A, s2;
	p2 =	seq.s32 @!p0 s5, $0x0  }
0x1f: {  	s9 =	smul.u32 $0xF7A, s1;
	s8 =	simm.s32 @!p0 $0x1BF5;
	p2 =	por !p2, p0  }
0x20: {  	[sflag:s8] =	ssyncset.s32 @!p0 $0xFFFFF086;
	s6 =	sadd.s32 @!p0 s3, s7;
	s7 =	simm.s32 @!p0 $0x108  }
0x21: {  	s3 =	sadd.s32 s3, s9;
	s6 =	sadd.s32 @!p0 $0x88, s6;
	s7 =	simm.s32 @p2 $0x1082  }
0x22: {  	[simem:s7], [sflag:s8] =	dma.local @!p0 [hbm:s6], $0xF7A  }
0x23: {  	s9 =	sor.u32 $0xD0000000, s2;
	s6 =	simm.s32 $0x108;
	_ =	swait.ge @!p0 [sflag:s8], $0x0  }
0x24: {  	s3 =	sadd.s32 $0x88, s3;
	s6 =	simm.s32 @!p1 $0x1082;
	[sflag:s4] =	ssyncset.s32 $0xFFFFF086  }
0x25: {  	[simem:s6], [sflag:s4] =	dma.local [hbm:s3], $0xF7A  }
0x26: {  	[smem:$0x3F95] =	sst s1;
	(tag) =	ssettag s2;
	_ =	strace s9  }
0x27: {  	s1 =	sld [smem:$0x3FA5]  }
0x28: {  	s2 =	sld [smem:$0x3FA6]  }
0x29: {  	s4 =	sld [smem:$0x3FA8]  }
0x2a: {  	p0 =	seq.s32 s5, $0x0;
	s5 =	sld [smem:$0x3FA9]  }
0x2b: {  	s6 =	sld [smem:$0x3FAA]  }
0x2c: {  	s7 =	sld [smem:$0x3FAB]  }
0x2d: {  	s3 =	simm.s32 $0x108;
	s8 =	sld [smem:$0x3FAC]  }
0x2e: {  	s3 =	simm.s32 @!p0 $0x1082;
	s9 =	sld [smem:$0x3FAD]  }
0x2f: {  	lr =	sadd.s32 s0, s3;
	s0 =	sld [smem:$0x3FA4]  }
0x30: {  	s3 =	sld [smem:$0x3FA7]  }
0x31: {  	[smem:$0x3FB0] =	sst s10  }
0x32: {  	s10 =	sld [smem:$0x3FAE];
	_ =	sdelay $0x3  }
0x33: {  	p0 =	seq.s32 s10, $0x1;
	s10 =	sld [smem:$0x3FB0];
	_ =	sdelay $0x3  }
0x34: {  	[smem:$0x3FB0] =	sst s10  }
0x35: {  	s10 =	sld [smem:$0x3FAF];
	_ =	sdelay $0x3  }
0x36: {  	p1 =	seq.s32 s10, $0x1;
	s10 =	sld [smem:$0x3FB0];
	_ =	sdelay $0x3  }
0x37: {  	[smem:$0x3FB0] =	sst s10  }
0x38: {  	s10 =	sld [smem:$0x3FB1]  }
0x39: {  	_ = 	snop;
	(pc) =	sbr.ind lr, $3  }
0x3a: {  	_ = 	snop  }
0x3b: {  	_ = 	snop  }
0x3c: {  	p2 =	seq.s32 s10, $0x1;
	s10 =	sld [smem:$0x3FB0]  }
0x3d: {  	_ =	shalt  }
0x3e: {  	_ =	shalt  }
0x3f: {  	_ =	shalt  }
0x40: {  	_ =	shalt  }
0x41: {  	_ =	shalt  }
0x42: {  	_ =	shalt  }
0x43: {  	_ =	shalt  }
0x44: {  	_ =	shalt  }
0x45: {  	_ =	shalt  }
0x46: {  	_ =	shalt  }
0x47: {  	_ =	shalt  }
0x48: {  	_ =	shalt  }
0x49: {  	_ =	shalt  }
0x4a: {  	_ =	shalt  }
0x4b: {  	_ =	shalt  }
0x4c: {  	_ =	shalt  }
0x4d: {  	_ =	shalt  }
0x4e: {  	_ =	shalt  }
0x4f: {  	_ =	shalt  }
0x50: {  	_ =	shalt  }
0x51: {  	_ =	shalt  }
0x52: {  	_ =	shalt  }
0x53: {  	_ =	shalt  }
0x54: {  	_ =	shalt  }
0x55: {  	_ =	shalt  }
0x56: {  	_ =	shalt  }
0x57: {  	_ =	shalt  }
0x58: {  	_ =	shalt  }
0x59: {  	_ =	shalt  }
0x5a: {  	_ =	shalt  }
0x5b: {  	_ =	shalt  }
0x5c: {  	_ =	shalt  }
0x5d: {  	_ =	shalt  }
0x5e: {  	_ =	shalt  }
0x5f: {  	_ =	shalt  }
0x60: {  	_ =	shalt  }
0x61: {  	_ =	shalt  }
0x62: {  	_ =	shalt  }
0x63: {  	_ =	shalt  }
0x64: {  	_ =	shalt  }
0x65: {  	_ =	shalt  }
0x66: {  	_ =	shalt  }
0x67: {  	_ =	shalt  }
0x68: {  	_ =	shalt  }
0x69: {  	_ =	shalt  }
0x6a: {  	_ =	shalt  }
0x6b: {  	_ =	shalt  }
0x6c: {  	_ =	shalt  }
0x6d: {  	_ =	shalt  }
0x6e: {  	_ =	shalt  }
0x6f: {  	_ =	shalt  }
0x70: {  	_ =	shalt  }
0x71: {  	_ =	shalt  }
0x72: {  	_ =	shalt  }
0x73: {  	_ =	shalt  }
0x74: {  	_ =	shalt  }
0x75: {  	_ =	shalt  }
0x76: {  	_ =	shalt  }
0x77: {  	_ =	shalt  }
0x78: {  	_ =	shalt  }
0x79: {  	_ =	shalt  }
0x7a: {  	_ =	shalt  }
0x7b: {  	_ =	shalt  }
0x7c: {  	_ =	shalt  }
0x7d: {  	_ =	shalt  }
0x7e: {  	_ =	shalt  }
0x7f: {  	_ =	shalt  }
0x80: {  	_ =	shalt  }
0x81: {  	_ =	shalt  }
0x82: {  	_ =	shalt  }
0x83: {  	_ =	shalt  }
0x84: {  	_ =	shalt  }
0x85: {  	_ =	shalt  }
0x86: {  	_ =	shalt  }
0x87: {  	_ =	shalt  }
.Lfunc_end0:
.L_simem_size_0:
called_computation.2_lowered:
.L_overlay_start_0:
0x88: {  	s2 =	sld [smem:$0x3FD9]  }
0x89: {  	s3 =	sld [smem:$0x3FFE];
	_ =	sdelay $0x1  }
0x8a: {  	s1 =	srdreg.scid  }
0x8b: {  	s0 =	sand.u32 $0x1, s1  }
0x8c: {  	s14 =	sshll.u32 s0, $0xA;
	s2 =	sadd.s32 s3, s2  }
0x8d: {  	s2 =	sadd.s32 s2, s14  }
0x8e: {  	[smem:$0x3FBC] =	sst s2  }
0x8f: {  	_ = 	snop  }
0x90: {  	s2 =	sld [smem:$0x3FD0];
	_ =	sdelay $0x2  }
0x91: {  	s15 =	simm.s32 $0xA;
	s4 =	simm.s32 $0x10  }
0x92: {  	[smem:s4], [sflag:s15] =	dma.local [hbm:s2], $0x1  }
0x93: {  	_ =	swait.eq [sflag:s15], $0x1  }
0x94: {  	s16 =	sld [smem:$0x10];
	[sflag:s15] =	ssyncset.done $0x0  }
0x95: {  	s17 =	sld [smem:$0x11];
	[sflag:s15] =	ssyncadd.s32 $0xFFFFFFFF  }
0x96: {  	s18 =	sld [smem:$0x12];
	(tm) =	ssettm $0x1  }
0x97: {  	s5 =	sld [smem:$0x3FFB];
	_ =	sdelay $0x3  }
0x98: {  	_ =	strace s5  }
0x99: {  	s5 =	sld [smem:$0x3FFC];
	_ =	sdelay $0x3  }
0x9a: {  	_ =	strace s5  }
0x9b: {  	s5 =	sld [smem:$0x3FFD];
	_ =	sdelay $0x3  }
0x9c: {  	_ =	strace s5  }
0x9d: {  	_ =	strace $0x8FFFFFFF  }
0x9e: {  	s19 =	sld [smem:$0x3FDB];
	_ =	sdelay $0x1  }
0x9f: {  	s6 =	simm.s32 $_scs_section_size  }
0xa0: {  	s7 =	simm.s32 $_size__tile_overlayer_lowered;
	s8 =	simm.s32 $_tile_overlayer_lowered  }
0xa1: {  	s22 =	simm.s32 $0x1BFF;
	s21 =	sshll.u32 s8, $0x1;
	s5 =	sadd.s32 s6, s19  }
0xa2: {  	s9 =	simm.s32 $0x0;
	s20 =	sshll.u32 s7, $0x1;
	s7 =	sadd.s32 s21, s5  }
0xa3: {  	[timem:s9], [sflag:s22] =	dma.local [hbm:s7], s20  }
0xa4: {  	_ =	swait.ge [sflag:s22], s20  }
0xa5: {  	s6 =	ssub.s32 $0x0, s20;
	[sflag:s22] =	ssyncset.done $0x0  }
0xa6: {  	[sflag:s22] =	ssyncadd.s32 s6;
	_ =	sdelay $0x1  }
0xa7: {  	s23 =	simm.s32 $0x1B8B  }
0xa8: {  	_ =	swait.ge [sflag:s23], $0x1  }
0xa9: {  	[sflag:s23] =	ssyncset.done $0x0  }
0xaa: {  	s25 =	simm.s32 $0x1B8E;
	s24 =	sld [smem:$0x3FFE];
	[sflag:s23] =	ssyncadd.s32 $0xFFFFFFFF  }
0xab: {  	s26 =	simm.s32 $execute0_lowered;
	[smem:$0x3FD2] =	sst s25  }
0xac: {  	s7 =	sshll.u32 s26, $0x1;
	_ =	strace $0x8000004C;
	[dreg:$0x1] =	wrdreg $0xFFFFFFFF  }
0xad: {  	s28 =	simm.s32 $_size_execute0_lowered;
	s5 =	sadd.s32 s5, s7;
	[dreg:$0x0] =	wrdreg $0x0  }
0xae: {  	s7 =	sshll.u32 s28, $0x1;
	[dreg:$0x2] =	wrdreg s5  }
0xaf: {  	[dreg:$0x3] =	wrdreg s7  }
0xb0: {  	[dreg:$0x4] =	wrdreg $0xC0  }
0xb1: {  	_ =	task [dreg:s9], $0x5FFFF  }
0xb2: {  	[dreg:$0x1] =	wrdreg $0xFFFFFFFF  }
0xb3: {  	[dreg:$0x0] =	wrdreg $0x60  }
0xb4: {  	[dreg:$0x2] =	wrdreg s17  }
0xb5: {  	[dreg:$0x3] =	wrdreg s24  }
0xb6: {  	[dreg:$0x4] =	wrdreg s18  }
0xb7: {  	[dreg:$0x5] =	wrdreg s16  }
0xb8: {  	[dreg:$0x6] =	wrdreg $0x78000  }
0xb9: {  	[dreg:$0x7] =	wrdreg $0x118000  }
0xba: {  	[dreg:$0x8] =	wrdreg $0x9  }
0xbb: {  	_ =	task.clear_ibuf [dreg:s9], $0x9FFFF;
	_ =	strace $0x9000004C  }
0xbc: {  	s29 =	simm.s32 $0x9;
	_ =	strace $0x8000004E  }
0xbd: {  	_ =	swait.ge [sflag:s29], $0x1  }
0xbe: {  	[sflag:s29] =	ssyncadd.s32 $0xFFFFFFFF  }
0xbf: {  	_ =	strace $0x9000004E  }
0xc0: {  	_ =	sfence  }
0xc1: {  	s30 =	sld [smem:$0x0];
	_ =	sdelay $0x2  }
0xc2: {  	s31 =	sshll.u32 s1, $0xD;
	s1 =	sshrl.u32 s1, $0x2  }
0xc3: {  	s3 =	sand.u32 $0x4000, s31;
	s1 =	sadd.s32 s1, s30  }
0xc4: {  	s0 =	sor.u32 s3, s0;
	s1 =	sshll.u32 s1, $0x11  }
0xc5: {  	s0 =	sor.u32 s1, s0  }
0xc6: {  	s0 =	sadd.s32 $0x8F2B, s0  }
0xc7: {  	[sflag:s0] =	ssyncadd.remote.s32 $0x1  }
0xc8: {  	_ =	sfence.sel $0xFFFF  }
0xc9: {  	[dreg:$0x0] =	wrdreg $0xFFFFFFFF;
	(pc) =	sbr.abs _section_cstart, $3  }
0xca: {  	[dreg:$0x1] =	wrdreg $0xFFFFFFFF  }
0xcb: {  	_ =	task.clear_ibuf [dreg:s9], $0x2FFFF;
	_ =	strace $0x9FFFFFFF  }
0xcc: {  	(tm) =	ssettm $0x7FFFFFFF  }
0xcd: {  	_ =	shalt  }
tec
execute0_lowered:
.L_overlay_start_1:
0x0: {  	(tag) =	ssettag $0x1  }
0x1: {  	s1 =	rddreg [dreg:$0x0]  }
0x2: {  	s0 =	rddreg [dreg:$0x1]  }
0x3: {  	s2 =	srdreg.scid;
	s3 =	rddreg [dreg:$0x3]  }
0x4: {  	s14 =	stileid.u32;
	s4 =	rddreg [dreg:$0x4];
	s17 =	simm.s32 $0x4  }
0x5: {  	s28 =	simm.s32 $0x2;
	s29 =	simm.s32 $0x3;
	s30 =	simm.s32 $0x4E20  }
0x6: {  	s31 =	simm.s32 $0x1;
	s2 =	sand.u32 $0x1, s2;
	s10 =	smul.u32 $0xA000, s14  }
0x7: {  	s5 =	sshll.u32 s14, $0x1;
	s7 =	sadd.s32 $0x17A00, s0;
	s13 =	smul.u32 $0x280, s14  }
0x8: {  	s8 =	sadd.s32 $0x1AA00, s0;
	s12 =	sadd.s32 $0x18000, s0;
	s11 =	smul.u32 $0xA0000, s2  }
0x9: {  	s6 =	sor.u32 s2, s5;
	s19 =	ssub.s32 $0x2, s2;
	s2 =	smul.u32 $0x2800, s2  }
0xa: {  	s22 =	sshll.u32 s14, $0x6;
	s5 =	rddreg [dreg:$0x5];
	s9 =	smul.u32 $0x4E2, s6  }
0xb: {  	s6 =	simm.s32 $0x0;
	s20 =	sshrl.u32 s19, $0x1;
	s21 =	sadd.s32 s10, s4  }
0xc: {  	s23 =	sadd.s32 s13, s5;
	[smem:$0x7FF] =	sst s6;
	s11 =	sadd.s32 s10, s11  }
0xd: {  	s10 =	sor.u32 $0x1C04, s22;
	s2 =	sadd.s32 s13, s2;
	s16 =	sshrl.u32 s21, $0x3  }
0xe: {  	s18 =	sshrl.u32 s23, $0x3;
	s21 =	simm.s32 $0x5000;
	s22 =	simm.s32 $0x4EC0  }
0xf: {  	s23 =	simm.s32 $0x4F60;
	_ =	strace $0x8000004D;
	s9 =	sadd.s32 s9, s0  }
0x10: {  	[dreg:$0x7] =	wrdreg s12;
	s11 =	sshrl.u32 s11, $0x3;
	s2 =	sshrl.u32 s2, $0x3  }
0x11: {  	s0 =	sadd.s32 s11, s0;
	s11 =	ssub.s32 s19, s20;
	s24 =	sadd.s32 $0xDC00, s9  }
0x12: {  	s9 =	sadd.s32 $0x3E00, s9;
	s25 =	sadd.s32 s3, s2;
	[dreg:$0x8] =	wrdreg s24  }
0x13: {  	s20 =	simm.s32 $0x50;
	s3 =	simm.s32 $0x4E70;
	[dreg:$0x9] =	wrdreg s9  }
0x14: {  	s2 =	simm.s32 $0x0;
	s0 =	sadd.s32 $0x1B000, s0;
	[dreg:$0xb] =	wrdreg s25  }
0x15: {  	s26 =	smax.u32 s11, $0x1;
	s24 =	simm.s32 $0x6400;
	[dreg:$0xa] =	wrdreg s0  }
0x16: {  	s25 =	simm.s32 $0x4F10;
	[dreg:$0xc] =	wrdreg s26;
	s26 =	simm.s32 $0x4FB0  }
.LBB2_1:
0x17: {  	s0 =	rddreg [dreg:$0x2]  }
0x18: {  	[spmem:s16], [sflag:s10] =	dma.local [hbm:s0], $0x1400  }
0x19: {  	_ =	swait.ge [sflag:s17], $0x1400  }
0x1a: {  	[sflag:s17] =	ssyncset.done $0x0  }
0x1b: {  	s14 =	rddreg [dreg:$0x7];
	[sflag:s17] =	ssyncadd.s32 $0xFFFFEC00  }
0x1c: {  	[spmem:s18], [sflag:s10] =	dma.local [hbm:s14], $0x50  }
0x1d: {  	_ =	swait.ge [sflag:s17], $0x50  }
0x1e: {  	[sflag:s17] =	ssyncset.done $0x0  }
0x1f: {  	s15 =	rddreg [dreg:$0x8];
	[sflag:s17] =	ssyncadd.s32 $0xFFFFFFB0  }
0x20: {  	[tilespmem:s6], [sflag:$0x4] =	stream.linear.gather [hbm4b:s15+s6], $0x2710, $0x38;
	[tilespmem:$0x11A80] =	vst v63  }
0x21: {  	_ =	swait.ge [sflag:s17], $0x2710  }
0x22: {  	[sflag:s17] =	ssyncset.done $0x0  }
0x23: {  	s9 =	simm.s32 $0x2710;
	s19 =	rddreg [dreg:$0x9];
	[sflag:s17] =	ssyncadd.s32 $0xFFFFD8F0  }
0x24: {  	[tilespmem:s9], [sflag:$0x4] =	stream.linear.gather [hbm4b:s19+s6], $0x2710, $0x38;
	[tilespmem:$0x11A80] =	vst v63  }
0x25: {  	_ =	swait.ge [sflag:s17], $0x2710  }
0x26: {  	[sflag:s17] =	ssyncset.done $0x0  }
0x27: {  	[sflag:s17] =	ssyncadd.s32 $0xFFFFD8F0  }
0x28: {  	[bflag:$0x0] =	sbarrier.arrive $0xFFFF  }
0x29: {  	[tilespmem:s21], [sflag:$0x1] =	stream.indirect.gather [hbm4b:s1+s20], $0x40, s6, s20, $0xb8;
	[tilespmem:$0x11A80] =	vst v63  }
0x2a: {  	_ = 	snop  }
0x2b: {  	[tilespmem:s22], [sflag:$0x2] =	stream.indirect.gather [hbm4b:s7+s20], $0x1, s6, s20, $0xb8;
	[tilespmem:$0x11A80] =	vst v63  }
0x2c: {  	_ = 	snop  }
0x2d: {  	[tilespmem:s23], [sflag:$0x3] =	stream.indirect.gather [hbm4b:s8+s20], $0x1, s9, s20, $0xb8;
	[tilespmem:$0x11A80] =	vst v63  }
0x2e: {  	s9 =	simm.s32 $0x0  }
.LBB2_2:
0x2f: {  	s12 =	smul.u32 $0xA0, s9;
	_ =	sdelay $0x1  }
0x30: {  	s11 =	sadd.s32 $0x50, s12  }
0x31: {  	[tilespmem:s24], [sflag:$0x1] =	stream.indirect.gather [hbm4b:s1+s20], $0x40, s11, s20, $0xb8;
	[tilespmem:$0x11A80] =	vst v63  }
0x32: {  	_ = 	snop  }
0x33: {  	[tilespmem:s25], [sflag:$0x2] =	stream.indirect.gather [hbm4b:s7+s20], $0x1, s11, s20, $0xb8;
	[tilespmem:$0x11A80] =	vst v63  }
0x34: {  	s11 =	sadd.s32 $0x2760, s12  }
0x35: {  	[tilespmem:s26], [sflag:$0x3] =	stream.indirect.gather [hbm4b:s8+s20], $0x1, s11, s20, $0xb8;
	[tilespmem:$0x11A80] =	vst v63  }
0x36: {  	_ =	swait.ge [sflag:s28], $0x50  }
0x37: {  	[sflag:s28] =	ssyncset.done $0x0  }
0x38: {  	[sflag:s28] =	ssyncadd.s32 $0xFFFFFFB0  }
0x39: {  	_ =	swait.ge [sflag:s29], $0x50  }
0x3a: {  	[sflag:s29] =	ssyncset.done $0x0  }
0x3b: {  	[sflag:s29] =	ssyncadd.s32 $0xFFFFFFB0  }
0x3c: {  	v0 =	vld [tilespmem:$0x4EC0]  }
0x3d: {  	v1 =	vld [tilespmem:$0x4F60]  }
0x3e: {  	v2 =	vld [tilespmem:$0x4ED0]  }
0x3f: {  	v3 =	vld [tilespmem:$0x4F70]  }
0x40: {  	v4 =	vld [tilespmem:$0x4EE0]  }
0x41: {  	v5 =	vld [tilespmem:$0x4F80]  }
0x42: {  	v6 =	vld [tilespmem:$0x4EF0]  }
0x43: {  	v7 =	vld [tilespmem:$0x4F90]  }
0x44: {  	v8 =	vld [tilespmem:$0x4F00]  }
0x45: {  	v0 =	vadd.f32 v1, v0;
	v1 =	vadd.f32 v3, v2;
	v2 =	vld [tilespmem:$0x4FA0];
	_ =	sdelay $0x1  }
0x46: {  	v4 =	vadd.f32 v5, v4;
	v3 =	vmul.f32 $2.000000030e-01, v0;
	v5 =	vmul.f32 $2.000000030e-01, v1  }
0x47: {  	v6 =	vadd.f32 v7, v6;
	vm0 =	vgt.f32 v0, $0.0e+00;
	vm1 =	vgt.f32 v1, $0.0e+00  }
0x48: {  	vm13 =	vgt.f32 v4, $0.0e+00;
	v0 =	vsel vm0, v0, v3;
	v1 =	vsel vm1, v1, v5  }
0x49: {  	v3 =	vmul.f32 $2.000000030e-01, v4;
	v5 =	vmul.f32 $2.000000030e-01, v6;
	v2 =	vadd.f32 v2, v8  }
0x4a: {  	vm14 =	vgt.f32 v6, $0.0e+00;
	v0 =	vmul.f32 $1.442695020e+00, v0;
	v1 =	vmul.f32 $1.442695020e+00, v1  }
0x4b: {  	v3 =	vsel vm13, v4, v3;
	v4 =	vsel vm14, v6, v5;
	v5 =	vmul.f32 $2.000000030e-01, v2  }
0x4c: {  	(erf) = vpow2.f32 v0;
	v0 =	vmul.f32 $1.442695020e+00, v3;
	vm15 =	vgt.f32 v2, $0.0e+00  }
0x4d: {  	(erf) = vpow2.f32 v1;
	v1 =	vmul.f32 $1.442695020e+00, v4;
	v2 =	vsel vm15, v2, v5  }
0x4e: {  	(erf) = vpow2.f32 v0;
	v0 =	vmul.f32 $1.442695020e+00, v2  }
0x4f: {  	(erf) = vpow2.f32 v1  }
0x50: {  	(erf) = vpow2.f32 v0;
	_ =	sdelay $0x4  }
0x51: {  	v0 =	vpop (erf)  }
0x52: {  	v1 =	vpop (erf);
	[tilespmem:$0x4E20] =	vst v0  }
0x53: {  	s13 =	smul.u32 $0x280, s9;
	v0 =	vpop (erf);
	[tilespmem:$0x4E30] =	vst v1  }
0x54: {  	v1 =	vpop (erf);
	[tilespmem:$0x4E40] =	vst v0  }
0x55: {  	s13 =	sshra.s32 s13, $0x2;
	[tilespmem:$0x4E50] =	vst v1;
	v0 =	vpop (erf)  }
0x56: {  	s19 =	sadd.s32 $0x2710, s13;
	[tilespmem:$0x4E60] =	vst v0  }
0x57: {  	[spmem:s5] =	stream.indirect.scatter.add.f32 [tilespmem:s30], [sflag:$0x4], $0x1, s19, s20, $0xb8;
	[tilespmem:$0x11A80] =	vst v63  }
0x58: {  	_ =	swait.ge [sflag:s17], $0x50  }
0x59: {  	[sflag:s17] =	ssyncset.done $0x0  }
0x5a: {  	s15 =	simm.s32 $0x0;
	[sflag:s17] =	ssyncadd.s32 $0xFFFFFFB0  }
0x5b: {  	v0 =	vmov s15;
	_ =	swait.ge [sflag:s31], $0x1400  }
0x5c: {  	[sflag:s31] =	ssyncset.done $0x0  }
0x5d: {  	s13 =	simm.s32 $0x5020;
	[sflag:s31] =	ssyncadd.s32 $0xFFFFEC00  }
0x5e: {  	v2 =	vld [tilespmem:s13+$0xFFFFFFF0]  }
0x5f: {  	v3 =	vld [tilespmem:s13+$0x10]  }
0x60: {  	v5 =	vld.idx.msk [tilespmem:v0+s30+$0x0], $0xffff  }
0x61: {  	v0 =	vld [tilespmem:s13+$0xFFFFFFE0]  }
0x62: {  	v6 =	vld [tilespmem:s13+$0x0];
	_ =	sdelay $0x3  }
0x63: {  	s15 =	simm.s32 $0x1;
	v1 =	vmul.f32 v0, v5;
	v4 =	vmul.f32 v3, v5  }
0x64: {  	s14 =	simm.s32 $0x2;
	v0 =	vmov s15;
	v3 =	vmul.f32 v2, v5;
	v2 =	vmul.f32 v6, v5;
	s15 =	simm.s32 $0x5020  }
.LBB2_3:
0x65: {  	p0 =	sne.s32 s14, $0x4F  }
0x66: {  	[tilespmem:s13+$0x10] =	vst v4;
	s15 =	sadd.s32 $0x40, s15;
	s0 =	smov.u32 s14;
	s14 =	sadd.s32 $0x1, s14  }
0x67: {  	[tilespmem:s13+$0xFFFFFFE0] =	vst v1  }
0x68: {  	v5 =	vld [tilespmem:s15+$0xFFFFFFF0];
	[tilespmem:s13+$0xFFFFFFF0] =	vst v3  }
0x69: {  	v3 =	vld [tilespmem:s15+$0x10];
	[tilespmem:s13+$0x0] =	vst v2;
	s13 =	smov.u32 s15  }
0x6a: {  	v2 =	vld.idx.msk [tilespmem:v0+s30+$0x0], $0xffff  }
0x6b: {  	v0 =	vld [tilespmem:s15+$0xFFFFFFE0]  }
0x6c: {  	v6 =	vld [tilespmem:s15+$0x0]  }
.Ltmp0:
0x6d: {  	(pc) =	sbr.rel @p0 .LBB2_3-.Ltmp0, $3  }
0x6e: {  	_ =	sdelay $0x1  }
0x6f: {  	v4 =	vmul.f32 v3, v2;
	v1 =	vmul.f32 v0, v2  }
0x70: {  	v3 =	vmul.f32 v5, v2;
	v0 =	vmov s0;
	v2 =	vmul.f32 v6, v2  }
0x71: {  	[tilespmem:s13+$0x10] =	vst v4  }
0x72: {  	s0 =	sadd.s32 $0x40, s15;
	[tilespmem:s13+$0xFFFFFFE0] =	vst v1  }
0x73: {  	v1 =	vld [tilespmem:s0+$0xFFFFFFF0];
	[tilespmem:s13+$0xFFFFFFF0] =	vst v3  }
0x74: {  	v3 =	vld [tilespmem:s0+$0x10];
	[tilespmem:s13+$0x0] =	vst v2  }
0x75: {  	v0 =	vld.idx.msk [tilespmem:v0+s30+$0x0], $0xffff  }
0x76: {  	v2 =	vld [tilespmem:s0+$0xFFFFFFE0];
	_ =	sdelay $0x1  }
0x77: {  	v4 =	vld [tilespmem:s0+$0x0];
	_ =	sdelay $0x1  }
0x78: {  	v3 =	vmul.f32 v3, v0  }
0x79: {  	v2 =	vmul.f32 v2, v0  }
0x7a: {  	v1 =	vmul.f32 v1, v0;
	[tilespmem:s0+$0x10] =	vst v3  }
0x7b: {  	v0 =	vmul.f32 v4, v0;
	[tilespmem:s0+$0xFFFFFFE0] =	vst v2  }
0x7c: {  	[tilespmem:s0+$0xFFFFFFF0] =	vst v1  }
0x7d: {  	[tilespmem:s0+$0x0] =	vst v0  }
0x7e: {  	[spmem:s4] =	stream.indirect.scatter.add.f32 [tilespmem:s21], [sflag:$0x4], $0x40, s19, s20, $0xb8;
	[tilespmem:$0x11A80] =	vst v63  }
0x7f: {  	_ =	swait.ge [sflag:s17], $0x1400  }
0x80: {  	[sflag:s17] =	ssyncset.done $0x0  }
0x81: {  	s13 =	sadd.s32 $0xA0, s12;
	[sflag:s17] =	ssyncadd.s32 $0xFFFFEC00  }
0x82: {  	[tilespmem:s21], [sflag:$0x1] =	stream.indirect.gather [hbm4b:s1+s20], $0x40, s13, s20, $0xb8;
	[tilespmem:$0x11A80] =	vst v63  }
0x83: {  	_ = 	snop  }
0x84: {  	[tilespmem:s22], [sflag:$0x2] =	stream.indirect.gather [hbm4b:s7+s20], $0x1, s13, s20, $0xb8;
	[tilespmem:$0x11A80] =	vst v63  }
0x85: {  	s14 =	sadd.s32 $0x27B0, s12  }
0x86: {  	[tilespmem:s23], [sflag:$0x3] =	stream.indirect.gather [hbm4b:s8+s20], $0x1, s14, s20, $0xb8;
	[tilespmem:$0x11A80] =	vst v63  }
0x87: {  	_ =	swait.ge [sflag:s28], $0x50  }
0x88: {  	[sflag:s28] =	ssyncset.done $0x0  }
0x89: {  	[sflag:s28] =	ssyncadd.s32 $0xFFFFFFB0  }
0x8a: {  	_ =	swait.ge [sflag:s29], $0x50  }
0x8b: {  	[sflag:s29] =	ssyncset.done $0x0  }
0x8c: {  	[sflag:s29] =	ssyncadd.s32 $0xFFFFFFB0  }
0x8d: {  	v0 =	vld [tilespmem:$0x4F10]  }
0x8e: {  	v1 =	vld [tilespmem:$0x4FB0]  }
0x8f: {  	v2 =	vld [tilespmem:$0x4F20]  }
0x90: {  	v3 =	vld [tilespmem:$0x4FC0]  }
0x91: {  	v4 =	vld [tilespmem:$0x4F30]  }
0x92: {  	v5 =	vld [tilespmem:$0x4FD0]  }
0x93: {  	v6 =	vld [tilespmem:$0x4F40]  }
0x94: {  	v7 =	vld [tilespmem:$0x4FE0]  }
0x95: {  	v8 =	vld [tilespmem:$0x4F50]  }
0x96: {  	v0 =	vadd.f32 v1, v0;
	v1 =	vadd.f32 v3, v2;
	v2 =	vld [tilespmem:$0x4FF0];
	_ =	sdelay $0x1  }
0x97: {  	v4 =	vadd.f32 v5, v4;
	v3 =	vmul.f32 $2.000000030e-01, v0;
	v5 =	vmul.f32 $2.000000030e-01, v1  }
0x98: {  	v6 =	vadd.f32 v7, v6;
	vm0 =	vgt.f32 v0, $0.0e+00;
	vm1 =	vgt.f32 v1, $0.0e+00  }
0x99: {  	vm13 =	vgt.f32 v4, $0.0e+00;
	v0 =	vsel vm0, v0, v3;
	v1 =	vsel vm1, v1, v5  }
0x9a: {  	v3 =	vmul.f32 $2.000000030e-01, v4;
	v5 =	vmul.f32 $2.000000030e-01, v6;
	v2 =	vadd.f32 v2, v8  }
0x9b: {  	vm14 =	vgt.f32 v6, $0.0e+00;
	v0 =	vmul.f32 $1.442695020e+00, v0;
	v1 =	vmul.f32 $1.442695020e+00, v1  }
0x9c: {  	v3 =	vsel vm13, v4, v3;
	v4 =	vsel vm14, v6, v5;
	v5 =	vmul.f32 $2.000000030e-01, v2  }
0x9d: {  	(erf) = vpow2.f32 v0;
	v0 =	vmul.f32 $1.442695020e+00, v3;
	vm15 =	vgt.f32 v2, $0.0e+00  }
0x9e: {  	(erf) = vpow2.f32 v1;
	v1 =	vmul.f32 $1.442695020e+00, v4;
	v2 =	vsel vm15, v2, v5  }
0x9f: {  	(erf) = vpow2.f32 v0;
	v0 =	vmul.f32 $1.442695020e+00, v2  }
0xa0: {  	(erf) = vpow2.f32 v1  }
0xa1: {  	(erf) = vpow2.f32 v0;
	_ =	sdelay $0x4  }
0xa2: {  	v0 =	vpop (erf)  }
0xa3: {  	v1 =	vpop (erf);
	[tilespmem:$0x4E70] =	vst v0  }
0xa4: {  	v0 =	vpop (erf);
	[tilespmem:$0x4E80] =	vst v1  }
0xa5: {  	v1 =	vpop (erf);
	[tilespmem:$0x4E90] =	vst v0  }
0xa6: {  	[tilespmem:$0x4EA0] =	vst v1;
	v0 =	vpop (erf)  }
0xa7: {  	[tilespmem:$0x4EB0] =	vst v0  }
0xa8: {  	[spmem:s5] =	stream.indirect.scatter.add.f32 [tilespmem:s3], [sflag:$0x4], $0x1, s11, s20, $0xb8;
	[tilespmem:$0x11A80] =	vst v63  }
0xa9: {  	_ =	swait.ge [sflag:s17], $0x50  }
0xaa: {  	[sflag:s17] =	ssyncset.done $0x0  }
0xab: {  	s15 =	simm.s32 $0x0;
	[sflag:s17] =	ssyncadd.s32 $0xFFFFFFB0  }
0xac: {  	v0 =	vmov s15;
	_ =	swait.ge [sflag:s31], $0x1400  }
0xad: {  	[sflag:s31] =	ssyncset.done $0x0  }
0xae: {  	s12 =	simm.s32 $0x6420;
	[sflag:s31] =	ssyncadd.s32 $0xFFFFEC00  }
0xaf: {  	v2 =	vld [tilespmem:s12+$0xFFFFFFF0]  }
0xb0: {  	v3 =	vld [tilespmem:s12+$0x10]  }
0xb1: {  	v5 =	vld.idx.msk [tilespmem:v0+s3+$0x0], $0xffff  }
0xb2: {  	v0 =	vld [tilespmem:s12+$0xFFFFFFE0]  }
0xb3: {  	v6 =	vld [tilespmem:s12+$0x0];
	_ =	sdelay $0x3  }
0xb4: {  	s19 =	simm.s32 $0x1;
	v1 =	vmul.f32 v0, v5;
	v4 =	vmul.f32 v3, v5  }
0xb5: {  	s13 =	simm.s32 $0x2;
	s14 =	simm.s32 $0x6420;
	v0 =	vmov s19;
	v3 =	vmul.f32 v2, v5;
	v2 =	vmul.f32 v6, v5  }
.LBB2_5:
0xb6: {  	p0 =	sne.s32 s13, $0x4F  }
0xb7: {  	[tilespmem:s12+$0x10] =	vst v4;
	s14 =	sadd.s32 $0x40, s14;
	s0 =	smov.u32 s13;
	s13 =	sadd.s32 $0x1, s13  }
0xb8: {  	[tilespmem:s12+$0xFFFFFFE0] =	vst v1  }
0xb9: {  	v5 =	vld [tilespmem:s14+$0xFFFFFFF0];
	[tilespmem:s12+$0xFFFFFFF0] =	vst v3  }
0xba: {  	v3 =	vld [tilespmem:s14+$0x10];
	[tilespmem:s12+$0x0] =	vst v2;
	s12 =	smov.u32 s14  }
0xbb: {  	v2 =	vld.idx.msk [tilespmem:v0+s3+$0x0], $0xffff  }
0xbc: {  	v0 =	vld [tilespmem:s14+$0xFFFFFFE0]  }
0xbd: {  	v6 =	vld [tilespmem:s14+$0x0]  }
.Ltmp1:
0xbe: {  	(pc) =	sbr.rel @p0 .LBB2_5-.Ltmp1, $3  }
0xbf: {  	_ =	sdelay $0x1  }
0xc0: {  	v4 =	vmul.f32 v3, v2;
	v1 =	vmul.f32 v0, v2  }
0xc1: {  	v3 =	vmul.f32 v5, v2;
	v0 =	vmov s0;
	v2 =	vmul.f32 v6, v2  }
0xc2: {  	[tilespmem:s12+$0x10] =	vst v4  }
0xc3: {  	s0 =	sadd.s32 $0x40, s14;
	[tilespmem:s12+$0xFFFFFFE0] =	vst v1  }
0xc4: {  	v1 =	vld [tilespmem:s0+$0xFFFFFFF0];
	[tilespmem:s12+$0xFFFFFFF0] =	vst v3  }
0xc5: {  	v3 =	vld [tilespmem:s0+$0x10];
	[tilespmem:s12+$0x0] =	vst v2  }
0xc6: {  	v0 =	vld.idx.msk [tilespmem:v0+s3+$0x0], $0xffff  }
0xc7: {  	v2 =	vld [tilespmem:s0+$0xFFFFFFE0];
	_ =	sdelay $0x1  }
0xc8: {  	v4 =	vld [tilespmem:s0+$0x0];
	_ =	sdelay $0x1  }
0xc9: {  	v3 =	vmul.f32 v3, v0  }
0xca: {  	v2 =	vmul.f32 v2, v0  }
0xcb: {  	v1 =	vmul.f32 v1, v0;
	[tilespmem:s0+$0x10] =	vst v3  }
0xcc: {  	s9 =	sadd.s32 $0x1, s9;
	v0 =	vmul.f32 v4, v0;
	[tilespmem:s0+$0xFFFFFFE0] =	vst v2  }
0xcd: {  	p0 =	sne.s32 s9, $0x3E;
	[tilespmem:s0+$0xFFFFFFF0] =	vst v1  }
.Ltmp2:
0xce: {  	[tilespmem:s0+$0x0] =	vst v0;
	(pc) =	sbr.rel @p0 .LBB2_2-.Ltmp2, $4  }
0xcf: {  	[spmem:s4] =	stream.indirect.scatter.add.f32 [tilespmem:s24], [sflag:$0x4], $0x40, s11, s20, $0xb8;
	[tilespmem:$0x11A80] =	vst v63  }
0xd0: {  	_ =	swait.ge [sflag:s17], $0x1400  }
0xd1: {  	[sflag:s17] =	ssyncset.done $0x0  }
0xd2: {  	[sflag:s17] =	ssyncadd.s32 $0xFFFFEC00  }
0xd3: {  	_ =	swait.ge [sflag:s28], $0x50  }
0xd4: {  	[sflag:s28] =	ssyncset.done $0x0  }
0xd5: {  	[sflag:s28] =	ssyncadd.s32 $0xFFFFFFB0  }
0xd6: {  	_ =	swait.ge [sflag:s29], $0x50  }
0xd7: {  	[sflag:s29] =	ssyncset.done $0x0  }
0xd8: {  	[sflag:s29] =	ssyncadd.s32 $0xFFFFFFB0  }
0xd9: {  	v0 =	vld [tilespmem:$0x4EC0]  }
0xda: {  	v1 =	vld [tilespmem:$0x4F60]  }
0xdb: {  	v2 =	vld [tilespmem:$0x4ED0]  }
0xdc: {  	v3 =	vld [tilespmem:$0x4F70]  }
0xdd: {  	v4 =	vld [tilespmem:$0x4EE0]  }
0xde: {  	v5 =	vld [tilespmem:$0x4F80]  }
0xdf: {  	v6 =	vld [tilespmem:$0x4EF0]  }
0xe0: {  	v7 =	vld [tilespmem:$0x4F90]  }
0xe1: {  	v8 =	vld [tilespmem:$0x4F00]  }
0xe2: {  	v0 =	vadd.f32 v1, v0;
	v1 =	vadd.f32 v3, v2;
	v2 =	vld [tilespmem:$0x4FA0];
	_ =	sdelay $0x1  }
0xe3: {  	v4 =	vadd.f32 v5, v4;
	v3 =	vmul.f32 $2.000000030e-01, v0;
	v5 =	vmul.f32 $2.000000030e-01, v1  }
0xe4: {  	v6 =	vadd.f32 v7, v6;
	vm0 =	vgt.f32 v0, $0.0e+00;
	vm1 =	vgt.f32 v1, $0.0e+00  }
0xe5: {  	vm13 =	vgt.f32 v4, $0.0e+00;
	v0 =	vsel vm0, v0, v3;
	v1 =	vsel vm1, v1, v5  }
0xe6: {  	v3 =	vmul.f32 $2.000000030e-01, v4;
	v5 =	vmul.f32 $2.000000030e-01, v6;
	v2 =	vadd.f32 v2, v8  }
0xe7: {  	vm14 =	vgt.f32 v6, $0.0e+00;
	v0 =	vmul.f32 $1.442695020e+00, v0;
	v1 =	vmul.f32 $1.442695020e+00, v1  }
0xe8: {  	v3 =	vsel vm13, v4, v3;
	v4 =	vsel vm14, v6, v5;
	v5 =	vmul.f32 $2.000000030e-01, v2  }
0xe9: {  	(erf) = vpow2.f32 v0;
	v0 =	vmul.f32 $1.442695020e+00, v3;
	vm15 =	vgt.f32 v2, $0.0e+00  }
0xea: {  	(erf) = vpow2.f32 v1;
	v1 =	vmul.f32 $1.442695020e+00, v4;
	v2 =	vsel vm15, v2, v5  }
0xeb: {  	(erf) = vpow2.f32 v0;
	v0 =	vmul.f32 $1.442695020e+00, v2  }
0xec: {  	(erf) = vpow2.f32 v1  }
0xed: {  	(erf) = vpow2.f32 v0;
	_ =	sdelay $0x4  }
0xee: {  	v0 =	vpop (erf)  }
0xef: {  	v1 =	vpop (erf);
	[tilespmem:$0x4E20] =	vst v0  }
0xf0: {  	v0 =	vpop (erf);
	[tilespmem:$0x4E30] =	vst v1  }
0xf1: {  	v1 =	vpop (erf);
	[tilespmem:$0x4E40] =	vst v0  }
0xf2: {  	[tilespmem:$0x4E50] =	vst v1;
	v0 =	vpop (erf)  }
0xf3: {  	s13 =	simm.s32 $0x4DD0;
	[tilespmem:$0x4E60] =	vst v0  }
0xf4: {  	[spmem:s5] =	stream.indirect.scatter.add.f32 [tilespmem:s30], [sflag:$0x4], $0x1, s13, s20, $0xb8;
	[tilespmem:$0x11A80] =	vst v63  }
0xf5: {  	_ =	swait.ge [sflag:s17], $0x50  }
0xf6: {  	[sflag:s17] =	ssyncset.done $0x0  }
0xf7: {  	s0 =	simm.s32 $0x0;
	[sflag:s17] =	ssyncadd.s32 $0xFFFFFFB0  }
0xf8: {  	v0 =	vmov s0;
	_ =	swait.ge [sflag:s31], $0x1400  }
0xf9: {  	[sflag:s31] =	ssyncset.done $0x0  }
0xfa: {  	s9 =	simm.s32 $0x5020;
	[sflag:s31] =	ssyncadd.s32 $0xFFFFEC00  }
0xfb: {  	v2 =	vld [tilespmem:s9+$0xFFFFFFF0]  }
0xfc: {  	v3 =	vld [tilespmem:s9+$0x10]  }
0xfd: {  	v5 =	vld.idx.msk [tilespmem:v0+s30+$0x0], $0xffff  }
0xfe: {  	v0 =	vld [tilespmem:s9+$0xFFFFFFE0]  }
0xff: {  	v6 =	vld [tilespmem:s9+$0x0];
	_ =	sdelay $0x3  }
0x100: {  	s19 =	simm.s32 $0x1;
	v1 =	vmul.f32 v0, v5;
	v4 =	vmul.f32 v3, v5  }
0x101: {  	s11 =	simm.s32 $0x2;
	s12 =	simm.s32 $0x5020;
	v0 =	vmov s19;
	v3 =	vmul.f32 v2, v5;
	v2 =	vmul.f32 v6, v5  }
.LBB2_8:
0x102: {  	p0 =	sne.s32 s11, $0x4F  }
0x103: {  	[tilespmem:s9+$0x10] =	vst v4;
	s12 =	sadd.s32 $0x40, s12;
	s0 =	smov.u32 s11;
	s11 =	sadd.s32 $0x1, s11  }
0x104: {  	[tilespmem:s9+$0xFFFFFFE0] =	vst v1  }
0x105: {  	v5 =	vld [tilespmem:s12+$0xFFFFFFF0];
	[tilespmem:s9+$0xFFFFFFF0] =	vst v3  }
0x106: {  	v3 =	vld [tilespmem:s12+$0x10];
	[tilespmem:s9+$0x0] =	vst v2;
	s9 =	smov.u32 s12  }
0x107: {  	v2 =	vld.idx.msk [tilespmem:v0+s30+$0x0], $0xffff  }
0x108: {  	v0 =	vld [tilespmem:s12+$0xFFFFFFE0]  }
0x109: {  	v6 =	vld [tilespmem:s12+$0x0]  }
.Ltmp3:
0x10a: {  	(pc) =	sbr.rel @p0 .LBB2_8-.Ltmp3, $3  }
0x10b: {  	_ =	sdelay $0x1  }
0x10c: {  	v4 =	vmul.f32 v3, v2;
	v1 =	vmul.f32 v0, v2  }
0x10d: {  	v3 =	vmul.f32 v5, v2;
	v0 =	vmov s0;
	v2 =	vmul.f32 v6, v2  }
0x10e: {  	[tilespmem:s9+$0x10] =	vst v4  }
0x10f: {  	s0 =	sadd.s32 $0x40, s12;
	[tilespmem:s9+$0xFFFFFFE0] =	vst v1  }
0x110: {  	v1 =	vld [tilespmem:s0+$0xFFFFFFF0];
	[tilespmem:s9+$0xFFFFFFF0] =	vst v3  }
0x111: {  	v3 =	vld [tilespmem:s0+$0x10];
	[tilespmem:s9+$0x0] =	vst v2  }
0x112: {  	v0 =	vld.idx.msk [tilespmem:v0+s30+$0x0], $0xffff  }
0x113: {  	v2 =	vld [tilespmem:s0+$0xFFFFFFE0];
	_ =	sdelay $0x1  }
0x114: {  	v4 =	vld [tilespmem:s0+$0x0];
	_ =	sdelay $0x1  }
0x115: {  	v3 =	vmul.f32 v3, v0  }
0x116: {  	v2 =	vmul.f32 v2, v0  }
0x117: {  	v1 =	vmul.f32 v1, v0;
	[tilespmem:s0+$0x10] =	vst v3  }
0x118: {  	v0 =	vmul.f32 v4, v0;
	[tilespmem:s0+$0xFFFFFFE0] =	vst v2  }
0x119: {  	[tilespmem:s0+$0xFFFFFFF0] =	vst v1  }
0x11a: {  	[tilespmem:s0+$0x0] =	vst v0  }
0x11b: {  	[spmem:s4] =	stream.indirect.scatter.add.f32 [tilespmem:s21], [sflag:$0x4], $0x40, s13, s20, $0xb8;
	[tilespmem:$0x11A80] =	vst v63  }
0x11c: {  	_ =	swait.ge [sflag:s17], $0x1400  }
0x11d: {  	[sflag:s17] =	ssyncset.done $0x0  }
0x11e: {  	[sflag:s17] =	ssyncadd.s32 $0xFFFFEC00  }
0x11f: {  	[bflag:$0x0] =	sbarrier.arrive $0xFFFF  }
0x120: {  	s14 =	rddreg [dreg:$0xa]  }
0x121: {  	[hbm:s14], [sflag:s10] =	dma.local [spmem:s16], $0x1400  }
0x122: {  	_ =	swait.ge [sflag:s17], $0x1400  }
0x123: {  	[sflag:s17] =	ssyncset.done $0x0  }
0x124: {  	s15 =	rddreg [dreg:$0xb];
	[sflag:s17] =	ssyncadd.s32 $0xFFFFEC00  }
0x125: {  	[hbm:s15], [sflag:s10] =	dma.local [spmem:s18], $0x50  }
0x126: {  	_ =	swait.ge [sflag:s17], $0x50  }
0x127: {  	s2 =	sadd.s32 $0x1, s2;
	s19 =	rddreg [dreg:$0xc]  }
0x128: {  	p0 =	sne.s32 s2, s19  }
.Ltmp4:
0x129: {  	_ = 	snop;
	(pc) =	sbr.rel @p0 .LBB2_1-.Ltmp4, $3  }
0x12a: {  	_ =	sdelay $0x1  }
0x12b: {  	[sflag:s17] =	ssyncset.done $0x0  }
0x12c: {  	[sflag:s17] =	ssyncadd.s32 $0xFFFFFFB0  }
0x12d: {  	_ =	sfence.sel $0x180000  }
0x12e: {  	[bflag:$0x0] =	sbarrier.arrive $0xFFFF  }
0x12f: {  	_ =	strace $0x9000004D  }
0x130: {  	s0 =	stileid.u32;
	[bflag:$0x2] =	sbarrier.arrive $0xFFFF  }
0x131: {  	p0 =	sne.s32 s0, $0x0;
	s0 =	rddreg [dreg:$0x6]  }
0x132: {  	s0 =	sadd.s32 @!p0 $0x100000, s0  }
0x133: {  	[sflag:s0] =	ssyncadd.tile.s32 @!p0 $0x1;
	_ =	shalt  }
.Lfunc_end2:
_tile_overlayer_lowered:
.L_overlay_start_2:
0x134: {  	(tag) =	ssettag $0x2  }
0x135: {  	s0 =	rddreg [dreg:$0x0];
	s2 =	stileid.u32  }
0x136: {  	s1 =	rddreg [dreg:$0x1];
	p0 =	sne.s32 s2, $0x0  }
0x137: {  	s3 =	rddreg [dreg:$0x2];
	[bflag:$0x3] =	sbarrier.arrive $0xFFFF;
	s2 =	simm.s32 @!p0 $0x1C04  }
0x138: {  	[timem:s3], [sflag:s2] =	dma.local @!p0 [hbm:s0], s1  }
0x139: {  	s0 =	simm.s32 @!p0 $0x4  }
0x13a: {  	_ =	swait.ge @!p0 [sflag:s0], s1  }
0x13b: {  	s1 =	ssub.s32 @!p0 $0x0, s1;
	[sflag:s0] =	ssyncset.done @!p0 $0x0  }
0x13c: {  	[sflag:s0] =	ssyncadd.s32 @!p0 s1  }
0x13d: {  	[bflag:$0x3] =	sbarrier.arrive $0xFFFF  }
0x13e: {  	_ =	shalt  }

// kernel: sc_attn_reuse_128.3.cloned.1.call-start
scs
__scs_entry_jumppad:
0x0: {  	(pc) =	sbr.rel $0x88, $3  }
0x1: {  	(tag) =	ssettag $0x0;
	lr =	simm.s32 $0x1  }
0x2: {  	[smem:$0x3F95] =	sst lr;
	_ =	strace $0xD0000000  }
0x3: {  	_ = 	snop  }
0x4: {  	_ = 	snop  }
0x5: {  	_ = 	snop  }
0x6: {  	_ = 	snop  }
0x7: {  	_ = 	snop  }
__scs_overlays_trampoline_lowered:
0x8: {  	[smem:$0x3FA4] =	sst s0  }
0x9: {  	[smem:$0x3FA5] =	sst s1  }
0xa: {  	[smem:$0x3FA6] =	sst s2  }
0xb: {  	[smem:$0x3FA7] =	sst s3  }
0xc: {  	[smem:$0x3FA8] =	sst s4  }
0xd: {  	[smem:$0x3FA9] =	sst s5  }
0xe: {  	[smem:$0x3FAA] =	sst s6  }
0xf: {  	[smem:$0x3FAB] =	sst s7  }
0x10: {  	[smem:$0x3FAC] =	sst s8  }
0x11: {  	[smem:$0x3FAD] =	sst s9;
	s0 =	simm.s32 @!p0 $0x0  }
0x12: {  	s1 =	sld [smem:$0x3F93];
	s0 =	simm.s32 @p0 $0x1  }
0x13: {  	[smem:$0x3FAE] =	sst s0;
	s0 =	simm.s32 @!p1 $0x0  }
0x14: {  	s2 =	sld [smem:$0x3F92];
	s0 =	simm.s32 @p1 $0x1  }
0x15: {  	[smem:$0x3FAF] =	sst s0;
	s0 =	simm.s32 @!p2 $0x0  }
0x16: {  	s3 =	sld [smem:$0x3FDB];
	s0 =	simm.s32 @p2 $0x1  }
0x17: {  	s4 =	simm.s32 $0x1BF5;
	[smem:$0x3FB1] =	sst s0  }
0x18: {  	s0 =	sld [smem:$0x3F94];
	_ =	swait.ge [sflag:s4], $0x0  }
0x19: {  	s7 =	sld [smem:$0x3F95]  }
0x1a: {  	s8 =	sadd.s32 $0xFFFFE003, lr  }
0x1b: {  	s9 =	sadd.s32 $0xFFFFFEF7, lr;
	s5 =	simm.s32 $0xFFFFFFFF;
	p2 =	slt.u32 s8, $0xFFFFF086  }
0x1c: {  	p1 =	slt.u32 s9, $0xF7A;
	s5 =	simm.s32 @!p2 $0x0  }
0x1d: {  	s5 =	simm.s32 @p1 $0x1;
	p0 =	seq.s32 s7, s2  }
0x1e: {  	s7 =	smul.u32 @!p0 $0xF7A, s2;
	p2 =	seq.s32 @!p0 s5, $0x0  }
0x1f: {  	s9 =	smul.u32 $0xF7A, s1;
	s8 =	simm.s32 @!p0 $0x1BF5;
	p2 =	por !p2, p0  }
0x20: {  	[sflag:s8] =	ssyncset.s32 @!p0 $0xFFFFF086;
	s6 =	sadd.s32 @!p0 s3, s7;
	s7 =	simm.s32 @!p0 $0x108  }
0x21: {  	s3 =	sadd.s32 s3, s9;
	s6 =	sadd.s32 @!p0 $0x88, s6;
	s7 =	simm.s32 @p2 $0x1082  }
0x22: {  	[simem:s7], [sflag:s8] =	dma.local @!p0 [hbm:s6], $0xF7A  }
0x23: {  	s9 =	sor.u32 $0xD0000000, s2;
	s6 =	simm.s32 $0x108;
	_ =	swait.ge @!p0 [sflag:s8], $0x0  }
0x24: {  	s3 =	sadd.s32 $0x88, s3;
	s6 =	simm.s32 @!p1 $0x1082;
	[sflag:s4] =	ssyncset.s32 $0xFFFFF086  }
0x25: {  	[simem:s6], [sflag:s4] =	dma.local [hbm:s3], $0xF7A  }
0x26: {  	[smem:$0x3F95] =	sst s1;
	(tag) =	ssettag s2;
	_ =	strace s9  }
0x27: {  	s1 =	sld [smem:$0x3FA5]  }
0x28: {  	s2 =	sld [smem:$0x3FA6]  }
0x29: {  	s4 =	sld [smem:$0x3FA8]  }
0x2a: {  	p0 =	seq.s32 s5, $0x0;
	s5 =	sld [smem:$0x3FA9]  }
0x2b: {  	s6 =	sld [smem:$0x3FAA]  }
0x2c: {  	s7 =	sld [smem:$0x3FAB]  }
0x2d: {  	s3 =	simm.s32 $0x108;
	s8 =	sld [smem:$0x3FAC]  }
0x2e: {  	s3 =	simm.s32 @!p0 $0x1082;
	s9 =	sld [smem:$0x3FAD]  }
0x2f: {  	lr =	sadd.s32 s0, s3;
	s0 =	sld [smem:$0x3FA4]  }
0x30: {  	s3 =	sld [smem:$0x3FA7]  }
0x31: {  	[smem:$0x3FB0] =	sst s10  }
0x32: {  	s10 =	sld [smem:$0x3FAE];
	_ =	sdelay $0x3  }
0x33: {  	p0 =	seq.s32 s10, $0x1;
	s10 =	sld [smem:$0x3FB0];
	_ =	sdelay $0x3  }
0x34: {  	[smem:$0x3FB0] =	sst s10  }
0x35: {  	s10 =	sld [smem:$0x3FAF];
	_ =	sdelay $0x3  }
0x36: {  	p1 =	seq.s32 s10, $0x1;
	s10 =	sld [smem:$0x3FB0];
	_ =	sdelay $0x3  }
0x37: {  	[smem:$0x3FB0] =	sst s10  }
0x38: {  	s10 =	sld [smem:$0x3FB1]  }
0x39: {  	_ = 	snop;
	(pc) =	sbr.ind lr, $3  }
0x3a: {  	_ = 	snop  }
0x3b: {  	_ = 	snop  }
0x3c: {  	p2 =	seq.s32 s10, $0x1;
	s10 =	sld [smem:$0x3FB0]  }
0x3d: {  	_ =	shalt  }
0x3e: {  	_ =	shalt  }
0x3f: {  	_ =	shalt  }
0x40: {  	_ =	shalt  }
0x41: {  	_ =	shalt  }
0x42: {  	_ =	shalt  }
0x43: {  	_ =	shalt  }
0x44: {  	_ =	shalt  }
0x45: {  	_ =	shalt  }
0x46: {  	_ =	shalt  }
0x47: {  	_ =	shalt  }
0x48: {  	_ =	shalt  }
0x49: {  	_ =	shalt  }
0x4a: {  	_ =	shalt  }
0x4b: {  	_ =	shalt  }
0x4c: {  	_ =	shalt  }
0x4d: {  	_ =	shalt  }
0x4e: {  	_ =	shalt  }
0x4f: {  	_ =	shalt  }
0x50: {  	_ =	shalt  }
0x51: {  	_ =	shalt  }
0x52: {  	_ =	shalt  }
0x53: {  	_ =	shalt  }
0x54: {  	_ =	shalt  }
0x55: {  	_ =	shalt  }
0x56: {  	_ =	shalt  }
0x57: {  	_ =	shalt  }
0x58: {  	_ =	shalt  }
0x59: {  	_ =	shalt  }
0x5a: {  	_ =	shalt  }
0x5b: {  	_ =	shalt  }
0x5c: {  	_ =	shalt  }
0x5d: {  	_ =	shalt  }
0x5e: {  	_ =	shalt  }
0x5f: {  	_ =	shalt  }
0x60: {  	_ =	shalt  }
0x61: {  	_ =	shalt  }
0x62: {  	_ =	shalt  }
0x63: {  	_ =	shalt  }
0x64: {  	_ =	shalt  }
0x65: {  	_ =	shalt  }
0x66: {  	_ =	shalt  }
0x67: {  	_ =	shalt  }
0x68: {  	_ =	shalt  }
0x69: {  	_ =	shalt  }
0x6a: {  	_ =	shalt  }
0x6b: {  	_ =	shalt  }
0x6c: {  	_ =	shalt  }
0x6d: {  	_ =	shalt  }
0x6e: {  	_ =	shalt  }
0x6f: {  	_ =	shalt  }
0x70: {  	_ =	shalt  }
0x71: {  	_ =	shalt  }
0x72: {  	_ =	shalt  }
0x73: {  	_ =	shalt  }
0x74: {  	_ =	shalt  }
0x75: {  	_ =	shalt  }
0x76: {  	_ =	shalt  }
0x77: {  	_ =	shalt  }
0x78: {  	_ =	shalt  }
0x79: {  	_ =	shalt  }
0x7a: {  	_ =	shalt  }
0x7b: {  	_ =	shalt  }
0x7c: {  	_ =	shalt  }
0x7d: {  	_ =	shalt  }
0x7e: {  	_ =	shalt  }
0x7f: {  	_ =	shalt  }
0x80: {  	_ =	shalt  }
0x81: {  	_ =	shalt  }
0x82: {  	_ =	shalt  }
0x83: {  	_ =	shalt  }
0x84: {  	_ =	shalt  }
0x85: {  	_ =	shalt  }
0x86: {  	_ =	shalt  }
0x87: {  	_ =	shalt  }
.Lfunc_end0:
.L_simem_size_0:
called_computation.3_lowered:
.L_overlay_start_0:
0x88: {  	s2 =	sld [smem:$0x3FD9]  }
0x89: {  	s3 =	sld [smem:$0x3FFE];
	_ =	sdelay $0x1  }
0x8a: {  	s1 =	srdreg.scid  }
0x8b: {  	s0 =	sand.u32 $0x1, s1  }
0x8c: {  	s16 =	sshll.u32 s0, $0xA;
	s2 =	sadd.s32 s3, s2  }
0x8d: {  	s2 =	sadd.s32 s2, s16  }
0x8e: {  	[smem:$0x3FBC] =	sst s2  }
0x8f: {  	_ = 	snop  }
0x90: {  	(tm) =	ssettm $0x1  }
0x91: {  	s17 =	sld [smem:$0x3FFB];
	_ =	sdelay $0x3  }
0x92: {  	_ =	strace s17  }
0x93: {  	s2 =	sld [smem:$0x3FFC];
	_ =	sdelay $0x3  }
0x94: {  	_ =	strace s2  }
0x95: {  	s2 =	sld [smem:$0x3FFD];
	_ =	sdelay $0x3  }
0x96: {  	_ =	strace s2  }
0x97: {  	_ =	strace $0x8FFFFFFF  }
0x98: {  	s18 =	sld [smem:$0x3FDB];
	_ =	sdelay $0x1  }
0x99: {  	s19 =	simm.s32 $_scs_section_size  }
0x9a: {  	s4 =	simm.s32 $_size__tile_overlayer_lowered;
	s5 =	simm.s32 $_tile_overlayer_lowered  }
0x9b: {  	s22 =	simm.s32 $0x1BFF;
	s21 =	sshll.u32 s5, $0x1;
	s2 =	sadd.s32 s19, s18  }
0x9c: {  	s6 =	simm.s32 $0x0;
	s20 =	sshll.u32 s4, $0x1;
	s4 =	sadd.s32 s21, s2  }
0x9d: {  	[timem:s6], [sflag:s22] =	dma.local [hbm:s4], s20  }
0x9e: {  	_ =	swait.ge [sflag:s22], s20  }
0x9f: {  	s3 =	ssub.s32 $0x0, s20;
	[sflag:s22] =	ssyncset.done $0x0  }
0xa0: {  	[sflag:s22] =	ssyncadd.s32 s3;
	_ =	sdelay $0x1  }
0xa1: {  	s23 =	simm.s32 $0x1B8B  }
0xa2: {  	_ =	swait.ge [sflag:s23], $0x1  }
0xa3: {  	[sflag:s23] =	ssyncset.done $0x0  }
0xa4: {  	s25 =	simm.s32 $0x1B8E;
	s24 =	sld [smem:$0x3FFE];
	[sflag:s23] =	ssyncadd.s32 $0xFFFFFFFF  }
0xa5: {  	s26 =	simm.s32 $execute0_lowered;
	[smem:$0x3FD2] =	sst s25  }
0xa6: {  	s4 =	sshll.u32 s26, $0x1;
	_ =	strace $0x8000004F;
	[dreg:$0x1] =	wrdreg $0xFFFFFFFF  }
0xa7: {  	s28 =	simm.s32 $_size_execute0_lowered;
	s2 =	sadd.s32 s2, s4;
	[dreg:$0x0] =	wrdreg $0x0  }
0xa8: {  	s4 =	sshll.u32 s28, $0x1;
	[dreg:$0x2] =	wrdreg s2  }
0xa9: {  	[dreg:$0x3] =	wrdreg s4  }
0xaa: {  	[dreg:$0x4] =	wrdreg $0xC0  }
0xab: {  	_ =	task [dreg:s6], $0x5FFFF  }
0xac: {  	[dreg:$0x1] =	wrdreg $0xFFFFFFFF  }
0xad: {  	[dreg:$0x0] =	wrdreg $0x60  }
0xae: {  	[dreg:$0x2] =	wrdreg s24  }
0xaf: {  	[dreg:$0x3] =	wrdreg $0x9EC00  }
0xb0: {  	[dreg:$0x4] =	wrdreg $0x1DEC00  }
0xb1: {  	[dreg:$0x5] =	wrdreg $0x9  }
0xb2: {  	_ =	task.clear_ibuf [dreg:s6], $0x6FFFF;
	_ =	strace $0x9000004F  }
0xb3: {  	s29 =	simm.s32 $0x9;
	_ =	strace $0x80000051  }
0xb4: {  	_ =	swait.ge [sflag:s29], $0x1  }
0xb5: {  	[sflag:s29] =	ssyncadd.s32 $0xFFFFFFFF  }
0xb6: {  	_ =	strace $0x90000051  }
0xb7: {  	_ =	sfence  }
0xb8: {  	s30 =	sld [smem:$0x0];
	_ =	sdelay $0x2  }
0xb9: {  	s31 =	sshll.u32 s1, $0xD;
	s1 =	sshrl.u32 s1, $0x2  }
0xba: {  	s3 =	sand.u32 $0x4000, s31;
	s1 =	sadd.s32 s1, s30  }
0xbb: {  	s0 =	sor.u32 s3, s0;
	s1 =	sshll.u32 s1, $0x11  }
0xbc: {  	s0 =	sor.u32 s1, s0  }
0xbd: {  	s0 =	sadd.s32 $0x8F2B, s0  }
0xbe: {  	[sflag:s0] =	ssyncadd.remote.s32 $0x1  }
0xbf: {  	_ =	sfence.sel $0xFFFF  }
0xc0: {  	[dreg:$0x0] =	wrdreg $0xFFFFFFFF;
	(pc) =	sbr.abs _section_cstart, $3  }
0xc1: {  	[dreg:$0x1] =	wrdreg $0xFFFFFFFF  }
0xc2: {  	_ =	task.clear_ibuf [dreg:s6], $0x2FFFF;
	_ =	strace $0x9FFFFFFF  }
0xc3: {  	(tm) =	ssettm $0x7FFFFFFF  }
tec
execute0_lowered:
.L_overlay_start_1:
0x0: {  	(tag) =	ssettag $0x1  }
0x1: {  	s1 =	rddreg [dreg:$0x0]  }
0x2: {  	s0 =	srdreg.scid;
	s2 =	rddreg [dreg:$0x1]  }
0x3: {  	s15 =	stileid.u32;
	s10 =	rddreg [dreg:$0x2];
	s4 =	simm.s32 $0x0  }
0x4: {  	s16 =	simm.s32 $0x3;
	s19 =	simm.s32 $0x50;
	s20 =	simm.s32 $0x4EC0  }
0x5: {  	s21 =	simm.s32 $0x4E20;
	s22 =	simm.s32 $0x76C0;
	s23 =	simm.s32 $0x4E70  }
0x6: {  	s24 =	simm.s32 $0x2;
	s25 =	simm.s32 $0x1;
	s28 =	simm.s32 $0x0  }
0x7: {  	s0 =	sand.u32 $0x1, s0;
	s3 =	sshll.u32 s15, $0x1;
	s9 =	smul.u32 $0x14000, s15  }
0x8: {  	[smem:$0x7FF] =	sst s4;
	s5 =	sadd.s32 $0x1AA00, s1;
	s6 =	sadd.s32 $0x18200, s1  }
0x9: {  	s7 =	sadd.s32 $0x18000, s1;
	s14 =	smul.u32 $0xA00, s15;
	s30 =	sshll.u32 s15, $0x6  }
0xa: {  	s3 =	sor.u32 s0, s3;
	s8 =	smul.u32 $0x140000, s0;
	s0 =	ssub.s32 $0x2, s0  }
0xb: {  	_ =	strace $0x80000050;
	s3 =	smul.u32 $0x2710, s3;
	s29 =	sshrl.u32 s0, $0x1  }
0xc: {  	s14 =	sshrl.u32 s14, $0x2;
	s31 =	sadd.s32 s9, s2;
	s8 =	sadd.s32 s9, s8  }
0xd: {  	s0 =	ssub.s32 s0, s29;
	s9 =	sor.u32 $0x1C03, s30;
	s17 =	sadd.s32 s14, s10  }
0xe: {  	s15 =	sshrl.u32 s31, $0x3;
	s12 =	sshrl.u32 s3, $0x3;
	s13 =	sshrl.u32 s8, $0x3  }
0xf: {  	s8 =	sadd.s32 $0x6AA00, s1;
	s14 =	smax.u32 s0, $0x1;
	s17 =	sshrl.u32 s17, $0x3  }
0x10: {  	s11 =	sadd.s32 s12, s1;
	s1 =	sadd.s32 s13, s1;
	s12 =	sadd.s32 s8, s12  }
0x11: {  	s10 =	sadd.s32 $0xDC00, s11;
	s11 =	sadd.s32 $0x3E00, s11;
	s13 =	sadd.s32 $0x74800, s1  }
.LBB2_1:
0x12: {  	[spmem:s15], [sflag:s9] =	dma.local [hbm:s6], $0x2800  }
0x13: {  	_ =	swait.ge [sflag:s16], $0x2800  }
0x14: {  	[sflag:s16] =	ssyncset.done $0x0  }
0x15: {  	[sflag:s16] =	ssyncadd.s32 $0xFFFFD800  }
0x16: {  	[spmem:s17], [sflag:s9] =	dma.local [hbm:s7], $0x50  }
0x17: {  	_ =	swait.ge [sflag:s16], $0x50  }
0x18: {  	[sflag:s16] =	ssyncset.done $0x0  }
0x19: {  	[sflag:s16] =	ssyncadd.s32 $0xFFFFFFB0  }
0x1a: {  	[tilespmem:s4], [sflag:$0x3] =	stream.linear.gather [hbm4b:s10+s4], $0x2710, $0x38;
	[tilespmem:$0x1E140] =	vst v63  }
0x1b: {  	_ =	swait.ge [sflag:s16], $0x2710  }
0x1c: {  	[sflag:s16] =	ssyncset.done $0x0  }
0x1d: {  	s0 =	simm.s32 $0x2710;
	[sflag:s16] =	ssyncadd.s32 $0xFFFFD8F0  }
0x1e: {  	[tilespmem:s0], [sflag:$0x3] =	stream.linear.gather [hbm4b:s11+s4], $0x2710, $0x38;
	[tilespmem:$0x1E140] =	vst v63  }
0x1f: {  	_ =	swait.ge [sflag:s16], $0x2710  }
0x20: {  	[sflag:s16] =	ssyncset.done $0x0  }
0x21: {  	[sflag:s16] =	ssyncadd.s32 $0xFFFFD8F0  }
0x22: {  	[bflag:$0x0] =	sbarrier.arrive $0xFFFF  }
0x23: {  	[tilespmem:s20], [sflag:$0x1] =	stream.indirect.gather [hbm4b:s5+s19], $0x80, s4, s19, $0xb8;
	[tilespmem:$0x1E140] =	vst v63  }
0x24: {  	s29 =	simm.s32 $0x0  }
0x25: {  	[tilespmem:s21], [sflag:$0x2] =	stream.linear.gather [hbm4b:s12+s4], $0x50, $0x38;
	[tilespmem:$0x1E140] =	vst v63  }
.LBB2_2:
0x26: {  	s31 =	smul.u32 $0xA0, s29;
	_ =	sdelay $0x1  }
0x27: {  	s30 =	sadd.s32 $0x50, s31  }
0x28: {  	[tilespmem:s22], [sflag:$0x1] =	stream.indirect.gather [hbm4b:s5+s19], $0x80, s30, s19, $0xb8;
	[tilespmem:$0x1E140] =	vst v63  }
0x29: {  	s0 =	sadd.s32 s3, s30  }
0x2a: {  	s0 =	sshrl.u32 s0, $0x3  }
0x2b: {  	s1 =	simm.s32 $0x0;
	s0 =	sadd.s32 s8, s0  }
0x2c: {  	[tilespmem:s23], [sflag:$0x2] =	stream.linear.gather [hbm4b:s0+s1], $0x50, $0x38;
	[tilespmem:$0x1E140] =	vst v63  }
0x2d: {  	_ =	swait.ge [sflag:s24], $0x50  }
0x2e: {  	[sflag:s24] =	ssyncset.done $0x0  }
0x2f: {  	[sflag:s24] =	ssyncadd.s32 $0xFFFFFFB0  }
0x30: {  	_ =	swait.ge [sflag:s25], $0x2800  }
0x31: {  	v0 =	vmov s1;
	[sflag:s25] =	ssyncset.done $0x0  }
0x32: {  	s1 =	simm.s32 $0x4F00;
	[sflag:s25] =	ssyncadd.s32 $0xFFFFD800  }
0x33: {  	v4 =	vld [tilespmem:s1+$0x30]  }
0x34: {  	v7 =	vld [tilespmem:s1+$0x10]  }
0x35: {  	v5 =	vld [tilespmem:s1+$0xFFFFFFC0]  }
0x36: {  	v1 =	vld.idx.msk [tilespmem:v0+s21+$0x0], $0xffff  }
0x37: {  	v9 =	vld [tilespmem:s1+$0xFFFFFFE0]  }
0x38: {  	v0 =	vld [tilespmem:s1+$0xFFFFFFF0]  }
0x39: {  	v2 =	vld [tilespmem:s1+$0x20]  }
0x3a: {  	v3 =	vld [tilespmem:s1+$0xFFFFFFD0]  }
0x3b: {  	v8 =	vmul.f32 v4, v1;
	v4 =	vld [tilespmem:s1+$0x0]  }
0x3c: {  	v6 =	vmul.f32 v5, v1  }
0x3d: {  	s18 =	simm.s32 $0x4F00;
	s0 =	simm.s32 $0x1;
	v5 =	vmul.f32 v9, v1;
	v7 =	vmul.f32 v7, v1  }
.LBB2_3:
0x3e: {  	p0 =	sne.s32 s0, $0x4F  }
0x3f: {  	v3 =	vmul.f32 v3, v1;
	v2 =	vmul.f32 v2, v1;
	[tilespmem:s1+$0x30] =	vst v8;
	s18 =	sadd.s32 $0x80, s18;
	s26 =	smov.u32 s0;
	s0 =	sadd.s32 $0x1, s0  }
0x40: {  	[tilespmem:s1+$0xFFFFFFC0] =	vst v6;
	v6 =	vmul.f32 v0, v1;
	v1 =	vmul.f32 v4, v1  }
0x41: {  	[tilespmem:s1+$0x10] =	vst v7  }
0x42: {  	v4 =	vmov s26;
	[tilespmem:s1+$0xFFFFFFE0] =	vst v5  }
0x43: {  	v0 =	vld [tilespmem:s18+$0xFFFFFFF0];
	[tilespmem:s1+$0xFFFFFFF0] =	vst v6  }
0x44: {  	v5 =	vld [tilespmem:s18+$0x30];
	[tilespmem:s1+$0x0] =	vst v1  }
0x45: {  	v7 =	vld [tilespmem:s18+$0x10];
	[tilespmem:s1+$0x20] =	vst v2  }
0x46: {  	v6 =	vld [tilespmem:s18+$0xFFFFFFC0];
	[tilespmem:s1+$0xFFFFFFD0] =	vst v3;
	s1 =	smov.u32 s18  }
0x47: {  	v1 =	vld.idx.msk [tilespmem:v4+s21+$0x0], $0xffff  }
0x48: {  	v9 =	vld [tilespmem:s18+$0xFFFFFFE0]  }
0x49: {  	v2 =	vld [tilespmem:s18+$0x20]  }
.Ltmp0:
0x4a: {  	v3 =	vld [tilespmem:s18+$0xFFFFFFD0];
	(pc) =	sbr.rel @p0 .LBB2_3-.Ltmp0, $3  }
0x4b: {  	v4 =	vld [tilespmem:s18+$0x0];
	_ =	sdelay $0x1  }
0x4c: {  	v6 =	vmul.f32 v6, v1;
	v8 =	vmul.f32 v5, v1  }
0x4d: {  	v7 =	vmul.f32 v7, v1;
	v5 =	vmul.f32 v9, v1  }
0x4e: {  	[tilespmem:s1+$0x30] =	vst v8  }
0x4f: {  	[tilespmem:s1+$0xFFFFFFC0] =	vst v6  }
0x50: {  	v0 =	vmul.f32 v0, v1;
	[tilespmem:s1+$0x10] =	vst v7  }
0x51: {  	v2 =	vmul.f32 v2, v1;
	[tilespmem:s1+$0xFFFFFFE0] =	vst v5  }
0x52: {  	s0 =	smul.u32 $0x280, s29;
	v4 =	vmul.f32 v4, v1;
	[tilespmem:s1+$0xFFFFFFF0] =	vst v0  }
0x53: {  	v0 =	vmul.f32 v3, v1;
	[tilespmem:s1+$0x20] =	vst v2  }
0x54: {  	s0 =	sshra.s32 s0, $0x2;
	[tilespmem:s1+$0x0] =	vst v4  }
0x55: {  	s0 =	sadd.s32 $0x2710, s0;
	[tilespmem:s1+$0xFFFFFFD0] =	vst v0  }
0x56: {  	[spmem:s2] =	stream.indirect.scatter.add.f32 [tilespmem:s20], [sflag:$0x3], $0x80, s0, s19, $0xb8;
	[tilespmem:$0x1E140] =	vst v63  }
0x57: {  	s26 =	sadd.s32 $0xA0, s31;
	_ =	swait.ge [sflag:s16], $0x2800  }
0x58: {  	s0 =	sadd.s32 s3, s26;
	[sflag:s16] =	ssyncset.done $0x0  }
0x59: {  	s0 =	sshrl.u32 s0, $0x3;
	[sflag:s16] =	ssyncadd.s32 $0xFFFFD800  }
0x5a: {  	[tilespmem:s20], [sflag:$0x1] =	stream.indirect.gather [hbm4b:s5+s19], $0x80, s26, s19, $0xb8;
	[tilespmem:$0x1E140] =	vst v63  }
0x5b: {  	s31 =	simm.s32 $0x0;
	s0 =	sadd.s32 s8, s0  }
0x5c: {  	[tilespmem:s21], [sflag:$0x2] =	stream.linear.gather [hbm4b:s0+s31], $0x50, $0x38;
	[tilespmem:$0x1E140] =	vst v63  }
0x5d: {  	_ =	swait.ge [sflag:s24], $0x50  }
0x5e: {  	[sflag:s24] =	ssyncset.done $0x0  }
0x5f: {  	[sflag:s24] =	ssyncadd.s32 $0xFFFFFFB0  }
0x60: {  	_ =	swait.ge [sflag:s25], $0x2800  }
0x61: {  	v0 =	vmov s31;
	[sflag:s25] =	ssyncset.done $0x0  }
0x62: {  	s1 =	simm.s32 $0x7700;
	[sflag:s25] =	ssyncadd.s32 $0xFFFFD800  }
0x63: {  	v4 =	vld [tilespmem:s1+$0x30]  }
0x64: {  	v7 =	vld [tilespmem:s1+$0x10]  }
0x65: {  	v5 =	vld [tilespmem:s1+$0xFFFFFFC0]  }
0x66: {  	v1 =	vld.idx.msk [tilespmem:v0+s23+$0x0], $0xffff  }
0x67: {  	v9 =	vld [tilespmem:s1+$0xFFFFFFE0]  }
0x68: {  	v0 =	vld [tilespmem:s1+$0xFFFFFFF0]  }
0x69: {  	v2 =	vld [tilespmem:s1+$0x20]  }
0x6a: {  	v3 =	vld [tilespmem:s1+$0xFFFFFFD0]  }
0x6b: {  	v8 =	vmul.f32 v4, v1;
	v4 =	vld [tilespmem:s1+$0x0]  }
0x6c: {  	v6 =	vmul.f32 v5, v1  }
0x6d: {  	s18 =	simm.s32 $0x7700;
	s0 =	simm.s32 $0x1;
	v5 =	vmul.f32 v9, v1;
	v7 =	vmul.f32 v7, v1  }
.LBB2_5:
0x6e: {  	p0 =	sne.s32 s0, $0x4F  }
0x6f: {  	v3 =	vmul.f32 v3, v1;
	v2 =	vmul.f32 v2, v1;
	[tilespmem:s1+$0x30] =	vst v8;
	s18 =	sadd.s32 $0x80, s18;
	s26 =	smov.u32 s0;
	s0 =	sadd.s32 $0x1, s0  }
0x70: {  	[tilespmem:s1+$0xFFFFFFC0] =	vst v6;
	v6 =	vmul.f32 v0, v1;
	v1 =	vmul.f32 v4, v1  }
0x71: {  	[tilespmem:s1+$0x10] =	vst v7  }
0x72: {  	v4 =	vmov s26;
	[tilespmem:s1+$0xFFFFFFE0] =	vst v5  }
0x73: {  	v0 =	vld [tilespmem:s18+$0xFFFFFFF0];
	[tilespmem:s1+$0xFFFFFFF0] =	vst v6  }
0x74: {  	v5 =	vld [tilespmem:s18+$0x30];
	[tilespmem:s1+$0x0] =	vst v1  }
0x75: {  	v7 =	vld [tilespmem:s18+$0x10];
	[tilespmem:s1+$0x20] =	vst v2  }
0x76: {  	v6 =	vld [tilespmem:s18+$0xFFFFFFC0];
	[tilespmem:s1+$0xFFFFFFD0] =	vst v3;
	s1 =	smov.u32 s18  }
0x77: {  	v1 =	vld.idx.msk [tilespmem:v4+s23+$0x0], $0xffff  }
0x78: {  	v9 =	vld [tilespmem:s18+$0xFFFFFFE0]  }
0x79: {  	v2 =	vld [tilespmem:s18+$0x20]  }
.Ltmp1:
0x7a: {  	v3 =	vld [tilespmem:s18+$0xFFFFFFD0];
	(pc) =	sbr.rel @p0 .LBB2_5-.Ltmp1, $3  }
0x7b: {  	v4 =	vld [tilespmem:s18+$0x0];
	_ =	sdelay $0x1  }
0x7c: {  	v6 =	vmul.f32 v6, v1;
	v8 =	vmul.f32 v5, v1  }
0x7d: {  	v7 =	vmul.f32 v7, v1;
	v5 =	vmul.f32 v9, v1  }
0x7e: {  	[tilespmem:s1+$0x30] =	vst v8  }
0x7f: {  	[tilespmem:s1+$0xFFFFFFC0] =	vst v6  }
0x80: {  	v0 =	vmul.f32 v0, v1;
	[tilespmem:s1+$0x10] =	vst v7  }
0x81: {  	v2 =	vmul.f32 v2, v1;
	[tilespmem:s1+$0xFFFFFFE0] =	vst v5  }
0x82: {  	v63 =	vmul.f32 v3, v1;
	[tilespmem:s1+$0xFFFFFFF0] =	vst v0  }
0x83: {  	s29 =	sadd.s32 $0x1, s29;
	v4 =	vmul.f32 v4, v1;
	[tilespmem:s1+$0x20] =	vst v2  }
0x84: {  	p0 =	sne.s32 s29, $0x3E;
	[tilespmem:s1+$0xFFFFFFD0] =	vst v63  }
.Ltmp2:
0x85: {  	s0 =	sadd.s32 $0x2710, s30;
	[tilespmem:s1+$0x0] =	vst v4;
	(pc) =	sbr.rel @p0 .LBB2_2-.Ltmp2, $4  }
0x86: {  	[spmem:s2] =	stream.indirect.scatter.add.f32 [tilespmem:s22], [sflag:$0x3], $0x80, s0, s19, $0xb8;
	[tilespmem:$0x1E140] =	vst v63  }
0x87: {  	_ =	swait.ge [sflag:s16], $0x2800  }
0x88: {  	[sflag:s16] =	ssyncset.done $0x0  }
0x89: {  	[sflag:s16] =	ssyncadd.s32 $0xFFFFD800  }
0x8a: {  	_ =	swait.ge [sflag:s24], $0x50  }
0x8b: {  	[sflag:s24] =	ssyncset.done $0x0  }
0x8c: {  	[sflag:s24] =	ssyncadd.s32 $0xFFFFFFB0  }
0x8d: {  	s0 =	simm.s32 $0x0;
	_ =	swait.ge [sflag:s25], $0x2800  }
0x8e: {  	v0 =	vmov s0;
	[sflag:s25] =	ssyncset.done $0x0  }
0x8f: {  	s1 =	simm.s32 $0x4F00;
	[sflag:s25] =	ssyncadd.s32 $0xFFFFD800  }
0x90: {  	v4 =	vld [tilespmem:s1+$0x30]  }
0x91: {  	v7 =	vld [tilespmem:s1+$0x10]  }
0x92: {  	v5 =	vld [tilespmem:s1+$0xFFFFFFC0]  }
0x93: {  	v1 =	vld.idx.msk [tilespmem:v0+s21+$0x0], $0xffff  }
0x94: {  	v9 =	vld [tilespmem:s1+$0xFFFFFFE0]  }
0x95: {  	v0 =	vld [tilespmem:s1+$0xFFFFFFF0]  }
0x96: {  	v2 =	vld [tilespmem:s1+$0x20]  }
0x97: {  	v3 =	vld [tilespmem:s1+$0xFFFFFFD0]  }
0x98: {  	v8 =	vmul.f32 v4, v1;
	v4 =	vld [tilespmem:s1+$0x0]  }
0x99: {  	v6 =	vmul.f32 v5, v1  }
0x9a: {  	s18 =	simm.s32 $0x4F00;
	s0 =	simm.s32 $0x1;
	v5 =	vmul.f32 v9, v1;
	v7 =	vmul.f32 v7, v1  }
.LBB2_8:
0x9b: {  	p0 =	sne.s32 s0, $0x4F  }
0x9c: {  	v3 =	vmul.f32 v3, v1;
	v2 =	vmul.f32 v2, v1;
	[tilespmem:s1+$0x30] =	vst v8;
	s18 =	sadd.s32 $0x80, s18;
	s26 =	smov.u32 s0;
	s0 =	sadd.s32 $0x1, s0  }
0x9d: {  	[tilespmem:s1+$0xFFFFFFC0] =	vst v6;
	v6 =	vmul.f32 v0, v1;
	v1 =	vmul.f32 v4, v1  }
0x9e: {  	[tilespmem:s1+$0x10] =	vst v7  }
0x9f: {  	v4 =	vmov s26;
	[tilespmem:s1+$0xFFFFFFE0] =	vst v5  }
0xa0: {  	v0 =	vld [tilespmem:s18+$0xFFFFFFF0];
	[tilespmem:s1+$0xFFFFFFF0] =	vst v6  }
0xa1: {  	v5 =	vld [tilespmem:s18+$0x30];
	[tilespmem:s1+$0x0] =	vst v1  }
0xa2: {  	v7 =	vld [tilespmem:s18+$0x10];
	[tilespmem:s1+$0x20] =	vst v2  }
0xa3: {  	v6 =	vld [tilespmem:s18+$0xFFFFFFC0];
	[tilespmem:s1+$0xFFFFFFD0] =	vst v3;
	s1 =	smov.u32 s18  }
0xa4: {  	v1 =	vld.idx.msk [tilespmem:v4+s21+$0x0], $0xffff  }
0xa5: {  	v9 =	vld [tilespmem:s18+$0xFFFFFFE0]  }
0xa6: {  	v2 =	vld [tilespmem:s18+$0x20]  }
.Ltmp3:
0xa7: {  	v3 =	vld [tilespmem:s18+$0xFFFFFFD0];
	(pc) =	sbr.rel @p0 .LBB2_8-.Ltmp3, $3  }
0xa8: {  	v4 =	vld [tilespmem:s18+$0x0];
	_ =	sdelay $0x1  }
0xa9: {  	v6 =	vmul.f32 v6, v1;
	v8 =	vmul.f32 v5, v1  }
0xaa: {  	v7 =	vmul.f32 v7, v1;
	v5 =	vmul.f32 v9, v1  }
0xab: {  	[tilespmem:s1+$0x30] =	vst v8  }
0xac: {  	[tilespmem:s1+$0xFFFFFFC0] =	vst v6  }
0xad: {  	v0 =	vmul.f32 v0, v1;
	[tilespmem:s1+$0x10] =	vst v7  }
0xae: {  	v2 =	vmul.f32 v2, v1;
	[tilespmem:s1+$0xFFFFFFE0] =	vst v5  }
0xaf: {  	v63 =	vmul.f32 v3, v1;
	[tilespmem:s1+$0xFFFFFFF0] =	vst v0  }
0xb0: {  	v4 =	vmul.f32 v4, v1;
	[tilespmem:s1+$0x20] =	vst v2  }
0xb1: {  	[tilespmem:s1+$0xFFFFFFD0] =	vst v63  }
0xb2: {  	s0 =	simm.s32 $0x4DD0;
	[tilespmem:s1+$0x0] =	vst v4  }
0xb3: {  	[spmem:s2] =	stream.indirect.scatter.add.f32 [tilespmem:s20], [sflag:$0x3], $0x80, s0, s19, $0xb8;
	[tilespmem:$0x1E140] =	vst v63  }
0xb4: {  	_ =	swait.ge [sflag:s16], $0x2800  }
0xb5: {  	s28 =	sadd.s32 $0x1, s28;
	[sflag:s16] =	ssyncset.done $0x0  }
0xb6: {  	p0 =	sne.s32 s28, s14;
	[sflag:s16] =	ssyncadd.s32 $0xFFFFD800  }
.Ltmp4:
0xb7: {  	[bflag:$0x0] =	sbarrier.arrive $0xFFFF;
	(pc) =	sbr.rel @p0 .LBB2_1-.Ltmp4, $4  }
0xb8: {  	[hbm:s13], [sflag:s9] =	dma.local [spmem:s15], $0x2800  }
0xb9: {  	_ =	swait.ge [sflag:s16], $0x2800  }
0xba: {  	[sflag:s16] =	ssyncset.done $0x0  }
0xbb: {  	[sflag:s16] =	ssyncadd.s32 $0xFFFFD800  }
0xbc: {  	_ =	sfence.sel $0x180000  }
0xbd: {  	[bflag:$0x0] =	sbarrier.arrive $0xFFFF  }
0xbe: {  	_ =	strace $0x90000050  }
0xbf: {  	s0 =	stileid.u32;
	[bflag:$0x2] =	sbarrier.arrive $0xFFFF  }
0xc0: {  	p0 =	sne.s32 s0, $0x0;
	s0 =	rddreg [dreg:$0x3]  }
0xc1: {  	s0 =	sadd.s32 @!p0 $0x100000, s0  }
0xc2: {  	[sflag:s0] =	ssyncadd.tile.s32 @!p0 $0x1;
	_ =	shalt  }
.Lfunc_end2:
_tile_overlayer_lowered:
.L_overlay_start_2:
0xc3: {  	(tag) =	ssettag $0x2  }
0xc4: {  	s0 =	rddreg [dreg:$0x0];
	s2 =	stileid.u32  }
0xc5: {  	s1 =	rddreg [dreg:$0x1];
	p0 =	sne.s32 s2, $0x0  }
0xc6: {  	s3 =	rddreg [dreg:$0x2];
	[bflag:$0x3] =	sbarrier.arrive $0xFFFF;
	s2 =	simm.s32 @!p0 $0x1C03  }
0xc7: {  	[timem:s3], [sflag:s2] =	dma.local @!p0 [hbm:s0], s1  }
0xc8: {  	s0 =	simm.s32 @!p0 $0x3  }
0xc9: {  	_ =	swait.ge @!p0 [sflag:s0], s1  }
0xca: {  	s1 =	ssub.s32 @!p0 $0x0, s1;
	[sflag:s0] =	ssyncset.done @!p0 $0x0  }
0xcb: {  	[sflag:s0] =	ssyncadd.s32 @!p0 s1  }
0xcc: {  	[bflag:$0x3] =	sbarrier.arrive $0xFFFF  }
0xcd: {  	_ =	shalt  }

</sc_bundles>
